<compile_context>
chip_gen: v7x
topology: tpu7x:2x2x1
jax: 0.10.2.dev20260603
libtpu: 0.0.44.dev20260713+nightly
codegen_flags: <defaults>
</compile_context>

<pallas_src>
import jax
import jax.numpy as jnp
import numpy as _np
from jax import lax
from jax.experimental import pallas as pl
from jax.experimental.pallas import tpu as pltpu
from jax.experimental.pallas import tpu_sc as plsc

B, N, M = 4, 4096, 1024
C1, C2 = 256, 512
CIN, H1, H2 = 768, 512, 512
BN_KNN = 1024
BN_MLP = 1024
MB = M // (N // BN_KNN)
HC2 = C2 // 2

NW = 32
PW = (B * N) // NW
CP = 32
NCHUNK = PW // CP

_PERM = _np.empty((C2,), dtype=_np.int32)
for _v in range(C2 // 32):
    for _t in range(16):
        _PERM[_v * 32 + _t] = _v * 16 + _t
        _PERM[_v * 32 + 16 + _t] = 256 + _v * 16 + _t


def _knn_body(u_ref, k_ref, kf_ref, i0_ref, i1_ref, i2_ref,
              w0_ref, w1_ref, w2_ref, kft_ref):
    b = pl.program_id(0)
    u = u_ref[0]
    k = k_ref[0]
    dx = k[:, 0:1] - u[0:1, :]
    dy = k[:, 1:2] - u[1:2, :]
    dz = k[:, 2:3] - u[2:3, :]
    d2 = dx * dx + dy * dy
    d2 = d2 + dz * dz

    iota_i = lax.broadcasted_iota(jnp.int32, (2, M), 1)
    qr_rows = jnp.where(lax.broadcasted_iota(jnp.int32, (2, M), 0) == 0,
                        iota_i >> 6, iota_i & 63).astype(jnp.float32)
    dists, idxs = [], []
    cur = d2
    for j in range(3):
        mval = jnp.min(cur, axis=0)
        onehot = cur == mval[None, :]
        ohf = onehot.astype(jnp.float32)
        qr = lax.dot_general(qr_rows, ohf, (((1,), (0,)), ((), ())),
                             preferred_element_type=jnp.float32)
        aidx = qr[0] * 64.0 + qr[1]
        dists.append(mval)
        idxs.append(jnp.minimum(aidx + 0.5,
                                jnp.float32(M - 1)).astype(jnp.int32))
        if j < 2:
            cur = jnp.where(onehot, jnp.float32(jnp.inf), cur)

    r0 = 1.0 / (dists[0] + 1e-8)
    r1 = 1.0 / (dists[1] + 1e-8)
    r2 = 1.0 / (dists[2] + 1e-8)
    norm = r0 + r1 + r2

    base = b * M
    i0_ref[...] = idxs[0] + base
    i1_ref[...] = idxs[1] + base
    i2_ref[...] = idxs[2] + base
    w0_ref[...] = r0 / norm
    w1_ref[...] = r1 / norm
    w2_ref[...] = r2 / norm

    t = jnp.transpose(kf_ref[0], (1, 0))
    blo = lax.bitcast_convert_type(t[:, :HC2], jnp.int32)
    bhi = lax.bitcast_convert_type(t[:, HC2:], jnp.int32)
    rlo = blo + 0x7FFF + ((blo >> 16) & 1)
    rhi = bhi + 0x7FFF + ((bhi >> 16) & 1)
    kft_ref[...] = ((rlo >> 16) & 0xFFFF) | (rhi & jnp.int32(-65536))


def _knn(unknown_t, known, known_feats):
    grid = (B, N // BN_KNN)
    nb = N // BN_KNN
    flat = pl.BlockSpec((BN_KNN,), lambda b, n: (b * nb + n,))
    return pl.pallas_call(
        _knn_body,
        grid=grid,
        in_specs=[
            pl.BlockSpec((1, 3, BN_KNN), lambda b, n: (b, 0, n)),
            pl.BlockSpec((1, M, 3), lambda b, n: (b, 0, 0)),
            pl.BlockSpec((1, C2, MB), lambda b, n: (b, 0, n)),
        ],
        out_specs=[flat] * 6 + [
            pl.BlockSpec((MB, HC2), lambda b, n: (b * (M // MB) + n, 0)),
        ],
        out_shape=[jax.ShapeDtypeStruct((B * N,), jnp.int32)] * 3
        + [jax.ShapeDtypeStruct((B * N,), jnp.float32)] * 3
        + [jax.ShapeDtypeStruct((B * M, HC2), jnp.int32)],
    )(unknown_t, known, known_feats)


def _sc_interp_body(kft_hbm, i0_hbm, i1_hbm, i2_hbm, w0_hbm, w1_hbm, w2_hbm,
                    out_hbm, idx_v, w_v, rows0, rows1, acc0, acc1,
                    sem0, sem1, semo0, semo1):
    wid = lax.axis_index("s") * 2 + lax.axis_index("c")
    lo = wid * PW
    for j, (iref, wref) in enumerate(((i0_hbm, w0_hbm), (i1_hbm, w1_hbm),
                                      (i2_hbm, w2_hbm))):
        pltpu.sync_copy(iref.at[pl.ds(lo, PW)], idx_v.at[pl.ds(j * PW, PW)])
        pltpu.sync_copy(wref.at[pl.ds(lo, PW)], w_v.at[pl.ds(j * PW, PW)])

    def start_gather(c, buf_ref, sem):
        for j in range(3):
            idx_slice = idx_v.at[pl.ds(j * PW + c * CP, CP)]
            pltpu.async_copy(kft_hbm.at[idx_slice],
                             buf_ref.at[pl.ds(j * CP, CP)], sem)

    def wait_gather(c, buf_ref, sem):
        for j in range(3):
            idx_slice = idx_v.at[pl.ds(j * PW + c * CP, CP)]
            pltpu.make_async_copy(kft_hbm.at[idx_slice],
                                  buf_ref.at[pl.ds(j * CP, CP)], sem).wait()

    def out_slice(c):
        return out_hbm.at[pl.ds(wid * PW + c * CP, CP)]

    def combine(c, buf_ref, acc_ref):
        @plsc.parallel_loop(0, CP, unroll=4)
        def _(p):
            w0 = w_v[pl.ds(c * CP + p, 16)][0]
            w1 = w_v[pl.ds(PW + c * CP + p, 16)][0]
            w2 = w_v[pl.ds(2 * PW + c * CP + p, 16)][0]
            mk = jnp.int32(-65536)
            bc = lax.bitcast_convert_type
            for v in range(C2 // 32):
                sl = pl.ds(v * 16, 16)
                r0 = buf_ref[p, sl]
                r1 = buf_ref[CP + p, sl]
                r2 = buf_ref[2 * CP + p, sl]
                a0 = bc(r0 << 16, jnp.float32)
                b0 = bc(r0 & mk, jnp.float32)
                a1 = bc(r1 << 16, jnp.float32)
                b1 = bc(r1 & mk, jnp.float32)
                a2 = bc(r2 << 16, jnp.float32)
                b2 = bc(r2 & mk, jnp.float32)
                acc_ref[p, pl.ds(v * 32, 16)] = a0 * w0 + a1 * w1 + a2 * w2
                acc_ref[p, pl.ds(v * 32 + 16, 16)] = b0 * w0 + b1 * w1 + b2 * w2

    start_gather(0, rows0, sem0)

    @pl.loop(0, NCHUNK, step=2)
    def _(c):
        wait_gather(c, rows0, sem0)
        start_gather(c + 1, rows1, sem1)

        @pl.when(c >= 2)
        def _():
            pltpu.make_async_copy(acc0, out_slice(c - 2), semo0).wait()

        combine(c, rows0, acc0)
        pltpu.async_copy(acc0, out_slice(c), semo0)

        wait_gather(c + 1, rows1, sem1)

        @pl.when(c + 2 < NCHUNK)
        def _():
            start_gather(c + 2, rows0, sem0)

        @pl.when(c >= 2)
        def _():
            pltpu.make_async_copy(acc1, out_slice(c - 1), semo1).wait()

        combine(c + 1, rows1, acc1)
        pltpu.async_copy(acc1, out_slice(c + 1), semo1)

    pltpu.make_async_copy(acc0, out_slice(NCHUNK - 2), semo0).wait()
    pltpu.make_async_copy(acc1, out_slice(NCHUNK - 1), semo1).wait()


def _sc_interp(kft_i, i0, i1, i2, w0, w1, w2):
    mesh = plsc.VectorSubcoreMesh(core_axis_name="c", subcore_axis_name="s")
    f = pl.kernel(
        _sc_interp_body,
        out_type=jax.ShapeDtypeStruct((B * N, C2), jnp.float32),
        mesh=mesh,
        scratch_types=[
            pltpu.VMEM((3 * PW,), jnp.int32),
            pltpu.VMEM((3 * PW + 16,), jnp.float32),
            pltpu.VMEM((3 * CP, HC2), jnp.int32),
            pltpu.VMEM((3 * CP, HC2), jnp.int32),
            pltpu.VMEM((CP, C2), jnp.float32),
            pltpu.VMEM((CP, C2), jnp.float32),
            pltpu.SemaphoreType.DMA,
            pltpu.SemaphoreType.DMA,
            pltpu.SemaphoreType.DMA,
            pltpu.SemaphoreType.DMA,
        ],
    )
    return f(kft_i, i0, i1, i2, w0, w1, w2)


def _mlp_partial_body(xu_ref, w_ref, p_ref):
    p_ref[...] = lax.dot_general(xu_ref[0], w_ref[...],
                                 (((0,), (1,)), ((), ())),
                                 preferred_element_type=jnp.float32
                                 ).astype(jnp.bfloat16)


def _mlp_partial(unknow_feats, w0b):
    grid = (B, N // BN_MLP)
    nb = N // BN_MLP
    return pl.pallas_call(
        _mlp_partial_body,
        grid=grid,
        in_specs=[
            pl.BlockSpec((1, C1, BN_MLP), lambda b, n: (b, 0, n)),
            pl.BlockSpec((H1, C1), lambda b, n: (0, 0)),
        ],
        out_specs=pl.BlockSpec((BN_MLP, H1), lambda b, n: (b * nb + n, 0)),
        out_shape=jax.ShapeDtypeStruct((B * N, H1), jnp.bfloat16),
    )(unknow_feats, w0b)


_DN = (((1,), (1,)), ((), ()))


def _mlp1_body(xi_ref, p_ref, w_ref, y_ref, s_ref, ss_ref):
    first = pl.program_id(0) == 0
    y = lax.dot_general(xi_ref[...], w_ref[...], _DN,
                        preferred_element_type=jnp.float32
                        ) + p_ref[...].astype(jnp.float32)
    y_ref[...] = y.astype(jnp.bfloat16)

    @pl.when(first)
    def _():
        s_ref[...] = jnp.zeros_like(s_ref)
        ss_ref[...] = jnp.zeros_like(ss_ref)

    s_ref[...] += jnp.sum(y, axis=0, keepdims=True)
    ss_ref[...] += jnp.sum(y * y, axis=0, keepdims=True)


def _mlp1(interp, partial, w0a):
    grid = ((B * N) // BN_MLP,)
    return pl.pallas_call(
        _mlp1_body,
        grid=grid,
        in_specs=[
            pl.BlockSpec((BN_MLP, C2), lambda i: (i, 0)),
            pl.BlockSpec((BN_MLP, H1), lambda i: (i, 0)),
            pl.BlockSpec((H1, C2), lambda i: (0, 0)),
        ],
        out_specs=[
            pl.BlockSpec((BN_MLP, H1), lambda i: (i, 0)),
            pl.BlockSpec((1, H1), lambda i: (0, 0)),
            pl.BlockSpec((1, H1), lambda i: (0, 0)),
        ],
        out_shape=[
            jax.ShapeDtypeStruct((B * N, H1), jnp.bfloat16),
            jax.ShapeDtypeStruct((1, H1), jnp.float32),
            jax.ShapeDtypeStruct((1, H1), jnp.float32),
        ],
    )(interp, partial, w0a)


def _mlp2_body(y1_ref, s_ref, ss_ref, g_ref, b_ref, w_ref,
               y2_ref, s2_ref, ss2_ref):
    i = pl.program_id(0)
    nb = N // BN_MLP
    first = i == 0
    count = jnp.float32(B * N)
    mean = s_ref[...] / count
    var = ss_ref[...] / count - mean * mean
    scale = g_ref[...] / jnp.sqrt(var + 1e-5)
    shift = b_ref[...] - mean * scale

    h = jnp.maximum(y1_ref[...].astype(jnp.float32) * scale + shift, 0.0)
    y2 = lax.dot_general(h, w_ref[...], _DN, preferred_element_type=jnp.float32)
    y2_ref[0] = jnp.transpose(y2, (1, 0)).astype(jnp.bfloat16)

    @pl.when(first)
    def _():
        s2_ref[...] = jnp.zeros_like(s2_ref)
        ss2_ref[...] = jnp.zeros_like(ss2_ref)

    s2_ref[...] += jnp.sum(y2, axis=0, keepdims=True)
    ss2_ref[...] += jnp.sum(y2 * y2, axis=0, keepdims=True)


def _mlp2(y1, s, ss, g0r, b0r, W1):
    grid = ((B * N) // BN_MLP,)
    nb = N // BN_MLP
    return pl.pallas_call(
        _mlp2_body,
        grid=grid,
        in_specs=[
            pl.BlockSpec((BN_MLP, H1), lambda i: (i, 0)),
            pl.BlockSpec((1, H1), lambda i: (0, 0)),
            pl.BlockSpec((1, H1), lambda i: (0, 0)),
            pl.BlockSpec((1, H1), lambda i: (0, 0)),
            pl.BlockSpec((1, H1), lambda i: (0, 0)),
            pl.BlockSpec((H2, H1), lambda i: (0, 0)),
        ],
        out_specs=[
            pl.BlockSpec((1, H2, BN_MLP), lambda i: (i // nb, 0, i % nb)),
            pl.BlockSpec((1, H2), lambda i: (0, 0)),
            pl.BlockSpec((1, H2), lambda i: (0, 0)),
        ],
        out_shape=[
            jax.ShapeDtypeStruct((B, H2, N), jnp.bfloat16),
            jax.ShapeDtypeStruct((1, H2), jnp.float32),
            jax.ShapeDtypeStruct((1, H2), jnp.float32),
        ],
    )(y1, s, ss, g0r, b0r, W1)


def _final_body(y2_ref, s_ref, ss_ref, g_ref, b_ref, out_ref):
    count = jnp.float32(B * N)
    mean = jnp.transpose(s_ref[...], (1, 0)) / count
    var = jnp.transpose(ss_ref[...], (1, 0)) / count - mean * mean
    scale = g_ref[...] / jnp.sqrt(var + 1e-5)
    shift = b_ref[...] - mean * scale
    h = y2_ref[0].astype(jnp.float32) * scale + shift
    out_ref[0] = jnp.maximum(h, 0.0)


def _final(y2t, s2, ss2, g1c, b1c):
    grid = (B, N // BN_MLP)
    return pl.pallas_call(
        _final_body,
        grid=grid,
        in_specs=[
            pl.BlockSpec((1, H2, BN_MLP), lambda b, n: (b, 0, n)),
            pl.BlockSpec((1, H2), lambda b, n: (0, 0)),
            pl.BlockSpec((1, H2), lambda b, n: (0, 0)),
            pl.BlockSpec((H2, 1), lambda b, n: (0, 0)),
            pl.BlockSpec((H2, 1), lambda b, n: (0, 0)),
        ],
        out_specs=pl.BlockSpec((1, H2, BN_MLP), lambda b, n: (b, 0, n)),
        out_shape=jax.ShapeDtypeStruct((B, H2, N), jnp.float32),
    )(y2t, s2, ss2, g1c, b1c)


def kernel(unknown, known, unknow_feats, known_feats, W0, g0, b0, W1, g1, b1):
    unknown_t = jnp.transpose(unknown, (0, 2, 1))
    w0a = W0[:, :C2][:, _PERM]
    w0b = W0[:, C2:]

    i0, i1, i2, wt0, wt1, wt2, kft_i = _knn(unknown_t, known, known_feats)
    interp = _sc_interp(kft_i, i0, i1, i2, wt0, wt1, wt2)
    partial = _mlp_partial(unknow_feats, w0b)

    y1, s, ss = _mlp1(interp, partial, w0a)
    y2t, s2, ss2 = _mlp2(y1, s, ss, g0.reshape(1, H1), b0.reshape(1, H1), W1)
    return _final(y2t, s2, ss2, g1.reshape(H2, 1), b1.reshape(H2, 1))

# --- scband reference (transcript-rebuilt; emitter-appended) ---
"""Pipeline reference for scband-point-net2-66056597012939 (READ-ONLY COPY).

The authoritative reference and input builder live on the scoring server;
editing this copy changes nothing except your own understanding.
"""

import jax, jax.numpy as jnp
import numpy as np

B, N_UNK, M_KNOWN = 4, 4096, 1024
C1, C2 = 256, 512
MLP = [768, 512, 512]


def setup_inputs(seed: int = 0) -> dict:
    key = jax.random.key(seed)
    ks = jax.random.split(key, 8)
    unknown = jax.random.normal(ks[0], (B, N_UNK, 3), dtype=jnp.float32)
    known = jax.random.normal(ks[1], (B, M_KNOWN, 3), dtype=jnp.float32)
    unknow_feats = jax.random.normal(ks[2], (B, C1, N_UNK), dtype=jnp.float32)
    known_feats = jax.random.normal(ks[3], (B, C2, M_KNOWN), dtype=jnp.float32)
    # SharedMLP params: Conv2d 1x1 (kaiming normal, no bias since bn=True) + BN(gamma=1, beta=0)
    W0 = jax.random.normal(ks[4], (MLP[1], MLP[0]), dtype=jnp.float32) * np.sqrt(2.0 / MLP[0])
    g0 = jnp.ones((MLP[1],), dtype=jnp.float32)
    b0 = jnp.zeros((MLP[1],), dtype=jnp.float32)
    W1 = jax.random.normal(ks[5], (MLP[2], MLP[1]), dtype=jnp.float32) * np.sqrt(2.0 / MLP[1])
    g1 = jnp.ones((MLP[2],), dtype=jnp.float32)
    b1 = jnp.zeros((MLP[2],), dtype=jnp.float32)
    return {"unknown": unknown, "known": known, "unknow_feats": unknow_feats,
            "known_feats": known_feats, "W0": W0, "g0": g0, "b0": b0,
            "W1": W1, "g1": g1, "b1": b1}


def _mlp_layer(x, W, g, b):
    # x: (B, Cin, n); 1x1 Conv2d == channel matmul
    y = jnp.einsum('oi,bip->bop', W, x)
    # BatchNorm2d in training mode (batch statistics over B and spatial dims)
    mean = jnp.mean(y, axis=(0, 2), keepdims=True)
    var = jnp.var(y, axis=(0, 2), keepdims=True)
    yhat = (y - mean) / jnp.sqrt(var + 1e-5)
    y = yhat * g[None, :, None] + b[None, :, None]
    return jax.nn.relu(y)


def reference(unknown, known, unknow_feats, known_feats, W0, g0, b0, W1, g1, b1):
    # pointops.nearestneighbor: 3-NN of each unknown point among known points (squared dists)
    d2 = jnp.sum((unknown[:, :, None, :] - known[:, None, :, :]) ** 2, axis=-1)  # (B, n, m)
    neg_dist, idx = jax.lax.top_k(-d2, 3)  # 3 smallest distances
    dist = -neg_dist  # (B, n, 3)
    dist_recip = 1.0 / (dist + 1e-8)
    norm = jnp.sum(dist_recip, axis=2, keepdims=True)
    weight = dist_recip / norm  # (B, n, 3)
    # pointops.interpolation: weighted sum of gathered known feats
    feats_t = jnp.transpose(known_feats, (0, 2, 1))  # (B, m, C2)
    gathered = jax.vmap(lambda f, i: f[i])(feats_t, idx)  # (B, n, 3, C2)
    interpolated = jnp.sum(gathered * weight[..., None], axis=2)  # (B, n, C2)
    interpolated = jnp.transpose(interpolated, (0, 2, 1))  # (B, C2, n)
    new_features = jnp.concatenate([interpolated, unknow_feats], axis=1)  # (B, C1+C2, n)
    new_features = _mlp_layer(new_features, W0, g0, b0)
    new_features = _mlp_layer(new_features, W1, g1, b1)
    return new_features  # (B, mlp[-1], n)

if __name__ == "__main__":
    import jax
    _d = setup_inputs()
    print(jax.jit(kernel)(*tuple(_d.values())))

</pallas_src>

<mosaic_0001>
#map = affine_map<(d0, d1) -> (0, 0)>
#map1 = affine_map<(d0, d1) -> (0)>
module attributes {stable_mosaic.version = 14 : i64} {
  func.func @_sc_interp_body(%arg0: i32, %arg1: i32, %arg2: memref<4096x256xi32, #tpu.memory_space<hbm>>, %arg3: memref<16384xi32, #tpu.memory_space<hbm>>, %arg4: memref<16384xi32, #tpu.memory_space<hbm>>, %arg5: memref<16384xi32, #tpu.memory_space<hbm>>, %arg6: memref<16384xf32, #tpu.memory_space<hbm>>, %arg7: memref<16384xf32, #tpu.memory_space<hbm>>, %arg8: memref<16384xf32, #tpu.memory_space<hbm>>, %arg9: memref<16384x512xf32, #tpu.memory_space<hbm>>, %arg10: memref<1536xi32, #tpu.memory_space<vmem>>, %arg11: memref<1552xf32, #tpu.memory_space<vmem>>, %arg12: memref<96x256xi32, #tpu.memory_space<vmem>>, %arg13: memref<96x256xi32, #tpu.memory_space<vmem>>, %arg14: memref<32x512xf32, #tpu.memory_space<vmem>>, %arg15: memref<32x512xf32, #tpu.memory_space<vmem>>, %arg16: memref<!tpu.dma_semaphore, #tpu.memory_space<semaphore_mem>>, %arg17: memref<!tpu.dma_semaphore, #tpu.memory_space<semaphore_mem>>, %arg18: memref<!tpu.dma_semaphore, #tpu.memory_space<semaphore_mem>>, %arg19: memref<!tpu.dma_semaphore, #tpu.memory_space<semaphore_mem>>) attributes {dimension_semantics = [#tpu.dimension_semantics<core_parallel>, #tpu.dimension_semantics<subcore_parallel>], iteration_bounds = array<i64: 2, 16>, scalar_prefetch = 0 : i64, scratch_operands = 10 : i64, tpu.core_type = #tpu.core_type<sc_vector_subcore>, window_params = [{transform_indices = #map}, {transform_indices = #map1}, {transform_indices = #map1}, {transform_indices = #map1}, {transform_indices = #map1}, {transform_indices = #map1}, {transform_indices = #map1}, {transform_indices = #map}]} {
    %mul3A = arith.constant 2 : i32
    %mul3A_0 = arith.muli %arg1, %mul3A : i32
    %add3A = arith.addi %mul3A_0, %arg0 : i32
    %mul3A_1 = arith.constant 512 : i32
    %mul3A_2 = arith.muli %add3A, %mul3A_1 : i32
    "tpu.region"() ({
      %run_scoped3A = tpu.sem_alloc : memref<!tpu.dma_semaphore, #tpu.memory_space<semaphore_mem>>
      %dma_start3A_45 = arith.constant 0 : i32
      %dma_start3A_46 = tpu.memref_slice %arg10[%dma_start3A_45] : memref<1536xi32, #tpu.memory_space<vmem>> -> memref<512xi32, #tpu.memory_space<vmem>>
      %dma_start3A_47 = tpu.memref_slice %arg3[%mul3A_2] : memref<16384xi32, #tpu.memory_space<hbm>> -> memref<512xi32, #tpu.memory_space<hbm>>
      %dma_start3A_48 = arith.constant 0 : i32
      %dma_start3A_49 = tpu.memref_slice %arg10[%dma_start3A_48] : memref<1536xi32, #tpu.memory_space<vmem>> -> memref<512xi32, #tpu.memory_space<vmem>>
      %dma_start3A_50 = tpu.memref_slice %arg3[%mul3A_2] : memref<16384xi32, #tpu.memory_space<hbm>> -> memref<512xi32, #tpu.memory_space<hbm>>
      tpu.enqueue_dma source(%dma_start3A_50 : memref<512xi32, #tpu.memory_space<hbm>>) target(%dma_start3A_49 : memref<512xi32, #tpu.memory_space<vmem>>) target_semaphore(%run_scoped3A : memref<!tpu.dma_semaphore, #tpu.memory_space<semaphore_mem>>)
      %dma_wait3A_51 = arith.constant 0 : i32
      %dma_wait3A_52 = tpu.memref_slice %arg10[%dma_wait3A_51] : memref<1536xi32, #tpu.memory_space<vmem>> -> memref<512xi32, #tpu.memory_space<vmem>>
      %dma_wait3A_53 = tpu.memref_slice %arg3[%mul3A_2] : memref<16384xi32, #tpu.memory_space<hbm>> -> memref<512xi32, #tpu.memory_space<hbm>>
      %dma_wait3A_54 = arith.constant 0 : i32
      %dma_wait3A_55 = tpu.memref_slice %arg10[%dma_wait3A_54] : memref<1536xi32, #tpu.memory_space<vmem>> -> memref<512xi32, #tpu.memory_space<vmem>>
      %dma_wait3A_56 = tpu.memref_slice %arg3[%mul3A_2] : memref<16384xi32, #tpu.memory_space<hbm>> -> memref<512xi32, #tpu.memory_space<hbm>>
      tpu.wait_dma2 semaphore(%run_scoped3A : memref<!tpu.dma_semaphore, #tpu.memory_space<semaphore_mem>>) src(%dma_wait3A_56 : memref<512xi32, #tpu.memory_space<hbm>>) dst(%dma_wait3A_55 : memref<512xi32, #tpu.memory_space<vmem>>)
      tpu.yield
    }) : () -> ()
    "tpu.region"() ({
      %run_scoped3A = tpu.sem_alloc : memref<!tpu.dma_semaphore, #tpu.memory_space<semaphore_mem>>
      %dma_start3A_45 = arith.constant 0 : i32
      %dma_start3A_46 = tpu.memref_slice %arg11[%dma_start3A_45] : memref<1552xf32, #tpu.memory_space<vmem>> -> memref<512xf32, #tpu.memory_space<vmem>>
      %dma_start3A_47 = tpu.memref_slice %arg6[%mul3A_2] : memref<16384xf32, #tpu.memory_space<hbm>> -> memref<512xf32, #tpu.memory_space<hbm>>
      %dma_start3A_48 = arith.constant 0 : i32
      %dma_start3A_49 = tpu.memref_slice %arg11[%dma_start3A_48] : memref<1552xf32, #tpu.memory_space<vmem>> -> memref<512xf32, #tpu.memory_space<vmem>>
      %dma_start3A_50 = tpu.memref_slice %arg6[%mul3A_2] : memref<16384xf32, #tpu.memory_space<hbm>> -> memref<512xf32, #tpu.memory_space<hbm>>
      tpu.enqueue_dma source(%dma_start3A_50 : memref<512xf32, #tpu.memory_space<hbm>>) target(%dma_start3A_49 : memref<512xf32, #tpu.memory_space<vmem>>) target_semaphore(%run_scoped3A : memref<!tpu.dma_semaphore, #tpu.memory_space<semaphore_mem>>)
      %dma_wait3A_51 = arith.constant 0 : i32
      %dma_wait3A_52 = tpu.memref_slice %arg11[%dma_wait3A_51] : memref<1552xf32, #tpu.memory_space<vmem>> -> memref<512xf32, #tpu.memory_space<vmem>>
      %dma_wait3A_53 = tpu.memref_slice %arg6[%mul3A_2] : memref<16384xf32, #tpu.memory_space<hbm>> -> memref<512xf32, #tpu.memory_space<hbm>>
      %dma_wait3A_54 = arith.constant 0 : i32
      %dma_wait3A_55 = tpu.memref_slice %arg11[%dma_wait3A_54] : memref<1552xf32, #tpu.memory_space<vmem>> -> memref<512xf32, #tpu.memory_space<vmem>>
      %dma_wait3A_56 = tpu.memref_slice %arg6[%mul3A_2] : memref<16384xf32, #tpu.memory_space<hbm>> -> memref<512xf32, #tpu.memory_space<hbm>>
      tpu.wait_dma2 semaphore(%run_scoped3A : memref<!tpu.dma_semaphore, #tpu.memory_space<semaphore_mem>>) src(%dma_wait3A_56 : memref<512xf32, #tpu.memory_space<hbm>>) dst(%dma_wait3A_55 : memref<512xf32, #tpu.memory_space<vmem>>)
      tpu.yield
    }) : () -> ()
    "tpu.region"() ({
      %run_scoped3A = tpu.sem_alloc : memref<!tpu.dma_semaphore, #tpu.memory_space<semaphore_mem>>
      %dma_start3A_45 = arith.constant 512 : i32
      %dma_start3A_46 = tpu.memref_slice %arg10[%dma_start3A_45] : memref<1536xi32, #tpu.memory_space<vmem>> -> memref<512xi32, #tpu.memory_space<vmem>>
      %dma_start3A_47 = tpu.memref_slice %arg4[%mul3A_2] : memref<16384xi32, #tpu.memory_space<hbm>> -> memref<512xi32, #tpu.memory_space<hbm>>
      %dma_start3A_48 = arith.constant 512 : i32
      %dma_start3A_49 = tpu.memref_slice %arg10[%dma_start3A_48] : memref<1536xi32, #tpu.memory_space<vmem>> -> memref<512xi32, #tpu.memory_space<vmem>>
      %dma_start3A_50 = tpu.memref_slice %arg4[%mul3A_2] : memref<16384xi32, #tpu.memory_space<hbm>> -> memref<512xi32, #tpu.memory_space<hbm>>
      tpu.enqueue_dma source(%dma_start3A_50 : memref<512xi32, #tpu.memory_space<hbm>>) target(%dma_start3A_49 : memref<512xi32, #tpu.memory_space<vmem>>) target_semaphore(%run_scoped3A : memref<!tpu.dma_semaphore, #tpu.memory_space<semaphore_mem>>)
      %dma_wait3A_51 = arith.constant 512 : i32
      %dma_wait3A_52 = tpu.memref_slice %arg10[%dma_wait3A_51] : memref<1536xi32, #tpu.memory_space<vmem>> -> memref<512xi32, #tpu.memory_space<vmem>>
      %dma_wait3A_53 = tpu.memref_slice %arg4[%mul3A_2] : memref<16384xi32, #tpu.memory_space<hbm>> -> memref<512xi32, #tpu.memory_space<hbm>>
      %dma_wait3A_54 = arith.constant 512 : i32
      %dma_wait3A_55 = tpu.memref_slice %arg10[%dma_wait3A_54] : memref<1536xi32, #tpu.memory_space<vmem>> -> memref<512xi32, #tpu.memory_space<vmem>>
      %dma_wait3A_56 = tpu.memref_slice %arg4[%mul3A_2] : memref<16384xi32, #tpu.memory_space<hbm>> -> memref<512xi32, #tpu.memory_space<hbm>>
      tpu.wait_dma2 semaphore(%run_scoped3A : memref<!tpu.dma_semaphore, #tpu.memory_space<semaphore_mem>>) src(%dma_wait3A_56 : memref<512xi32, #tpu.memory_space<hbm>>) dst(%dma_wait3A_55 : memref<512xi32, #tpu.memory_space<vmem>>)
      tpu.yield
    }) : () -> ()
    "tpu.region"() ({
      %run_scoped3A = tpu.sem_alloc : memref<!tpu.dma_semaphore, #tpu.memory_space<semaphore_mem>>
      %dma_start3A_45 = arith.constant 512 : i32
      %dma_start3A_46 = tpu.memref_slice %arg11[%dma_start3A_45] : memref<1552xf32, #tpu.memory_space<vmem>> -> memref<512xf32, #tpu.memory_space<vmem>>
      %dma_start3A_47 = tpu.memref_slice %arg7[%mul3A_2] : memref<16384xf32, #tpu.memory_space<hbm>> -> memref<512xf32, #tpu.memory_space<hbm>>
      %dma_start3A_48 = arith.constant 512 : i32
      %dma_start3A_49 = tpu.memref_slice %arg11[%dma_start3A_48] : memref<1552xf32, #tpu.memory_space<vmem>> -> memref<512xf32, #tpu.memory_space<vmem>>
      %dma_start3A_50 = tpu.memref_slice %arg7[%mul3A_2] : memref<16384xf32, #tpu.memory_space<hbm>> -> memref<512xf32, #tpu.memory_space<hbm>>
      tpu.enqueue_dma source(%dma_start3A_50 : memref<512xf32, #tpu.memory_space<hbm>>) target(%dma_start3A_49 : memref<512xf32, #tpu.memory_space<vmem>>) target_semaphore(%run_scoped3A : memref<!tpu.dma_semaphore, #tpu.memory_space<semaphore_mem>>)
      %dma_wait3A_51 = arith.constant 512 : i32
      %dma_wait3A_52 = tpu.memref_slice %arg11[%dma_wait3A_51] : memref<1552xf32, #tpu.memory_space<vmem>> -> memref<512xf32, #tpu.memory_space<vmem>>
      %dma_wait3A_53 = tpu.memref_slice %arg7[%mul3A_2] : memref<16384xf32, #tpu.memory_space<hbm>> -> memref<512xf32, #tpu.memory_space<hbm>>
      %dma_wait3A_54 = arith.constant 512 : i32
      %dma_wait3A_55 = tpu.memref_slice %arg11[%dma_wait3A_54] : memref<1552xf32, #tpu.memory_space<vmem>> -> memref<512xf32, #tpu.memory_space<vmem>>
      %dma_wait3A_56 = tpu.memref_slice %arg7[%mul3A_2] : memref<16384xf32, #tpu.memory_space<hbm>> -> memref<512xf32, #tpu.memory_space<hbm>>
      tpu.wait_dma2 semaphore(%run_scoped3A : memref<!tpu.dma_semaphore, #tpu.memory_space<semaphore_mem>>) src(%dma_wait3A_56 : memref<512xf32, #tpu.memory_space<hbm>>) dst(%dma_wait3A_55 : memref<512xf32, #tpu.memory_space<vmem>>)
      tpu.yield
    }) : () -> ()
    "tpu.region"() ({
      %run_scoped3A = tpu.sem_alloc : memref<!tpu.dma_semaphore, #tpu.memory_space<semaphore_mem>>
      %dma_start3A_45 = arith.constant 1024 : i32
      %dma_start3A_46 = tpu.memref_slice %arg10[%dma_start3A_45] : memref<1536xi32, #tpu.memory_space<vmem>> -> memref<512xi32, #tpu.memory_space<vmem>>
      %dma_start3A_47 = tpu.memref_slice %arg5[%mul3A_2] : memref<16384xi32, #tpu.memory_space<hbm>> -> memref<512xi32, #tpu.memory_space<hbm>>
      %dma_start3A_48 = arith.constant 1024 : i32
      %dma_start3A_49 = tpu.memref_slice %arg10[%dma_start3A_48] : memref<1536xi32, #tpu.memory_space<vmem>> -> memref<512xi32, #tpu.memory_space<vmem>>
      %dma_start3A_50 = tpu.memref_slice %arg5[%mul3A_2] : memref<16384xi32, #tpu.memory_space<hbm>> -> memref<512xi32, #tpu.memory_space<hbm>>
      tpu.enqueue_dma source(%dma_start3A_50 : memref<512xi32, #tpu.memory_space<hbm>>) target(%dma_start3A_49 : memref<512xi32, #tpu.memory_space<vmem>>) target_semaphore(%run_scoped3A : memref<!tpu.dma_semaphore, #tpu.memory_space<semaphore_mem>>)
      %dma_wait3A_51 = arith.constant 1024 : i32
      %dma_wait3A_52 = tpu.memref_slice %arg10[%dma_wait3A_51] : memref<1536xi32, #tpu.memory_space<vmem>> -> memref<512xi32, #tpu.memory_space<vmem>>
      %dma_wait3A_53 = tpu.memref_slice %arg5[%mul3A_2] : memref<16384xi32, #tpu.memory_space<hbm>> -> memref<512xi32, #tpu.memory_space<hbm>>
      %dma_wait3A_54 = arith.constant 1024 : i32
      %dma_wait3A_55 = tpu.memref_slice %arg10[%dma_wait3A_54] : memref<1536xi32, #tpu.memory_space<vmem>> -> memref<512xi32, #tpu.memory_space<vmem>>
      %dma_wait3A_56 = tpu.memref_slice %arg5[%mul3A_2] : memref<16384xi32, #tpu.memory_space<hbm>> -> memref<512xi32, #tpu.memory_space<hbm>>
      tpu.wait_dma2 semaphore(%run_scoped3A : memref<!tpu.dma_semaphore, #tpu.memory_space<semaphore_mem>>) src(%dma_wait3A_56 : memref<512xi32, #tpu.memory_space<hbm>>) dst(%dma_wait3A_55 : memref<512xi32, #tpu.memory_space<vmem>>)
      tpu.yield
    }) : () -> ()
    "tpu.region"() ({
      %run_scoped3A = tpu.sem_alloc : memref<!tpu.dma_semaphore, #tpu.memory_space<semaphore_mem>>
      %dma_start3A_45 = arith.constant 1024 : i32
      %dma_start3A_46 = tpu.memref_slice %arg11[%dma_start3A_45] : memref<1552xf32, #tpu.memory_space<vmem>> -> memref<512xf32, #tpu.memory_space<vmem>>
      %dma_start3A_47 = tpu.memref_slice %arg8[%mul3A_2] : memref<16384xf32, #tpu.memory_space<hbm>> -> memref<512xf32, #tpu.memory_space<hbm>>
      %dma_start3A_48 = arith.constant 1024 : i32
      %dma_start3A_49 = tpu.memref_slice %arg11[%dma_start3A_48] : memref<1552xf32, #tpu.memory_space<vmem>> -> memref<512xf32, #tpu.memory_space<vmem>>
      %dma_start3A_50 = tpu.memref_slice %arg8[%mul3A_2] : memref<16384xf32, #tpu.memory_space<hbm>> -> memref<512xf32, #tpu.memory_space<hbm>>
      tpu.enqueue_dma source(%dma_start3A_50 : memref<512xf32, #tpu.memory_space<hbm>>) target(%dma_start3A_49 : memref<512xf32, #tpu.memory_space<vmem>>) target_semaphore(%run_scoped3A : memref<!tpu.dma_semaphore, #tpu.memory_space<semaphore_mem>>)
      %dma_wait3A_51 = arith.constant 1024 : i32
      %dma_wait3A_52 = tpu.memref_slice %arg11[%dma_wait3A_51] : memref<1552xf32, #tpu.memory_space<vmem>> -> memref<512xf32, #tpu.memory_space<vmem>>
      %dma_wait3A_53 = tpu.memref_slice %arg8[%mul3A_2] : memref<16384xf32, #tpu.memory_space<hbm>> -> memref<512xf32, #tpu.memory_space<hbm>>
      %dma_wait3A_54 = arith.constant 1024 : i32
      %dma_wait3A_55 = tpu.memref_slice %arg11[%dma_wait3A_54] : memref<1552xf32, #tpu.memory_space<vmem>> -> memref<512xf32, #tpu.memory_space<vmem>>
      %dma_wait3A_56 = tpu.memref_slice %arg8[%mul3A_2] : memref<16384xf32, #tpu.memory_space<hbm>> -> memref<512xf32, #tpu.memory_space<hbm>>
      tpu.wait_dma2 semaphore(%run_scoped3A : memref<!tpu.dma_semaphore, #tpu.memory_space<semaphore_mem>>) src(%dma_wait3A_56 : memref<512xf32, #tpu.memory_space<hbm>>) dst(%dma_wait3A_55 : memref<512xf32, #tpu.memory_space<vmem>>)
      tpu.yield
    }) : () -> ()
    %dma_start3A = arith.constant 0 : i32
    %dma_start3A_3 = arith.constant 0 : i32
    %dma_start3A_4 = tpu.memref_slice %arg12[%dma_start3A, %dma_start3A_3] : memref<96x256xi32, #tpu.memory_space<vmem>> -> memref<32x256xi32, #tpu.memory_space<vmem>>
    %dma_start3A_5 = arith.constant 0 : i32
    %dma_start3A_6 = tpu.memref_slice %arg10[%dma_start3A_5] : memref<1536xi32, #tpu.memory_space<vmem>> -> memref<32xi32, #tpu.memory_space<vmem>>
    %dma_start3A_7 = arith.constant 0 : i32
    %dma_start3A_8 = arith.constant 0 : i32
    %dma_start3A_9 = tpu.memref_slice %arg2[%dma_start3A_7, %dma_start3A_8] : memref<4096x256xi32, #tpu.memory_space<hbm>> -> memref<4096x256xi32, #tpu.memory_space<hbm>>
    tpu.enqueue_indirect_dma source(%dma_start3A_9 : memref<4096x256xi32, #tpu.memory_space<hbm>>) target(%dma_start3A_4 : memref<32x256xi32, #tpu.memory_space<vmem>>) offsets(%dma_start3A_6 : memref<32xi32, #tpu.memory_space<vmem>>) semaphore(%arg16 : memref<!tpu.dma_semaphore, #tpu.memory_space<semaphore_mem>>)
    %dma_start3A_10 = arith.constant 32 : i32
    %dma_start3A_11 = arith.constant 0 : i32
    %dma_start3A_12 = tpu.memref_slice %arg12[%dma_start3A_10, %dma_start3A_11] : memref<96x256xi32, #tpu.memory_space<vmem>> -> memref<32x256xi32, #tpu.memory_space<vmem>>
    %dma_start3A_13 = arith.constant 512 : i32
    %dma_start3A_14 = tpu.memref_slice %arg10[%dma_start3A_13] : memref<1536xi32, #tpu.memory_space<vmem>> -> memref<32xi32, #tpu.memory_space<vmem>>
    %dma_start3A_15 = arith.constant 0 : i32
    %dma_start3A_16 = arith.constant 0 : i32
    %dma_start3A_17 = tpu.memref_slice %arg2[%dma_start3A_15, %dma_start3A_16] : memref<4096x256xi32, #tpu.memory_space<hbm>> -> memref<4096x256xi32, #tpu.memory_space<hbm>>
    tpu.enqueue_indirect_dma source(%dma_start3A_17 : memref<4096x256xi32, #tpu.memory_space<hbm>>) target(%dma_start3A_12 : memref<32x256xi32, #tpu.memory_space<vmem>>) offsets(%dma_start3A_14 : memref<32xi32, #tpu.memory_space<vmem>>) semaphore(%arg16 : memref<!tpu.dma_semaphore, #tpu.memory_space<semaphore_mem>>)
    %dma_start3A_18 = arith.constant 64 : i32
    %dma_start3A_19 = arith.constant 0 : i32
    %dma_start3A_20 = tpu.memref_slice %arg12[%dma_start3A_18, %dma_start3A_19] : memref<96x256xi32, #tpu.memory_space<vmem>> -> memref<32x256xi32, #tpu.memory_space<vmem>>
    %dma_start3A_21 = arith.constant 1024 : i32
    %dma_start3A_22 = tpu.memref_slice %arg10[%dma_start3A_21] : memref<1536xi32, #tpu.memory_space<vmem>> -> memref<32xi32, #tpu.memory_space<vmem>>
    %dma_start3A_23 = arith.constant 0 : i32
    %dma_start3A_24 = arith.constant 0 : i32
    %dma_start3A_25 = tpu.memref_slice %arg2[%dma_start3A_23, %dma_start3A_24] : memref<4096x256xi32, #tpu.memory_space<hbm>> -> memref<4096x256xi32, #tpu.memory_space<hbm>>
    tpu.enqueue_indirect_dma source(%dma_start3A_25 : memref<4096x256xi32, #tpu.memory_space<hbm>>) target(%dma_start3A_20 : memref<32x256xi32, #tpu.memory_space<vmem>>) offsets(%dma_start3A_22 : memref<32xi32, #tpu.memory_space<vmem>>) semaphore(%arg16 : memref<!tpu.dma_semaphore, #tpu.memory_space<semaphore_mem>>)
    %scan3A = arith.constant 0 : i32
    %scan3A_26 = arith.constant 8 : i32
    %scan3A_27 = arith.addi %scan3A, %scan3A_26 : i32
    %scan3A_28 = arith.constant 1 : i32
    scf.for %scan3A_45 = %scan3A to %scan3A_27 step %scan3A_28  : i32 {
      %mul3A_46 = arith.constant 2 : i32
      %mul3A_47 = arith.muli %scan3A_45, %mul3A_46 : i32
      %add3A_48 = arith.constant 0 : i32
      %add3A_49 = arith.addi %add3A_48, %mul3A_47 : i32
      %mul3A_50 = arith.constant 32 : i32
      %mul3A_51 = arith.muli %add3A_49, %mul3A_50 : i32
      %add3A_52 = arith.constant 0 : i32
      %add3A_53 = arith.addi %add3A_52, %mul3A_51 : i32
      %dma_wait3A_54 = arith.constant 0 : i32
      %dma_wait3A_55 = arith.constant 0 : i32
      %dma_wait3A_56 = tpu.memref_slice %arg12[%dma_wait3A_54, %dma_wait3A_55] : memref<96x256xi32, #tpu.memory_space<vmem>> -> memref<32x256xi32, #tpu.memory_space<vmem>>
      %dma_wait3A_57 = tpu.memref_slice %arg10[%add3A_53] : memref<1536xi32, #tpu.memory_space<vmem>> -> memref<32xi32, #tpu.memory_space<vmem>>
      %dma_wait3A_58 = arith.constant 0 : i32
      %dma_wait3A_59 = arith.constant 0 : i32
      %dma_wait3A_60 = tpu.memref_slice %arg2[%dma_wait3A_58, %dma_wait3A_59] : memref<4096x256xi32, #tpu.memory_space<hbm>> -> memref<4096x256xi32, #tpu.memory_space<hbm>>
      tpu.wait_indirect_dma semaphore(%arg16 : memref<!tpu.dma_semaphore, #tpu.memory_space<semaphore_mem>>) src(%dma_wait3A_60 : memref<4096x256xi32, #tpu.memory_space<hbm>>) dst(%dma_wait3A_56 : memref<32x256xi32, #tpu.memory_space<vmem>>)
      %mul3A_61 = arith.constant 32 : i32
      %mul3A_62 = arith.muli %add3A_49, %mul3A_61 : i32
      %add3A_63 = arith.constant 512 : i32
      %add3A_64 = arith.addi %add3A_63, %mul3A_62 : i32
      %dma_wait3A_65 = arith.constant 32 : i32
      %dma_wait3A_66 = arith.constant 0 : i32
      %dma_wait3A_67 = tpu.memref_slice %arg12[%dma_wait3A_65, %dma_wait3A_66] : memref<96x256xi32, #tpu.memory_space<vmem>> -> memref<32x256xi32, #tpu.memory_space<vmem>>
      %dma_wait3A_68 = tpu.memref_slice %arg10[%add3A_64] : memref<1536xi32, #tpu.memory_space<vmem>> -> memref<32xi32, #tpu.memory_space<vmem>>
      %dma_wait3A_69 = arith.constant 0 : i32
      %dma_wait3A_70 = arith.constant 0 : i32
      %dma_wait3A_71 = tpu.memref_slice %arg2[%dma_wait3A_69, %dma_wait3A_70] : memref<4096x256xi32, #tpu.memory_space<hbm>> -> memref<4096x256xi32, #tpu.memory_space<hbm>>
      tpu.wait_indirect_dma semaphore(%arg16 : memref<!tpu.dma_semaphore, #tpu.memory_space<semaphore_mem>>) src(%dma_wait3A_71 : memref<4096x256xi32, #tpu.memory_space<hbm>>) dst(%dma_wait3A_67 : memref<32x256xi32, #tpu.memory_space<vmem>>)
      %mul3A_72 = arith.constant 32 : i32
      %mul3A_73 = arith.muli %add3A_49, %mul3A_72 : i32
      %add3A_74 = arith.constant 1024 : i32
      %add3A_75 = arith.addi %add3A_74, %mul3A_73 : i32
      %dma_wait3A_76 = arith.constant 64 : i32
      %dma_wait3A_77 = arith.constant 0 : i32
      %dma_wait3A_78 = tpu.memref_slice %arg12[%dma_wait3A_76, %dma_wait3A_77] : memref<96x256xi32, #tpu.memory_space<vmem>> -> memref<32x256xi32, #tpu.memory_space<vmem>>
      %dma_wait3A_79 = tpu.memref_slice %arg10[%add3A_75] : memref<1536xi32, #tpu.memory_space<vmem>> -> memref<32xi32, #tpu.memory_space<vmem>>
      %dma_wait3A_80 = arith.constant 0 : i32
      %dma_wait3A_81 = arith.constant 0 : i32
      %dma_wait3A_82 = tpu.memref_slice %arg2[%dma_wait3A_80, %dma_wait3A_81] : memref<4096x256xi32, #tpu.memory_space<hbm>> -> memref<4096x256xi32, #tpu.memory_space<hbm>>
      tpu.wait_indirect_dma semaphore(%arg16 : memref<!tpu.dma_semaphore, #tpu.memory_space<semaphore_mem>>) src(%dma_wait3A_82 : memref<4096x256xi32, #tpu.memory_space<hbm>>) dst(%dma_wait3A_78 : memref<32x256xi32, #tpu.memory_space<vmem>>)
      %add3A_83 = arith.constant 1 : i32
      %add3A_84 = arith.addi %add3A_49, %add3A_83 : i32
      %mul3A_85 = arith.constant 32 : i32
      %mul3A_86 = arith.muli %add3A_84, %mul3A_85 : i32
      %add3A_87 = arith.constant 0 : i32
      %add3A_88 = arith.addi %add3A_87, %mul3A_86 : i32
      %dma_start3A_89 = arith.constant 0 : i32
      %dma_start3A_90 = arith.constant 0 : i32
      %dma_start3A_91 = tpu.memref_slice %arg13[%dma_start3A_89, %dma_start3A_90] : memref<96x256xi32, #tpu.memory_space<vmem>> -> memref<32x256xi32, #tpu.memory_space<vmem>>
      %dma_start3A_92 = tpu.memref_slice %arg10[%add3A_88] : memref<1536xi32, #tpu.memory_space<vmem>> -> memref<32xi32, #tpu.memory_space<vmem>>
      %dma_start3A_93 = arith.constant 0 : i32
      %dma_start3A_94 = arith.constant 0 : i32
      %dma_start3A_95 = tpu.memref_slice %arg2[%dma_start3A_93, %dma_start3A_94] : memref<4096x256xi32, #tpu.memory_space<hbm>> -> memref<4096x256xi32, #tpu.memory_space<hbm>>
      tpu.enqueue_indirect_dma source(%dma_start3A_95 : memref<4096x256xi32, #tpu.memory_space<hbm>>) target(%dma_start3A_91 : memref<32x256xi32, #tpu.memory_space<vmem>>) offsets(%dma_start3A_92 : memref<32xi32, #tpu.memory_space<vmem>>) semaphore(%arg17 : memref<!tpu.dma_semaphore, #tpu.memory_space<semaphore_mem>>)
      %mul3A_96 = arith.constant 32 : i32
      %mul3A_97 = arith.muli %add3A_84, %mul3A_96 : i32
      %add3A_98 = arith.constant 512 : i32
      %add3A_99 = arith.addi %add3A_98, %mul3A_97 : i32
      %dma_start3A_100 = arith.constant 32 : i32
      %dma_start3A_101 = arith.constant 0 : i32
      %dma_start3A_102 = tpu.memref_slice %arg13[%dma_start3A_100, %dma_start3A_101] : memref<96x256xi32, #tpu.memory_space<vmem>> -> memref<32x256xi32, #tpu.memory_space<vmem>>
      %dma_start3A_103 = tpu.memref_slice %arg10[%add3A_99] : memref<1536xi32, #tpu.memory_space<vmem>> -> memref<32xi32, #tpu.memory_space<vmem>>
      %dma_start3A_104 = arith.constant 0 : i32
      %dma_start3A_105 = arith.constant 0 : i32
      %dma_start3A_106 = tpu.memref_slice %arg2[%dma_start3A_104, %dma_start3A_105] : memref<4096x256xi32, #tpu.memory_space<hbm>> -> memref<4096x256xi32, #tpu.memory_space<hbm>>
      tpu.enqueue_indirect_dma source(%dma_start3A_106 : memref<4096x256xi32, #tpu.memory_space<hbm>>) target(%dma_start3A_102 : memref<32x256xi32, #tpu.memory_space<vmem>>) offsets(%dma_start3A_103 : memref<32xi32, #tpu.memory_space<vmem>>) semaphore(%arg17 : memref<!tpu.dma_semaphore, #tpu.memory_space<semaphore_mem>>)
      %mul3A_107 = arith.constant 32 : i32
      %mul3A_108 = arith.muli %add3A_84, %mul3A_107 : i32
      %add3A_109 = arith.constant 1024 : i32
      %add3A_110 = arith.addi %add3A_109, %mul3A_108 : i32
      %dma_start3A_111 = arith.constant 64 : i32
      %dma_start3A_112 = arith.constant 0 : i32
      %dma_start3A_113 = tpu.memref_slice %arg13[%dma_start3A_111, %dma_start3A_112] : memref<96x256xi32, #tpu.memory_space<vmem>> -> memref<32x256xi32, #tpu.memory_space<vmem>>
      %dma_start3A_114 = tpu.memref_slice %arg10[%add3A_110] : memref<1536xi32, #tpu.memory_space<vmem>> -> memref<32xi32, #tpu.memory_space<vmem>>
      %dma_start3A_115 = arith.constant 0 : i32
      %dma_start3A_116 = arith.constant 0 : i32
      %dma_start3A_117 = tpu.memref_slice %arg2[%dma_start3A_115, %dma_start3A_116] : memref<4096x256xi32, #tpu.memory_space<hbm>> -> memref<4096x256xi32, #tpu.memory_space<hbm>>
      tpu.enqueue_indirect_dma source(%dma_start3A_117 : memref<4096x256xi32, #tpu.memory_space<hbm>>) target(%dma_start3A_113 : memref<32x256xi32, #tpu.memory_space<vmem>>) offsets(%dma_start3A_114 : memref<32xi32, #tpu.memory_space<vmem>>) semaphore(%arg17 : memref<!tpu.dma_semaphore, #tpu.memory_space<semaphore_mem>>)
      %ge3A = arith.constant 2 : i32
      %ge3A_118 = arith.cmpi sge, %add3A_49, %ge3A : i32
      %convert_element_type3A = arith.extui %ge3A_118 : i1 to i32
      %cond3A = arith.constant 0 : i32
      %cond3A_119 = arith.cmpi ne, %convert_element_type3A, %cond3A : i32
      scf.if %cond3A_119 {
        %sub3A = arith.constant 2 : i32
        %sub3A_193 = arith.subi %add3A_49, %sub3A : i32
        %mul3A_194 = arith.constant 512 : i32
        %mul3A_195 = arith.muli %add3A, %mul3A_194 : i32
        %mul3A_196 = arith.constant 32 : i32
        %mul3A_197 = arith.muli %sub3A_193, %mul3A_196 : i32
        %add3A_198 = arith.addi %mul3A_195, %mul3A_197 : i32
        %dma_wait3A_199 = arith.constant 0 : i32
        %dma_wait3A_200 = tpu.memref_slice %arg9[%add3A_198, %dma_wait3A_199] : memref<16384x512xf32, #tpu.memory_space<hbm>> -> memref<32x512xf32, #tpu.memory_space<hbm>>
        %dma_wait3A_201 = arith.constant 0 : i32
        %dma_wait3A_202 = tpu.memref_slice %arg9[%add3A_198, %dma_wait3A_201] : memref<16384x512xf32, #tpu.memory_space<hbm>> -> memref<32x512xf32, #tpu.memory_space<hbm>>
        tpu.wait_dma2 semaphore(%arg18 : memref<!tpu.dma_semaphore, #tpu.memory_space<semaphore_mem>>) src(%arg14 : memref<32x512xf32, #tpu.memory_space<vmem>>) dst(%dma_wait3A_202 : memref<32x512xf32, #tpu.memory_space<hbm>>)
      } else {
      }
      %parallel_loop3A = arith.constant 0 : i32
      %parallel_loop3A_120 = arith.constant 32 : i32
      %parallel_loop3A_121 = arith.constant 1 : i32
      scf.for %parallel_loop3A_193 = %parallel_loop3A to %parallel_loop3A_120 step %parallel_loop3A_121  : i32 {
        %parallel_loop3A_194 = arith.constant 32 : i32
        %parallel_loop3A_195 = arith.muli %add3A_49, %parallel_loop3A_194 : i32
        %parallel_loop3A_196 = arith.addi %parallel_loop3A_195, %parallel_loop3A_193 : i32
        %parallel_loop3A_197 = arith.index_cast %parallel_loop3A_196 : i32 to index
        %parallel_loop3A_198 = tpu.vector_load %arg11[%parallel_loop3A_197] {strides = array<i32>} : memref<1552xf32, #tpu.memory_space<vmem>>, vector<16xf32>,
        %parallel_loop3A_199 = vector.shape_cast %parallel_loop3A_198 : vector<16xf32> to vector<16xf32>
        %parallel_loop3A_200 = vector.extract_strided_slice %parallel_loop3A_199 {offsets = [0], sizes = [1], strides = [1]} : vector<16xf32> to vector<1xf32>
        %parallel_loop3A_201 = vector.extract %parallel_loop3A_200[0] : f32 from vector<1xf32>
        %parallel_loop3A_202 = arith.constant 32 : i32
        %parallel_loop3A_203 = arith.muli %add3A_49, %parallel_loop3A_202 : i32
        %parallel_loop3A_204 = arith.constant 512 : i32
        %parallel_loop3A_205 = arith.addi %parallel_loop3A_204, %parallel_loop3A_203 : i32
        %parallel_loop3A_206 = arith.addi %parallel_loop3A_205, %parallel_loop3A_193 : i32
        %parallel_loop3A_207 = arith.index_cast %parallel_loop3A_206 : i32 to index
        %parallel_loop3A_208 = tpu.vector_load %arg11[%parallel_loop3A_207] {strides = array<i32>} : memref<1552xf32, #tpu.memory_space<vmem>>, vector<16xf32>,
        %parallel_loop3A_209 = vector.shape_cast %parallel_loop3A_208 : vector<16xf32> to vector<16xf32>
        %parallel_loop3A_210 = vector.extract_strided_slice %parallel_loop3A_209 {offsets = [0], sizes = [1], strides = [1]} : vector<16xf32> to vector<1xf32>
        %parallel_loop3A_211 = vector.extract %parallel_loop3A_210[0] : f32 from vector<1xf32>
        %parallel_loop3A_212 = arith.constant 32 : i32
        %parallel_loop3A_213 = arith.muli %add3A_49, %parallel_loop3A_212 : i32
        %parallel_loop3A_214 = arith.constant 1024 : i32
        %parallel_loop3A_215 = arith.addi %parallel_loop3A_214, %parallel_loop3A_213 : i32
        %parallel_loop3A_216 = arith.addi %parallel_loop3A_215, %parallel_loop3A_193 : i32
        %parallel_loop3A_217 = arith.index_cast %parallel_loop3A_216 : i32 to index
        %parallel_loop3A_218 = tpu.vector_load %arg11[%parallel_loop3A_217] {strides = array<i32>} : memref<1552xf32, #tpu.memory_space<vmem>>, vector<16xf32>,
        %parallel_loop3A_219 = vector.shape_cast %parallel_loop3A_218 : vector<16xf32> to vector<16xf32>
        %parallel_loop3A_220 = vector.extract_strided_slice %parallel_loop3A_219 {offsets = [0], sizes = [1], strides = [1]} : vector<16xf32> to vector<1xf32>
        %parallel_loop3A_221 = vector.extract %parallel_loop3A_220[0] : f32 from vector<1xf32>
        %parallel_loop3A_222 = arith.index_cast %parallel_loop3A_193 : i32 to index
        %parallel_loop3A_223 = arith.constant 0 : index
        %parallel_loop3A_224 = tpu.vector_load %arg12[%parallel_loop3A_222, %parallel_loop3A_223] {strides = array<i32>} : memref<96x256xi32, #tpu.memory_space<vmem>>, vector<1x16xi32>,
        %parallel_loop3A_225 = vector.shape_cast %parallel_loop3A_224 : vector<1x16xi32> to vector<16xi32>
        %parallel_loop3A_226 = arith.constant 32 : i32
        %parallel_loop3A_227 = arith.addi %parallel_loop3A_226, %parallel_loop3A_193 : i32
        %parallel_loop3A_228 = arith.index_cast %parallel_loop3A_227 : i32 to index
        %parallel_loop3A_229 = arith.constant 0 : index
        %parallel_loop3A_230 = tpu.vector_load %arg12[%parallel_loop3A_228, %parallel_loop3A_229] {strides = array<i32>} : memref<96x256xi32, #tpu.memory_space<vmem>>, vector<1x16xi32>,
        %parallel_loop3A_231 = vector.shape_cast %parallel_loop3A_230 : vector<1x16xi32> to vector<16xi32>
        %parallel_loop3A_232 = arith.constant 64 : i32
        %parallel_loop3A_233 = arith.addi %parallel_loop3A_232, %parallel_loop3A_193 : i32
        %parallel_loop3A_234 = arith.index_cast %parallel_loop3A_233 : i32 to index
        %parallel_loop3A_235 = arith.constant 0 : index
        %parallel_loop3A_236 = tpu.vector_load %arg12[%parallel_loop3A_234, %parallel_loop3A_235] {strides = array<i32>} : memref<96x256xi32, #tpu.memory_space<vmem>>, vector<1x16xi32>,
        %parallel_loop3A_237 = vector.shape_cast %parallel_loop3A_236 : vector<1x16xi32> to vector<16xi32>
        %parallel_loop3A_238 = arith.constant 16 : i32
        %parallel_loop3A_239 = vector.broadcast %parallel_loop3A_238 : i32 to vector<16xi32>
        %parallel_loop3A_240 = arith.shli %parallel_loop3A_225, %parallel_loop3A_239 : vector<16xi32>
        %parallel_loop3A_241 = tpu.bitcast %parallel_loop3A_240 : vector<16xi32> -> vector<16xf32>
        %parallel_loop3A_242 = arith.constant -65536 : i32
        %parallel_loop3A_243 = vector.broadcast %parallel_loop3A_242 : i32 to vector<16xi32>
        %parallel_loop3A_244 = arith.andi %parallel_loop3A_225, %parallel_loop3A_243 : vector<16xi32>
        %parallel_loop3A_245 = tpu.bitcast %parallel_loop3A_244 : vector<16xi32> -> vector<16xf32>
        %parallel_loop3A_246 = arith.constant 16 : i32
        %parallel_loop3A_247 = vector.broadcast %parallel_loop3A_246 : i32 to vector<16xi32>
        %parallel_loop3A_248 = arith.shli %parallel_loop3A_231, %parallel_loop3A_247 : vector<16xi32>
        %parallel_loop3A_249 = tpu.bitcast %parallel_loop3A_248 : vector<16xi32> -> vector<16xf32>
        %parallel_loop3A_250 = arith.constant -65536 : i32
        %parallel_loop3A_251 = vector.broadcast %parallel_loop3A_250 : i32 to vector<16xi32>
        %parallel_loop3A_252 = arith.andi %parallel_loop3A_231, %parallel_loop3A_251 : vector<16xi32>
        %parallel_loop3A_253 = tpu.bitcast %parallel_loop3A_252 : vector<16xi32> -> vector<16xf32>
        %parallel_loop3A_254 = arith.constant 16 : i32
        %parallel_loop3A_255 = vector.broadcast %parallel_loop3A_254 : i32 to vector<16xi32>
        %parallel_loop3A_256 = arith.shli %parallel_loop3A_237, %parallel_loop3A_255 : vector<16xi32>
        %parallel_loop3A_257 = tpu.bitcast %parallel_loop3A_256 : vector<16xi32> -> vector<16xf32>
        %parallel_loop3A_258 = arith.constant -65536 : i32
        %parallel_loop3A_259 = vector.broadcast %parallel_loop3A_258 : i32 to vector<16xi32>
        %parallel_loop3A_260 = arith.andi %parallel_loop3A_237, %parallel_loop3A_259 : vector<16xi32>
        %parallel_loop3A_261 = tpu.bitcast %parallel_loop3A_260 : vector<16xi32> -> vector<16xf32>
        %parallel_loop3A_262 = vector.broadcast %parallel_loop3A_201 : f32 to vector<16xf32>
        %parallel_loop3A_263 = arith.mulf %parallel_loop3A_241, %parallel_loop3A_262 : vector<16xf32>
        %parallel_loop3A_264 = vector.broadcast %parallel_loop3A_211 : f32 to vector<16xf32>
        %parallel_loop3A_265 = arith.mulf %parallel_loop3A_249, %parallel_loop3A_264 : vector<16xf32>
        %parallel_loop3A_266 = arith.addf %parallel_loop3A_263, %parallel_loop3A_265 : vector<16xf32>
        %parallel_loop3A_267 = vector.broadcast %parallel_loop3A_221 : f32 to vector<16xf32>
        %parallel_loop3A_268 = arith.mulf %parallel_loop3A_257, %parallel_loop3A_267 : vector<16xf32>
        %parallel_loop3A_269 = arith.addf %parallel_loop3A_266, %parallel_loop3A_268 : vector<16xf32>
        %parallel_loop3A_270 = arith.index_cast %parallel_loop3A_193 : i32 to index
        %parallel_loop3A_271 = arith.constant 0 : index
        %parallel_loop3A_272 = tpu.vector_load %arg14[%parallel_loop3A_270, %parallel_loop3A_271] {strides = array<i32>} : memref<32x512xf32, #tpu.memory_space<vmem>>, vector<1x16xf32>,
        %parallel_loop3A_273 = vector.shape_cast %parallel_loop3A_272 : vector<1x16xf32> to vector<16xf32>
        %parallel_loop3A_274 = vector.shape_cast %parallel_loop3A_269 : vector<16xf32> to vector<1x16xf32>
        tpu.vector_store %arg14[%parallel_loop3A_270, %parallel_loop3A_271], %parallel_loop3A_274 {strides = array<i32>} : memref<32x512xf32, #tpu.memory_space<vmem>>, vector<1x16xf32>,
        %parallel_loop3A_275 = vector.broadcast %parallel_loop3A_201 : f32 to vector<16xf32>
        %parallel_loop3A_276 = arith.mulf %parallel_loop3A_245, %parallel_loop3A_275 : vector<16xf32>
        %parallel_loop3A_277 = vector.broadcast %parallel_loop3A_211 : f32 to vector<16xf32>
        %parallel_loop3A_278 = arith.mulf %parallel_loop3A_253, %parallel_loop3A_277 : vector<16xf32>
        %parallel_loop3A_279 = arith.addf %parallel_loop3A_276, %parallel_loop3A_278 : vector<16xf32>
        %parallel_loop3A_280 = vector.broadcast %parallel_loop3A_221 : f32 to vector<16xf32>
        %parallel_loop3A_281 = arith.mulf %parallel_loop3A_261, %parallel_loop3A_280 : vector<16xf32>
        %parallel_loop3A_282 = arith.addf %parallel_loop3A_279, %parallel_loop3A_281 : vector<16xf32>
        %parallel_loop3A_283 = arith.index_cast %parallel_loop3A_193 : i32 to index
        %parallel_loop3A_284 = arith.constant 16 : index
        %parallel_loop3A_285 = tpu.vector_load %arg14[%parallel_loop3A_283, %parallel_loop3A_284] {strides = array<i32>} : memref<32x512xf32, #tpu.memory_space<vmem>>, vector<1x16xf32>,
        %parallel_loop3A_286 = vector.shape_cast %parallel_loop3A_285 : vector<1x16xf32> to vector<16xf32>
        %parallel_loop3A_287 = vector.shape_cast %parallel_loop3A_282 : vector<16xf32> to vector<1x16xf32>
        tpu.vector_store %arg14[%parallel_loop3A_283, %parallel_loop3A_284], %parallel_loop3A_287 {strides = array<i32>} : memref<32x512xf32, #tpu.memory_space<vmem>>, vector<1x16xf32>,
        %parallel_loop3A_288 = arith.index_cast %parallel_loop3A_193 : i32 to index
        %parallel_loop3A_289 = arith.constant 16 : index
        %parallel_loop3A_290 = tpu.vector_load %arg12[%parallel_loop3A_288, %parallel_loop3A_289] {strides = array<i32>} : memref<96x256xi32, #tpu.memory_space<vmem>>, vector<1x16xi32>,
        %parallel_loop3A_291 = vector.shape_cast %parallel_loop3A_290 : vector<1x16xi32> to vector<16xi32>
        %parallel_loop3A_292 = arith.constant 32 : i32
        %parallel_loop3A_293 = arith.addi %parallel_loop3A_292, %parallel_loop3A_193 : i32
        %parallel_loop3A_294 = arith.index_cast %parallel_loop3A_293 : i32 to index
        %parallel_loop3A_295 = arith.constant 16 : index
        %parallel_loop3A_296 = tpu.vector_load %arg12[%parallel_loop3A_294, %parallel_loop3A_295] {strides = array<i32>} : memref<96x256xi32, #tpu.memory_space<vmem>>, vector<1x16xi32>,
        %parallel_loop3A_297 = vector.shape_cast %parallel_loop3A_296 : vector<1x16xi32> to vector<16xi32>
        %parallel_loop3A_298 = arith.constant 64 : i32
        %parallel_loop3A_299 = arith.addi %parallel_loop3A_298, %parallel_loop3A_193 : i32
        %parallel_loop3A_300 = arith.index_cast %parallel_loop3A_299 : i32 to index
        %parallel_loop3A_301 = arith.constant 16 : index
        %parallel_loop3A_302 = tpu.vector_load %arg12[%parallel_loop3A_300, %parallel_loop3A_301] {strides = array<i32>} : memref<96x256xi32, #tpu.memory_space<vmem>>, vector<1x16xi32>,
        %parallel_loop3A_303 = vector.shape_cast %parallel_loop3A_302 : vector<1x16xi32> to vector<16xi32>
        %parallel_loop3A_304 = arith.constant 16 : i32
        %parallel_loop3A_305 = vector.broadcast %parallel_loop3A_304 : i32 to vector<16xi32>
        %parallel_loop3A_306 = arith.shli %parallel_loop3A_291, %parallel_loop3A_305 : vector<16xi32>
        %parallel_loop3A_307 = tpu.bitcast %parallel_loop3A_306 : vector<16xi32> -> vector<16xf32>
        %parallel_loop3A_308 = arith.constant -65536 : i32
        %parallel_loop3A_309 = vector.broadcast %parallel_loop3A_308 : i32 to vector<16xi32>
        %parallel_loop3A_310 = arith.andi %parallel_loop3A_291, %parallel_loop3A_309 : vector<16xi32>
        %parallel_loop3A_311 = tpu.bitcast %parallel_loop3A_310 : vector<16xi32> -> vector<16xf32>
        %parallel_loop3A_312 = arith.constant 16 : i32
        %parallel_loop3A_313 = vector.broadcast %parallel_loop3A_312 : i32 to vector<16xi32>
        %parallel_loop3A_314 = arith.shli %parallel_loop3A_297, %parallel_loop3A_313 : vector<16xi32>
        %parallel_loop3A_315 = tpu.bitcast %parallel_loop3A_314 : vector<16xi32> -> vector<16xf32>
        %parallel_loop3A_316 = arith.constant -65536 : i32
        %parallel_loop3A_317 = vector.broadcast %parallel_loop3A_316 : i32 to vector<16xi32>
        %parallel_loop3A_318 = arith.andi %parallel_loop3A_297, %parallel_loop3A_317 : vector<16xi32>
        %parallel_loop3A_319 = tpu.bitcast %parallel_loop3A_318 : vector<16xi32> -> vector<16xf32>
        %parallel_loop3A_320 = arith.constant 16 : i32
        %parallel_loop3A_321 = vector.broadcast %parallel_loop3A_320 : i32 to vector<16xi32>
        %parallel_loop3A_322 = arith.shli %parallel_loop3A_303, %parallel_loop3A_321 : vector<16xi32>
        %parallel_loop3A_323 = tpu.bitcast %parallel_loop3A_322 : vector<16xi32> -> vector<16xf32>
        %parallel_loop3A_324 = arith.constant -65536 : i32
        %parallel_loop3A_325 = vector.broadcast %parallel_loop3A_324 : i32 to vector<16xi32>
        %parallel_loop3A_326 = arith.andi %parallel_loop3A_303, %parallel_loop3A_325 : vector<16xi32>
        %parallel_loop3A_327 = tpu.bitcast %parallel_loop3A_326 : vector<16xi32> -> vector<16xf32>
        %parallel_loop3A_328 = vector.broadcast %parallel_loop3A_201 : f32 to vector<16xf32>
        %parallel_loop3A_329 = arith.mulf %parallel_loop3A_307, %parallel_loop3A_328 : vector<16xf32>
        %parallel_loop3A_330 = vector.broadcast %parallel_loop3A_211 : f32 to vector<16xf32>
        %parallel_loop3A_331 = arith.mulf %parallel_loop3A_315, %parallel_loop3A_330 : vector<16xf32>
        %parallel_loop3A_332 = arith.addf %parallel_loop3A_329, %parallel_loop3A_331 : vector<16xf32>
        %parallel_loop3A_333 = vector.broadcast %parallel_loop3A_221 : f32 to vector<16xf32>
        %parallel_loop3A_334 = arith.mulf %parallel_loop3A_323, %parallel_loop3A_333 : vector<16xf32>
        %parallel_loop3A_335 = arith.addf %parallel_loop3A_332, %parallel_loop3A_334 : vector<16xf32>
        %parallel_loop3A_336 = arith.index_cast %parallel_loop3A_193 : i32 to index
        %parallel_loop3A_337 = arith.constant 32 : index
        %parallel_loop3A_338 = tpu.vector_load %arg14[%parallel_loop3A_336, %parallel_loop3A_337] {strides = array<i32>} : memref<32x512xf32, #tpu.memory_space<vmem>>, vector<1x16xf32>,
        %parallel_loop3A_339 = vector.shape_cast %parallel_loop3A_338 : vector<1x16xf32> to vector<16xf32>
        %parallel_loop3A_340 = vector.shape_cast %parallel_loop3A_335 : vector<16xf32> to vector<1x16xf32>
        tpu.vector_store %arg14[%parallel_loop3A_336, %parallel_loop3A_337], %parallel_loop3A_340 {strides = array<i32>} : memref<32x512xf32, #tpu.memory_space<vmem>>, vector<1x16xf32>,
        %parallel_loop3A_341 = vector.broadcast %parallel_loop3A_201 : f32 to vector<16xf32>
        %parallel_loop3A_342 = arith.mulf %parallel_loop3A_311, %parallel_loop3A_341 : vector<16xf32>
        %parallel_loop3A_343 = vector.broadcast %parallel_loop3A_211 : f32 to vector<16xf32>
        %parallel_loop3A_344 = arith.mulf %parallel_loop3A_319, %parallel_loop3A_343 : vector<16xf32>
        %parallel_loop3A_345 = arith.addf %parallel_loop3A_342, %parallel_loop3A_344 : vector<16xf32>
        %parallel_loop3A_346 = vector.broadcast %parallel_loop3A_221 : f32 to vector<16xf32>
        %parallel_loop3A_347 = arith.mulf %parallel_loop3A_327, %parallel_loop3A_346 : vector<16xf32>
        %parallel_loop3A_348 = arith.addf %parallel_loop3A_345, %parallel_loop3A_347 : vector<16xf32>
        %parallel_loop3A_349 = arith.index_cast %parallel_loop3A_193 : i32 to index
        %parallel_loop3A_350 = arith.constant 48 : index
        %parallel_loop3A_351 = tpu.vector_load %arg14[%parallel_loop3A_349, %parallel_loop3A_350] {strides = array<i32>} : memref<32x512xf32, #tpu.memory_space<vmem>>, vector<1x16xf32>,
        %parallel_loop3A_352 = vector.shape_cast %parallel_loop3A_351 : vector<1x16xf32> to vector<16xf32>
        %parallel_loop3A_353 = vector.shape_cast %parallel_loop3A_348 : vector<16xf32> to vector<1x16xf32>
        tpu.vector_store %arg14[%parallel_loop3A_349, %parallel_loop3A_350], %parallel_loop3A_353 {strides = array<i32>} : memref<32x512xf32, #tpu.memory_space<vmem>>, vector<1x16xf32>,
        %parallel_loop3A_354 = arith.index_cast %parallel_loop3A_193 : i32 to index
        %parallel_loop3A_355 = arith.constant 32 : index
        %parallel_loop3A_356 = tpu.vector_load %arg12[%parallel_loop3A_354, %parallel_loop3A_355] {strides = array<i32>} : memref<96x256xi32, #tpu.memory_space<vmem>>, vector<1x16xi32>,
        %parallel_loop3A_357 = vector.shape_cast %parallel_loop3A_356 : vector<1x16xi32> to vector<16xi32>
        %parallel_loop3A_358 = arith.constant 32 : i32
        %parallel_loop3A_359 = arith.addi %parallel_loop3A_358, %parallel_loop3A_193 : i32
        %parallel_loop3A_360 = arith.index_cast %parallel_loop3A_359 : i32 to index
        %parallel_loop3A_361 = arith.constant 32 : index
        %parallel_loop3A_362 = tpu.vector_load %arg12[%parallel_loop3A_360, %parallel_loop3A_361] {strides = array<i32>} : memref<96x256xi32, #tpu.memory_space<vmem>>, vector<1x16xi32>,
        %parallel_loop3A_363 = vector.shape_cast %parallel_loop3A_362 : vector<1x16xi32> to vector<16xi32>
        %parallel_loop3A_364 = arith.constant 64 : i32
        %parallel_loop3A_365 = arith.addi %parallel_loop3A_364, %parallel_loop3A_193 : i32
        %parallel_loop3A_366 = arith.index_cast %parallel_loop3A_365 : i32 to index
        %parallel_loop3A_367 = arith.constant 32 : index
        %parallel_loop3A_368 = tpu.vector_load %arg12[%parallel_loop3A_366, %parallel_loop3A_367] {strides = array<i32>} : memref<96x256xi32, #tpu.memory_space<vmem>>, vector<1x16xi32>,
        %parallel_loop3A_369 = vector.shape_cast %parallel_loop3A_368 : vector<1x16xi32> to vector<16xi32>
        %parallel_loop3A_370 = arith.constant 16 : i32
        %parallel_loop3A_371 = vector.broadcast %parallel_loop3A_370 : i32 to vector<16xi32>
        %parallel_loop3A_372 = arith.shli %parallel_loop3A_357, %parallel_loop3A_371 : vector<16xi32>
        %parallel_loop3A_373 = tpu.bitcast %parallel_loop3A_372 : vector<16xi32> -> vector<16xf32>
        %parallel_loop3A_374 = arith.constant -65536 : i32
        %parallel_loop3A_375 = vector.broadcast %parallel_loop3A_374 : i32 to vector<16xi32>
        %parallel_loop3A_376 = arith.andi %parallel_loop3A_357, %parallel_loop3A_375 : vector<16xi32>
        %parallel_loop3A_377 = tpu.bitcast %parallel_loop3A_376 : vector<16xi32> -> vector<16xf32>
        %parallel_loop3A_378 = arith.constant 16 : i32
        %parallel_loop3A_379 = vector.broadcast %parallel_loop3A_378 : i32 to vector<16xi32>
        %parallel_loop3A_380 = arith.shli %parallel_loop3A_363, %parallel_loop3A_379 : vector<16xi32>
        %parallel_loop3A_381 = tpu.bitcast %parallel_loop3A_380 : vector<16xi32> -> vector<16xf32>
        %parallel_loop3A_382 = arith.constant -65536 : i32
        %parallel_loop3A_383 = vector.broadcast %parallel_loop3A_382 : i32 to vector<16xi32>
        %parallel_loop3A_384 = arith.andi %parallel_loop3A_363, %parallel_loop3A_383 : vector<16xi32>
        %parallel_loop3A_385 = tpu.bitcast %parallel_loop3A_384 : vector<16xi32> -> vector<16xf32>
        %parallel_loop3A_386 = arith.constant 16 : i32
        %parallel_loop3A_387 = vector.broadcast %parallel_loop3A_386 : i32 to vector<16xi32>
        %parallel_loop3A_388 = arith.shli %parallel_loop3A_369, %parallel_loop3A_387 : vector<16xi32>
        %parallel_loop3A_389 = tpu.bitcast %parallel_loop3A_388 : vector<16xi32> -> vector<16xf32>
        %parallel_loop3A_390 = arith.constant -65536 : i32
        %parallel_loop3A_391 = vector.broadcast %parallel_loop3A_390 : i32 to vector<16xi32>
        %parallel_loop3A_392 = arith.andi %parallel_loop3A_369, %parallel_loop3A_391 : vector<16xi32>
        %parallel_loop3A_393 = tpu.bitcast %parallel_loop3A_392 : vector<16xi32> -> vector<16xf32>
        %parallel_loop3A_394 = vector.broadcast %parallel_loop3A_201 : f32 to vector<16xf32>
        %parallel_loop3A_395 = arith.mulf %parallel_loop3A_373, %parallel_loop3A_394 : vector<16xf32>
        %parallel_loop3A_396 = vector.broadcast %parallel_loop3A_211 : f32 to vector<16xf32>
        %parallel_loop3A_397 = arith.mulf %parallel_loop3A_381, %parallel_loop3A_396 : vector<16xf32>
        %parallel_loop3A_398 = arith.addf %parallel_loop3A_395, %parallel_loop3A_397 : vector<16xf32>
        %parallel_loop3A_399 = vector.broadcast %parallel_loop3A_221 : f32 to vector<16xf32>
        %parallel_loop3A_400 = arith.mulf %parallel_loop3A_389, %parallel_loop3A_399 : vector<16xf32>
        %parallel_loop3A_401 = arith.addf %parallel_loop3A_398, %parallel_loop3A_400 : vector<16xf32>
        %parallel_loop3A_402 = arith.index_cast %parallel_loop3A_193 : i32 to index
        %parallel_loop3A_403 = arith.constant 64 : index
        %parallel_loop3A_404 = tpu.vector_load %arg14[%parallel_loop3A_402, %parallel_loop3A_403] {strides = array<i32>} : memref<32x512xf32, #tpu.memory_space<vmem>>, vector<1x16xf32>,
        %parallel_loop3A_405 = vector.shape_cast %parallel_loop3A_404 : vector<1x16xf32> to vector<16xf32>
        %parallel_loop3A_406 = vector.shape_cast %parallel_loop3A_401 : vector<16xf32> to vector<1x16xf32>
        tpu.vector_store %arg14[%parallel_loop3A_402, %parallel_loop3A_403], %parallel_loop3A_406 {strides = array<i32>} : memref<32x512xf32, #tpu.memory_space<vmem>>, vector<1x16xf32>,
        %parallel_loop3A_407 = vector.broadcast %parallel_loop3A_201 : f32 to vector<16xf32>
        %parallel_loop3A_408 = arith.mulf %parallel_loop3A_377, %parallel_loop3A_407 : vector<16xf32>
        %parallel_loop3A_409 = vector.broadcast %parallel_loop3A_211 : f32 to vector<16xf32>
        %parallel_loop3A_410 = arith.mulf %parallel_loop3A_385, %parallel_loop3A_409 : vector<16xf32>
        %parallel_loop3A_411 = arith.addf %parallel_loop3A_408, %parallel_loop3A_410 : vector<16xf32>
        %parallel_loop3A_412 = vector.broadcast %parallel_loop3A_221 : f32 to vector<16xf32>
        %parallel_loop3A_413 = arith.mulf %parallel_loop3A_393, %parallel_loop3A_412 : vector<16xf32>
        %parallel_loop3A_414 = arith.addf %parallel_loop3A_411, %parallel_loop3A_413 : vector<16xf32>
        %parallel_loop3A_415 = arith.index_cast %parallel_loop3A_193 : i32 to index
        %parallel_loop3A_416 = arith.constant 80 : index
        %parallel_loop3A_417 = tpu.vector_load %arg14[%parallel_loop3A_415, %parallel_loop3A_416] {strides = array<i32>} : memref<32x512xf32, #tpu.memory_space<vmem>>, vector<1x16xf32>,
        %parallel_loop3A_418 = vector.shape_cast %parallel_loop3A_417 : vector<1x16xf32> to vector<16xf32>
        %parallel_loop3A_419 = vector.shape_cast %parallel_loop3A_414 : vector<16xf32> to vector<1x16xf32>
        tpu.vector_store %arg14[%parallel_loop3A_415, %parallel_loop3A_416], %parallel_loop3A_419 {strides = array<i32>} : memref<32x512xf32, #tpu.memory_space<vmem>>, vector<1x16xf32>,
        %parallel_loop3A_420 = arith.index_cast %parallel_loop3A_193 : i32 to index
        %parallel_loop3A_421 = arith.constant 48 : index
        %parallel_loop3A_422 = tpu.vector_load %arg12[%parallel_loop3A_420, %parallel_loop3A_421] {strides = array<i32>} : memref<96x256xi32, #tpu.memory_space<vmem>>, vector<1x16xi32>,
        %parallel_loop3A_423 = vector.shape_cast %parallel_loop3A_422 : vector<1x16xi32> to vector<16xi32>
        %parallel_loop3A_424 = arith.constant 32 : i32
        %parallel_loop3A_425 = arith.addi %parallel_loop3A_424, %parallel_loop3A_193 : i32
        %parallel_loop3A_426 = arith.index_cast %parallel_loop3A_425 : i32 to index
        %parallel_loop3A_427 = arith.constant 48 : index
        %parallel_loop3A_428 = tpu.vector_load %arg12[%parallel_loop3A_426, %parallel_loop3A_427] {strides = array<i32>} : memref<96x256xi32, #tpu.memory_space<vmem>>, vector<1x16xi32>,
        %parallel_loop3A_429 = vector.shape_cast %parallel_loop3A_428 : vector<1x16xi32> to vector<16xi32>
        %parallel_loop3A_430 = arith.constant 64 : i32
        %parallel_loop3A_431 = arith.addi %parallel_loop3A_430, %parallel_loop3A_193 : i32
        %parallel_loop3A_432 = arith.index_cast %parallel_loop3A_431 : i32 to index
        %parallel_loop3A_433 = arith.constant 48 : index
        %parallel_loop3A_434 = tpu.vector_load %arg12[%parallel_loop3A_432, %parallel_loop3A_433] {strides = array<i32>} : memref<96x256xi32, #tpu.memory_space<vmem>>, vector<1x16xi32>,
        %parallel_loop3A_435 = vector.shape_cast %parallel_loop3A_434 : vector<1x16xi32> to vector<16xi32>
        %parallel_loop3A_436 = arith.constant 16 : i32
        %parallel_loop3A_437 = vector.broadcast %parallel_loop3A_436 : i32 to vector<16xi32>
        %parallel_loop3A_438 = arith.shli %parallel_loop3A_423, %parallel_loop3A_437 : vector<16xi32>
        %parallel_loop3A_439 = tpu.bitcast %parallel_loop3A_438 : vector<16xi32> -> vector<16xf32>
        %parallel_loop3A_440 = arith.constant -65536 : i32
        %parallel_loop3A_441 = vector.broadcast %parallel_loop3A_440 : i32 to vector<16xi32>
        %parallel_loop3A_442 = arith.andi %parallel_loop3A_423, %parallel_loop3A_441 : vector<16xi32>
        %parallel_loop3A_443 = tpu.bitcast %parallel_loop3A_442 : vector<16xi32> -> vector<16xf32>
        %parallel_loop3A_444 = arith.constant 16 : i32
        %parallel_loop3A_445 = vector.broadcast %parallel_loop3A_444 : i32 to vector<16xi32>
        %parallel_loop3A_446 = arith.shli %parallel_loop3A_429, %parallel_loop3A_445 : vector<16xi32>
        %parallel_loop3A_447 = tpu.bitcast %parallel_loop3A_446 : vector<16xi32> -> vector<16xf32>
        %parallel_loop3A_448 = arith.constant -65536 : i32
        %parallel_loop3A_449 = vector.broadcast %parallel_loop3A_448 : i32 to vector<16xi32>
        %parallel_loop3A_450 = arith.andi %parallel_loop3A_429, %parallel_loop3A_449 : vector<16xi32>
        %parallel_loop3A_451 = tpu.bitcast %parallel_loop3A_450 : vector<16xi32> -> vector<16xf32>
        %parallel_loop3A_452 = arith.constant 16 : i32
        %parallel_loop3A_453 = vector.broadcast %parallel_loop3A_452 : i32 to vector<16xi32>
        %parallel_loop3A_454 = arith.shli %parallel_loop3A_435, %parallel_loop3A_453 : vector<16xi32>
        %parallel_loop3A_455 = tpu.bitcast %parallel_loop3A_454 : vector<16xi32> -> vector<16xf32>
        %parallel_loop3A_456 = arith.constant -65536 : i32
        %parallel_loop3A_457 = vector.broadcast %parallel_loop3A_456 : i32 to vector<16xi32>
        %parallel_loop3A_458 = arith.andi %parallel_loop3A_435, %parallel_loop3A_457 : vector<16xi32>
        %parallel_loop3A_459 = tpu.bitcast %parallel_loop3A_458 : vector<16xi32> -> vector<16xf32>
        %parallel_loop3A_460 = vector.broadcast %parallel_loop3A_201 : f32 to vector<16xf32>
        %parallel_loop3A_461 = arith.mulf %parallel_loop3A_439, %parallel_loop3A_460 : vector<16xf32>
        %parallel_loop3A_462 = vector.broadcast %parallel_loop3A_211 : f32 to vector<16xf32>
        %parallel_loop3A_463 = arith.mulf %parallel_loop3A_447, %parallel_loop3A_462 : vector<16xf32>
        %parallel_loop3A_464 = arith.addf %parallel_loop3A_461, %parallel_loop3A_463 : vector<16xf32>
        %parallel_loop3A_465 = vector.broadcast %parallel_loop3A_221 : f32 to vector<16xf32>
        %parallel_loop3A_466 = arith.mulf %parallel_loop3A_455, %parallel_loop3A_465 : vector<16xf32>
        %parallel_loop3A_467 = arith.addf %parallel_loop3A_464, %parallel_loop3A_466 : vector<16xf32>
        %parallel_loop3A_468 = arith.index_cast %parallel_loop3A_193 : i32 to index
        %parallel_loop3A_469 = arith.constant 96 : index
        %parallel_loop3A_470 = tpu.vector_load %arg14[%parallel_loop3A_468, %parallel_loop3A_469] {strides = array<i32>} : memref<32x512xf32, #tpu.memory_space<vmem>>, vector<1x16xf32>,
        %parallel_loop3A_471 = vector.shape_cast %parallel_loop3A_470 : vector<1x16xf32> to vector<16xf32>
        %parallel_loop3A_472 = vector.shape_cast %parallel_loop3A_467 : vector<16xf32> to vector<1x16xf32>
        tpu.vector_store %arg14[%parallel_loop3A_468, %parallel_loop3A_469], %parallel_loop3A_472 {strides = array<i32>} : memref<32x512xf32, #tpu.memory_space<vmem>>, vector<1x16xf32>,
        %parallel_loop3A_473 = vector.broadcast %parallel_loop3A_201 : f32 to vector<16xf32>
        %parallel_loop3A_474 = arith.mulf %parallel_loop3A_443, %parallel_loop3A_473 : vector<16xf32>
        %parallel_loop3A_475 = vector.broadcast %parallel_loop3A_211 : f32 to vector<16xf32>
        %parallel_loop3A_476 = arith.mulf %parallel_loop3A_451, %parallel_loop3A_475 : vector<16xf32>
        %parallel_loop3A_477 = arith.addf %parallel_loop3A_474, %parallel_loop3A_476 : vector<16xf32>
        %parallel_loop3A_478 = vector.broadcast %parallel_loop3A_221 : f32 to vector<16xf32>
        %parallel_loop3A_479 = arith.mulf %parallel_loop3A_459, %parallel_loop3A_478 : vector<16xf32>
        %parallel_loop3A_480 = arith.addf %parallel_loop3A_477, %parallel_loop3A_479 : vector<16xf32>
        %parallel_loop3A_481 = arith.index_cast %parallel_loop3A_193 : i32 to index
        %parallel_loop3A_482 = arith.constant 112 : index
        %parallel_loop3A_483 = tpu.vector_load %arg14[%parallel_loop3A_481, %parallel_loop3A_482] {strides = array<i32>} : memref<32x512xf32, #tpu.memory_space<vmem>>, vector<1x16xf32>,
        %parallel_loop3A_484 = vector.shape_cast %parallel_loop3A_483 : vector<1x16xf32> to vector<16xf32>
        %parallel_loop3A_485 = vector.shape_cast %parallel_loop3A_480 : vector<16xf32> to vector<1x16xf32>
        tpu.vector_store %arg14[%parallel_loop3A_481, %parallel_loop3A_482], %parallel_loop3A_485 {strides = array<i32>} : memref<32x512xf32, #tpu.memory_space<vmem>>, vector<1x16xf32>,
        %parallel_loop3A_486 = arith.index_cast %parallel_loop3A_193 : i32 to index
        %parallel_loop3A_487 = arith.constant 64 : index
        %parallel_loop3A_488 = tpu.vector_load %arg12[%parallel_loop3A_486, %parallel_loop3A_487] {strides = array<i32>} : memref<96x256xi32, #tpu.memory_space<vmem>>, vector<1x16xi32>,
        %parallel_loop3A_489 = vector.shape_cast %parallel_loop3A_488 : vector<1x16xi32> to vector<16xi32>
        %parallel_loop3A_490 = arith.constant 32 : i32
        %parallel_loop3A_491 = arith.addi %parallel_loop3A_490, %parallel_loop3A_193 : i32
        %parallel_loop3A_492 = arith.index_cast %parallel_loop3A_491 : i32 to index
        %parallel_loop3A_493 = arith.constant 64 : index
        %parallel_loop3A_494 = tpu.vector_load %arg12[%parallel_loop3A_492, %parallel_loop3A_493] {strides = array<i32>} : memref<96x256xi32, #tpu.memory_space<vmem>>, vector<1x16xi32>,
        %parallel_loop3A_495 = vector.shape_cast %parallel_loop3A_494 : vector<1x16xi32> to vector<16xi32>
        %parallel_loop3A_496 = arith.constant 64 : i32
        %parallel_loop3A_497 = arith.addi %parallel_loop3A_496, %parallel_loop3A_193 : i32
        %parallel_loop3A_498 = arith.index_cast %parallel_loop3A_497 : i32 to index
        %parallel_loop3A_499 = arith.constant 64 : index
        %parallel_loop3A_500 = tpu.vector_load %arg12[%parallel_loop3A_498, %parallel_loop3A_499] {strides = array<i32>} : memref<96x256xi32, #tpu.memory_space<vmem>>, vector<1x16xi32>,
        %parallel_loop3A_501 = vector.shape_cast %parallel_loop3A_500 : vector<1x16xi32> to vector<16xi32>
        %parallel_loop3A_502 = arith.constant 16 : i32
        %parallel_loop3A_503 = vector.broadcast %parallel_loop3A_502 : i32 to vector<16xi32>
        %parallel_loop3A_504 = arith.shli %parallel_loop3A_489, %parallel_loop3A_503 : vector<16xi32>
        %parallel_loop3A_505 = tpu.bitcast %parallel_loop3A_504 : vector<16xi32> -> vector<16xf32>
        %parallel_loop3A_506 = arith.constant -65536 : i32
        %parallel_loop3A_507 = vector.broadcast %parallel_loop3A_506 : i32 to vector<16xi32>
        %parallel_loop3A_508 = arith.andi %parallel_loop3A_489, %parallel_loop3A_507 : vector<16xi32>
        %parallel_loop3A_509 = tpu.bitcast %parallel_loop3A_508 : vector<16xi32> -> vector<16xf32>
        %parallel_loop3A_510 = arith.constant 16 : i32
        %parallel_loop3A_511 = vector.broadcast %parallel_loop3A_510 : i32 to vector<16xi32>
        %parallel_loop3A_512 = arith.shli %parallel_loop3A_495, %parallel_loop3A_511 : vector<16xi32>
        %parallel_loop3A_513 = tpu.bitcast %parallel_loop3A_512 : vector<16xi32> -> vector<16xf32>
        %parallel_loop3A_514 = arith.constant -65536 : i32
        %parallel_loop3A_515 = vector.broadcast %parallel_loop3A_514 : i32 to vector<16xi32>
        %parallel_loop3A_516 = arith.andi %parallel_loop3A_495, %parallel_loop3A_515 : vector<16xi32>
        %parallel_loop3A_517 = tpu.bitcast %parallel_loop3A_516 : vector<16xi32> -> vector<16xf32>
        %parallel_loop3A_518 = arith.constant 16 : i32
        %parallel_loop3A_519 = vector.broadcast %parallel_loop3A_518 : i32 to vector<16xi32>
        %parallel_loop3A_520 = arith.shli %parallel_loop3A_501, %parallel_loop3A_519 : vector<16xi32>
        %parallel_loop3A_521 = tpu.bitcast %parallel_loop3A_520 : vector<16xi32> -> vector<16xf32>
        %parallel_loop3A_522 = arith.constant -65536 : i32
        %parallel_loop3A_523 = vector.broadcast %parallel_loop3A_522 : i32 to vector<16xi32>
        %parallel_loop3A_524 = arith.andi %parallel_loop3A_501, %parallel_loop3A_523 : vector<16xi32>
        %parallel_loop3A_525 = tpu.bitcast %parallel_loop3A_524 : vector<16xi32> -> vector<16xf32>
        %parallel_loop3A_526 = vector.broadcast %parallel_loop3A_201 : f32 to vector<16xf32>
        %parallel_loop3A_527 = arith.mulf %parallel_loop3A_505, %parallel_loop3A_526 : vector<16xf32>
        %parallel_loop3A_528 = vector.broadcast %parallel_loop3A_211 : f32 to vector<16xf32>
        %parallel_loop3A_529 = arith.mulf %parallel_loop3A_513, %parallel_loop3A_528 : vector<16xf32>
        %parallel_loop3A_530 = arith.addf %parallel_loop3A_527, %parallel_loop3A_529 : vector<16xf32>
        %parallel_loop3A_531 = vector.broadcast %parallel_loop3A_221 : f32 to vector<16xf32>
        %parallel_loop3A_532 = arith.mulf %parallel_loop3A_521, %parallel_loop3A_531 : vector<16xf32>
        %parallel_loop3A_533 = arith.addf %parallel_loop3A_530, %parallel_loop3A_532 : vector<16xf32>
        %parallel_loop3A_534 = arith.index_cast %parallel_loop3A_193 : i32 to index
        %parallel_loop3A_535 = arith.constant 128 : index
        %parallel_loop3A_536 = tpu.vector_load %arg14[%parallel_loop3A_534, %parallel_loop3A_535] {strides = array<i32>} : memref<32x512xf32, #tpu.memory_space<vmem>>, vector<1x16xf32>,
        %parallel_loop3A_537 = vector.shape_cast %parallel_loop3A_536 : vector<1x16xf32> to vector<16xf32>
        %parallel_loop3A_538 = vector.shape_cast %parallel_loop3A_533 : vector<16xf32> to vector<1x16xf32>
        tpu.vector_store %arg14[%parallel_loop3A_534, %parallel_loop3A_535], %parallel_loop3A_538 {strides = array<i32>} : memref<32x512xf32, #tpu.memory_space<vmem>>, vector<1x16xf32>,
        %parallel_loop3A_539 = vector.broadcast %parallel_loop3A_201 : f32 to vector<16xf32>
        %parallel_loop3A_540 = arith.mulf %parallel_loop3A_509, %parallel_loop3A_539 : vector<16xf32>
        %parallel_loop3A_541 = vector.broadcast %parallel_loop3A_211 : f32 to vector<16xf32>
        %parallel_loop3A_542 = arith.mulf %parallel_loop3A_517, %parallel_loop3A_541 : vector<16xf32>
        %parallel_loop3A_543 = arith.addf %parallel_loop3A_540, %parallel_loop3A_542 : vector<16xf32>
        %parallel_loop3A_544 = vector.broadcast %parallel_loop3A_221 : f32 to vector<16xf32>
        %parallel_loop3A_545 = arith.mulf %parallel_loop3A_525, %parallel_loop3A_544 : vector<16xf32>
        %parallel_loop3A_546 = arith.addf %parallel_loop3A_543, %parallel_loop3A_545 : vector<16xf32>
        %parallel_loop3A_547 = arith.index_cast %parallel_loop3A_193 : i32 to index
        %parallel_loop3A_548 = arith.constant 144 : index
        %parallel_loop3A_549 = tpu.vector_load %arg14[%parallel_loop3A_547, %parallel_loop3A_548] {strides = array<i32>} : memref<32x512xf32, #tpu.memory_space<vmem>>, vector<1x16xf32>,
        %parallel_loop3A_550 = vector.shape_cast %parallel_loop3A_549 : vector<1x16xf32> to vector<16xf32>
        %parallel_loop3A_551 = vector.shape_cast %parallel_loop3A_546 : vector<16xf32> to vector<1x16xf32>
        tpu.vector_store %arg14[%parallel_loop3A_547, %parallel_loop3A_548], %parallel_loop3A_551 {strides = array<i32>} : memref<32x512xf32, #tpu.memory_space<vmem>>, vector<1x16xf32>,
        %parallel_loop3A_552 = arith.index_cast %parallel_loop3A_193 : i32 to index
        %parallel_loop3A_553 = arith.constant 80 : index
        %parallel_loop3A_554 = tpu.vector_load %arg12[%parallel_loop3A_552, %parallel_loop3A_553] {strides = array<i32>} : memref<96x256xi32, #tpu.memory_space<vmem>>, vector<1x16xi32>,
        %parallel_loop3A_555 = vector.shape_cast %parallel_loop3A_554 : vector<1x16xi32> to vector<16xi32>
        %parallel_loop3A_556 = arith.constant 32 : i32
        %parallel_loop3A_557 = arith.addi %parallel_loop3A_556, %parallel_loop3A_193 : i32
        %parallel_loop3A_558 = arith.index_cast %parallel_loop3A_557 : i32 to index
        %parallel_loop3A_559 = arith.constant 80 : index
        %parallel_loop3A_560 = tpu.vector_load %arg12[%parallel_loop3A_558, %parallel_loop3A_559] {strides = array<i32>} : memref<96x256xi32, #tpu.memory_space<vmem>>, vector<1x16xi32>,
        %parallel_loop3A_561 = vector.shape_cast %parallel_loop3A_560 : vector<1x16xi32> to vector<16xi32>
        %parallel_loop3A_562 = arith.constant 64 : i32
        %parallel_loop3A_563 = arith.addi %parallel_loop3A_562, %parallel_loop3A_193 : i32
        %parallel_loop3A_564 = arith.index_cast %parallel_loop3A_563 : i32 to index
        %parallel_loop3A_565 = arith.constant 80 : index
        %parallel_loop3A_566 = tpu.vector_load %arg12[%parallel_loop3A_564, %parallel_loop3A_565] {strides = array<i32>} : memref<96x256xi32, #tpu.memory_space<vmem>>, vector<1x16xi32>,
        %parallel_loop3A_567 = vector.shape_cast %parallel_loop3A_566 : vector<1x16xi32> to vector<16xi32>
        %parallel_loop3A_568 = arith.constant 16 : i32
        %parallel_loop3A_569 = vector.broadcast %parallel_loop3A_568 : i32 to vector<16xi32>
        %parallel_loop3A_570 = arith.shli %parallel_loop3A_555, %parallel_loop3A_569 : vector<16xi32>
        %parallel_loop3A_571 = tpu.bitcast %parallel_loop3A_570 : vector<16xi32> -> vector<16xf32>
        %parallel_loop3A_572 = arith.constant -65536 : i32
        %parallel_loop3A_573 = vector.broadcast %parallel_loop3A_572 : i32 to vector<16xi32>
        %parallel_loop3A_574 = arith.andi %parallel_loop3A_555, %parallel_loop3A_573 : vector<16xi32>
        %parallel_loop3A_575 = tpu.bitcast %parallel_loop3A_574 : vector<16xi32> -> vector<16xf32>
        %parallel_loop3A_576 = arith.constant 16 : i32
        %parallel_loop3A_577 = vector.broadcast %parallel_loop3A_576 : i32 to vector<16xi32>
        %parallel_loop3A_578 = arith.shli %parallel_loop3A_561, %parallel_loop3A_577 : vector<16xi32>
        %parallel_loop3A_579 = tpu.bitcast %parallel_loop3A_578 : vector<16xi32> -> vector<16xf32>
        %parallel_loop3A_580 = arith.constant -65536 : i32
        %parallel_loop3A_581 = vector.broadcast %parallel_loop3A_580 : i32 to vector<16xi32>
        %parallel_loop3A_582 = arith.andi %parallel_loop3A_561, %parallel_loop3A_581 : vector<16xi32>
        %parallel_loop3A_583 = tpu.bitcast %parallel_loop3A_582 : vector<16xi32> -> vector<16xf32>
        %parallel_loop3A_584 = arith.constant 16 : i32
        %parallel_loop3A_585 = vector.broadcast %parallel_loop3A_584 : i32 to vector<16xi32>
        %parallel_loop3A_586 = arith.shli %parallel_loop3A_567, %parallel_loop3A_585 : vector<16xi32>
        %parallel_loop3A_587 = tpu.bitcast %parallel_loop3A_586 : vector<16xi32> -> vector<16xf32>
        %parallel_loop3A_588 = arith.constant -65536 : i32
        %parallel_loop3A_589 = vector.broadcast %parallel_loop3A_588 : i32 to vector<16xi32>
        %parallel_loop3A_590 = arith.andi %parallel_loop3A_567, %parallel_loop3A_589 : vector<16xi32>
        %parallel_loop3A_591 = tpu.bitcast %parallel_loop3A_590 : vector<16xi32> -> vector<16xf32>
        %parallel_loop3A_592 = vector.broadcast %parallel_loop3A_201 : f32 to vector<16xf32>
        %parallel_loop3A_593 = arith.mulf %parallel_loop3A_571, %parallel_loop3A_592 : vector<16xf32>
        %parallel_loop3A_594 = vector.broadcast %parallel_loop3A_211 : f32 to vector<16xf32>
        %parallel_loop3A_595 = arith.mulf %parallel_loop3A_579, %parallel_loop3A_594 : vector<16xf32>
        %parallel_loop3A_596 = arith.addf %parallel_loop3A_593, %parallel_loop3A_595 : vector<16xf32>
        %parallel_loop3A_597 = vector.broadcast %parallel_loop3A_221 : f32 to vector<16xf32>
        %parallel_loop3A_598 = arith.mulf %parallel_loop3A_587, %parallel_loop3A_597 : vector<16xf32>
        %parallel_loop3A_599 = arith.addf %parallel_loop3A_596, %parallel_loop3A_598 : vector<16xf32>
        %parallel_loop3A_600 = arith.index_cast %parallel_loop3A_193 : i32 to index
        %parallel_loop3A_601 = arith.constant 160 : index
        %parallel_loop3A_602 = tpu.vector_load %arg14[%parallel_loop3A_600, %parallel_loop3A_601] {strides = array<i32>} : memref<32x512xf32, #tpu.memory_space<vmem>>, vector<1x16xf32>,
        %parallel_loop3A_603 = vector.shape_cast %parallel_loop3A_602 : vector<1x16xf32> to vector<16xf32>
        %parallel_loop3A_604 = vector.shape_cast %parallel_loop3A_599 : vector<16xf32> to vector<1x16xf32>
        tpu.vector_store %arg14[%parallel_loop3A_600, %parallel_loop3A_601], %parallel_loop3A_604 {strides = array<i32>} : memref<32x512xf32, #tpu.memory_space<vmem>>, vector<1x16xf32>,
        %parallel_loop3A_605 = vector.broadcast %parallel_loop3A_201 : f32 to vector<16xf32>
        %parallel_loop3A_606 = arith.mulf %parallel_loop3A_575, %parallel_loop3A_605 : vector<16xf32>
        %parallel_loop3A_607 = vector.broadcast %parallel_loop3A_211 : f32 to vector<16xf32>
        %parallel_loop3A_608 = arith.mulf %parallel_loop3A_583, %parallel_loop3A_607 : vector<16xf32>
        %parallel_loop3A_609 = arith.addf %parallel_loop3A_606, %parallel_loop3A_608 : vector<16xf32>
        %parallel_loop3A_610 = vector.broadcast %parallel_loop3A_221 : f32 to vector<16xf32>
        %parallel_loop3A_611 = arith.mulf %parallel_loop3A_591, %parallel_loop3A_610 : vector<16xf32>
        %parallel_loop3A_612 = arith.addf %parallel_loop3A_609, %parallel_loop3A_611 : vector<16xf32>
        %parallel_loop3A_613 = arith.index_cast %parallel_loop3A_193 : i32 to index
        %parallel_loop3A_614 = arith.constant 176 : index
        %parallel_loop3A_615 = tpu.vector_load %arg14[%parallel_loop3A_613, %parallel_loop3A_614] {strides = array<i32>} : memref<32x512xf32, #tpu.memory_space<vmem>>, vector<1x16xf32>,
        %parallel_loop3A_616 = vector.shape_cast %parallel_loop3A_615 : vector<1x16xf32> to vector<16xf32>
        %parallel_loop3A_617 = vector.shape_cast %parallel_loop3A_612 : vector<16xf32> to vector<1x16xf32>
        tpu.vector_store %arg14[%parallel_loop3A_613, %parallel_loop3A_614], %parallel_loop3A_617 {strides = array<i32>} : memref<32x512xf32, #tpu.memory_space<vmem>>, vector<1x16xf32>,
        %parallel_loop3A_618 = arith.index_cast %parallel_loop3A_193 : i32 to index
        %parallel_loop3A_619 = arith.constant 96 : index
        %parallel_loop3A_620 = tpu.vector_load %arg12[%parallel_loop3A_618, %parallel_loop3A_619] {strides = array<i32>} : memref<96x256xi32, #tpu.memory_space<vmem>>, vector<1x16xi32>,
        %parallel_loop3A_621 = vector.shape_cast %parallel_loop3A_620 : vector<1x16xi32> to vector<16xi32>
        %parallel_loop3A_622 = arith.constant 32 : i32
        %parallel_loop3A_623 = arith.addi %parallel_loop3A_622, %parallel_loop3A_193 : i32
        %parallel_loop3A_624 = arith.index_cast %parallel_loop3A_623 : i32 to index
        %parallel_loop3A_625 = arith.constant 96 : index
        %parallel_loop3A_626 = tpu.vector_load %arg12[%parallel_loop3A_624, %parallel_loop3A_625] {strides = array<i32>} : memref<96x256xi32, #tpu.memory_space<vmem>>, vector<1x16xi32>,
        %parallel_loop3A_627 = vector.shape_cast %parallel_loop3A_626 : vector<1x16xi32> to vector<16xi32>
        %parallel_loop3A_628 = arith.constant 64 : i32
        %parallel_loop3A_629 = arith.addi %parallel_loop3A_628, %parallel_loop3A_193 : i32
        %parallel_loop3A_630 = arith.index_cast %parallel_loop3A_629 : i32 to index
        %parallel_loop3A_631 = arith.constant 96 : index
        %parallel_loop3A_632 = tpu.vector_load %arg12[%parallel_loop3A_630, %parallel_loop3A_631] {strides = array<i32>} : memref<96x256xi32, #tpu.memory_space<vmem>>, vector<1x16xi32>,
        %parallel_loop3A_633 = vector.shape_cast %parallel_loop3A_632 : vector<1x16xi32> to vector<16xi32>
        %parallel_loop3A_634 = arith.constant 16 : i32
        %parallel_loop3A_635 = vector.broadcast %parallel_loop3A_634 : i32 to vector<16xi32>
        %parallel_loop3A_636 = arith.shli %parallel_loop3A_621, %parallel_loop3A_635 : vector<16xi32>
        %parallel_loop3A_637 = tpu.bitcast %parallel_loop3A_636 : vector<16xi32> -> vector<16xf32>
        %parallel_loop3A_638 = arith.constant -65536 : i32
        %parallel_loop3A_639 = vector.broadcast %parallel_loop3A_638 : i32 to vector<16xi32>
        %parallel_loop3A_640 = arith.andi %parallel_loop3A_621, %parallel_loop3A_639 : vector<16xi32>
        %parallel_loop3A_641 = tpu.bitcast %parallel_loop3A_640 : vector<16xi32> -> vector<16xf32>
        %parallel_loop3A_642 = arith.constant 16 : i32
        %parallel_loop3A_643 = vector.broadcast %parallel_loop3A_642 : i32 to vector<16xi32>
        %parallel_loop3A_644 = arith.shli %parallel_loop3A_627, %parallel_loop3A_643 : vector<16xi32>
        %parallel_loop3A_645 = tpu.bitcast %parallel_loop3A_644 : vector<16xi32> -> vector<16xf32>
        %parallel_loop3A_646 = arith.constant -65536 : i32
        %parallel_loop3A_647 = vector.broadcast %parallel_loop3A_646 : i32 to vector<16xi32>
        %parallel_loop3A_648 = arith.andi %parallel_loop3A_627, %parallel_loop3A_647 : vector<16xi32>
        %parallel_loop3A_649 = tpu.bitcast %parallel_loop3A_648 : vector<16xi32> -> vector<16xf32>
        %parallel_loop3A_650 = arith.constant 16 : i32
        %parallel_loop3A_651 = vector.broadcast %parallel_loop3A_650 : i32 to vector<16xi32>
        %parallel_loop3A_652 = arith.shli %parallel_loop3A_633, %parallel_loop3A_651 : vector<16xi32>
        %parallel_loop3A_653 = tpu.bitcast %parallel_loop3A_652 : vector<16xi32> -> vector<16xf32>
        %parallel_loop3A_654 = arith.constant -65536 : i32
        %parallel_loop3A_655 = vector.broadcast %parallel_loop3A_654 : i32 to vector<16xi32>
        %parallel_loop3A_656 = arith.andi %parallel_loop3A_633, %parallel_loop3A_655 : vector<16xi32>
        %parallel_loop3A_657 = tpu.bitcast %parallel_loop3A_656 : vector<16xi32> -> vector<16xf32>
        %parallel_loop3A_658 = vector.broadcast %parallel_loop3A_201 : f32 to vector<16xf32>
        %parallel_loop3A_659 = arith.mulf %parallel_loop3A_637, %parallel_loop3A_658 : vector<16xf32>
        %parallel_loop3A_660 = vector.broadcast %parallel_loop3A_211 : f32 to vector<16xf32>
        %parallel_loop3A_661 = arith.mulf %parallel_loop3A_645, %parallel_loop3A_660 : vector<16xf32>
        %parallel_loop3A_662 = arith.addf %parallel_loop3A_659, %parallel_loop3A_661 : vector<16xf32>
        %parallel_loop3A_663 = vector.broadcast %parallel_loop3A_221 : f32 to vector<16xf32>
        %parallel_loop3A_664 = arith.mulf %parallel_loop3A_653, %parallel_loop3A_663 : vector<16xf32>
        %parallel_loop3A_665 = arith.addf %parallel_loop3A_662, %parallel_loop3A_664 : vector<16xf32>
        %parallel_loop3A_666 = arith.index_cast %parallel_loop3A_193 : i32 to index
        %parallel_loop3A_667 = arith.constant 192 : index
        %parallel_loop3A_668 = tpu.vector_load %arg14[%parallel_loop3A_666, %parallel_loop3A_667] {strides = array<i32>} : memref<32x512xf32, #tpu.memory_space<vmem>>, vector<1x16xf32>,
        %parallel_loop3A_669 = vector.shape_cast %parallel_loop3A_668 : vector<1x16xf32> to vector<16xf32>
        %parallel_loop3A_670 = vector.shape_cast %parallel_loop3A_665 : vector<16xf32> to vector<1x16xf32>
        tpu.vector_store %arg14[%parallel_loop3A_666, %parallel_loop3A_667], %parallel_loop3A_670 {strides = array<i32>} : memref<32x512xf32, #tpu.memory_space<vmem>>, vector<1x16xf32>,
        %parallel_loop3A_671 = vector.broadcast %parallel_loop3A_201 : f32 to vector<16xf32>
        %parallel_loop3A_672 = arith.mulf %parallel_loop3A_641, %parallel_loop3A_671 : vector<16xf32>
        %parallel_loop3A_673 = vector.broadcast %parallel_loop3A_211 : f32 to vector<16xf32>
        %parallel_loop3A_674 = arith.mulf %parallel_loop3A_649, %parallel_loop3A_673 : vector<16xf32>
        %parallel_loop3A_675 = arith.addf %parallel_loop3A_672, %parallel_loop3A_674 : vector<16xf32>
        %parallel_loop3A_676 = vector.broadcast %parallel_loop3A_221 : f32 to vector<16xf32>
        %parallel_loop3A_677 = arith.mulf %parallel_loop3A_657, %parallel_loop3A_676 : vector<16xf32>
        %parallel_loop3A_678 = arith.addf %parallel_loop3A_675, %parallel_loop3A_677 : vector<16xf32>
        %parallel_loop3A_679 = arith.index_cast %parallel_loop3A_193 : i32 to index
        %parallel_loop3A_680 = arith.constant 208 : index
        %parallel_loop3A_681 = tpu.vector_load %arg14[%parallel_loop3A_679, %parallel_loop3A_680] {strides = array<i32>} : memref<32x512xf32, #tpu.memory_space<vmem>>, vector<1x16xf32>,
        %parallel_loop3A_682 = vector.shape_cast %parallel_loop3A_681 : vector<1x16xf32> to vector<16xf32>
        %parallel_loop3A_683 = vector.shape_cast %parallel_loop3A_678 : vector<16xf32> to vector<1x16xf32>
        tpu.vector_store %arg14[%parallel_loop3A_679, %parallel_loop3A_680], %parallel_loop3A_683 {strides = array<i32>} : memref<32x512xf32, #tpu.memory_space<vmem>>, vector<1x16xf32>,
        %parallel_loop3A_684 = arith.index_cast %parallel_loop3A_193 : i32 to index
        %parallel_loop3A_685 = arith.constant 112 : index
        %parallel_loop3A_686 = tpu.vector_load %arg12[%parallel_loop3A_684, %parallel_loop3A_685] {strides = array<i32>} : memref<96x256xi32, #tpu.memory_space<vmem>>, vector<1x16xi32>,
        %parallel_loop3A_687 = vector.shape_cast %parallel_loop3A_686 : vector<1x16xi32> to vector<16xi32>
        %parallel_loop3A_688 = arith.constant 32 : i32
        %parallel_loop3A_689 = arith.addi %parallel_loop3A_688, %parallel_loop3A_193 : i32
        %parallel_loop3A_690 = arith.index_cast %parallel_loop3A_689 : i32 to index
        %parallel_loop3A_691 = arith.constant 112 : index
        %parallel_loop3A_692 = tpu.vector_load %arg12[%parallel_loop3A_690, %parallel_loop3A_691] {strides = array<i32>} : memref<96x256xi32, #tpu.memory_space<vmem>>, vector<1x16xi32>,
        %parallel_loop3A_693 = vector.shape_cast %parallel_loop3A_692 : vector<1x16xi32> to vector<16xi32>
        %parallel_loop3A_694 = arith.constant 64 : i32
        %parallel_loop3A_695 = arith.addi %parallel_loop3A_694, %parallel_loop3A_193 : i32
        %parallel_loop3A_696 = arith.index_cast %parallel_loop3A_695 : i32 to index
        %parallel_loop3A_697 = arith.constant 112 : index
        %parallel_loop3A_698 = tpu.vector_load %arg12[%parallel_loop3A_696, %parallel_loop3A_697] {strides = array<i32>} : memref<96x256xi32, #tpu.memory_space<vmem>>, vector<1x16xi32>,
        %parallel_loop3A_699 = vector.shape_cast %parallel_loop3A_698 : vector<1x16xi32> to vector<16xi32>
        %parallel_loop3A_700 = arith.constant 16 : i32
        %parallel_loop3A_701 = vector.broadcast %parallel_loop3A_700 : i32 to vector<16xi32>
        %parallel_loop3A_702 = arith.shli %parallel_loop3A_687, %parallel_loop3A_701 : vector<16xi32>
        %parallel_loop3A_703 = tpu.bitcast %parallel_loop3A_702 : vector<16xi32> -> vector<16xf32>
        %parallel_loop3A_704 = arith.constant -65536 : i32
        %parallel_loop3A_705 = vector.broadcast %parallel_loop3A_704 : i32 to vector<16xi32>
        %parallel_loop3A_706 = arith.andi %parallel_loop3A_687, %parallel_loop3A_705 : vector<16xi32>
        %parallel_loop3A_707 = tpu.bitcast %parallel_loop3A_706 : vector<16xi32> -> vector<16xf32>
        %parallel_loop3A_708 = arith.constant 16 : i32
        %parallel_loop3A_709 = vector.broadcast %parallel_loop3A_708 : i32 to vector<16xi32>
        %parallel_loop3A_710 = arith.shli %parallel_loop3A_693, %parallel_loop3A_709 : vector<16xi32>
        %parallel_loop3A_711 = tpu.bitcast %parallel_loop3A_710 : vector<16xi32> -> vector<16xf32>
        %parallel_loop3A_712 = arith.constant -65536 : i32
        %parallel_loop3A_713 = vector.broadcast %parallel_loop3A_712 : i32 to vector<16xi32>
        %parallel_loop3A_714 = arith.andi %parallel_loop3A_693, %parallel_loop3A_713 : vector<16xi32>
        %parallel_loop3A_715 = tpu.bitcast %parallel_loop3A_714 : vector<16xi32> -> vector<16xf32>
        %parallel_loop3A_716 = arith.constant 16 : i32
        %parallel_loop3A_717 = vector.broadcast %parallel_loop3A_716 : i32 to vector<16xi32>
        %parallel_loop3A_718 = arith.shli %parallel_loop3A_699, %parallel_loop3A_717 : vector<16xi32>
        %parallel_loop3A_719 = tpu.bitcast %parallel_loop3A_718 : vector<16xi32> -> vector<16xf32>
        %parallel_loop3A_720 = arith.constant -65536 : i32
        %parallel_loop3A_721 = vector.broadcast %parallel_loop3A_720 : i32 to vector<16xi32>
        %parallel_loop3A_722 = arith.andi %parallel_loop3A_699, %parallel_loop3A_721 : vector<16xi32>
        %parallel_loop3A_723 = tpu.bitcast %parallel_loop3A_722 : vector<16xi32> -> vector<16xf32>
        %parallel_loop3A_724 = vector.broadcast %parallel_loop3A_201 : f32 to vector<16xf32>
        %parallel_loop3A_725 = arith.mulf %parallel_loop3A_703, %parallel_loop3A_724 : vector<16xf32>
        %parallel_loop3A_726 = vector.broadcast %parallel_loop3A_211 : f32 to vector<16xf32>
        %parallel_loop3A_727 = arith.mulf %parallel_loop3A_711, %parallel_loop3A_726 : vector<16xf32>
        %parallel_loop3A_728 = arith.addf %parallel_loop3A_725, %parallel_loop3A_727 : vector<16xf32>
        %parallel_loop3A_729 = vector.broadcast %parallel_loop3A_221 : f32 to vector<16xf32>
        %parallel_loop3A_730 = arith.mulf %parallel_loop3A_719, %parallel_loop3A_729 : vector<16xf32>
        %parallel_loop3A_731 = arith.addf %parallel_loop3A_728, %parallel_loop3A_730 : vector<16xf32>
        %parallel_loop3A_732 = arith.index_cast %parallel_loop3A_193 : i32 to index
        %parallel_loop3A_733 = arith.constant 224 : index
        %parallel_loop3A_734 = tpu.vector_load %arg14[%parallel_loop3A_732, %parallel_loop3A_733] {strides = array<i32>} : memref<32x512xf32, #tpu.memory_space<vmem>>, vector<1x16xf32>,
        %parallel_loop3A_735 = vector.shape_cast %parallel_loop3A_734 : vector<1x16xf32> to vector<16xf32>
        %parallel_loop3A_736 = vector.shape_cast %parallel_loop3A_731 : vector<16xf32> to vector<1x16xf32>
        tpu.vector_store %arg14[%parallel_loop3A_732, %parallel_loop3A_733], %parallel_loop3A_736 {strides = array<i32>} : memref<32x512xf32, #tpu.memory_space<vmem>>, vector<1x16xf32>,
        %parallel_loop3A_737 = vector.broadcast %parallel_loop3A_201 : f32 to vector<16xf32>
        %parallel_loop3A_738 = arith.mulf %parallel_loop3A_707, %parallel_loop3A_737 : vector<16xf32>
        %parallel_loop3A_739 = vector.broadcast %parallel_loop3A_211 : f32 to vector<16xf32>
        %parallel_loop3A_740 = arith.mulf %parallel_loop3A_715, %parallel_loop3A_739 : vector<16xf32>
        %parallel_loop3A_741 = arith.addf %parallel_loop3A_738, %parallel_loop3A_740 : vector<16xf32>
        %parallel_loop3A_742 = vector.broadcast %parallel_loop3A_221 : f32 to vector<16xf32>
        %parallel_loop3A_743 = arith.mulf %parallel_loop3A_723, %parallel_loop3A_742 : vector<16xf32>
        %parallel_loop3A_744 = arith.addf %parallel_loop3A_741, %parallel_loop3A_743 : vector<16xf32>
        %parallel_loop3A_745 = arith.index_cast %parallel_loop3A_193 : i32 to index
        %parallel_loop3A_746 = arith.constant 240 : index
        %parallel_loop3A_747 = tpu.vector_load %arg14[%parallel_loop3A_745, %parallel_loop3A_746] {strides = array<i32>} : memref<32x512xf32, #tpu.memory_space<vmem>>, vector<1x16xf32>,
        %parallel_loop3A_748 = vector.shape_cast %parallel_loop3A_747 : vector<1x16xf32> to vector<16xf32>
        %parallel_loop3A_749 = vector.shape_cast %parallel_loop3A_744 : vector<16xf32> to vector<1x16xf32>
        tpu.vector_store %arg14[%parallel_loop3A_745, %parallel_loop3A_746], %parallel_loop3A_749 {strides = array<i32>} : memref<32x512xf32, #tpu.memory_space<vmem>>, vector<1x16xf32>,
        %parallel_loop3A_750 = arith.index_cast %parallel_loop3A_193 : i32 to index
        %parallel_loop3A_751 = arith.constant 128 : index
        %parallel_loop3A_752 = tpu.vector_load %arg12[%parallel_loop3A_750, %parallel_loop3A_751] {strides = array<i32>} : memref<96x256xi32, #tpu.memory_space<vmem>>, vector<1x16xi32>,
        %parallel_loop3A_753 = vector.shape_cast %parallel_loop3A_752 : vector<1x16xi32> to vector<16xi32>
        %parallel_loop3A_754 = arith.constant 32 : i32
        %parallel_loop3A_755 = arith.addi %parallel_loop3A_754, %parallel_loop3A_193 : i32
        %parallel_loop3A_756 = arith.index_cast %parallel_loop3A_755 : i32 to index
        %parallel_loop3A_757 = arith.constant 128 : index
        %parallel_loop3A_758 = tpu.vector_load %arg12[%parallel_loop3A_756, %parallel_loop3A_757] {strides = array<i32>} : memref<96x256xi32, #tpu.memory_space<vmem>>, vector<1x16xi32>,
        %parallel_loop3A_759 = vector.shape_cast %parallel_loop3A_758 : vector<1x16xi32> to vector<16xi32>
        %parallel_loop3A_760 = arith.constant 64 : i32
        %parallel_loop3A_761 = arith.addi %parallel_loop3A_760, %parallel_loop3A_193 : i32
        %parallel_loop3A_762 = arith.index_cast %parallel_loop3A_761 : i32 to index
        %parallel_loop3A_763 = arith.constant 128 : index
        %parallel_loop3A_764 = tpu.vector_load %arg12[%parallel_loop3A_762, %parallel_loop3A_763] {strides = array<i32>} : memref<96x256xi32, #tpu.memory_space<vmem>>, vector<1x16xi32>,
        %parallel_loop3A_765 = vector.shape_cast %parallel_loop3A_764 : vector<1x16xi32> to vector<16xi32>
        %parallel_loop3A_766 = arith.constant 16 : i32
        %parallel_loop3A_767 = vector.broadcast %parallel_loop3A_766 : i32 to vector<16xi32>
        %parallel_loop3A_768 = arith.shli %parallel_loop3A_753, %parallel_loop3A_767 : vector<16xi32>
        %parallel_loop3A_769 = tpu.bitcast %parallel_loop3A_768 : vector<16xi32> -> vector<16xf32>
        %parallel_loop3A_770 = arith.constant -65536 : i32
        %parallel_loop3A_771 = vector.broadcast %parallel_loop3A_770 : i32 to vector<16xi32>
        %parallel_loop3A_772 = arith.andi %parallel_loop3A_753, %parallel_loop3A_771 : vector<16xi32>
        %parallel_loop3A_773 = tpu.bitcast %parallel_loop3A_772 : vector<16xi32> -> vector<16xf32>
        %parallel_loop3A_774 = arith.constant 16 : i32
        %parallel_loop3A_775 = vector.broadcast %parallel_loop3A_774 : i32 to vector<16xi32>
        %parallel_loop3A_776 = arith.shli %parallel_loop3A_759, %parallel_loop3A_775 : vector<16xi32>
        %parallel_loop3A_777 = tpu.bitcast %parallel_loop3A_776 : vector<16xi32> -> vector<16xf32>
        %parallel_loop3A_778 = arith.constant -65536 : i32
        %parallel_loop3A_779 = vector.broadcast %parallel_loop3A_778 : i32 to vector<16xi32>
        %parallel_loop3A_780 = arith.andi %parallel_loop3A_759, %parallel_loop3A_779 : vector<16xi32>
        %parallel_loop3A_781 = tpu.bitcast %parallel_loop3A_780 : vector<16xi32> -> vector<16xf32>
        %parallel_loop3A_782 = arith.constant 16 : i32
        %parallel_loop3A_783 = vector.broadcast %parallel_loop3A_782 : i32 to vector<16xi32>
        %parallel_loop3A_784 = arith.shli %parallel_loop3A_765, %parallel_loop3A_783 : vector<16xi32>
        %parallel_loop3A_785 = tpu.bitcast %parallel_loop3A_784 : vector<16xi32> -> vector<16xf32>
        %parallel_loop3A_786 = arith.constant -65536 : i32
        %parallel_loop3A_787 = vector.broadcast %parallel_loop3A_786 : i32 to vector<16xi32>
        %parallel_loop3A_788 = arith.andi %parallel_loop3A_765, %parallel_loop3A_787 : vector<16xi32>
        %parallel_loop3A_789 = tpu.bitcast %parallel_loop3A_788 : vector<16xi32> -> vector<16xf32>
        %parallel_loop3A_790 = vector.broadcast %parallel_loop3A_201 : f32 to vector<16xf32>
        %parallel_loop3A_791 = arith.mulf %parallel_loop3A_769, %parallel_loop3A_790 : vector<16xf32>
        %parallel_loop3A_792 = vector.broadcast %parallel_loop3A_211 : f32 to vector<16xf32>
        %parallel_loop3A_793 = arith.mulf %parallel_loop3A_777, %parallel_loop3A_792 : vector<16xf32>
        %parallel_loop3A_794 = arith.addf %parallel_loop3A_791, %parallel_loop3A_793 : vector<16xf32>
        %parallel_loop3A_795 = vector.broadcast %parallel_loop3A_221 : f32 to vector<16xf32>
        %parallel_loop3A_796 = arith.mulf %parallel_loop3A_785, %parallel_loop3A_795 : vector<16xf32>
        %parallel_loop3A_797 = arith.addf %parallel_loop3A_794, %parallel_loop3A_796 : vector<16xf32>
        %parallel_loop3A_798 = arith.index_cast %parallel_loop3A_193 : i32 to index
        %parallel_loop3A_799 = arith.constant 256 : index
        %parallel_loop3A_800 = tpu.vector_load %arg14[%parallel_loop3A_798, %parallel_loop3A_799] {strides = array<i32>} : memref<32x512xf32, #tpu.memory_space<vmem>>, vector<1x16xf32>,
        %parallel_loop3A_801 = vector.shape_cast %parallel_loop3A_800 : vector<1x16xf32> to vector<16xf32>
        %parallel_loop3A_802 = vector.shape_cast %parallel_loop3A_797 : vector<16xf32> to vector<1x16xf32>
        tpu.vector_store %arg14[%parallel_loop3A_798, %parallel_loop3A_799], %parallel_loop3A_802 {strides = array<i32>} : memref<32x512xf32, #tpu.memory_space<vmem>>, vector<1x16xf32>,
        %parallel_loop3A_803 = vector.broadcast %parallel_loop3A_201 : f32 to vector<16xf32>
        %parallel_loop3A_804 = arith.mulf %parallel_loop3A_773, %parallel_loop3A_803 : vector<16xf32>
        %parallel_loop3A_805 = vector.broadcast %parallel_loop3A_211 : f32 to vector<16xf32>
        %parallel_loop3A_806 = arith.mulf %parallel_loop3A_781, %parallel_loop3A_805 : vector<16xf32>
        %parallel_loop3A_807 = arith.addf %parallel_loop3A_804, %parallel_loop3A_806 : vector<16xf32>
        %parallel_loop3A_808 = vector.broadcast %parallel_loop3A_221 : f32 to vector<16xf32>
        %parallel_loop3A_809 = arith.mulf %parallel_loop3A_789, %parallel_loop3A_808 : vector<16xf32>
        %parallel_loop3A_810 = arith.addf %parallel_loop3A_807, %parallel_loop3A_809 : vector<16xf32>
        %parallel_loop3A_811 = arith.index_cast %parallel_loop3A_193 : i32 to index
        %parallel_loop3A_812 = arith.constant 272 : index
        %parallel_loop3A_813 = tpu.vector_load %arg14[%parallel_loop3A_811, %parallel_loop3A_812] {strides = array<i32>} : memref<32x512xf32, #tpu.memory_space<vmem>>, vector<1x16xf32>,
        %parallel_loop3A_814 = vector.shape_cast %parallel_loop3A_813 : vector<1x16xf32> to vector<16xf32>
        %parallel_loop3A_815 = vector.shape_cast %parallel_loop3A_810 : vector<16xf32> to vector<1x16xf32>
        tpu.vector_store %arg14[%parallel_loop3A_811, %parallel_loop3A_812], %parallel_loop3A_815 {strides = array<i32>} : memref<32x512xf32, #tpu.memory_space<vmem>>, vector<1x16xf32>,
        %parallel_loop3A_816 = arith.index_cast %parallel_loop3A_193 : i32 to index
        %parallel_loop3A_817 = arith.constant 144 : index
        %parallel_loop3A_818 = tpu.vector_load %arg12[%parallel_loop3A_816, %parallel_loop3A_817] {strides = array<i32>} : memref<96x256xi32, #tpu.memory_space<vmem>>, vector<1x16xi32>,
        %parallel_loop3A_819 = vector.shape_cast %parallel_loop3A_818 : vector<1x16xi32> to vector<16xi32>
        %parallel_loop3A_820 = arith.constant 32 : i32
        %parallel_loop3A_821 = arith.addi %parallel_loop3A_820, %parallel_loop3A_193 : i32
        %parallel_loop3A_822 = arith.index_cast %parallel_loop3A_821 : i32 to index
        %parallel_loop3A_823 = arith.constant 144 : index
        %parallel_loop3A_824 = tpu.vector_load %arg12[%parallel_loop3A_822, %parallel_loop3A_823] {strides = array<i32>} : memref<96x256xi32, #tpu.memory_space<vmem>>, vector<1x16xi32>,
        %parallel_loop3A_825 = vector.shape_cast %parallel_loop3A_824 : vector<1x16xi32> to vector<16xi32>
        %parallel_loop3A_826 = arith.constant 64 : i32
        %parallel_loop3A_827 = arith.addi %parallel_loop3A_826, %parallel_loop3A_193 : i32
        %parallel_loop3A_828 = arith.index_cast %parallel_loop3A_827 : i32 to index
        %parallel_loop3A_829 = arith.constant 144 : index
        %parallel_loop3A_830 = tpu.vector_load %arg12[%parallel_loop3A_828, %parallel_loop3A_829] {strides = array<i32>} : memref<96x256xi32, #tpu.memory_space<vmem>>, vector<1x16xi32>,
        %parallel_loop3A_831 = vector.shape_cast %parallel_loop3A_830 : vector<1x16xi32> to vector<16xi32>
        %parallel_loop3A_832 = arith.constant 16 : i32
        %parallel_loop3A_833 = vector.broadcast %parallel_loop3A_832 : i32 to vector<16xi32>
        %parallel_loop3A_834 = arith.shli %parallel_loop3A_819, %parallel_loop3A_833 : vector<16xi32>
        %parallel_loop3A_835 = tpu.bitcast %parallel_loop3A_834 : vector<16xi32> -> vector<16xf32>
        %parallel_loop3A_836 = arith.constant -65536 : i32
        %parallel_loop3A_837 = vector.broadcast %parallel_loop3A_836 : i32 to vector<16xi32>
        %parallel_loop3A_838 = arith.andi %parallel_loop3A_819, %parallel_loop3A_837 : vector<16xi32>
        %parallel_loop3A_839 = tpu.bitcast %parallel_loop3A_838 : vector<16xi32> -> vector<16xf32>
        %parallel_loop3A_840 = arith.constant 16 : i32
        %parallel_loop3A_841 = vector.broadcast %parallel_loop3A_840 : i32 to vector<16xi32>
        %parallel_loop3A_842 = arith.shli %parallel_loop3A_825, %parallel_loop3A_841 : vector<16xi32>
        %parallel_loop3A_843 = tpu.bitcast %parallel_loop3A_842 : vector<16xi32> -> vector<16xf32>
        %parallel_loop3A_844 = arith.constant -65536 : i32
        %parallel_loop3A_845 = vector.broadcast %parallel_loop3A_844 : i32 to vector<16xi32>
        %parallel_loop3A_846 = arith.andi %parallel_loop3A_825, %parallel_loop3A_845 : vector<16xi32>
        %parallel_loop3A_847 = tpu.bitcast %parallel_loop3A_846 : vector<16xi32> -> vector<16xf32>
        %parallel_loop3A_848 = arith.constant 16 : i32
        %parallel_loop3A_849 = vector.broadcast %parallel_loop3A_848 : i32 to vector<16xi32>
        %parallel_loop3A_850 = arith.shli %parallel_loop3A_831, %parallel_loop3A_849 : vector<16xi32>
        %parallel_loop3A_851 = tpu.bitcast %parallel_loop3A_850 : vector<16xi32> -> vector<16xf32>
        %parallel_loop3A_852 = arith.constant -65536 : i32
        %parallel_loop3A_853 = vector.broadcast %parallel_loop3A_852 : i32 to vector<16xi32>
        %parallel_loop3A_854 = arith.andi %parallel_loop3A_831, %parallel_loop3A_853 : vector<16xi32>
        %parallel_loop3A_855 = tpu.bitcast %parallel_loop3A_854 : vector<16xi32> -> vector<16xf32>
        %parallel_loop3A_856 = vector.broadcast %parallel_loop3A_201 : f32 to vector<16xf32>
        %parallel_loop3A_857 = arith.mulf %parallel_loop3A_835, %parallel_loop3A_856 : vector<16xf32>
        %parallel_loop3A_858 = vector.broadcast %parallel_loop3A_211 : f32 to vector<16xf32>
        %parallel_loop3A_859 = arith.mulf %parallel_loop3A_843, %parallel_loop3A_858 : vector<16xf32>
        %parallel_loop3A_860 = arith.addf %parallel_loop3A_857, %parallel_loop3A_859 : vector<16xf32>
        %parallel_loop3A_861 = vector.broadcast %parallel_loop3A_221 : f32 to vector<16xf32>
        %parallel_loop3A_862 = arith.mulf %parallel_loop3A_851, %parallel_loop3A_861 : vector<16xf32>
        %parallel_loop3A_863 = arith.addf %parallel_loop3A_860, %parallel_loop3A_862 : vector<16xf32>
        %parallel_loop3A_864 = arith.index_cast %parallel_loop3A_193 : i32 to index
        %parallel_loop3A_865 = arith.constant 288 : index
        %parallel_loop3A_866 = tpu.vector_load %arg14[%parallel_loop3A_864, %parallel_loop3A_865] {strides = array<i32>} : memref<32x512xf32, #tpu.memory_space<vmem>>, vector<1x16xf32>,
        %parallel_loop3A_867 = vector.shape_cast %parallel_loop3A_866 : vector<1x16xf32> to vector<16xf32>
        %parallel_loop3A_868 = vector.shape_cast %parallel_loop3A_863 : vector<16xf32> to vector<1x16xf32>
        tpu.vector_store %arg14[%parallel_loop3A_864, %parallel_loop3A_865], %parallel_loop3A_868 {strides = array<i32>} : memref<32x512xf32, #tpu.memory_space<vmem>>, vector<1x16xf32>,
        %parallel_loop3A_869 = vector.broadcast %parallel_loop3A_201 : f32 to vector<16xf32>
        %parallel_loop3A_870 = arith.mulf %parallel_loop3A_839, %parallel_loop3A_869 : vector<16xf32>
        %parallel_loop3A_871 = vector.broadcast %parallel_loop3A_211 : f32 to vector<16xf32>
        %parallel_loop3A_872 = arith.mulf %parallel_loop3A_847, %parallel_loop3A_871 : vector<16xf32>
        %parallel_loop3A_873 = arith.addf %parallel_loop3A_870, %parallel_loop3A_872 : vector<16xf32>
        %parallel_loop3A_874 = vector.broadcast %parallel_loop3A_221 : f32 to vector<16xf32>
        %parallel_loop3A_875 = arith.mulf %parallel_loop3A_855, %parallel_loop3A_874 : vector<16xf32>
        %parallel_loop3A_876 = arith.addf %parallel_loop3A_873, %parallel_loop3A_875 : vector<16xf32>
        %parallel_loop3A_877 = arith.index_cast %parallel_loop3A_193 : i32 to index
        %parallel_loop3A_878 = arith.constant 304 : index
        %parallel_loop3A_879 = tpu.vector_load %arg14[%parallel_loop3A_877, %parallel_loop3A_878] {strides = array<i32>} : memref<32x512xf32, #tpu.memory_space<vmem>>, vector<1x16xf32>,
        %parallel_loop3A_880 = vector.shape_cast %parallel_loop3A_879 : vector<1x16xf32> to vector<16xf32>
        %parallel_loop3A_881 = vector.shape_cast %parallel_loop3A_876 : vector<16xf32> to vector<1x16xf32>
        tpu.vector_store %arg14[%parallel_loop3A_877, %parallel_loop3A_878], %parallel_loop3A_881 {strides = array<i32>} : memref<32x512xf32, #tpu.memory_space<vmem>>, vector<1x16xf32>,
        %parallel_loop3A_882 = arith.index_cast %parallel_loop3A_193 : i32 to index
        %parallel_loop3A_883 = arith.constant 160 : index
        %parallel_loop3A_884 = tpu.vector_load %arg12[%parallel_loop3A_882, %parallel_loop3A_883] {strides = array<i32>} : memref<96x256xi32, #tpu.memory_space<vmem>>, vector<1x16xi32>,
        %parallel_loop3A_885 = vector.shape_cast %parallel_loop3A_884 : vector<1x16xi32> to vector<16xi32>
        %parallel_loop3A_886 = arith.constant 32 : i32
        %parallel_loop3A_887 = arith.addi %parallel_loop3A_886, %parallel_loop3A_193 : i32
        %parallel_loop3A_888 = arith.index_cast %parallel_loop3A_887 : i32 to index
        %parallel_loop3A_889 = arith.constant 160 : index
        %parallel_loop3A_890 = tpu.vector_load %arg12[%parallel_loop3A_888, %parallel_loop3A_889] {strides = array<i32>} : memref<96x256xi32, #tpu.memory_space<vmem>>, vector<1x16xi32>,
        %parallel_loop3A_891 = vector.shape_cast %parallel_loop3A_890 : vector<1x16xi32> to vector<16xi32>
        %parallel_loop3A_892 = arith.constant 64 : i32
        %parallel_loop3A_893 = arith.addi %parallel_loop3A_892, %parallel_loop3A_193 : i32
        %parallel_loop3A_894 = arith.index_cast %parallel_loop3A_893 : i32 to index
        %parallel_loop3A_895 = arith.constant 160 : index
        %parallel_loop3A_896 = tpu.vector_load %arg12[%parallel_loop3A_894, %parallel_loop3A_895] {strides = array<i32>} : memref<96x256xi32, #tpu.memory_space<vmem>>, vector<1x16xi32>,
        %parallel_loop3A_897 = vector.shape_cast %parallel_loop3A_896 : vector<1x16xi32> to vector<16xi32>
        %parallel_loop3A_898 = arith.constant 16 : i32
        %parallel_loop3A_899 = vector.broadcast %parallel_loop3A_898 : i32 to vector<16xi32>
        %parallel_loop3A_900 = arith.shli %parallel_loop3A_885, %parallel_loop3A_899 : vector<16xi32>
        %parallel_loop3A_901 = tpu.bitcast %parallel_loop3A_900 : vector<16xi32> -> vector<16xf32>
        %parallel_loop3A_902 = arith.constant -65536 : i32
        %parallel_loop3A_903 = vector.broadcast %parallel_loop3A_902 : i32 to vector<16xi32>
        %parallel_loop3A_904 = arith.andi %parallel_loop3A_885, %parallel_loop3A_903 : vector<16xi32>
        %parallel_loop3A_905 = tpu.bitcast %parallel_loop3A_904 : vector<16xi32> -> vector<16xf32>
        %parallel_loop3A_906 = arith.constant 16 : i32
        %parallel_loop3A_907 = vector.broadcast %parallel_loop3A_906 : i32 to vector<16xi32>
        %parallel_loop3A_908 = arith.shli %parallel_loop3A_891, %parallel_loop3A_907 : vector<16xi32>
        %parallel_loop3A_909 = tpu.bitcast %parallel_loop3A_908 : vector<16xi32> -> vector<16xf32>
        %parallel_loop3A_910 = arith.constant -65536 : i32
        %parallel_loop3A_911 = vector.broadcast %parallel_loop3A_910 : i32 to vector<16xi32>
        %parallel_loop3A_912 = arith.andi %parallel_loop3A_891, %parallel_loop3A_911 : vector<16xi32>
        %parallel_loop3A_913 = tpu.bitcast %parallel_loop3A_912 : vector<16xi32> -> vector<16xf32>
        %parallel_loop3A_914 = arith.constant 16 : i32
        %parallel_loop3A_915 = vector.broadcast %parallel_loop3A_914 : i32 to vector<16xi32>
        %parallel_loop3A_916 = arith.shli %parallel_loop3A_897, %parallel_loop3A_915 : vector<16xi32>
        %parallel_loop3A_917 = tpu.bitcast %parallel_loop3A_916 : vector<16xi32> -> vector<16xf32>
        %parallel_loop3A_918 = arith.constant -65536 : i32
        %parallel_loop3A_919 = vector.broadcast %parallel_loop3A_918 : i32 to vector<16xi32>
        %parallel_loop3A_920 = arith.andi %parallel_loop3A_897, %parallel_loop3A_919 : vector<16xi32>
        %parallel_loop3A_921 = tpu.bitcast %parallel_loop3A_920 : vector<16xi32> -> vector<16xf32>
        %parallel_loop3A_922 = vector.broadcast %parallel_loop3A_201 : f32 to vector<16xf32>
        %parallel_loop3A_923 = arith.mulf %parallel_loop3A_901, %parallel_loop3A_922 : vector<16xf32>
        %parallel_loop3A_924 = vector.broadcast %parallel_loop3A_211 : f32 to vector<16xf32>
        %parallel_loop3A_925 = arith.mulf %parallel_loop3A_909, %parallel_loop3A_924 : vector<16xf32>
        %parallel_loop3A_926 = arith.addf %parallel_loop3A_923, %parallel_loop3A_925 : vector<16xf32>
        %parallel_loop3A_927 = vector.broadcast %parallel_loop3A_221 : f32 to vector<16xf32>
        %parallel_loop3A_928 = arith.mulf %parallel_loop3A_917, %parallel_loop3A_927 : vector<16xf32>
        %parallel_loop3A_929 = arith.addf %parallel_loop3A_926, %parallel_loop3A_928 : vector<16xf32>
        %parallel_loop3A_930 = arith.index_cast %parallel_loop3A_193 : i32 to index
        %parallel_loop3A_931 = arith.constant 320 : index
        %parallel_loop3A_932 = tpu.vector_load %arg14[%parallel_loop3A_930, %parallel_loop3A_931] {strides = array<i32>} : memref<32x512xf32, #tpu.memory_space<vmem>>, vector<1x16xf32>,
        %parallel_loop3A_933 = vector.shape_cast %parallel_loop3A_932 : vector<1x16xf32> to vector<16xf32>
        %parallel_loop3A_934 = vector.shape_cast %parallel_loop3A_929 : vector<16xf32> to vector<1x16xf32>
        tpu.vector_store %arg14[%parallel_loop3A_930, %parallel_loop3A_931], %parallel_loop3A_934 {strides = array<i32>} : memref<32x512xf32, #tpu.memory_space<vmem>>, vector<1x16xf32>,
        %parallel_loop3A_935 = vector.broadcast %parallel_loop3A_201 : f32 to vector<16xf32>
        %parallel_loop3A_936 = arith.mulf %parallel_loop3A_905, %parallel_loop3A_935 : vector<16xf32>
        %parallel_loop3A_937 = vector.broadcast %parallel_loop3A_211 : f32 to vector<16xf32>
        %parallel_loop3A_938 = arith.mulf %parallel_loop3A_913, %parallel_loop3A_937 : vector<16xf32>
        %parallel_loop3A_939 = arith.addf %parallel_loop3A_936, %parallel_loop3A_938 : vector<16xf32>
        %parallel_loop3A_940 = vector.broadcast %parallel_loop3A_221 : f32 to vector<16xf32>
        %parallel_loop3A_941 = arith.mulf %parallel_loop3A_921, %parallel_loop3A_940 : vector<16xf32>
        %parallel_loop3A_942 = arith.addf %parallel_loop3A_939, %parallel_loop3A_941 : vector<16xf32>
        %parallel_loop3A_943 = arith.index_cast %parallel_loop3A_193 : i32 to index
        %parallel_loop3A_944 = arith.constant 336 : index
        %parallel_loop3A_945 = tpu.vector_load %arg14[%parallel_loop3A_943, %parallel_loop3A_944] {strides = array<i32>} : memref<32x512xf32, #tpu.memory_space<vmem>>, vector<1x16xf32>,
        %parallel_loop3A_946 = vector.shape_cast %parallel_loop3A_945 : vector<1x16xf32> to vector<16xf32>
        %parallel_loop3A_947 = vector.shape_cast %parallel_loop3A_942 : vector<16xf32> to vector<1x16xf32>
        tpu.vector_store %arg14[%parallel_loop3A_943, %parallel_loop3A_944], %parallel_loop3A_947 {strides = array<i32>} : memref<32x512xf32, #tpu.memory_space<vmem>>, vector<1x16xf32>,
        %parallel_loop3A_948 = arith.index_cast %parallel_loop3A_193 : i32 to index
        %parallel_loop3A_949 = arith.constant 176 : index
        %parallel_loop3A_950 = tpu.vector_load %arg12[%parallel_loop3A_948, %parallel_loop3A_949] {strides = array<i32>} : memref<96x256xi32, #tpu.memory_space<vmem>>, vector<1x16xi32>,
        %parallel_loop3A_951 = vector.shape_cast %parallel_loop3A_950 : vector<1x16xi32> to vector<16xi32>
        %parallel_loop3A_952 = arith.constant 32 : i32
        %parallel_loop3A_953 = arith.addi %parallel_loop3A_952, %parallel_loop3A_193 : i32
        %parallel_loop3A_954 = arith.index_cast %parallel_loop3A_953 : i32 to index
        %parallel_loop3A_955 = arith.constant 176 : index
        %parallel_loop3A_956 = tpu.vector_load %arg12[%parallel_loop3A_954, %parallel_loop3A_955] {strides = array<i32>} : memref<96x256xi32, #tpu.memory_space<vmem>>, vector<1x16xi32>,
        %parallel_loop3A_957 = vector.shape_cast %parallel_loop3A_956 : vector<1x16xi32> to vector<16xi32>
        %parallel_loop3A_958 = arith.constant 64 : i32
        %parallel_loop3A_959 = arith.addi %parallel_loop3A_958, %parallel_loop3A_193 : i32
        %parallel_loop3A_960 = arith.index_cast %parallel_loop3A_959 : i32 to index
        %parallel_loop3A_961 = arith.constant 176 : index
        %parallel_loop3A_962 = tpu.vector_load %arg12[%parallel_loop3A_960, %parallel_loop3A_961] {strides = array<i32>} : memref<96x256xi32, #tpu.memory_space<vmem>>, vector<1x16xi32>,
        %parallel_loop3A_963 = vector.shape_cast %parallel_loop3A_962 : vector<1x16xi32> to vector<16xi32>
        %parallel_loop3A_964 = arith.constant 16 : i32
        %parallel_loop3A_965 = vector.broadcast %parallel_loop3A_964 : i32 to vector<16xi32>
        %parallel_loop3A_966 = arith.shli %parallel_loop3A_951, %parallel_loop3A_965 : vector<16xi32>
        %parallel_loop3A_967 = tpu.bitcast %parallel_loop3A_966 : vector<16xi32> -> vector<16xf32>
        %parallel_loop3A_968 = arith.constant -65536 : i32
        %parallel_loop3A_969 = vector.broadcast %parallel_loop3A_968 : i32 to vector<16xi32>
        %parallel_loop3A_970 = arith.andi %parallel_loop3A_951, %parallel_loop3A_969 : vector<16xi32>
        %parallel_loop3A_971 = tpu.bitcast %parallel_loop3A_970 : vector<16xi32> -> vector<16xf32>
        %parallel_loop3A_972 = arith.constant 16 : i32
        %parallel_loop3A_973 = vector.broadcast %parallel_loop3A_972 : i32 to vector<16xi32>
        %parallel_loop3A_974 = arith.shli %parallel_loop3A_957, %parallel_loop3A_973 : vector<16xi32>
        %parallel_loop3A_975 = tpu.bitcast %parallel_loop3A_974 : vector<16xi32> -> vector<16xf32>
        %parallel_loop3A_976 = arith.constant -65536 : i32
        %parallel_loop3A_977 = vector.broadcast %parallel_loop3A_976 : i32 to vector<16xi32>
        %parallel_loop3A_978 = arith.andi %parallel_loop3A_957, %parallel_loop3A_977 : vector<16xi32>
        %parallel_loop3A_979 = tpu.bitcast %parallel_loop3A_978 : vector<16xi32> -> vector<16xf32>
        %parallel_loop3A_980 = arith.constant 16 : i32
        %parallel_loop3A_981 = vector.broadcast %parallel_loop3A_980 : i32 to vector<16xi32>
        %parallel_loop3A_982 = arith.shli %parallel_loop3A_963, %parallel_loop3A_981 : vector<16xi32>
        %parallel_loop3A_983 = tpu.bitcast %parallel_loop3A_982 : vector<16xi32> -> vector<16xf32>
        %parallel_loop3A_984 = arith.constant -65536 : i32
        %parallel_loop3A_985 = vector.broadcast %parallel_loop3A_984 : i32 to vector<16xi32>
        %parallel_loop3A_986 = arith.andi %parallel_loop3A_963, %parallel_loop3A_985 : vector<16xi32>
        %parallel_loop3A_987 = tpu.bitcast %parallel_loop3A_986 : vector<16xi32> -> vector<16xf32>
        %parallel_loop3A_988 = vector.broadcast %parallel_loop3A_201 : f32 to vector<16xf32>
        %parallel_loop3A_989 = arith.mulf %parallel_loop3A_967, %parallel_loop3A_988 : vector<16xf32>
        %parallel_loop3A_990 = vector.broadcast %parallel_loop3A_211 : f32 to vector<16xf32>
        %parallel_loop3A_991 = arith.mulf %parallel_loop3A_975, %parallel_loop3A_990 : vector<16xf32>
        %parallel_loop3A_992 = arith.addf %parallel_loop3A_989, %parallel_loop3A_991 : vector<16xf32>
        %parallel_loop3A_993 = vector.broadcast %parallel_loop3A_221 : f32 to vector<16xf32>
        %parallel_loop3A_994 = arith.mulf %parallel_loop3A_983, %parallel_loop3A_993 : vector<16xf32>
        %parallel_loop3A_995 = arith.addf %parallel_loop3A_992, %parallel_loop3A_994 : vector<16xf32>
        %parallel_loop3A_996 = arith.index_cast %parallel_loop3A_193 : i32 to index
        %parallel_loop3A_997 = arith.constant 352 : index
        %parallel_loop3A_998 = tpu.vector_load %arg14[%parallel_loop3A_996, %parallel_loop3A_997] {strides = array<i32>} : memref<32x512xf32, #tpu.memory_space<vmem>>, vector<1x16xf32>,
        %parallel_loop3A_999 = vector.shape_cast %parallel_loop3A_998 : vector<1x16xf32> to vector<16xf32>
        %parallel_loop3A_1000 = vector.shape_cast %parallel_loop3A_995 : vector<16xf32> to vector<1x16xf32>
        tpu.vector_store %arg14[%parallel_loop3A_996, %parallel_loop3A_997], %parallel_loop3A_1000 {strides = array<i32>} : memref<32x512xf32, #tpu.memory_space<vmem>>, vector<1x16xf32>,
        %parallel_loop3A_1001 = vector.broadcast %parallel_loop3A_201 : f32 to vector<16xf32>
        %parallel_loop3A_1002 = arith.mulf %parallel_loop3A_971, %parallel_loop3A_1001 : vector<16xf32>
        %parallel_loop3A_1003 = vector.broadcast %parallel_loop3A_211 : f32 to vector<16xf32>
        %parallel_loop3A_1004 = arith.mulf %parallel_loop3A_979, %parallel_loop3A_1003 : vector<16xf32>
        %parallel_loop3A_1005 = arith.addf %parallel_loop3A_1002, %parallel_loop3A_1004 : vector<16xf32>
        %parallel_loop3A_1006 = vector.broadcast %parallel_loop3A_221 : f32 to vector<16xf32>
        %parallel_loop3A_1007 = arith.mulf %parallel_loop3A_987, %parallel_loop3A_1006 : vector<16xf32>
        %parallel_loop3A_1008 = arith.addf %parallel_loop3A_1005, %parallel_loop3A_1007 : vector<16xf32>
        %parallel_loop3A_1009 = arith.index_cast %parallel_loop3A_193 : i32 to index
        %parallel_loop3A_1010 = arith.constant 368 : index
        %parallel_loop3A_1011 = tpu.vector_load %arg14[%parallel_loop3A_1009, %parallel_loop3A_1010] {strides = array<i32>} : memref<32x512xf32, #tpu.memory_space<vmem>>, vector<1x16xf32>,
        %parallel_loop3A_1012 = vector.shape_cast %parallel_loop3A_1011 : vector<1x16xf32> to vector<16xf32>
        %parallel_loop3A_1013 = vector.shape_cast %parallel_loop3A_1008 : vector<16xf32> to vector<1x16xf32>
        tpu.vector_store %arg14[%parallel_loop3A_1009, %parallel_loop3A_1010], %parallel_loop3A_1013 {strides = array<i32>} : memref<32x512xf32, #tpu.memory_space<vmem>>, vector<1x16xf32>,
        %parallel_loop3A_1014 = arith.index_cast %parallel_loop3A_193 : i32 to index
        %parallel_loop3A_1015 = arith.constant 192 : index
        %parallel_loop3A_1016 = tpu.vector_load %arg12[%parallel_loop3A_1014, %parallel_loop3A_1015] {strides = array<i32>} : memref<96x256xi32, #tpu.memory_space<vmem>>, vector<1x16xi32>,
        %parallel_loop3A_1017 = vector.shape_cast %parallel_loop3A_1016 : vector<1x16xi32> to vector<16xi32>
        %parallel_loop3A_1018 = arith.constant 32 : i32
        %parallel_loop3A_1019 = arith.addi %parallel_loop3A_1018, %parallel_loop3A_193 : i32
        %parallel_loop3A_1020 = arith.index_cast %parallel_loop3A_1019 : i32 to index
        %parallel_loop3A_1021 = arith.constant 192 : index
        %parallel_loop3A_1022 = tpu.vector_load %arg12[%parallel_loop3A_1020, %parallel_loop3A_1021] {strides = array<i32>} : memref<96x256xi32, #tpu.memory_space<vmem>>, vector<1x16xi32>,
        %parallel_loop3A_1023 = vector.shape_cast %parallel_loop3A_1022 : vector<1x16xi32> to vector<16xi32>
        %parallel_loop3A_1024 = arith.constant 64 : i32
        %parallel_loop3A_1025 = arith.addi %parallel_loop3A_1024, %parallel_loop3A_193 : i32
        %parallel_loop3A_1026 = arith.index_cast %parallel_loop3A_1025 : i32 to index
        %parallel_loop3A_1027 = arith.constant 192 : index
        %parallel_loop3A_1028 = tpu.vector_load %arg12[%parallel_loop3A_1026, %parallel_loop3A_1027] {strides = array<i32>} : memref<96x256xi32, #tpu.memory_space<vmem>>, vector<1x16xi32>,
        %parallel_loop3A_1029 = vector.shape_cast %parallel_loop3A_1028 : vector<1x16xi32> to vector<16xi32>
        %parallel_loop3A_1030 = arith.constant 16 : i32
        %parallel_loop3A_1031 = vector.broadcast %parallel_loop3A_1030 : i32 to vector<16xi32>
        %parallel_loop3A_1032 = arith.shli %parallel_loop3A_1017, %parallel_loop3A_1031 : vector<16xi32>
        %parallel_loop3A_1033 = tpu.bitcast %parallel_loop3A_1032 : vector<16xi32> -> vector<16xf32>
        %parallel_loop3A_1034 = arith.constant -65536 : i32
        %parallel_loop3A_1035 = vector.broadcast %parallel_loop3A_1034 : i32 to vector<16xi32>
        %parallel_loop3A_1036 = arith.andi %parallel_loop3A_1017, %parallel_loop3A_1035 : vector<16xi32>
        %parallel_loop3A_1037 = tpu.bitcast %parallel_loop3A_1036 : vector<16xi32> -> vector<16xf32>
        %parallel_loop3A_1038 = arith.constant 16 : i32
        %parallel_loop3A_1039 = vector.broadcast %parallel_loop3A_1038 : i32 to vector<16xi32>
        %parallel_loop3A_1040 = arith.shli %parallel_loop3A_1023, %parallel_loop3A_1039 : vector<16xi32>
        %parallel_loop3A_1041 = tpu.bitcast %parallel_loop3A_1040 : vector<16xi32> -> vector<16xf32>
        %parallel_loop3A_1042 = arith.constant -65536 : i32
        %parallel_loop3A_1043 = vector.broadcast %parallel_loop3A_1042 : i32 to vector<16xi32>
        %parallel_loop3A_1044 = arith.andi %parallel_loop3A_1023, %parallel_loop3A_1043 : vector<16xi32>
        %parallel_loop3A_1045 = tpu.bitcast %parallel_loop3A_1044 : vector<16xi32> -> vector<16xf32>
        %parallel_loop3A_1046 = arith.constant 16 : i32
        %parallel_loop3A_1047 = vector.broadcast %parallel_loop3A_1046 : i32 to vector<16xi32>
        %parallel_loop3A_1048 = arith.shli %parallel_loop3A_1029, %parallel_loop3A_1047 : vector<16xi32>
        %parallel_loop3A_1049 = tpu.bitcast %parallel_loop3A_1048 : vector<16xi32> -> vector<16xf32>
        %parallel_loop3A_1050 = arith.constant -65536 : i32
        %parallel_loop3A_1051 = vector.broadcast %parallel_loop3A_1050 : i32 to vector<16xi32>
        %parallel_loop3A_1052 = arith.andi %parallel_loop3A_1029, %parallel_loop3A_1051 : vector<16xi32>
        %parallel_loop3A_1053 = tpu.bitcast %parallel_loop3A_1052 : vector<16xi32> -> vector<16xf32>
        %parallel_loop3A_1054 = vector.broadcast %parallel_loop3A_201 : f32 to vector<16xf32>
        %parallel_loop3A_1055 = arith.mulf %parallel_loop3A_1033, %parallel_loop3A_1054 : vector<16xf32>
        %parallel_loop3A_1056 = vector.broadcast %parallel_loop3A_211 : f32 to vector<16xf32>
        %parallel_loop3A_1057 = arith.mulf %parallel_loop3A_1041, %parallel_loop3A_1056 : vector<16xf32>
        %parallel_loop3A_1058 = arith.addf %parallel_loop3A_1055, %parallel_loop3A_1057 : vector<16xf32>
        %parallel_loop3A_1059 = vector.broadcast %parallel_loop3A_221 : f32 to vector<16xf32>
        %parallel_loop3A_1060 = arith.mulf %parallel_loop3A_1049, %parallel_loop3A_1059 : vector<16xf32>
        %parallel_loop3A_1061 = arith.addf %parallel_loop3A_1058, %parallel_loop3A_1060 : vector<16xf32>
        %parallel_loop3A_1062 = arith.index_cast %parallel_loop3A_193 : i32 to index
        %parallel_loop3A_1063 = arith.constant 384 : index
        %parallel_loop3A_1064 = tpu.vector_load %arg14[%parallel_loop3A_1062, %parallel_loop3A_1063] {strides = array<i32>} : memref<32x512xf32, #tpu.memory_space<vmem>>, vector<1x16xf32>,
        %parallel_loop3A_1065 = vector.shape_cast %parallel_loop3A_1064 : vector<1x16xf32> to vector<16xf32>
        %parallel_loop3A_1066 = vector.shape_cast %parallel_loop3A_1061 : vector<16xf32> to vector<1x16xf32>
        tpu.vector_store %arg14[%parallel_loop3A_1062, %parallel_loop3A_1063], %parallel_loop3A_1066 {strides = array<i32>} : memref<32x512xf32, #tpu.memory_space<vmem>>, vector<1x16xf32>,
        %parallel_loop3A_1067 = vector.broadcast %parallel_loop3A_201 : f32 to vector<16xf32>
        %parallel_loop3A_1068 = arith.mulf %parallel_loop3A_1037, %parallel_loop3A_1067 : vector<16xf32>
        %parallel_loop3A_1069 = vector.broadcast %parallel_loop3A_211 : f32 to vector<16xf32>
        %parallel_loop3A_1070 = arith.mulf %parallel_loop3A_1045, %parallel_loop3A_1069 : vector<16xf32>
        %parallel_loop3A_1071 = arith.addf %parallel_loop3A_1068, %parallel_loop3A_1070 : vector<16xf32>
        %parallel_loop3A_1072 = vector.broadcast %parallel_loop3A_221 : f32 to vector<16xf32>
        %parallel_loop3A_1073 = arith.mulf %parallel_loop3A_1053, %parallel_loop3A_1072 : vector<16xf32>
        %parallel_loop3A_1074 = arith.addf %parallel_loop3A_1071, %parallel_loop3A_1073 : vector<16xf32>
        %parallel_loop3A_1075 = arith.index_cast %parallel_loop3A_193 : i32 to index
        %parallel_loop3A_1076 = arith.constant 400 : index
        %parallel_loop3A_1077 = tpu.vector_load %arg14[%parallel_loop3A_1075, %parallel_loop3A_1076] {strides = array<i32>} : memref<32x512xf32, #tpu.memory_space<vmem>>, vector<1x16xf32>,
        %parallel_loop3A_1078 = vector.shape_cast %parallel_loop3A_1077 : vector<1x16xf32> to vector<16xf32>
        %parallel_loop3A_1079 = vector.shape_cast %parallel_loop3A_1074 : vector<16xf32> to vector<1x16xf32>
        tpu.vector_store %arg14[%parallel_loop3A_1075, %parallel_loop3A_1076], %parallel_loop3A_1079 {strides = array<i32>} : memref<32x512xf32, #tpu.memory_space<vmem>>, vector<1x16xf32>,
        %parallel_loop3A_1080 = arith.index_cast %parallel_loop3A_193 : i32 to index
        %parallel_loop3A_1081 = arith.constant 208 : index
        %parallel_loop3A_1082 = tpu.vector_load %arg12[%parallel_loop3A_1080, %parallel_loop3A_1081] {strides = array<i32>} : memref<96x256xi32, #tpu.memory_space<vmem>>, vector<1x16xi32>,
        %parallel_loop3A_1083 = vector.shape_cast %parallel_loop3A_1082 : vector<1x16xi32> to vector<16xi32>
        %parallel_loop3A_1084 = arith.constant 32 : i32
        %parallel_loop3A_1085 = arith.addi %parallel_loop3A_1084, %parallel_loop3A_193 : i32
        %parallel_loop3A_1086 = arith.index_cast %parallel_loop3A_1085 : i32 to index
        %parallel_loop3A_1087 = arith.constant 208 : index
        %parallel_loop3A_1088 = tpu.vector_load %arg12[%parallel_loop3A_1086, %parallel_loop3A_1087] {strides = array<i32>} : memref<96x256xi32, #tpu.memory_space<vmem>>, vector<1x16xi32>,
        %parallel_loop3A_1089 = vector.shape_cast %parallel_loop3A_1088 : vector<1x16xi32> to vector<16xi32>
        %parallel_loop3A_1090 = arith.constant 64 : i32
        %parallel_loop3A_1091 = arith.addi %parallel_loop3A_1090, %parallel_loop3A_193 : i32
        %parallel_loop3A_1092 = arith.index_cast %parallel_loop3A_1091 : i32 to index
        %parallel_loop3A_1093 = arith.constant 208 : index
        %parallel_loop3A_1094 = tpu.vector_load %arg12[%parallel_loop3A_1092, %parallel_loop3A_1093] {strides = array<i32>} : memref<96x256xi32, #tpu.memory_space<vmem>>, vector<1x16xi32>,
        %parallel_loop3A_1095 = vector.shape_cast %parallel_loop3A_1094 : vector<1x16xi32> to vector<16xi32>
        %parallel_loop3A_1096 = arith.constant 16 : i32
        %parallel_loop3A_1097 = vector.broadcast %parallel_loop3A_1096 : i32 to vector<16xi32>
        %parallel_loop3A_1098 = arith.shli %parallel_loop3A_1083, %parallel_loop3A_1097 : vector<16xi32>
        %parallel_loop3A_1099 = tpu.bitcast %parallel_loop3A_1098 : vector<16xi32> -> vector<16xf32>
        %parallel_loop3A_1100 = arith.constant -65536 : i32
        %parallel_loop3A_1101 = vector.broadcast %parallel_loop3A_1100 : i32 to vector<16xi32>
        %parallel_loop3A_1102 = arith.andi %parallel_loop3A_1083, %parallel_loop3A_1101 : vector<16xi32>
        %parallel_loop3A_1103 = tpu.bitcast %parallel_loop3A_1102 : vector<16xi32> -> vector<16xf32>
        %parallel_loop3A_1104 = arith.constant 16 : i32
        %parallel_loop3A_1105 = vector.broadcast %parallel_loop3A_1104 : i32 to vector<16xi32>
        %parallel_loop3A_1106 = arith.shli %parallel_loop3A_1089, %parallel_loop3A_1105 : vector<16xi32>
        %parallel_loop3A_1107 = tpu.bitcast %parallel_loop3A_1106 : vector<16xi32> -> vector<16xf32>
        %parallel_loop3A_1108 = arith.constant -65536 : i32
        %parallel_loop3A_1109 = vector.broadcast %parallel_loop3A_1108 : i32 to vector<16xi32>
        %parallel_loop3A_1110 = arith.andi %parallel_loop3A_1089, %parallel_loop3A_1109 : vector<16xi32>
        %parallel_loop3A_1111 = tpu.bitcast %parallel_loop3A_1110 : vector<16xi32> -> vector<16xf32>
        %parallel_loop3A_1112 = arith.constant 16 : i32
        %parallel_loop3A_1113 = vector.broadcast %parallel_loop3A_1112 : i32 to vector<16xi32>
        %parallel_loop3A_1114 = arith.shli %parallel_loop3A_1095, %parallel_loop3A_1113 : vector<16xi32>
        %parallel_loop3A_1115 = tpu.bitcast %parallel_loop3A_1114 : vector<16xi32> -> vector<16xf32>
        %parallel_loop3A_1116 = arith.constant -65536 : i32
        %parallel_loop3A_1117 = vector.broadcast %parallel_loop3A_1116 : i32 to vector<16xi32>
        %parallel_loop3A_1118 = arith.andi %parallel_loop3A_1095, %parallel_loop3A_1117 : vector<16xi32>
        %parallel_loop3A_1119 = tpu.bitcast %parallel_loop3A_1118 : vector<16xi32> -> vector<16xf32>
        %parallel_loop3A_1120 = vector.broadcast %parallel_loop3A_201 : f32 to vector<16xf32>
        %parallel_loop3A_1121 = arith.mulf %parallel_loop3A_1099, %parallel_loop3A_1120 : vector<16xf32>
        %parallel_loop3A_1122 = vector.broadcast %parallel_loop3A_211 : f32 to vector<16xf32>
        %parallel_loop3A_1123 = arith.mulf %parallel_loop3A_1107, %parallel_loop3A_1122 : vector<16xf32>
        %parallel_loop3A_1124 = arith.addf %parallel_loop3A_1121, %parallel_loop3A_1123 : vector<16xf32>
        %parallel_loop3A_1125 = vector.broadcast %parallel_loop3A_221 : f32 to vector<16xf32>
        %parallel_loop3A_1126 = arith.mulf %parallel_loop3A_1115, %parallel_loop3A_1125 : vector<16xf32>
        %parallel_loop3A_1127 = arith.addf %parallel_loop3A_1124, %parallel_loop3A_1126 : vector<16xf32>
        %parallel_loop3A_1128 = arith.index_cast %parallel_loop3A_193 : i32 to index
        %parallel_loop3A_1129 = arith.constant 416 : index
        %parallel_loop3A_1130 = tpu.vector_load %arg14[%parallel_loop3A_1128, %parallel_loop3A_1129] {strides = array<i32>} : memref<32x512xf32, #tpu.memory_space<vmem>>, vector<1x16xf32>,
        %parallel_loop3A_1131 = vector.shape_cast %parallel_loop3A_1130 : vector<1x16xf32> to vector<16xf32>
        %parallel_loop3A_1132 = vector.shape_cast %parallel_loop3A_1127 : vector<16xf32> to vector<1x16xf32>
        tpu.vector_store %arg14[%parallel_loop3A_1128, %parallel_loop3A_1129], %parallel_loop3A_1132 {strides = array<i32>} : memref<32x512xf32, #tpu.memory_space<vmem>>, vector<1x16xf32>,
        %parallel_loop3A_1133 = vector.broadcast %parallel_loop3A_201 : f32 to vector<16xf32>
        %parallel_loop3A_1134 = arith.mulf %parallel_loop3A_1103, %parallel_loop3A_1133 : vector<16xf32>
        %parallel_loop3A_1135 = vector.broadcast %parallel_loop3A_211 : f32 to vector<16xf32>
        %parallel_loop3A_1136 = arith.mulf %parallel_loop3A_1111, %parallel_loop3A_1135 : vector<16xf32>
        %parallel_loop3A_1137 = arith.addf %parallel_loop3A_1134, %parallel_loop3A_1136 : vector<16xf32>
        %parallel_loop3A_1138 = vector.broadcast %parallel_loop3A_221 : f32 to vector<16xf32>
        %parallel_loop3A_1139 = arith.mulf %parallel_loop3A_1119, %parallel_loop3A_1138 : vector<16xf32>
        %parallel_loop3A_1140 = arith.addf %parallel_loop3A_1137, %parallel_loop3A_1139 : vector<16xf32>
        %parallel_loop3A_1141 = arith.index_cast %parallel_loop3A_193 : i32 to index
        %parallel_loop3A_1142 = arith.constant 432 : index
        %parallel_loop3A_1143 = tpu.vector_load %arg14[%parallel_loop3A_1141, %parallel_loop3A_1142] {strides = array<i32>} : memref<32x512xf32, #tpu.memory_space<vmem>>, vector<1x16xf32>,
        %parallel_loop3A_1144 = vector.shape_cast %parallel_loop3A_1143 : vector<1x16xf32> to vector<16xf32>
        %parallel_loop3A_1145 = vector.shape_cast %parallel_loop3A_1140 : vector<16xf32> to vector<1x16xf32>
        tpu.vector_store %arg14[%parallel_loop3A_1141, %parallel_loop3A_1142], %parallel_loop3A_1145 {strides = array<i32>} : memref<32x512xf32, #tpu.memory_space<vmem>>, vector<1x16xf32>,
        %parallel_loop3A_1146 = arith.index_cast %parallel_loop3A_193 : i32 to index
        %parallel_loop3A_1147 = arith.constant 224 : index
        %parallel_loop3A_1148 = tpu.vector_load %arg12[%parallel_loop3A_1146, %parallel_loop3A_1147] {strides = array<i32>} : memref<96x256xi32, #tpu.memory_space<vmem>>, vector<1x16xi32>,
        %parallel_loop3A_1149 = vector.shape_cast %parallel_loop3A_1148 : vector<1x16xi32> to vector<16xi32>
        %parallel_loop3A_1150 = arith.constant 32 : i32
        %parallel_loop3A_1151 = arith.addi %parallel_loop3A_1150, %parallel_loop3A_193 : i32
        %parallel_loop3A_1152 = arith.index_cast %parallel_loop3A_1151 : i32 to index
        %parallel_loop3A_1153 = arith.constant 224 : index
        %parallel_loop3A_1154 = tpu.vector_load %arg12[%parallel_loop3A_1152, %parallel_loop3A_1153] {strides = array<i32>} : memref<96x256xi32, #tpu.memory_space<vmem>>, vector<1x16xi32>,
        %parallel_loop3A_1155 = vector.shape_cast %parallel_loop3A_1154 : vector<1x16xi32> to vector<16xi32>
        %parallel_loop3A_1156 = arith.constant 64 : i32
        %parallel_loop3A_1157 = arith.addi %parallel_loop3A_1156, %parallel_loop3A_193 : i32
        %parallel_loop3A_1158 = arith.index_cast %parallel_loop3A_1157 : i32 to index
        %parallel_loop3A_1159 = arith.constant 224 : index
        %parallel_loop3A_1160 = tpu.vector_load %arg12[%parallel_loop3A_1158, %parallel_loop3A_1159] {strides = array<i32>} : memref<96x256xi32, #tpu.memory_space<vmem>>, vector<1x16xi32>,
        %parallel_loop3A_1161 = vector.shape_cast %parallel_loop3A_1160 : vector<1x16xi32> to vector<16xi32>
        %parallel_loop3A_1162 = arith.constant 16 : i32
        %parallel_loop3A_1163 = vector.broadcast %parallel_loop3A_1162 : i32 to vector<16xi32>
        %parallel_loop3A_1164 = arith.shli %parallel_loop3A_1149, %parallel_loop3A_1163 : vector<16xi32>
        %parallel_loop3A_1165 = tpu.bitcast %parallel_loop3A_1164 : vector<16xi32> -> vector<16xf32>
        %parallel_loop3A_1166 = arith.constant -65536 : i32
        %parallel_loop3A_1167 = vector.broadcast %parallel_loop3A_1166 : i32 to vector<16xi32>
        %parallel_loop3A_1168 = arith.andi %parallel_loop3A_1149, %parallel_loop3A_1167 : vector<16xi32>
        %parallel_loop3A_1169 = tpu.bitcast %parallel_loop3A_1168 : vector<16xi32> -> vector<16xf32>
        %parallel_loop3A_1170 = arith.constant 16 : i32
        %parallel_loop3A_1171 = vector.broadcast %parallel_loop3A_1170 : i32 to vector<16xi32>
        %parallel_loop3A_1172 = arith.shli %parallel_loop3A_1155, %parallel_loop3A_1171 : vector<16xi32>
        %parallel_loop3A_1173 = tpu.bitcast %parallel_loop3A_1172 : vector<16xi32> -> vector<16xf32>
        %parallel_loop3A_1174 = arith.constant -65536 : i32
        %parallel_loop3A_1175 = vector.broadcast %parallel_loop3A_1174 : i32 to vector<16xi32>
        %parallel_loop3A_1176 = arith.andi %parallel_loop3A_1155, %parallel_loop3A_1175 : vector<16xi32>
        %parallel_loop3A_1177 = tpu.bitcast %parallel_loop3A_1176 : vector<16xi32> -> vector<16xf32>
        %parallel_loop3A_1178 = arith.constant 16 : i32
        %parallel_loop3A_1179 = vector.broadcast %parallel_loop3A_1178 : i32 to vector<16xi32>
        %parallel_loop3A_1180 = arith.shli %parallel_loop3A_1161, %parallel_loop3A_1179 : vector<16xi32>
        %parallel_loop3A_1181 = tpu.bitcast %parallel_loop3A_1180 : vector<16xi32> -> vector<16xf32>
        %parallel_loop3A_1182 = arith.constant -65536 : i32
        %parallel_loop3A_1183 = vector.broadcast %parallel_loop3A_1182 : i32 to vector<16xi32>
        %parallel_loop3A_1184 = arith.andi %parallel_loop3A_1161, %parallel_loop3A_1183 : vector<16xi32>
        %parallel_loop3A_1185 = tpu.bitcast %parallel_loop3A_1184 : vector<16xi32> -> vector<16xf32>
        %parallel_loop3A_1186 = vector.broadcast %parallel_loop3A_201 : f32 to vector<16xf32>
        %parallel_loop3A_1187 = arith.mulf %parallel_loop3A_1165, %parallel_loop3A_1186 : vector<16xf32>
        %parallel_loop3A_1188 = vector.broadcast %parallel_loop3A_211 : f32 to vector<16xf32>
        %parallel_loop3A_1189 = arith.mulf %parallel_loop3A_1173, %parallel_loop3A_1188 : vector<16xf32>
        %parallel_loop3A_1190 = arith.addf %parallel_loop3A_1187, %parallel_loop3A_1189 : vector<16xf32>
        %parallel_loop3A_1191 = vector.broadcast %parallel_loop3A_221 : f32 to vector<16xf32>
        %parallel_loop3A_1192 = arith.mulf %parallel_loop3A_1181, %parallel_loop3A_1191 : vector<16xf32>
        %parallel_loop3A_1193 = arith.addf %parallel_loop3A_1190, %parallel_loop3A_1192 : vector<16xf32>
        %parallel_loop3A_1194 = arith.index_cast %parallel_loop3A_193 : i32 to index
        %parallel_loop3A_1195 = arith.constant 448 : index
        %parallel_loop3A_1196 = tpu.vector_load %arg14[%parallel_loop3A_1194, %parallel_loop3A_1195] {strides = array<i32>} : memref<32x512xf32, #tpu.memory_space<vmem>>, vector<1x16xf32>,
        %parallel_loop3A_1197 = vector.shape_cast %parallel_loop3A_1196 : vector<1x16xf32> to vector<16xf32>
        %parallel_loop3A_1198 = vector.shape_cast %parallel_loop3A_1193 : vector<16xf32> to vector<1x16xf32>
        tpu.vector_store %arg14[%parallel_loop3A_1194, %parallel_loop3A_1195], %parallel_loop3A_1198 {strides = array<i32>} : memref<32x512xf32, #tpu.memory_space<vmem>>, vector<1x16xf32>,
        %parallel_loop3A_1199 = vector.broadcast %parallel_loop3A_201 : f32 to vector<16xf32>
        %parallel_loop3A_1200 = arith.mulf %parallel_loop3A_1169, %parallel_loop3A_1199 : vector<16xf32>
        %parallel_loop3A_1201 = vector.broadcast %parallel_loop3A_211 : f32 to vector<16xf32>
        %parallel_loop3A_1202 = arith.mulf %parallel_loop3A_1177, %parallel_loop3A_1201 : vector<16xf32>
        %parallel_loop3A_1203 = arith.addf %parallel_loop3A_1200, %parallel_loop3A_1202 : vector<16xf32>
        %parallel_loop3A_1204 = vector.broadcast %parallel_loop3A_221 : f32 to vector<16xf32>
        %parallel_loop3A_1205 = arith.mulf %parallel_loop3A_1185, %parallel_loop3A_1204 : vector<16xf32>
        %parallel_loop3A_1206 = arith.addf %parallel_loop3A_1203, %parallel_loop3A_1205 : vector<16xf32>
        %parallel_loop3A_1207 = arith.index_cast %parallel_loop3A_193 : i32 to index
        %parallel_loop3A_1208 = arith.constant 464 : index
        %parallel_loop3A_1209 = tpu.vector_load %arg14[%parallel_loop3A_1207, %parallel_loop3A_1208] {strides = array<i32>} : memref<32x512xf32, #tpu.memory_space<vmem>>, vector<1x16xf32>,
        %parallel_loop3A_1210 = vector.shape_cast %parallel_loop3A_1209 : vector<1x16xf32> to vector<16xf32>
        %parallel_loop3A_1211 = vector.shape_cast %parallel_loop3A_1206 : vector<16xf32> to vector<1x16xf32>
        tpu.vector_store %arg14[%parallel_loop3A_1207, %parallel_loop3A_1208], %parallel_loop3A_1211 {strides = array<i32>} : memref<32x512xf32, #tpu.memory_space<vmem>>, vector<1x16xf32>,
        %parallel_loop3A_1212 = arith.index_cast %parallel_loop3A_193 : i32 to index
        %parallel_loop3A_1213 = arith.constant 240 : index
        %parallel_loop3A_1214 = tpu.vector_load %arg12[%parallel_loop3A_1212, %parallel_loop3A_1213] {strides = array<i32>} : memref<96x256xi32, #tpu.memory_space<vmem>>, vector<1x16xi32>,
        %parallel_loop3A_1215 = vector.shape_cast %parallel_loop3A_1214 : vector<1x16xi32> to vector<16xi32>
        %parallel_loop3A_1216 = arith.constant 32 : i32
        %parallel_loop3A_1217 = arith.addi %parallel_loop3A_1216, %parallel_loop3A_193 : i32
        %parallel_loop3A_1218 = arith.index_cast %parallel_loop3A_1217 : i32 to index
        %parallel_loop3A_1219 = arith.constant 240 : index
        %parallel_loop3A_1220 = tpu.vector_load %arg12[%parallel_loop3A_1218, %parallel_loop3A_1219] {strides = array<i32>} : memref<96x256xi32, #tpu.memory_space<vmem>>, vector<1x16xi32>,
        %parallel_loop3A_1221 = vector.shape_cast %parallel_loop3A_1220 : vector<1x16xi32> to vector<16xi32>
        %parallel_loop3A_1222 = arith.constant 64 : i32
        %parallel_loop3A_1223 = arith.addi %parallel_loop3A_1222, %parallel_loop3A_193 : i32
        %parallel_loop3A_1224 = arith.index_cast %parallel_loop3A_1223 : i32 to index
        %parallel_loop3A_1225 = arith.constant 240 : index
        %parallel_loop3A_1226 = tpu.vector_load %arg12[%parallel_loop3A_1224, %parallel_loop3A_1225] {strides = array<i32>} : memref<96x256xi32, #tpu.memory_space<vmem>>, vector<1x16xi32>,
        %parallel_loop3A_1227 = vector.shape_cast %parallel_loop3A_1226 : vector<1x16xi32> to vector<16xi32>
        %parallel_loop3A_1228 = arith.constant 16 : i32
        %parallel_loop3A_1229 = vector.broadcast %parallel_loop3A_1228 : i32 to vector<16xi32>
        %parallel_loop3A_1230 = arith.shli %parallel_loop3A_1215, %parallel_loop3A_1229 : vector<16xi32>
        %parallel_loop3A_1231 = tpu.bitcast %parallel_loop3A_1230 : vector<16xi32> -> vector<16xf32>
        %parallel_loop3A_1232 = arith.constant -65536 : i32
        %parallel_loop3A_1233 = vector.broadcast %parallel_loop3A_1232 : i32 to vector<16xi32>
        %parallel_loop3A_1234 = arith.andi %parallel_loop3A_1215, %parallel_loop3A_1233 : vector<16xi32>
        %parallel_loop3A_1235 = tpu.bitcast %parallel_loop3A_1234 : vector<16xi32> -> vector<16xf32>
        %parallel_loop3A_1236 = arith.constant 16 : i32
        %parallel_loop3A_1237 = vector.broadcast %parallel_loop3A_1236 : i32 to vector<16xi32>
        %parallel_loop3A_1238 = arith.shli %parallel_loop3A_1221, %parallel_loop3A_1237 : vector<16xi32>
        %parallel_loop3A_1239 = tpu.bitcast %parallel_loop3A_1238 : vector<16xi32> -> vector<16xf32>
        %parallel_loop3A_1240 = arith.constant -65536 : i32
        %parallel_loop3A_1241 = vector.broadcast %parallel_loop3A_1240 : i32 to vector<16xi32>
        %parallel_loop3A_1242 = arith.andi %parallel_loop3A_1221, %parallel_loop3A_1241 : vector<16xi32>
        %parallel_loop3A_1243 = tpu.bitcast %parallel_loop3A_1242 : vector<16xi32> -> vector<16xf32>
        %parallel_loop3A_1244 = arith.constant 16 : i32
        %parallel_loop3A_1245 = vector.broadcast %parallel_loop3A_1244 : i32 to vector<16xi32>
        %parallel_loop3A_1246 = arith.shli %parallel_loop3A_1227, %parallel_loop3A_1245 : vector<16xi32>
        %parallel_loop3A_1247 = tpu.bitcast %parallel_loop3A_1246 : vector<16xi32> -> vector<16xf32>
        %parallel_loop3A_1248 = arith.constant -65536 : i32
        %parallel_loop3A_1249 = vector.broadcast %parallel_loop3A_1248 : i32 to vector<16xi32>
        %parallel_loop3A_1250 = arith.andi %parallel_loop3A_1227, %parallel_loop3A_1249 : vector<16xi32>
        %parallel_loop3A_1251 = tpu.bitcast %parallel_loop3A_1250 : vector<16xi32> -> vector<16xf32>
        %parallel_loop3A_1252 = vector.broadcast %parallel_loop3A_201 : f32 to vector<16xf32>
        %parallel_loop3A_1253 = arith.mulf %parallel_loop3A_1231, %parallel_loop3A_1252 : vector<16xf32>
        %parallel_loop3A_1254 = vector.broadcast %parallel_loop3A_211 : f32 to vector<16xf32>
        %parallel_loop3A_1255 = arith.mulf %parallel_loop3A_1239, %parallel_loop3A_1254 : vector<16xf32>
        %parallel_loop3A_1256 = arith.addf %parallel_loop3A_1253, %parallel_loop3A_1255 : vector<16xf32>
        %parallel_loop3A_1257 = vector.broadcast %parallel_loop3A_221 : f32 to vector<16xf32>
        %parallel_loop3A_1258 = arith.mulf %parallel_loop3A_1247, %parallel_loop3A_1257 : vector<16xf32>
        %parallel_loop3A_1259 = arith.addf %parallel_loop3A_1256, %parallel_loop3A_1258 : vector<16xf32>
        %parallel_loop3A_1260 = arith.index_cast %parallel_loop3A_193 : i32 to index
        %parallel_loop3A_1261 = arith.constant 480 : index
        %parallel_loop3A_1262 = tpu.vector_load %arg14[%parallel_loop3A_1260, %parallel_loop3A_1261] {strides = array<i32>} : memref<32x512xf32, #tpu.memory_space<vmem>>, vector<1x16xf32>,
        %parallel_loop3A_1263 = vector.shape_cast %parallel_loop3A_1262 : vector<1x16xf32> to vector<16xf32>
        %parallel_loop3A_1264 = vector.shape_cast %parallel_loop3A_1259 : vector<16xf32> to vector<1x16xf32>
        tpu.vector_store %arg14[%parallel_loop3A_1260, %parallel_loop3A_1261], %parallel_loop3A_1264 {strides = array<i32>} : memref<32x512xf32, #tpu.memory_space<vmem>>, vector<1x16xf32>,
        %parallel_loop3A_1265 = vector.broadcast %parallel_loop3A_201 : f32 to vector<16xf32>
        %parallel_loop3A_1266 = arith.mulf %parallel_loop3A_1235, %parallel_loop3A_1265 : vector<16xf32>
        %parallel_loop3A_1267 = vector.broadcast %parallel_loop3A_211 : f32 to vector<16xf32>
        %parallel_loop3A_1268 = arith.mulf %parallel_loop3A_1243, %parallel_loop3A_1267 : vector<16xf32>
        %parallel_loop3A_1269 = arith.addf %parallel_loop3A_1266, %parallel_loop3A_1268 : vector<16xf32>
        %parallel_loop3A_1270 = vector.broadcast %parallel_loop3A_221 : f32 to vector<16xf32>
        %parallel_loop3A_1271 = arith.mulf %parallel_loop3A_1251, %parallel_loop3A_1270 : vector<16xf32>
        %parallel_loop3A_1272 = arith.addf %parallel_loop3A_1269, %parallel_loop3A_1271 : vector<16xf32>
        %parallel_loop3A_1273 = arith.index_cast %parallel_loop3A_193 : i32 to index
        %parallel_loop3A_1274 = arith.constant 496 : index
        %parallel_loop3A_1275 = tpu.vector_load %arg14[%parallel_loop3A_1273, %parallel_loop3A_1274] {strides = array<i32>} : memref<32x512xf32, #tpu.memory_space<vmem>>, vector<1x16xf32>,
        %parallel_loop3A_1276 = vector.shape_cast %parallel_loop3A_1275 : vector<1x16xf32> to vector<16xf32>
        %parallel_loop3A_1277 = vector.shape_cast %parallel_loop3A_1272 : vector<16xf32> to vector<1x16xf32>
        tpu.vector_store %arg14[%parallel_loop3A_1273, %parallel_loop3A_1274], %parallel_loop3A_1277 {strides = array<i32>} : memref<32x512xf32, #tpu.memory_space<vmem>>, vector<1x16xf32>,
      } {sc.loop_unroll_factor = 4 : i64, sc.parallel_access}
      %mul3A_122 = arith.constant 512 : i32
      %mul3A_123 = arith.muli %add3A, %mul3A_122 : i32
      %mul3A_124 = arith.constant 32 : i32
      %mul3A_125 = arith.muli %add3A_49, %mul3A_124 : i32
      %add3A_126 = arith.addi %mul3A_123, %mul3A_125 : i32
      %dma_start3A_127 = arith.constant 0 : i32
      %dma_start3A_128 = tpu.memref_slice %arg9[%add3A_126, %dma_start3A_127] : memref<16384x512xf32, #tpu.memory_space<hbm>> -> memref<32x512xf32, #tpu.memory_space<hbm>>
      %dma_start3A_129 = arith.constant 0 : i32
      %dma_start3A_130 = tpu.memref_slice %arg9[%add3A_126, %dma_start3A_129] : memref<16384x512xf32, #tpu.memory_space<hbm>> -> memref<32x512xf32, #tpu.memory_space<hbm>>
      tpu.enqueue_dma source(%arg14 : memref<32x512xf32, #tpu.memory_space<vmem>>) target(%dma_start3A_130 : memref<32x512xf32, #tpu.memory_space<hbm>>) target_semaphore(%arg18 : memref<!tpu.dma_semaphore, #tpu.memory_space<semaphore_mem>>)
      %add3A_131 = arith.constant 1 : i32
      %add3A_132 = arith.addi %add3A_49, %add3A_131 : i32
      %mul3A_133 = arith.constant 32 : i32
      %mul3A_134 = arith.muli %add3A_132, %mul3A_133 : i32
      %add3A_135 = arith.constant 0 : i32
      %add3A_136 = arith.addi %add3A_135, %mul3A_134 : i32
      %dma_wait3A_137 = arith.constant 0 : i32
      %dma_wait3A_138 = arith.constant 0 : i32
      %dma_wait3A_139 = tpu.memref_slice %arg13[%dma_wait3A_137, %dma_wait3A_138] : memref<96x256xi32, #tpu.memory_space<vmem>> -> memref<32x256xi32, #tpu.memory_space<vmem>>
      %dma_wait3A_140 = tpu.memref_slice %arg10[%add3A_136] : memref<1536xi32, #tpu.memory_space<vmem>> -> memref<32xi32, #tpu.memory_space<vmem>>
      %dma_wait3A_141 = arith.constant 0 : i32
      %dma_wait3A_142 = arith.constant 0 : i32
      %dma_wait3A_143 = tpu.memref_slice %arg2[%dma_wait3A_141, %dma_wait3A_142] : memref<4096x256xi32, #tpu.memory_space<hbm>> -> memref<4096x256xi32, #tpu.memory_space<hbm>>
      tpu.wait_indirect_dma semaphore(%arg17 : memref<!tpu.dma_semaphore, #tpu.memory_space<semaphore_mem>>) src(%dma_wait3A_143 : memref<4096x256xi32, #tpu.memory_space<hbm>>) dst(%dma_wait3A_139 : memref<32x256xi32, #tpu.memory_space<vmem>>)
      %mul3A_144 = arith.constant 32 : i32
      %mul3A_145 = arith.muli %add3A_132, %mul3A_144 : i32
      %add3A_146 = arith.constant 512 : i32
      %add3A_147 = arith.addi %add3A_146, %mul3A_145 : i32
      %dma_wait3A_148 = arith.constant 32 : i32
      %dma_wait3A_149 = arith.constant 0 : i32
      %dma_wait3A_150 = tpu.memref_slice %arg13[%dma_wait3A_148, %dma_wait3A_149] : memref<96x256xi32, #tpu.memory_space<vmem>> -> memref<32x256xi32, #tpu.memory_space<vmem>>
      %dma_wait3A_151 = tpu.memref_slice %arg10[%add3A_147] : memref<1536xi32, #tpu.memory_space<vmem>> -> memref<32xi32, #tpu.memory_space<vmem>>
      %dma_wait3A_152 = arith.constant 0 : i32
      %dma_wait3A_153 = arith.constant 0 : i32
      %dma_wait3A_154 = tpu.memref_slice %arg2[%dma_wait3A_152, %dma_wait3A_153] : memref<4096x256xi32, #tpu.memory_space<hbm>> -> memref<4096x256xi32, #tpu.memory_space<hbm>>
      tpu.wait_indirect_dma semaphore(%arg17 : memref<!tpu.dma_semaphore, #tpu.memory_space<semaphore_mem>>) src(%dma_wait3A_154 : memref<4096x256xi32, #tpu.memory_space<hbm>>) dst(%dma_wait3A_150 : memref<32x256xi32, #tpu.memory_space<vmem>>)
      %mul3A_155 = arith.constant 32 : i32
      %mul3A_156 = arith.muli %add3A_132, %mul3A_155 : i32
      %add3A_157 = arith.constant 1024 : i32
      %add3A_158 = arith.addi %add3A_157, %mul3A_156 : i32
      %dma_wait3A_159 = arith.constant 64 : i32
      %dma_wait3A_160 = arith.constant 0 : i32
      %dma_wait3A_161 = tpu.memref_slice %arg13[%dma_wait3A_159, %dma_wait3A_160] : memref<96x256xi32, #tpu.memory_space<vmem>> -> memref<32x256xi32, #tpu.memory_space<vmem>>
      %dma_wait3A_162 = tpu.memref_slice %arg10[%add3A_158] : memref<1536xi32, #tpu.memory_space<vmem>> -> memref<32xi32, #tpu.memory_space<vmem>>
      %dma_wait3A_163 = arith.constant 0 : i32
      %dma_wait3A_164 = arith.constant 0 : i32
      %dma_wait3A_165 = tpu.memref_slice %arg2[%dma_wait3A_163, %dma_wait3A_164] : memref<4096x256xi32, #tpu.memory_space<hbm>> -> memref<4096x256xi32, #tpu.memory_space<hbm>>
      tpu.wait_indirect_dma semaphore(%arg17 : memref<!tpu.dma_semaphore, #tpu.memory_space<semaphore_mem>>) src(%dma_wait3A_165 : memref<4096x256xi32, #tpu.memory_space<hbm>>) dst(%dma_wait3A_161 : memref<32x256xi32, #tpu.memory_space<vmem>>)
      %add3A_166 = arith.constant 2 : i32
      %add3A_167 = arith.addi %add3A_49, %add3A_166 : i32
      %lt3A = arith.constant 16 : i32
      %lt3A_168 = arith.cmpi slt, %add3A_167, %lt3A : i32
      %convert_element_type3A_169 = arith.extui %lt3A_168 : i1 to i32
      %cond3A_170 = arith.constant 0 : i32
      %cond3A_171 = arith.cmpi ne, %convert_element_type3A_169, %cond3A_170 : i32
      scf.if %cond3A_171 {
        %add3A_193 = arith.constant 2 : i32
        %add3A_194 = arith.addi %add3A_49, %add3A_193 : i32
        %mul3A_195 = arith.constant 32 : i32
        %mul3A_196 = arith.muli %add3A_194, %mul3A_195 : i32
        %add3A_197 = arith.constant 0 : i32
        %add3A_198 = arith.addi %add3A_197, %mul3A_196 : i32
        %dma_start3A_199 = arith.constant 0 : i32
        %dma_start3A_200 = arith.constant 0 : i32
        %dma_start3A_201 = tpu.memref_slice %arg12[%dma_start3A_199, %dma_start3A_200] : memref<96x256xi32, #tpu.memory_space<vmem>> -> memref<32x256xi32, #tpu.memory_space<vmem>>
        %dma_start3A_202 = tpu.memref_slice %arg10[%add3A_198] : memref<1536xi32, #tpu.memory_space<vmem>> -> memref<32xi32, #tpu.memory_space<vmem>>
        %dma_start3A_203 = arith.constant 0 : i32
        %dma_start3A_204 = arith.constant 0 : i32
        %dma_start3A_205 = tpu.memref_slice %arg2[%dma_start3A_203, %dma_start3A_204] : memref<4096x256xi32, #tpu.memory_space<hbm>> -> memref<4096x256xi32, #tpu.memory_space<hbm>>
        tpu.enqueue_indirect_dma source(%dma_start3A_205 : memref<4096x256xi32, #tpu.memory_space<hbm>>) target(%dma_start3A_201 : memref<32x256xi32, #tpu.memory_space<vmem>>) offsets(%dma_start3A_202 : memref<32xi32, #tpu.memory_space<vmem>>) semaphore(%arg16 : memref<!tpu.dma_semaphore, #tpu.memory_space<semaphore_mem>>)
        %mul3A_206 = arith.constant 32 : i32
        %mul3A_207 = arith.muli %add3A_194, %mul3A_206 : i32
        %add3A_208 = arith.constant 512 : i32
        %add3A_209 = arith.addi %add3A_208, %mul3A_207 : i32
        %dma_start3A_210 = arith.constant 32 : i32
        %dma_start3A_211 = arith.constant 0 : i32
        %dma_start3A_212 = tpu.memref_slice %arg12[%dma_start3A_210, %dma_start3A_211] : memref<96x256xi32, #tpu.memory_space<vmem>> -> memref<32x256xi32, #tpu.memory_space<vmem>>
        %dma_start3A_213 = tpu.memref_slice %arg10[%add3A_209] : memref<1536xi32, #tpu.memory_space<vmem>> -> memref<32xi32, #tpu.memory_space<vmem>>
        %dma_start3A_214 = arith.constant 0 : i32
        %dma_start3A_215 = arith.constant 0 : i32
        %dma_start3A_216 = tpu.memref_slice %arg2[%dma_start3A_214, %dma_start3A_215] : memref<4096x256xi32, #tpu.memory_space<hbm>> -> memref<4096x256xi32, #tpu.memory_space<hbm>>
        tpu.enqueue_indirect_dma source(%dma_start3A_216 : memref<4096x256xi32, #tpu.memory_space<hbm>>) target(%dma_start3A_212 : memref<32x256xi32, #tpu.memory_space<vmem>>) offsets(%dma_start3A_213 : memref<32xi32, #tpu.memory_space<vmem>>) semaphore(%arg16 : memref<!tpu.dma_semaphore, #tpu.memory_space<semaphore_mem>>)
        %mul3A_217 = arith.constant 32 : i32
        %mul3A_218 = arith.muli %add3A_194, %mul3A_217 : i32
        %add3A_219 = arith.constant 1024 : i32
        %add3A_220 = arith.addi %add3A_219, %mul3A_218 : i32
        %dma_start3A_221 = arith.constant 64 : i32
        %dma_start3A_222 = arith.constant 0 : i32
        %dma_start3A_223 = tpu.memref_slice %arg12[%dma_start3A_221, %dma_start3A_222] : memref<96x256xi32, #tpu.memory_space<vmem>> -> memref<32x256xi32, #tpu.memory_space<vmem>>
        %dma_start3A_224 = tpu.memref_slice %arg10[%add3A_220] : memref<1536xi32, #tpu.memory_space<vmem>> -> memref<32xi32, #tpu.memory_space<vmem>>
        %dma_start3A_225 = arith.constant 0 : i32
        %dma_start3A_226 = arith.constant 0 : i32
        %dma_start3A_227 = tpu.memref_slice %arg2[%dma_start3A_225, %dma_start3A_226] : memref<4096x256xi32, #tpu.memory_space<hbm>> -> memref<4096x256xi32, #tpu.memory_space<hbm>>
        tpu.enqueue_indirect_dma source(%dma_start3A_227 : memref<4096x256xi32, #tpu.memory_space<hbm>>) target(%dma_start3A_223 : memref<32x256xi32, #tpu.memory_space<vmem>>) offsets(%dma_start3A_224 : memref<32xi32, #tpu.memory_space<vmem>>) semaphore(%arg16 : memref<!tpu.dma_semaphore, #tpu.memory_space<semaphore_mem>>)
      } else {
      }
      %ge3A_172 = arith.constant 2 : i32
      %ge3A_173 = arith.cmpi sge, %add3A_49, %ge3A_172 : i32
      %convert_element_type3A_174 = arith.extui %ge3A_173 : i1 to i32
      %cond3A_175 = arith.constant 0 : i32
      %cond3A_176 = arith.cmpi ne, %convert_element_type3A_174, %cond3A_175 : i32
      scf.if %cond3A_176 {
        %sub3A = arith.constant 1 : i32
        %sub3A_193 = arith.subi %add3A_49, %sub3A : i32
        %mul3A_194 = arith.constant 512 : i32
        %mul3A_195 = arith.muli %add3A, %mul3A_194 : i32
        %mul3A_196 = arith.constant 32 : i32
        %mul3A_197 = arith.muli %sub3A_193, %mul3A_196 : i32
        %add3A_198 = arith.addi %mul3A_195, %mul3A_197 : i32
        %dma_wait3A_199 = arith.constant 0 : i32
        %dma_wait3A_200 = tpu.memref_slice %arg9[%add3A_198, %dma_wait3A_199] : memref<16384x512xf32, #tpu.memory_space<hbm>> -> memref<32x512xf32, #tpu.memory_space<hbm>>
        %dma_wait3A_201 = arith.constant 0 : i32
        %dma_wait3A_202 = tpu.memref_slice %arg9[%add3A_198, %dma_wait3A_201] : memref<16384x512xf32, #tpu.memory_space<hbm>> -> memref<32x512xf32, #tpu.memory_space<hbm>>
        tpu.wait_dma2 semaphore(%arg19 : memref<!tpu.dma_semaphore, #tpu.memory_space<semaphore_mem>>) src(%arg15 : memref<32x512xf32, #tpu.memory_space<vmem>>) dst(%dma_wait3A_202 : memref<32x512xf32, #tpu.memory_space<hbm>>)
      } else {
      }
      %add3A_177 = arith.constant 1 : i32
      %add3A_178 = arith.addi %add3A_49, %add3A_177 : i32
      %parallel_loop3A_179 = arith.constant 0 : i32
      %parallel_loop3A_180 = arith.constant 32 : i32
      %parallel_loop3A_181 = arith.constant 1 : i32
      scf.for %parallel_loop3A_193 = %parallel_loop3A_179 to %parallel_loop3A_180 step %parallel_loop3A_181  : i32 {
        %parallel_loop3A_194 = arith.constant 32 : i32
        %parallel_loop3A_195 = arith.muli %add3A_178, %parallel_loop3A_194 : i32
        %parallel_loop3A_196 = arith.addi %parallel_loop3A_195, %parallel_loop3A_193 : i32
        %parallel_loop3A_197 = arith.index_cast %parallel_loop3A_196 : i32 to index
        %parallel_loop3A_198 = tpu.vector_load %arg11[%parallel_loop3A_197] {strides = array<i32>} : memref<1552xf32, #tpu.memory_space<vmem>>, vector<16xf32>,
        %parallel_loop3A_199 = vector.shape_cast %parallel_loop3A_198 : vector<16xf32> to vector<16xf32>
        %parallel_loop3A_200 = vector.extract_strided_slice %parallel_loop3A_199 {offsets = [0], sizes = [1], strides = [1]} : vector<16xf32> to vector<1xf32>
        %parallel_loop3A_201 = vector.extract %parallel_loop3A_200[0] : f32 from vector<1xf32>
        %parallel_loop3A_202 = arith.constant 32 : i32
        %parallel_loop3A_203 = arith.muli %add3A_178, %parallel_loop3A_202 : i32
        %parallel_loop3A_204 = arith.constant 512 : i32
        %parallel_loop3A_205 = arith.addi %parallel_loop3A_204, %parallel_loop3A_203 : i32
        %parallel_loop3A_206 = arith.addi %parallel_loop3A_205, %parallel_loop3A_193 : i32
        %parallel_loop3A_207 = arith.index_cast %parallel_loop3A_206 : i32 to index
        %parallel_loop3A_208 = tpu.vector_load %arg11[%parallel_loop3A_207] {strides = array<i32>} : memref<1552xf32, #tpu.memory_space<vmem>>, vector<16xf32>,
        %parallel_loop3A_209 = vector.shape_cast %parallel_loop3A_208 : vector<16xf32> to vector<16xf32>
        %parallel_loop3A_210 = vector.extract_strided_slice %parallel_loop3A_209 {offsets = [0], sizes = [1], strides = [1]} : vector<16xf32> to vector<1xf32>
        %parallel_loop3A_211 = vector.extract %parallel_loop3A_210[0] : f32 from vector<1xf32>
        %parallel_loop3A_212 = arith.constant 32 : i32
        %parallel_loop3A_213 = arith.muli %add3A_178, %parallel_loop3A_212 : i32
        %parallel_loop3A_214 = arith.constant 1024 : i32
        %parallel_loop3A_215 = arith.addi %parallel_loop3A_214, %parallel_loop3A_213 : i32
        %parallel_loop3A_216 = arith.addi %parallel_loop3A_215, %parallel_loop3A_193 : i32
        %parallel_loop3A_217 = arith.index_cast %parallel_loop3A_216 : i32 to index
        %parallel_loop3A_218 = tpu.vector_load %arg11[%parallel_loop3A_217] {strides = array<i32>} : memref<1552xf32, #tpu.memory_space<vmem>>, vector<16xf32>,
        %parallel_loop3A_219 = vector.shape_cast %parallel_loop3A_218 : vector<16xf32> to vector<16xf32>
        %parallel_loop3A_220 = vector.extract_strided_slice %parallel_loop3A_219 {offsets = [0], sizes = [1], strides = [1]} : vector<16xf32> to vector<1xf32>
        %parallel_loop3A_221 = vector.extract %parallel_loop3A_220[0] : f32 from vector<1xf32>
        %parallel_loop3A_222 = arith.index_cast %parallel_loop3A_193 : i32 to index
        %parallel_loop3A_223 = arith.constant 0 : index
        %parallel_loop3A_224 = tpu.vector_load %arg13[%parallel_loop3A_222, %parallel_loop3A_223] {strides = array<i32>} : memref<96x256xi32, #tpu.memory_space<vmem>>, vector<1x16xi32>,
        %parallel_loop3A_225 = vector.shape_cast %parallel_loop3A_224 : vector<1x16xi32> to vector<16xi32>
        %parallel_loop3A_226 = arith.constant 32 : i32
        %parallel_loop3A_227 = arith.addi %parallel_loop3A_226, %parallel_loop3A_193 : i32
        %parallel_loop3A_228 = arith.index_cast %parallel_loop3A_227 : i32 to index
        %parallel_loop3A_229 = arith.constant 0 : index
        %parallel_loop3A_230 = tpu.vector_load %arg13[%parallel_loop3A_228, %parallel_loop3A_229] {strides = array<i32>} : memref<96x256xi32, #tpu.memory_space<vmem>>, vector<1x16xi32>,
        %parallel_loop3A_231 = vector.shape_cast %parallel_loop3A_230 : vector<1x16xi32> to vector<16xi32>
        %parallel_loop3A_232 = arith.constant 64 : i32
        %parallel_loop3A_233 = arith.addi %parallel_loop3A_232, %parallel_loop3A_193 : i32
        %parallel_loop3A_234 = arith.index_cast %parallel_loop3A_233 : i32 to index
        %parallel_loop3A_235 = arith.constant 0 : index
        %parallel_loop3A_236 = tpu.vector_load %arg13[%parallel_loop3A_234, %parallel_loop3A_235] {strides = array<i32>} : memref<96x256xi32, #tpu.memory_space<vmem>>, vector<1x16xi32>,
        %parallel_loop3A_237 = vector.shape_cast %parallel_loop3A_236 : vector<1x16xi32> to vector<16xi32>
        %parallel_loop3A_238 = arith.constant 16 : i32
        %parallel_loop3A_239 = vector.broadcast %parallel_loop3A_238 : i32 to vector<16xi32>
        %parallel_loop3A_240 = arith.shli %parallel_loop3A_225, %parallel_loop3A_239 : vector<16xi32>
        %parallel_loop3A_241 = tpu.bitcast %parallel_loop3A_240 : vector<16xi32> -> vector<16xf32>
        %parallel_loop3A_242 = arith.constant -65536 : i32
        %parallel_loop3A_243 = vector.broadcast %parallel_loop3A_242 : i32 to vector<16xi32>
        %parallel_loop3A_244 = arith.andi %parallel_loop3A_225, %parallel_loop3A_243 : vector<16xi32>
        %parallel_loop3A_245 = tpu.bitcast %parallel_loop3A_244 : vector<16xi32> -> vector<16xf32>
        %parallel_loop3A_246 = arith.constant 16 : i32
        %parallel_loop3A_247 = vector.broadcast %parallel_loop3A_246 : i32 to vector<16xi32>
        %parallel_loop3A_248 = arith.shli %parallel_loop3A_231, %parallel_loop3A_247 : vector<16xi32>
        %parallel_loop3A_249 = tpu.bitcast %parallel_loop3A_248 : vector<16xi32> -> vector<16xf32>
        %parallel_loop3A_250 = arith.constant -65536 : i32
        %parallel_loop3A_251 = vector.broadcast %parallel_loop3A_250 : i32 to vector<16xi32>
        %parallel_loop3A_252 = arith.andi %parallel_loop3A_231, %parallel_loop3A_251 : vector<16xi32>
        %parallel_loop3A_253 = tpu.bitcast %parallel_loop3A_252 : vector<16xi32> -> vector<16xf32>
        %parallel_loop3A_254 = arith.constant 16 : i32
        %parallel_loop3A_255 = vector.broadcast %parallel_loop3A_254 : i32 to vector<16xi32>
        %parallel_loop3A_256 = arith.shli %parallel_loop3A_237, %parallel_loop3A_255 : vector<16xi32>
        %parallel_loop3A_257 = tpu.bitcast %parallel_loop3A_256 : vector<16xi32> -> vector<16xf32>
        %parallel_loop3A_258 = arith.constant -65536 : i32
        %parallel_loop3A_259 = vector.broadcast %parallel_loop3A_258 : i32 to vector<16xi32>
        %parallel_loop3A_260 = arith.andi %parallel_loop3A_237, %parallel_loop3A_259 : vector<16xi32>
        %parallel_loop3A_261 = tpu.bitcast %parallel_loop3A_260 : vector<16xi32> -> vector<16xf32>
        %parallel_loop3A_262 = vector.broadcast %parallel_loop3A_201 : f32 to vector<16xf32>
        %parallel_loop3A_263 = arith.mulf %parallel_loop3A_241, %parallel_loop3A_262 : vector<16xf32>
        %parallel_loop3A_264 = vector.broadcast %parallel_loop3A_211 : f32 to vector<16xf32>
        %parallel_loop3A_265 = arith.mulf %parallel_loop3A_249, %parallel_loop3A_264 : vector<16xf32>
        %parallel_loop3A_266 = arith.addf %parallel_loop3A_263, %parallel_loop3A_265 : vector<16xf32>
        %parallel_loop3A_267 = vector.broadcast %parallel_loop3A_221 : f32 to vector<16xf32>
        %parallel_loop3A_268 = arith.mulf %parallel_loop3A_257, %parallel_loop3A_267 : vector<16xf32>
        %parallel_loop3A_269 = arith.addf %parallel_loop3A_266, %parallel_loop3A_268 : vector<16xf32>
        %parallel_loop3A_270 = arith.index_cast %parallel_loop3A_193 : i32 to index
        %parallel_loop3A_271 = arith.constant 0 : index
        %parallel_loop3A_272 = tpu.vector_load %arg15[%parallel_loop3A_270, %parallel_loop3A_271] {strides = array<i32>} : memref<32x512xf32, #tpu.memory_space<vmem>>, vector<1x16xf32>,
        %parallel_loop3A_273 = vector.shape_cast %parallel_loop3A_272 : vector<1x16xf32> to vector<16xf32>
        %parallel_loop3A_274 = vector.shape_cast %parallel_loop3A_269 : vector<16xf32> to vector<1x16xf32>
        tpu.vector_store %arg15[%parallel_loop3A_270, %parallel_loop3A_271], %parallel_loop3A_274 {strides = array<i32>} : memref<32x512xf32, #tpu.memory_space<vmem>>, vector<1x16xf32>,
        %parallel_loop3A_275 = vector.broadcast %parallel_loop3A_201 : f32 to vector<16xf32>
        %parallel_loop3A_276 = arith.mulf %parallel_loop3A_245, %parallel_loop3A_275 : vector<16xf32>
        %parallel_loop3A_277 = vector.broadcast %parallel_loop3A_211 : f32 to vector<16xf32>
        %parallel_loop3A_278 = arith.mulf %parallel_loop3A_253, %parallel_loop3A_277 : vector<16xf32>
        %parallel_loop3A_279 = arith.addf %parallel_loop3A_276, %parallel_loop3A_278 : vector<16xf32>
        %parallel_loop3A_280 = vector.broadcast %parallel_loop3A_221 : f32 to vector<16xf32>
        %parallel_loop3A_281 = arith.mulf %parallel_loop3A_261, %parallel_loop3A_280 : vector<16xf32>
        %parallel_loop3A_282 = arith.addf %parallel_loop3A_279, %parallel_loop3A_281 : vector<16xf32>
        %parallel_loop3A_283 = arith.index_cast %parallel_loop3A_193 : i32 to index
        %parallel_loop3A_284 = arith.constant 16 : index
        %parallel_loop3A_285 = tpu.vector_load %arg15[%parallel_loop3A_283, %parallel_loop3A_284] {strides = array<i32>} : memref<32x512xf32, #tpu.memory_space<vmem>>, vector<1x16xf32>,
        %parallel_loop3A_286 = vector.shape_cast %parallel_loop3A_285 : vector<1x16xf32> to vector<16xf32>
        %parallel_loop3A_287 = vector.shape_cast %parallel_loop3A_282 : vector<16xf32> to vector<1x16xf32>
        tpu.vector_store %arg15[%parallel_loop3A_283, %parallel_loop3A_284], %parallel_loop3A_287 {strides = array<i32>} : memref<32x512xf32, #tpu.memory_space<vmem>>, vector<1x16xf32>,
        %parallel_loop3A_288 = arith.index_cast %parallel_loop3A_193 : i32 to index
        %parallel_loop3A_289 = arith.constant 16 : index
        %parallel_loop3A_290 = tpu.vector_load %arg13[%parallel_loop3A_288, %parallel_loop3A_289] {strides = array<i32>} : memref<96x256xi32, #tpu.memory_space<vmem>>, vector<1x16xi32>,
        %parallel_loop3A_291 = vector.shape_cast %parallel_loop3A_290 : vector<1x16xi32> to vector<16xi32>
        %parallel_loop3A_292 = arith.constant 32 : i32
        %parallel_loop3A_293 = arith.addi %parallel_loop3A_292, %parallel_loop3A_193 : i32
        %parallel_loop3A_294 = arith.index_cast %parallel_loop3A_293 : i32 to index
        %parallel_loop3A_295 = arith.constant 16 : index
        %parallel_loop3A_296 = tpu.vector_load %arg13[%parallel_loop3A_294, %parallel_loop3A_295] {strides = array<i32>} : memref<96x256xi32, #tpu.memory_space<vmem>>, vector<1x16xi32>,
        %parallel_loop3A_297 = vector.shape_cast %parallel_loop3A_296 : vector<1x16xi32> to vector<16xi32>
        %parallel_loop3A_298 = arith.constant 64 : i32
        %parallel_loop3A_299 = arith.addi %parallel_loop3A_298, %parallel_loop3A_193 : i32
        %parallel_loop3A_300 = arith.index_cast %parallel_loop3A_299 : i32 to index
        %parallel_loop3A_301 = arith.constant 16 : index
        %parallel_loop3A_302 = tpu.vector_load %arg13[%parallel_loop3A_300, %parallel_loop3A_301] {strides = array<i32>} : memref<96x256xi32, #tpu.memory_space<vmem>>, vector<1x16xi32>,
        %parallel_loop3A_303 = vector.shape_cast %parallel_loop3A_302 : vector<1x16xi32> to vector<16xi32>
        %parallel_loop3A_304 = arith.constant 16 : i32
        %parallel_loop3A_305 = vector.broadcast %parallel_loop3A_304 : i32 to vector<16xi32>
        %parallel_loop3A_306 = arith.shli %parallel_loop3A_291, %parallel_loop3A_305 : vector<16xi32>
        %parallel_loop3A_307 = tpu.bitcast %parallel_loop3A_306 : vector<16xi32> -> vector<16xf32>
        %parallel_loop3A_308 = arith.constant -65536 : i32
        %parallel_loop3A_309 = vector.broadcast %parallel_loop3A_308 : i32 to vector<16xi32>
        %parallel_loop3A_310 = arith.andi %parallel_loop3A_291, %parallel_loop3A_309 : vector<16xi32>
        %parallel_loop3A_311 = tpu.bitcast %parallel_loop3A_310 : vector<16xi32> -> vector<16xf32>
        %parallel_loop3A_312 = arith.constant 16 : i32
        %parallel_loop3A_313 = vector.broadcast %parallel_loop3A_312 : i32 to vector<16xi32>
        %parallel_loop3A_314 = arith.shli %parallel_loop3A_297, %parallel_loop3A_313 : vector<16xi32>
        %parallel_loop3A_315 = tpu.bitcast %parallel_loop3A_314 : vector<16xi32> -> vector<16xf32>
        %parallel_loop3A_316 = arith.constant -65536 : i32
        %parallel_loop3A_317 = vector.broadcast %parallel_loop3A_316 : i32 to vector<16xi32>
        %parallel_loop3A_318 = arith.andi %parallel_loop3A_297, %parallel_loop3A_317 : vector<16xi32>
        %parallel_loop3A_319 = tpu.bitcast %parallel_loop3A_318 : vector<16xi32> -> vector<16xf32>
        %parallel_loop3A_320 = arith.constant 16 : i32
        %parallel_loop3A_321 = vector.broadcast %parallel_loop3A_320 : i32 to vector<16xi32>
        %parallel_loop3A_322 = arith.shli %parallel_loop3A_303, %parallel_loop3A_321 : vector<16xi32>
        %parallel_loop3A_323 = tpu.bitcast %parallel_loop3A_322 : vector<16xi32> -> vector<16xf32>
        %parallel_loop3A_324 = arith.constant -65536 : i32
        %parallel_loop3A_325 = vector.broadcast %parallel_loop3A_324 : i32 to vector<16xi32>
        %parallel_loop3A_326 = arith.andi %parallel_loop3A_303, %parallel_loop3A_325 : vector<16xi32>
        %parallel_loop3A_327 = tpu.bitcast %parallel_loop3A_326 : vector<16xi32> -> vector<16xf32>
        %parallel_loop3A_328 = vector.broadcast %parallel_loop3A_201 : f32 to vector<16xf32>
        %parallel_loop3A_329 = arith.mulf %parallel_loop3A_307, %parallel_loop3A_328 : vector<16xf32>
        %parallel_loop3A_330 = vector.broadcast %parallel_loop3A_211 : f32 to vector<16xf32>
        %parallel_loop3A_331 = arith.mulf %parallel_loop3A_315, %parallel_loop3A_330 : vector<16xf32>
        %parallel_loop3A_332 = arith.addf %parallel_loop3A_329, %parallel_loop3A_331 : vector<16xf32>
        %parallel_loop3A_333 = vector.broadcast %parallel_loop3A_221 : f32 to vector<16xf32>
        %parallel_loop3A_334 = arith.mulf %parallel_loop3A_323, %parallel_loop3A_333 : vector<16xf32>
        %parallel_loop3A_335 = arith.addf %parallel_loop3A_332, %parallel_loop3A_334 : vector<16xf32>
        %parallel_loop3A_336 = arith.index_cast %parallel_loop3A_193 : i32 to index
        %parallel_loop3A_337 = arith.constant 32 : index
        %parallel_loop3A_338 = tpu.vector_load %arg15[%parallel_loop3A_336, %parallel_loop3A_337] {strides = array<i32>} : memref<32x512xf32, #tpu.memory_space<vmem>>, vector<1x16xf32>,
        %parallel_loop3A_339 = vector.shape_cast %parallel_loop3A_338 : vector<1x16xf32> to vector<16xf32>
        %parallel_loop3A_340 = vector.shape_cast %parallel_loop3A_335 : vector<16xf32> to vector<1x16xf32>
        tpu.vector_store %arg15[%parallel_loop3A_336, %parallel_loop3A_337], %parallel_loop3A_340 {strides = array<i32>} : memref<32x512xf32, #tpu.memory_space<vmem>>, vector<1x16xf32>,
        %parallel_loop3A_341 = vector.broadcast %parallel_loop3A_201 : f32 to vector<16xf32>
        %parallel_loop3A_342 = arith.mulf %parallel_loop3A_311, %parallel_loop3A_341 : vector<16xf32>
        %parallel_loop3A_343 = vector.broadcast %parallel_loop3A_211 : f32 to vector<16xf32>
        %parallel_loop3A_344 = arith.mulf %parallel_loop3A_319, %parallel_loop3A_343 : vector<16xf32>
        %parallel_loop3A_345 = arith.addf %parallel_loop3A_342, %parallel_loop3A_344 : vector<16xf32>
        %parallel_loop3A_346 = vector.broadcast %parallel_loop3A_221 : f32 to vector<16xf32>
        %parallel_loop3A_347 = arith.mulf %parallel_loop3A_327, %parallel_loop3A_346 : vector<16xf32>
        %parallel_loop3A_348 = arith.addf %parallel_loop3A_345, %parallel_loop3A_347 : vector<16xf32>
        %parallel_loop3A_349 = arith.index_cast %parallel_loop3A_193 : i32 to index
        %parallel_loop3A_350 = arith.constant 48 : index
        %parallel_loop3A_351 = tpu.vector_load %arg15[%parallel_loop3A_349, %parallel_loop3A_350] {strides = array<i32>} : memref<32x512xf32, #tpu.memory_space<vmem>>, vector<1x16xf32>,
        %parallel_loop3A_352 = vector.shape_cast %parallel_loop3A_351 : vector<1x16xf32> to vector<16xf32>
        %parallel_loop3A_353 = vector.shape_cast %parallel_loop3A_348 : vector<16xf32> to vector<1x16xf32>
        tpu.vector_store %arg15[%parallel_loop3A_349, %parallel_loop3A_350], %parallel_loop3A_353 {strides = array<i32>} : memref<32x512xf32, #tpu.memory_space<vmem>>, vector<1x16xf32>,
        %parallel_loop3A_354 = arith.index_cast %parallel_loop3A_193 : i32 to index
        %parallel_loop3A_355 = arith.constant 32 : index
        %parallel_loop3A_356 = tpu.vector_load %arg13[%parallel_loop3A_354, %parallel_loop3A_355] {strides = array<i32>} : memref<96x256xi32, #tpu.memory_space<vmem>>, vector<1x16xi32>,
        %parallel_loop3A_357 = vector.shape_cast %parallel_loop3A_356 : vector<1x16xi32> to vector<16xi32>
        %parallel_loop3A_358 = arith.constant 32 : i32
        %parallel_loop3A_359 = arith.addi %parallel_loop3A_358, %parallel_loop3A_193 : i32
        %parallel_loop3A_360 = arith.index_cast %parallel_loop3A_359 : i32 to index
        %parallel_loop3A_361 = arith.constant 32 : index
        %parallel_loop3A_362 = tpu.vector_load %arg13[%parallel_loop3A_360, %parallel_loop3A_361] {strides = array<i32>} : memref<96x256xi32, #tpu.memory_space<vmem>>, vector<1x16xi32>,
        %parallel_loop3A_363 = vector.shape_cast %parallel_loop3A_362 : vector<1x16xi32> to vector<16xi32>
        %parallel_loop3A_364 = arith.constant 64 : i32
        %parallel_loop3A_365 = arith.addi %parallel_loop3A_364, %parallel_loop3A_193 : i32
        %parallel_loop3A_366 = arith.index_cast %parallel_loop3A_365 : i32 to index
        %parallel_loop3A_367 = arith.constant 32 : index
        %parallel_loop3A_368 = tpu.vector_load %arg13[%parallel_loop3A_366, %parallel_loop3A_367] {strides = array<i32>} : memref<96x256xi32, #tpu.memory_space<vmem>>, vector<1x16xi32>,
        %parallel_loop3A_369 = vector.shape_cast %parallel_loop3A_368 : vector<1x16xi32> to vector<16xi32>
        %parallel_loop3A_370 = arith.constant 16 : i32
        %parallel_loop3A_371 = vector.broadcast %parallel_loop3A_370 : i32 to vector<16xi32>
        %parallel_loop3A_372 = arith.shli %parallel_loop3A_357, %parallel_loop3A_371 : vector<16xi32>
        %parallel_loop3A_373 = tpu.bitcast %parallel_loop3A_372 : vector<16xi32> -> vector<16xf32>
        %parallel_loop3A_374 = arith.constant -65536 : i32
        %parallel_loop3A_375 = vector.broadcast %parallel_loop3A_374 : i32 to vector<16xi32>
        %parallel_loop3A_376 = arith.andi %parallel_loop3A_357, %parallel_loop3A_375 : vector<16xi32>
        %parallel_loop3A_377 = tpu.bitcast %parallel_loop3A_376 : vector<16xi32> -> vector<16xf32>
        %parallel_loop3A_378 = arith.constant 16 : i32
        %parallel_loop3A_379 = vector.broadcast %parallel_loop3A_378 : i32 to vector<16xi32>
        %parallel_loop3A_380 = arith.shli %parallel_loop3A_363, %parallel_loop3A_379 : vector<16xi32>
        %parallel_loop3A_381 = tpu.bitcast %parallel_loop3A_380 : vector<16xi32> -> vector<16xf32>
        %parallel_loop3A_382 = arith.constant -65536 : i32
        %parallel_loop3A_383 = vector.broadcast %parallel_loop3A_382 : i32 to vector<16xi32>
        %parallel_loop3A_384 = arith.andi %parallel_loop3A_363, %parallel_loop3A_383 : vector<16xi32>
        %parallel_loop3A_385 = tpu.bitcast %parallel_loop3A_384 : vector<16xi32> -> vector<16xf32>
        %parallel_loop3A_386 = arith.constant 16 : i32
        %parallel_loop3A_387 = vector.broadcast %parallel_loop3A_386 : i32 to vector<16xi32>
        %parallel_loop3A_388 = arith.shli %parallel_loop3A_369, %parallel_loop3A_387 : vector<16xi32>
        %parallel_loop3A_389 = tpu.bitcast %parallel_loop3A_388 : vector<16xi32> -> vector<16xf32>
        %parallel_loop3A_390 = arith.constant -65536 : i32
        %parallel_loop3A_391 = vector.broadcast %parallel_loop3A_390 : i32 to vector<16xi32>
        %parallel_loop3A_392 = arith.andi %parallel_loop3A_369, %parallel_loop3A_391 : vector<16xi32>
        %parallel_loop3A_393 = tpu.bitcast %parallel_loop3A_392 : vector<16xi32> -> vector<16xf32>
        %parallel_loop3A_394 = vector.broadcast %parallel_loop3A_201 : f32 to vector<16xf32>
        %parallel_loop3A_395 = arith.mulf %parallel_loop3A_373, %parallel_loop3A_394 : vector<16xf32>
        %parallel_loop3A_396 = vector.broadcast %parallel_loop3A_211 : f32 to vector<16xf32>
        %parallel_loop3A_397 = arith.mulf %parallel_loop3A_381, %parallel_loop3A_396 : vector<16xf32>
        %parallel_loop3A_398 = arith.addf %parallel_loop3A_395, %parallel_loop3A_397 : vector<16xf32>
        %parallel_loop3A_399 = vector.broadcast %parallel_loop3A_221 : f32 to vector<16xf32>
        %parallel_loop3A_400 = arith.mulf %parallel_loop3A_389, %parallel_loop3A_399 : vector<16xf32>
        %parallel_loop3A_401 = arith.addf %parallel_loop3A_398, %parallel_loop3A_400 : vector<16xf32>
        %parallel_loop3A_402 = arith.index_cast %parallel_loop3A_193 : i32 to index
        %parallel_loop3A_403 = arith.constant 64 : index
        %parallel_loop3A_404 = tpu.vector_load %arg15[%parallel_loop3A_402, %parallel_loop3A_403] {strides = array<i32>} : memref<32x512xf32, #tpu.memory_space<vmem>>, vector<1x16xf32>,
        %parallel_loop3A_405 = vector.shape_cast %parallel_loop3A_404 : vector<1x16xf32> to vector<16xf32>
        %parallel_loop3A_406 = vector.shape_cast %parallel_loop3A_401 : vector<16xf32> to vector<1x16xf32>
        tpu.vector_store %arg15[%parallel_loop3A_402, %parallel_loop3A_403], %parallel_loop3A_406 {strides = array<i32>} : memref<32x512xf32, #tpu.memory_space<vmem>>, vector<1x16xf32>,
        %parallel_loop3A_407 = vector.broadcast %parallel_loop3A_201 : f32 to vector<16xf32>
        %parallel_loop3A_408 = arith.mulf %parallel_loop3A_377, %parallel_loop3A_407 : vector<16xf32>
        %parallel_loop3A_409 = vector.broadcast %parallel_loop3A_211 : f32 to vector<16xf32>
        %parallel_loop3A_410 = arith.mulf %parallel_loop3A_385, %parallel_loop3A_409 : vector<16xf32>
        %parallel_loop3A_411 = arith.addf %parallel_loop3A_408, %parallel_loop3A_410 : vector<16xf32>
        %parallel_loop3A_412 = vector.broadcast %parallel_loop3A_221 : f32 to vector<16xf32>
        %parallel_loop3A_413 = arith.mulf %parallel_loop3A_393, %parallel_loop3A_412 : vector<16xf32>
        %parallel_loop3A_414 = arith.addf %parallel_loop3A_411, %parallel_loop3A_413 : vector<16xf32>
        %parallel_loop3A_415 = arith.index_cast %parallel_loop3A_193 : i32 to index
        %parallel_loop3A_416 = arith.constant 80 : index
        %parallel_loop3A_417 = tpu.vector_load %arg15[%parallel_loop3A_415, %parallel_loop3A_416] {strides = array<i32>} : memref<32x512xf32, #tpu.memory_space<vmem>>, vector<1x16xf32>,
        %parallel_loop3A_418 = vector.shape_cast %parallel_loop3A_417 : vector<1x16xf32> to vector<16xf32>
        %parallel_loop3A_419 = vector.shape_cast %parallel_loop3A_414 : vector<16xf32> to vector<1x16xf32>
        tpu.vector_store %arg15[%parallel_loop3A_415, %parallel_loop3A_416], %parallel_loop3A_419 {strides = array<i32>} : memref<32x512xf32, #tpu.memory_space<vmem>>, vector<1x16xf32>,
        %parallel_loop3A_420 = arith.index_cast %parallel_loop3A_193 : i32 to index
        %parallel_loop3A_421 = arith.constant 48 : index
        %parallel_loop3A_422 = tpu.vector_load %arg13[%parallel_loop3A_420, %parallel_loop3A_421] {strides = array<i32>} : memref<96x256xi32, #tpu.memory_space<vmem>>, vector<1x16xi32>,
        %parallel_loop3A_423 = vector.shape_cast %parallel_loop3A_422 : vector<1x16xi32> to vector<16xi32>
        %parallel_loop3A_424 = arith.constant 32 : i32
        %parallel_loop3A_425 = arith.addi %parallel_loop3A_424, %parallel_loop3A_193 : i32
        %parallel_loop3A_426 = arith.index_cast %parallel_loop3A_425 : i32 to index
        %parallel_loop3A_427 = arith.constant 48 : index
        %parallel_loop3A_428 = tpu.vector_load %arg13[%parallel_loop3A_426, %parallel_loop3A_427] {strides = array<i32>} : memref<96x256xi32, #tpu.memory_space<vmem>>, vector<1x16xi32>,
        %parallel_loop3A_429 = vector.shape_cast %parallel_loop3A_428 : vector<1x16xi32> to vector<16xi32>
        %parallel_loop3A_430 = arith.constant 64 : i32
        %parallel_loop3A_431 = arith.addi %parallel_loop3A_430, %parallel_loop3A_193 : i32
        %parallel_loop3A_432 = arith.index_cast %parallel_loop3A_431 : i32 to index
        %parallel_loop3A_433 = arith.constant 48 : index
        %parallel_loop3A_434 = tpu.vector_load %arg13[%parallel_loop3A_432, %parallel_loop3A_433] {strides = array<i32>} : memref<96x256xi32, #tpu.memory_space<vmem>>, vector<1x16xi32>,
        %parallel_loop3A_435 = vector.shape_cast %parallel_loop3A_434 : vector<1x16xi32> to vector<16xi32>
        %parallel_loop3A_436 = arith.constant 16 : i32
        %parallel_loop3A_437 = vector.broadcast %parallel_loop3A_436 : i32 to vector<16xi32>
        %parallel_loop3A_438 = arith.shli %parallel_loop3A_423, %parallel_loop3A_437 : vector<16xi32>
        %parallel_loop3A_439 = tpu.bitcast %parallel_loop3A_438 : vector<16xi32> -> vector<16xf32>
        %parallel_loop3A_440 = arith.constant -65536 : i32
        %parallel_loop3A_441 = vector.broadcast %parallel_loop3A_440 : i32 to vector<16xi32>
        %parallel_loop3A_442 = arith.andi %parallel_loop3A_423, %parallel_loop3A_441 : vector<16xi32>
        %parallel_loop3A_443 = tpu.bitcast %parallel_loop3A_442 : vector<16xi32> -> vector<16xf32>
        %parallel_loop3A_444 = arith.constant 16 : i32
        %parallel_loop3A_445 = vector.broadcast %parallel_loop3A_444 : i32 to vector<16xi32>
        %parallel_loop3A_446 = arith.shli %parallel_loop3A_429, %parallel_loop3A_445 : vector<16xi32>
        %parallel_loop3A_447 = tpu.bitcast %parallel_loop3A_446 : vector<16xi32> -> vector<16xf32>
        %parallel_loop3A_448 = arith.constant -65536 : i32
        %parallel_loop3A_449 = vector.broadcast %parallel_loop3A_448 : i32 to vector<16xi32>
        %parallel_loop3A_450 = arith.andi %parallel_loop3A_429, %parallel_loop3A_449 : vector<16xi32>
        %parallel_loop3A_451 = tpu.bitcast %parallel_loop3A_450 : vector<16xi32> -> vector<16xf32>
        %parallel_loop3A_452 = arith.constant 16 : i32
        %parallel_loop3A_453 = vector.broadcast %parallel_loop3A_452 : i32 to vector<16xi32>
        %parallel_loop3A_454 = arith.shli %parallel_loop3A_435, %parallel_loop3A_453 : vector<16xi32>
        %parallel_loop3A_455 = tpu.bitcast %parallel_loop3A_454 : vector<16xi32> -> vector<16xf32>
        %parallel_loop3A_456 = arith.constant -65536 : i32
        %parallel_loop3A_457 = vector.broadcast %parallel_loop3A_456 : i32 to vector<16xi32>
        %parallel_loop3A_458 = arith.andi %parallel_loop3A_435, %parallel_loop3A_457 : vector<16xi32>
        %parallel_loop3A_459 = tpu.bitcast %parallel_loop3A_458 : vector<16xi32> -> vector<16xf32>
        %parallel_loop3A_460 = vector.broadcast %parallel_loop3A_201 : f32 to vector<16xf32>
        %parallel_loop3A_461 = arith.mulf %parallel_loop3A_439, %parallel_loop3A_460 : vector<16xf32>
        %parallel_loop3A_462 = vector.broadcast %parallel_loop3A_211 : f32 to vector<16xf32>
        %parallel_loop3A_463 = arith.mulf %parallel_loop3A_447, %parallel_loop3A_462 : vector<16xf32>
        %parallel_loop3A_464 = arith.addf %parallel_loop3A_461, %parallel_loop3A_463 : vector<16xf32>
        %parallel_loop3A_465 = vector.broadcast %parallel_loop3A_221 : f32 to vector<16xf32>
        %parallel_loop3A_466 = arith.mulf %parallel_loop3A_455, %parallel_loop3A_465 : vector<16xf32>
        %parallel_loop3A_467 = arith.addf %parallel_loop3A_464, %parallel_loop3A_466 : vector<16xf32>
        %parallel_loop3A_468 = arith.index_cast %parallel_loop3A_193 : i32 to index
        %parallel_loop3A_469 = arith.constant 96 : index
        %parallel_loop3A_470 = tpu.vector_load %arg15[%parallel_loop3A_468, %parallel_loop3A_469] {strides = array<i32>} : memref<32x512xf32, #tpu.memory_space<vmem>>, vector<1x16xf32>,
        %parallel_loop3A_471 = vector.shape_cast %parallel_loop3A_470 : vector<1x16xf32> to vector<16xf32>
        %parallel_loop3A_472 = vector.shape_cast %parallel_loop3A_467 : vector<16xf32> to vector<1x16xf32>
        tpu.vector_store %arg15[%parallel_loop3A_468, %parallel_loop3A_469], %parallel_loop3A_472 {strides = array<i32>} : memref<32x512xf32, #tpu.memory_space<vmem>>, vector<1x16xf32>,
        %parallel_loop3A_473 = vector.broadcast %parallel_loop3A_201 : f32 to vector<16xf32>
        %parallel_loop3A_474 = arith.mulf %parallel_loop3A_443, %parallel_loop3A_473 : vector<16xf32>
        %parallel_loop3A_475 = vector.broadcast %parallel_loop3A_211 : f32 to vector<16xf32>
        %parallel_loop3A_476 = arith.mulf %parallel_loop3A_451, %parallel_loop3A_475 : vector<16xf32>
        %parallel_loop3A_477 = arith.addf %parallel_loop3A_474, %parallel_loop3A_476 : vector<16xf32>
        %parallel_loop3A_478 = vector.broadcast %parallel_loop3A_221 : f32 to vector<16xf32>
        %parallel_loop3A_479 = arith.mulf %parallel_loop3A_459, %parallel_loop3A_478 : vector<16xf32>
        %parallel_loop3A_480 = arith.addf %parallel_loop3A_477, %parallel_loop3A_479 : vector<16xf32>
        %parallel_loop3A_481 = arith.index_cast %parallel_loop3A_193 : i32 to index
        %parallel_loop3A_482 = arith.constant 112 : index
        %parallel_loop3A_483 = tpu.vector_load %arg15[%parallel_loop3A_481, %parallel_loop3A_482] {strides = array<i32>} : memref<32x512xf32, #tpu.memory_space<vmem>>, vector<1x16xf32>,
        %parallel_loop3A_484 = vector.shape_cast %parallel_loop3A_483 : vector<1x16xf32> to vector<16xf32>
        %parallel_loop3A_485 = vector.shape_cast %parallel_loop3A_480 : vector<16xf32> to vector<1x16xf32>
        tpu.vector_store %arg15[%parallel_loop3A_481, %parallel_loop3A_482], %parallel_loop3A_485 {strides = array<i32>} : memref<32x512xf32, #tpu.memory_space<vmem>>, vector<1x16xf32>,
        %parallel_loop3A_486 = arith.index_cast %parallel_loop3A_193 : i32 to index
        %parallel_loop3A_487 = arith.constant 64 : index
        %parallel_loop3A_488 = tpu.vector_load %arg13[%parallel_loop3A_486, %parallel_loop3A_487] {strides = array<i32>} : memref<96x256xi32, #tpu.memory_space<vmem>>, vector<1x16xi32>,
        %parallel_loop3A_489 = vector.shape_cast %parallel_loop3A_488 : vector<1x16xi32> to vector<16xi32>
        %parallel_loop3A_490 = arith.constant 32 : i32
        %parallel_loop3A_491 = arith.addi %parallel_loop3A_490, %parallel_loop3A_193 : i32
        %parallel_loop3A_492 = arith.index_cast %parallel_loop3A_491 : i32 to index
        %parallel_loop3A_493 = arith.constant 64 : index
        %parallel_loop3A_494 = tpu.vector_load %arg13[%parallel_loop3A_492, %parallel_loop3A_493] {strides = array<i32>} : memref<96x256xi32, #tpu.memory_space<vmem>>, vector<1x16xi32>,
        %parallel_loop3A_495 = vector.shape_cast %parallel_loop3A_494 : vector<1x16xi32> to vector<16xi32>
        %parallel_loop3A_496 = arith.constant 64 : i32
        %parallel_loop3A_497 = arith.addi %parallel_loop3A_496, %parallel_loop3A_193 : i32
        %parallel_loop3A_498 = arith.index_cast %parallel_loop3A_497 : i32 to index
        %parallel_loop3A_499 = arith.constant 64 : index
        %parallel_loop3A_500 = tpu.vector_load %arg13[%parallel_loop3A_498, %parallel_loop3A_499] {strides = array<i32>} : memref<96x256xi32, #tpu.memory_space<vmem>>, vector<1x16xi32>,
        %parallel_loop3A_501 = vector.shape_cast %parallel_loop3A_500 : vector<1x16xi32> to vector<16xi32>
        %parallel_loop3A_502 = arith.constant 16 : i32
        %parallel_loop3A_503 = vector.broadcast %parallel_loop3A_502 : i32 to vector<16xi32>
        %parallel_loop3A_504 = arith.shli %parallel_loop3A_489, %parallel_loop3A_503 : vector<16xi32>
        %parallel_loop3A_505 = tpu.bitcast %parallel_loop3A_504 : vector<16xi32> -> vector<16xf32>
        %parallel_loop3A_506 = arith.constant -65536 : i32
        %parallel_loop3A_507 = vector.broadcast %parallel_loop3A_506 : i32 to vector<16xi32>
        %parallel_loop3A_508 = arith.andi %parallel_loop3A_489, %parallel_loop3A_507 : vector<16xi32>
        %parallel_loop3A_509 = tpu.bitcast %parallel_loop3A_508 : vector<16xi32> -> vector<16xf32>
        %parallel_loop3A_510 = arith.constant 16 : i32
        %parallel_loop3A_511 = vector.broadcast %parallel_loop3A_510 : i32 to vector<16xi32>
        %parallel_loop3A_512 = arith.shli %parallel_loop3A_495, %parallel_loop3A_511 : vector<16xi32>
        %parallel_loop3A_513 = tpu.bitcast %parallel_loop3A_512 : vector<16xi32> -> vector<16xf32>
        %parallel_loop3A_514 = arith.constant -65536 : i32
        %parallel_loop3A_515 = vector.broadcast %parallel_loop3A_514 : i32 to vector<16xi32>
        %parallel_loop3A_516 = arith.andi %parallel_loop3A_495, %parallel_loop3A_515 : vector<16xi32>
        %parallel_loop3A_517 = tpu.bitcast %parallel_loop3A_516 : vector<16xi32> -> vector<16xf32>
        %parallel_loop3A_518 = arith.constant 16 : i32
        %parallel_loop3A_519 = vector.broadcast %parallel_loop3A_518 : i32 to vector<16xi32>
        %parallel_loop3A_520 = arith.shli %parallel_loop3A_501, %parallel_loop3A_519 : vector<16xi32>
        %parallel_loop3A_521 = tpu.bitcast %parallel_loop3A_520 : vector<16xi32> -> vector<16xf32>
        %parallel_loop3A_522 = arith.constant -65536 : i32
        %parallel_loop3A_523 = vector.broadcast %parallel_loop3A_522 : i32 to vector<16xi32>
        %parallel_loop3A_524 = arith.andi %parallel_loop3A_501, %parallel_loop3A_523 : vector<16xi32>
        %parallel_loop3A_525 = tpu.bitcast %parallel_loop3A_524 : vector<16xi32> -> vector<16xf32>
        %parallel_loop3A_526 = vector.broadcast %parallel_loop3A_201 : f32 to vector<16xf32>
        %parallel_loop3A_527 = arith.mulf %parallel_loop3A_505, %parallel_loop3A_526 : vector<16xf32>
        %parallel_loop3A_528 = vector.broadcast %parallel_loop3A_211 : f32 to vector<16xf32>
        %parallel_loop3A_529 = arith.mulf %parallel_loop3A_513, %parallel_loop3A_528 : vector<16xf32>
        %parallel_loop3A_530 = arith.addf %parallel_loop3A_527, %parallel_loop3A_529 : vector<16xf32>
        %parallel_loop3A_531 = vector.broadcast %parallel_loop3A_221 : f32 to vector<16xf32>
        %parallel_loop3A_532 = arith.mulf %parallel_loop3A_521, %parallel_loop3A_531 : vector<16xf32>
        %parallel_loop3A_533 = arith.addf %parallel_loop3A_530, %parallel_loop3A_532 : vector<16xf32>
        %parallel_loop3A_534 = arith.index_cast %parallel_loop3A_193 : i32 to index
        %parallel_loop3A_535 = arith.constant 128 : index
        %parallel_loop3A_536 = tpu.vector_load %arg15[%parallel_loop3A_534, %parallel_loop3A_535] {strides = array<i32>} : memref<32x512xf32, #tpu.memory_space<vmem>>, vector<1x16xf32>,
        %parallel_loop3A_537 = vector.shape_cast %parallel_loop3A_536 : vector<1x16xf32> to vector<16xf32>
        %parallel_loop3A_538 = vector.shape_cast %parallel_loop3A_533 : vector<16xf32> to vector<1x16xf32>
        tpu.vector_store %arg15[%parallel_loop3A_534, %parallel_loop3A_535], %parallel_loop3A_538 {strides = array<i32>} : memref<32x512xf32, #tpu.memory_space<vmem>>, vector<1x16xf32>,
        %parallel_loop3A_539 = vector.broadcast %parallel_loop3A_201 : f32 to vector<16xf32>
        %parallel_loop3A_540 = arith.mulf %parallel_loop3A_509, %parallel_loop3A_539 : vector<16xf32>
        %parallel_loop3A_541 = vector.broadcast %parallel_loop3A_211 : f32 to vector<16xf32>
        %parallel_loop3A_542 = arith.mulf %parallel_loop3A_517, %parallel_loop3A_541 : vector<16xf32>
        %parallel_loop3A_543 = arith.addf %parallel_loop3A_540, %parallel_loop3A_542 : vector<16xf32>
        %parallel_loop3A_544 = vector.broadcast %parallel_loop3A_221 : f32 to vector<16xf32>
        %parallel_loop3A_545 = arith.mulf %parallel_loop3A_525, %parallel_loop3A_544 : vector<16xf32>
        %parallel_loop3A_546 = arith.addf %parallel_loop3A_543, %parallel_loop3A_545 : vector<16xf32>
        %parallel_loop3A_547 = arith.index_cast %parallel_loop3A_193 : i32 to index
        %parallel_loop3A_548 = arith.constant 144 : index
        %parallel_loop3A_549 = tpu.vector_load %arg15[%parallel_loop3A_547, %parallel_loop3A_548] {strides = array<i32>} : memref<32x512xf32, #tpu.memory_space<vmem>>, vector<1x16xf32>,
        %parallel_loop3A_550 = vector.shape_cast %parallel_loop3A_549 : vector<1x16xf32> to vector<16xf32>
        %parallel_loop3A_551 = vector.shape_cast %parallel_loop3A_546 : vector<16xf32> to vector<1x16xf32>
        tpu.vector_store %arg15[%parallel_loop3A_547, %parallel_loop3A_548], %parallel_loop3A_551 {strides = array<i32>} : memref<32x512xf32, #tpu.memory_space<vmem>>, vector<1x16xf32>,
        %parallel_loop3A_552 = arith.index_cast %parallel_loop3A_193 : i32 to index
        %parallel_loop3A_553 = arith.constant 80 : index
        %parallel_loop3A_554 = tpu.vector_load %arg13[%parallel_loop3A_552, %parallel_loop3A_553] {strides = array<i32>} : memref<96x256xi32, #tpu.memory_space<vmem>>, vector<1x16xi32>,
        %parallel_loop3A_555 = vector.shape_cast %parallel_loop3A_554 : vector<1x16xi32> to vector<16xi32>
        %parallel_loop3A_556 = arith.constant 32 : i32
        %parallel_loop3A_557 = arith.addi %parallel_loop3A_556, %parallel_loop3A_193 : i32
        %parallel_loop3A_558 = arith.index_cast %parallel_loop3A_557 : i32 to index
        %parallel_loop3A_559 = arith.constant 80 : index
        %parallel_loop3A_560 = tpu.vector_load %arg13[%parallel_loop3A_558, %parallel_loop3A_559] {strides = array<i32>} : memref<96x256xi32, #tpu.memory_space<vmem>>, vector<1x16xi32>,
        %parallel_loop3A_561 = vector.shape_cast %parallel_loop3A_560 : vector<1x16xi32> to vector<16xi32>
        %parallel_loop3A_562 = arith.constant 64 : i32
        %parallel_loop3A_563 = arith.addi %parallel_loop3A_562, %parallel_loop3A_193 : i32
        %parallel_loop3A_564 = arith.index_cast %parallel_loop3A_563 : i32 to index
        %parallel_loop3A_565 = arith.constant 80 : index
        %parallel_loop3A_566 = tpu.vector_load %arg13[%parallel_loop3A_564, %parallel_loop3A_565] {strides = array<i32>} : memref<96x256xi32, #tpu.memory_space<vmem>>, vector<1x16xi32>,
        %parallel_loop3A_567 = vector.shape_cast %parallel_loop3A_566 : vector<1x16xi32> to vector<16xi32>
        %parallel_loop3A_568 = arith.constant 16 : i32
        %parallel_loop3A_569 = vector.broadcast %parallel_loop3A_568 : i32 to vector<16xi32>
        %parallel_loop3A_570 = arith.shli %parallel_loop3A_555, %parallel_loop3A_569 : vector<16xi32>
        %parallel_loop3A_571 = tpu.bitcast %parallel_loop3A_570 : vector<16xi32> -> vector<16xf32>
        %parallel_loop3A_572 = arith.constant -65536 : i32
        %parallel_loop3A_573 = vector.broadcast %parallel_loop3A_572 : i32 to vector<16xi32>
        %parallel_loop3A_574 = arith.andi %parallel_loop3A_555, %parallel_loop3A_573 : vector<16xi32>
        %parallel_loop3A_575 = tpu.bitcast %parallel_loop3A_574 : vector<16xi32> -> vector<16xf32>
        %parallel_loop3A_576 = arith.constant 16 : i32
        %parallel_loop3A_577 = vector.broadcast %parallel_loop3A_576 : i32 to vector<16xi32>
        %parallel_loop3A_578 = arith.shli %parallel_loop3A_561, %parallel_loop3A_577 : vector<16xi32>
        %parallel_loop3A_579 = tpu.bitcast %parallel_loop3A_578 : vector<16xi32> -> vector<16xf32>
        %parallel_loop3A_580 = arith.constant -65536 : i32
        %parallel_loop3A_581 = vector.broadcast %parallel_loop3A_580 : i32 to vector<16xi32>
        %parallel_loop3A_582 = arith.andi %parallel_loop3A_561, %parallel_loop3A_581 : vector<16xi32>
        %parallel_loop3A_583 = tpu.bitcast %parallel_loop3A_582 : vector<16xi32> -> vector<16xf32>
        %parallel_loop3A_584 = arith.constant 16 : i32
        %parallel_loop3A_585 = vector.broadcast %parallel_loop3A_584 : i32 to vector<16xi32>
        %parallel_loop3A_586 = arith.shli %parallel_loop3A_567, %parallel_loop3A_585 : vector<16xi32>
        %parallel_loop3A_587 = tpu.bitcast %parallel_loop3A_586 : vector<16xi32> -> vector<16xf32>
        %parallel_loop3A_588 = arith.constant -65536 : i32
        %parallel_loop3A_589 = vector.broadcast %parallel_loop3A_588 : i32 to vector<16xi32>
        %parallel_loop3A_590 = arith.andi %parallel_loop3A_567, %parallel_loop3A_589 : vector<16xi32>
        %parallel_loop3A_591 = tpu.bitcast %parallel_loop3A_590 : vector<16xi32> -> vector<16xf32>
        %parallel_loop3A_592 = vector.broadcast %parallel_loop3A_201 : f32 to vector<16xf32>
        %parallel_loop3A_593 = arith.mulf %parallel_loop3A_571, %parallel_loop3A_592 : vector<16xf32>
        %parallel_loop3A_594 = vector.broadcast %parallel_loop3A_211 : f32 to vector<16xf32>
        %parallel_loop3A_595 = arith.mulf %parallel_loop3A_579, %parallel_loop3A_594 : vector<16xf32>
        %parallel_loop3A_596 = arith.addf %parallel_loop3A_593, %parallel_loop3A_595 : vector<16xf32>
        %parallel_loop3A_597 = vector.broadcast %parallel_loop3A_221 : f32 to vector<16xf32>
        %parallel_loop3A_598 = arith.mulf %parallel_loop3A_587, %parallel_loop3A_597 : vector<16xf32>
        %parallel_loop3A_599 = arith.addf %parallel_loop3A_596, %parallel_loop3A_598 : vector<16xf32>
        %parallel_loop3A_600 = arith.index_cast %parallel_loop3A_193 : i32 to index
        %parallel_loop3A_601 = arith.constant 160 : index
        %parallel_loop3A_602 = tpu.vector_load %arg15[%parallel_loop3A_600, %parallel_loop3A_601] {strides = array<i32>} : memref<32x512xf32, #tpu.memory_space<vmem>>, vector<1x16xf32>,
        %parallel_loop3A_603 = vector.shape_cast %parallel_loop3A_602 : vector<1x16xf32> to vector<16xf32>
        %parallel_loop3A_604 = vector.shape_cast %parallel_loop3A_599 : vector<16xf32> to vector<1x16xf32>
        tpu.vector_store %arg15[%parallel_loop3A_600, %parallel_loop3A_601], %parallel_loop3A_604 {strides = array<i32>} : memref<32x512xf32, #tpu.memory_space<vmem>>, vector<1x16xf32>,
        %parallel_loop3A_605 = vector.broadcast %parallel_loop3A_201 : f32 to vector<16xf32>
        %parallel_loop3A_606 = arith.mulf %parallel_loop3A_575, %parallel_loop3A_605 : vector<16xf32>
        %parallel_loop3A_607 = vector.broadcast %parallel_loop3A_211 : f32 to vector<16xf32>
        %parallel_loop3A_608 = arith.mulf %parallel_loop3A_583, %parallel_loop3A_607 : vector<16xf32>
        %parallel_loop3A_609 = arith.addf %parallel_loop3A_606, %parallel_loop3A_608 : vector<16xf32>
        %parallel_loop3A_610 = vector.broadcast %parallel_loop3A_221 : f32 to vector<16xf32>
        %parallel_loop3A_611 = arith.mulf %parallel_loop3A_591, %parallel_loop3A_610 : vector<16xf32>
        %parallel_loop3A_612 = arith.addf %parallel_loop3A_609, %parallel_loop3A_611 : vector<16xf32>
        %parallel_loop3A_613 = arith.index_cast %parallel_loop3A_193 : i32 to index
        %parallel_loop3A_614 = arith.constant 176 : index
        %parallel_loop3A_615 = tpu.vector_load %arg15[%parallel_loop3A_613, %parallel_loop3A_614] {strides = array<i32>} : memref<32x512xf32, #tpu.memory_space<vmem>>, vector<1x16xf32>,
        %parallel_loop3A_616 = vector.shape_cast %parallel_loop3A_615 : vector<1x16xf32> to vector<16xf32>
        %parallel_loop3A_617 = vector.shape_cast %parallel_loop3A_612 : vector<16xf32> to vector<1x16xf32>
        tpu.vector_store %arg15[%parallel_loop3A_613, %parallel_loop3A_614], %parallel_loop3A_617 {strides = array<i32>} : memref<32x512xf32, #tpu.memory_space<vmem>>, vector<1x16xf32>,
        %parallel_loop3A_618 = arith.index_cast %parallel_loop3A_193 : i32 to index
        %parallel_loop3A_619 = arith.constant 96 : index
        %parallel_loop3A_620 = tpu.vector_load %arg13[%parallel_loop3A_618, %parallel_loop3A_619] {strides = array<i32>} : memref<96x256xi32, #tpu.memory_space<vmem>>, vector<1x16xi32>,
        %parallel_loop3A_621 = vector.shape_cast %parallel_loop3A_620 : vector<1x16xi32> to vector<16xi32>
        %parallel_loop3A_622 = arith.constant 32 : i32
        %parallel_loop3A_623 = arith.addi %parallel_loop3A_622, %parallel_loop3A_193 : i32
        %parallel_loop3A_624 = arith.index_cast %parallel_loop3A_623 : i32 to index
        %parallel_loop3A_625 = arith.constant 96 : index
        %parallel_loop3A_626 = tpu.vector_load %arg13[%parallel_loop3A_624, %parallel_loop3A_625] {strides = array<i32>} : memref<96x256xi32, #tpu.memory_space<vmem>>, vector<1x16xi32>,
        %parallel_loop3A_627 = vector.shape_cast %parallel_loop3A_626 : vector<1x16xi32> to vector<16xi32>
        %parallel_loop3A_628 = arith.constant 64 : i32
        %parallel_loop3A_629 = arith.addi %parallel_loop3A_628, %parallel_loop3A_193 : i32
        %parallel_loop3A_630 = arith.index_cast %parallel_loop3A_629 : i32 to index
        %parallel_loop3A_631 = arith.constant 96 : index
        %parallel_loop3A_632 = tpu.vector_load %arg13[%parallel_loop3A_630, %parallel_loop3A_631] {strides = array<i32>} : memref<96x256xi32, #tpu.memory_space<vmem>>, vector<1x16xi32>,
        %parallel_loop3A_633 = vector.shape_cast %parallel_loop3A_632 : vector<1x16xi32> to vector<16xi32>
        %parallel_loop3A_634 = arith.constant 16 : i32
        %parallel_loop3A_635 = vector.broadcast %parallel_loop3A_634 : i32 to vector<16xi32>
        %parallel_loop3A_636 = arith.shli %parallel_loop3A_621, %parallel_loop3A_635 : vector<16xi32>
        %parallel_loop3A_637 = tpu.bitcast %parallel_loop3A_636 : vector<16xi32> -> vector<16xf32>
        %parallel_loop3A_638 = arith.constant -65536 : i32
        %parallel_loop3A_639 = vector.broadcast %parallel_loop3A_638 : i32 to vector<16xi32>
        %parallel_loop3A_640 = arith.andi %parallel_loop3A_621, %parallel_loop3A_639 : vector<16xi32>
        %parallel_loop3A_641 = tpu.bitcast %parallel_loop3A_640 : vector<16xi32> -> vector<16xf32>
        %parallel_loop3A_642 = arith.constant 16 : i32
        %parallel_loop3A_643 = vector.broadcast %parallel_loop3A_642 : i32 to vector<16xi32>
        %parallel_loop3A_644 = arith.shli %parallel_loop3A_627, %parallel_loop3A_643 : vector<16xi32>
        %parallel_loop3A_645 = tpu.bitcast %parallel_loop3A_644 : vector<16xi32> -> vector<16xf32>
        %parallel_loop3A_646 = arith.constant -65536 : i32
        %parallel_loop3A_647 = vector.broadcast %parallel_loop3A_646 : i32 to vector<16xi32>
        %parallel_loop3A_648 = arith.andi %parallel_loop3A_627, %parallel_loop3A_647 : vector<16xi32>
        %parallel_loop3A_649 = tpu.bitcast %parallel_loop3A_648 : vector<16xi32> -> vector<16xf32>
        %parallel_loop3A_650 = arith.constant 16 : i32
        %parallel_loop3A_651 = vector.broadcast %parallel_loop3A_650 : i32 to vector<16xi32>
        %parallel_loop3A_652 = arith.shli %parallel_loop3A_633, %parallel_loop3A_651 : vector<16xi32>
        %parallel_loop3A_653 = tpu.bitcast %parallel_loop3A_652 : vector<16xi32> -> vector<16xf32>
        %parallel_loop3A_654 = arith.constant -65536 : i32
        %parallel_loop3A_655 = vector.broadcast %parallel_loop3A_654 : i32 to vector<16xi32>
        %parallel_loop3A_656 = arith.andi %parallel_loop3A_633, %parallel_loop3A_655 : vector<16xi32>
        %parallel_loop3A_657 = tpu.bitcast %parallel_loop3A_656 : vector<16xi32> -> vector<16xf32>
        %parallel_loop3A_658 = vector.broadcast %parallel_loop3A_201 : f32 to vector<16xf32>
        %parallel_loop3A_659 = arith.mulf %parallel_loop3A_637, %parallel_loop3A_658 : vector<16xf32>
        %parallel_loop3A_660 = vector.broadcast %parallel_loop3A_211 : f32 to vector<16xf32>
        %parallel_loop3A_661 = arith.mulf %parallel_loop3A_645, %parallel_loop3A_660 : vector<16xf32>
        %parallel_loop3A_662 = arith.addf %parallel_loop3A_659, %parallel_loop3A_661 : vector<16xf32>
        %parallel_loop3A_663 = vector.broadcast %parallel_loop3A_221 : f32 to vector<16xf32>
        %parallel_loop3A_664 = arith.mulf %parallel_loop3A_653, %parallel_loop3A_663 : vector<16xf32>
        %parallel_loop3A_665 = arith.addf %parallel_loop3A_662, %parallel_loop3A_664 : vector<16xf32>
        %parallel_loop3A_666 = arith.index_cast %parallel_loop3A_193 : i32 to index
        %parallel_loop3A_667 = arith.constant 192 : index
        %parallel_loop3A_668 = tpu.vector_load %arg15[%parallel_loop3A_666, %parallel_loop3A_667] {strides = array<i32>} : memref<32x512xf32, #tpu.memory_space<vmem>>, vector<1x16xf32>,
        %parallel_loop3A_669 = vector.shape_cast %parallel_loop3A_668 : vector<1x16xf32> to vector<16xf32>
        %parallel_loop3A_670 = vector.shape_cast %parallel_loop3A_665 : vector<16xf32> to vector<1x16xf32>
        tpu.vector_store %arg15[%parallel_loop3A_666, %parallel_loop3A_667], %parallel_loop3A_670 {strides = array<i32>} : memref<32x512xf32, #tpu.memory_space<vmem>>, vector<1x16xf32>,
        %parallel_loop3A_671 = vector.broadcast %parallel_loop3A_201 : f32 to vector<16xf32>
        %parallel_loop3A_672 = arith.mulf %parallel_loop3A_641, %parallel_loop3A_671 : vector<16xf32>
        %parallel_loop3A_673 = vector.broadcast %parallel_loop3A_211 : f32 to vector<16xf32>
        %parallel_loop3A_674 = arith.mulf %parallel_loop3A_649, %parallel_loop3A_673 : vector<16xf32>
        %parallel_loop3A_675 = arith.addf %parallel_loop3A_672, %parallel_loop3A_674 : vector<16xf32>
        %parallel_loop3A_676 = vector.broadcast %parallel_loop3A_221 : f32 to vector<16xf32>
        %parallel_loop3A_677 = arith.mulf %parallel_loop3A_657, %parallel_loop3A_676 : vector<16xf32>
        %parallel_loop3A_678 = arith.addf %parallel_loop3A_675, %parallel_loop3A_677 : vector<16xf32>
        %parallel_loop3A_679 = arith.index_cast %parallel_loop3A_193 : i32 to index
        %parallel_loop3A_680 = arith.constant 208 : index
        %parallel_loop3A_681 = tpu.vector_load %arg15[%parallel_loop3A_679, %parallel_loop3A_680] {strides = array<i32>} : memref<32x512xf32, #tpu.memory_space<vmem>>, vector<1x16xf32>,
        %parallel_loop3A_682 = vector.shape_cast %parallel_loop3A_681 : vector<1x16xf32> to vector<16xf32>
        %parallel_loop3A_683 = vector.shape_cast %parallel_loop3A_678 : vector<16xf32> to vector<1x16xf32>
        tpu.vector_store %arg15[%parallel_loop3A_679, %parallel_loop3A_680], %parallel_loop3A_683 {strides = array<i32>} : memref<32x512xf32, #tpu.memory_space<vmem>>, vector<1x16xf32>,
        %parallel_loop3A_684 = arith.index_cast %parallel_loop3A_193 : i32 to index
        %parallel_loop3A_685 = arith.constant 112 : index
        %parallel_loop3A_686 = tpu.vector_load %arg13[%parallel_loop3A_684, %parallel_loop3A_685] {strides = array<i32>} : memref<96x256xi32, #tpu.memory_space<vmem>>, vector<1x16xi32>,
        %parallel_loop3A_687 = vector.shape_cast %parallel_loop3A_686 : vector<1x16xi32> to vector<16xi32>
        %parallel_loop3A_688 = arith.constant 32 : i32
        %parallel_loop3A_689 = arith.addi %parallel_loop3A_688, %parallel_loop3A_193 : i32
        %parallel_loop3A_690 = arith.index_cast %parallel_loop3A_689 : i32 to index
        %parallel_loop3A_691 = arith.constant 112 : index
        %parallel_loop3A_692 = tpu.vector_load %arg13[%parallel_loop3A_690, %parallel_loop3A_691] {strides = array<i32>} : memref<96x256xi32, #tpu.memory_space<vmem>>, vector<1x16xi32>,
        %parallel_loop3A_693 = vector.shape_cast %parallel_loop3A_692 : vector<1x16xi32> to vector<16xi32>
        %parallel_loop3A_694 = arith.constant 64 : i32
        %parallel_loop3A_695 = arith.addi %parallel_loop3A_694, %parallel_loop3A_193 : i32
        %parallel_loop3A_696 = arith.index_cast %parallel_loop3A_695 : i32 to index
        %parallel_loop3A_697 = arith.constant 112 : index
        %parallel_loop3A_698 = tpu.vector_load %arg13[%parallel_loop3A_696, %parallel_loop3A_697] {strides = array<i32>} : memref<96x256xi32, #tpu.memory_space<vmem>>, vector<1x16xi32>,
        %parallel_loop3A_699 = vector.shape_cast %parallel_loop3A_698 : vector<1x16xi32> to vector<16xi32>
        %parallel_loop3A_700 = arith.constant 16 : i32
        %parallel_loop3A_701 = vector.broadcast %parallel_loop3A_700 : i32 to vector<16xi32>
        %parallel_loop3A_702 = arith.shli %parallel_loop3A_687, %parallel_loop3A_701 : vector<16xi32>
        %parallel_loop3A_703 = tpu.bitcast %parallel_loop3A_702 : vector<16xi32> -> vector<16xf32>
        %parallel_loop3A_704 = arith.constant -65536 : i32
        %parallel_loop3A_705 = vector.broadcast %parallel_loop3A_704 : i32 to vector<16xi32>
        %parallel_loop3A_706 = arith.andi %parallel_loop3A_687, %parallel_loop3A_705 : vector<16xi32>
        %parallel_loop3A_707 = tpu.bitcast %parallel_loop3A_706 : vector<16xi32> -> vector<16xf32>
        %parallel_loop3A_708 = arith.constant 16 : i32
        %parallel_loop3A_709 = vector.broadcast %parallel_loop3A_708 : i32 to vector<16xi32>
        %parallel_loop3A_710 = arith.shli %parallel_loop3A_693, %parallel_loop3A_709 : vector<16xi32>
        %parallel_loop3A_711 = tpu.bitcast %parallel_loop3A_710 : vector<16xi32> -> vector<16xf32>
        %parallel_loop3A_712 = arith.constant -65536 : i32
        %parallel_loop3A_713 = vector.broadcast %parallel_loop3A_712 : i32 to vector<16xi32>
        %parallel_loop3A_714 = arith.andi %parallel_loop3A_693, %parallel_loop3A_713 : vector<16xi32>
        %parallel_loop3A_715 = tpu.bitcast %parallel_loop3A_714 : vector<16xi32> -> vector<16xf32>
        %parallel_loop3A_716 = arith.constant 16 : i32
        %parallel_loop3A_717 = vector.broadcast %parallel_loop3A_716 : i32 to vector<16xi32>
        %parallel_loop3A_718 = arith.shli %parallel_loop3A_699, %parallel_loop3A_717 : vector<16xi32>
        %parallel_loop3A_719 = tpu.bitcast %parallel_loop3A_718 : vector<16xi32> -> vector<16xf32>
        %parallel_loop3A_720 = arith.constant -65536 : i32
        %parallel_loop3A_721 = vector.broadcast %parallel_loop3A_720 : i32 to vector<16xi32>
        %parallel_loop3A_722 = arith.andi %parallel_loop3A_699, %parallel_loop3A_721 : vector<16xi32>
        %parallel_loop3A_723 = tpu.bitcast %parallel_loop3A_722 : vector<16xi32> -> vector<16xf32>
        %parallel_loop3A_724 = vector.broadcast %parallel_loop3A_201 : f32 to vector<16xf32>
        %parallel_loop3A_725 = arith.mulf %parallel_loop3A_703, %parallel_loop3A_724 : vector<16xf32>
        %parallel_loop3A_726 = vector.broadcast %parallel_loop3A_211 : f32 to vector<16xf32>
        %parallel_loop3A_727 = arith.mulf %parallel_loop3A_711, %parallel_loop3A_726 : vector<16xf32>
        %parallel_loop3A_728 = arith.addf %parallel_loop3A_725, %parallel_loop3A_727 : vector<16xf32>
        %parallel_loop3A_729 = vector.broadcast %parallel_loop3A_221 : f32 to vector<16xf32>
        %parallel_loop3A_730 = arith.mulf %parallel_loop3A_719, %parallel_loop3A_729 : vector<16xf32>
        %parallel_loop3A_731 = arith.addf %parallel_loop3A_728, %parallel_loop3A_730 : vector<16xf32>
        %parallel_loop3A_732 = arith.index_cast %parallel_loop3A_193 : i32 to index
        %parallel_loop3A_733 = arith.constant 224 : index
        %parallel_loop3A_734 = tpu.vector_load %arg15[%parallel_loop3A_732, %parallel_loop3A_733] {strides = array<i32>} : memref<32x512xf32, #tpu.memory_space<vmem>>, vector<1x16xf32>,
        %parallel_loop3A_735 = vector.shape_cast %parallel_loop3A_734 : vector<1x16xf32> to vector<16xf32>
        %parallel_loop3A_736 = vector.shape_cast %parallel_loop3A_731 : vector<16xf32> to vector<1x16xf32>
        tpu.vector_store %arg15[%parallel_loop3A_732, %parallel_loop3A_733], %parallel_loop3A_736 {strides = array<i32>} : memref<32x512xf32, #tpu.memory_space<vmem>>, vector<1x16xf32>,
        %parallel_loop3A_737 = vector.broadcast %parallel_loop3A_201 : f32 to vector<16xf32>
        %parallel_loop3A_738 = arith.mulf %parallel_loop3A_707, %parallel_loop3A_737 : vector<16xf32>
        %parallel_loop3A_739 = vector.broadcast %parallel_loop3A_211 : f32 to vector<16xf32>
        %parallel_loop3A_740 = arith.mulf %parallel_loop3A_715, %parallel_loop3A_739 : vector<16xf32>
        %parallel_loop3A_741 = arith.addf %parallel_loop3A_738, %parallel_loop3A_740 : vector<16xf32>
        %parallel_loop3A_742 = vector.broadcast %parallel_loop3A_221 : f32 to vector<16xf32>
        %parallel_loop3A_743 = arith.mulf %parallel_loop3A_723, %parallel_loop3A_742 : vector<16xf32>
        %parallel_loop3A_744 = arith.addf %parallel_loop3A_741, %parallel_loop3A_743 : vector<16xf32>
        %parallel_loop3A_745 = arith.index_cast %parallel_loop3A_193 : i32 to index
        %parallel_loop3A_746 = arith.constant 240 : index
        %parallel_loop3A_747 = tpu.vector_load %arg15[%parallel_loop3A_745, %parallel_loop3A_746] {strides = array<i32>} : memref<32x512xf32, #tpu.memory_space<vmem>>, vector<1x16xf32>,
        %parallel_loop3A_748 = vector.shape_cast %parallel_loop3A_747 : vector<1x16xf32> to vector<16xf32>
        %parallel_loop3A_749 = vector.shape_cast %parallel_loop3A_744 : vector<16xf32> to vector<1x16xf32>
        tpu.vector_store %arg15[%parallel_loop3A_745, %parallel_loop3A_746], %parallel_loop3A_749 {strides = array<i32>} : memref<32x512xf32, #tpu.memory_space<vmem>>, vector<1x16xf32>,
        %parallel_loop3A_750 = arith.index_cast %parallel_loop3A_193 : i32 to index
        %parallel_loop3A_751 = arith.constant 128 : index
        %parallel_loop3A_752 = tpu.vector_load %arg13[%parallel_loop3A_750, %parallel_loop3A_751] {strides = array<i32>} : memref<96x256xi32, #tpu.memory_space<vmem>>, vector<1x16xi32>,
        %parallel_loop3A_753 = vector.shape_cast %parallel_loop3A_752 : vector<1x16xi32> to vector<16xi32>
        %parallel_loop3A_754 = arith.constant 32 : i32
        %parallel_loop3A_755 = arith.addi %parallel_loop3A_754, %parallel_loop3A_193 : i32
        %parallel_loop3A_756 = arith.index_cast %parallel_loop3A_755 : i32 to index
        %parallel_loop3A_757 = arith.constant 128 : index
        %parallel_loop3A_758 = tpu.vector_load %arg13[%parallel_loop3A_756, %parallel_loop3A_757] {strides = array<i32>} : memref<96x256xi32, #tpu.memory_space<vmem>>, vector<1x16xi32>,
        %parallel_loop3A_759 = vector.shape_cast %parallel_loop3A_758 : vector<1x16xi32> to vector<16xi32>
        %parallel_loop3A_760 = arith.constant 64 : i32
        %parallel_loop3A_761 = arith.addi %parallel_loop3A_760, %parallel_loop3A_193 : i32
        %parallel_loop3A_762 = arith.index_cast %parallel_loop3A_761 : i32 to index
        %parallel_loop3A_763 = arith.constant 128 : index
        %parallel_loop3A_764 = tpu.vector_load %arg13[%parallel_loop3A_762, %parallel_loop3A_763] {strides = array<i32>} : memref<96x256xi32, #tpu.memory_space<vmem>>, vector<1x16xi32>,
        %parallel_loop3A_765 = vector.shape_cast %parallel_loop3A_764 : vector<1x16xi32> to vector<16xi32>
        %parallel_loop3A_766 = arith.constant 16 : i32
        %parallel_loop3A_767 = vector.broadcast %parallel_loop3A_766 : i32 to vector<16xi32>
        %parallel_loop3A_768 = arith.shli %parallel_loop3A_753, %parallel_loop3A_767 : vector<16xi32>
        %parallel_loop3A_769 = tpu.bitcast %parallel_loop3A_768 : vector<16xi32> -> vector<16xf32>
        %parallel_loop3A_770 = arith.constant -65536 : i32
        %parallel_loop3A_771 = vector.broadcast %parallel_loop3A_770 : i32 to vector<16xi32>
        %parallel_loop3A_772 = arith.andi %parallel_loop3A_753, %parallel_loop3A_771 : vector<16xi32>
        %parallel_loop3A_773 = tpu.bitcast %parallel_loop3A_772 : vector<16xi32> -> vector<16xf32>
        %parallel_loop3A_774 = arith.constant 16 : i32
        %parallel_loop3A_775 = vector.broadcast %parallel_loop3A_774 : i32 to vector<16xi32>
        %parallel_loop3A_776 = arith.shli %parallel_loop3A_759, %parallel_loop3A_775 : vector<16xi32>
        %parallel_loop3A_777 = tpu.bitcast %parallel_loop3A_776 : vector<16xi32> -> vector<16xf32>
        %parallel_loop3A_778 = arith.constant -65536 : i32
        %parallel_loop3A_779 = vector.broadcast %parallel_loop3A_778 : i32 to vector<16xi32>
        %parallel_loop3A_780 = arith.andi %parallel_loop3A_759, %parallel_loop3A_779 : vector<16xi32>
        %parallel_loop3A_781 = tpu.bitcast %parallel_loop3A_780 : vector<16xi32> -> vector<16xf32>
        %parallel_loop3A_782 = arith.constant 16 : i32
        %parallel_loop3A_783 = vector.broadcast %parallel_loop3A_782 : i32 to vector<16xi32>
        %parallel_loop3A_784 = arith.shli %parallel_loop3A_765, %parallel_loop3A_783 : vector<16xi32>
        %parallel_loop3A_785 = tpu.bitcast %parallel_loop3A_784 : vector<16xi32> -> vector<16xf32>
        %parallel_loop3A_786 = arith.constant -65536 : i32
        %parallel_loop3A_787 = vector.broadcast %parallel_loop3A_786 : i32 to vector<16xi32>
        %parallel_loop3A_788 = arith.andi %parallel_loop3A_765, %parallel_loop3A_787 : vector<16xi32>
        %parallel_loop3A_789 = tpu.bitcast %parallel_loop3A_788 : vector<16xi32> -> vector<16xf32>
        %parallel_loop3A_790 = vector.broadcast %parallel_loop3A_201 : f32 to vector<16xf32>
        %parallel_loop3A_791 = arith.mulf %parallel_loop3A_769, %parallel_loop3A_790 : vector<16xf32>
        %parallel_loop3A_792 = vector.broadcast %parallel_loop3A_211 : f32 to vector<16xf32>
        %parallel_loop3A_793 = arith.mulf %parallel_loop3A_777, %parallel_loop3A_792 : vector<16xf32>
        %parallel_loop3A_794 = arith.addf %parallel_loop3A_791, %parallel_loop3A_793 : vector<16xf32>
        %parallel_loop3A_795 = vector.broadcast %parallel_loop3A_221 : f32 to vector<16xf32>
        %parallel_loop3A_796 = arith.mulf %parallel_loop3A_785, %parallel_loop3A_795 : vector<16xf32>
        %parallel_loop3A_797 = arith.addf %parallel_loop3A_794, %parallel_loop3A_796 : vector<16xf32>
        %parallel_loop3A_798 = arith.index_cast %parallel_loop3A_193 : i32 to index
        %parallel_loop3A_799 = arith.constant 256 : index
        %parallel_loop3A_800 = tpu.vector_load %arg15[%parallel_loop3A_798, %parallel_loop3A_799] {strides = array<i32>} : memref<32x512xf32, #tpu.memory_space<vmem>>, vector<1x16xf32>,
        %parallel_loop3A_801 = vector.shape_cast %parallel_loop3A_800 : vector<1x16xf32> to vector<16xf32>
        %parallel_loop3A_802 = vector.shape_cast %parallel_loop3A_797 : vector<16xf32> to vector<1x16xf32>
        tpu.vector_store %arg15[%parallel_loop3A_798, %parallel_loop3A_799], %parallel_loop3A_802 {strides = array<i32>} : memref<32x512xf32, #tpu.memory_space<vmem>>, vector<1x16xf32>,
        %parallel_loop3A_803 = vector.broadcast %parallel_loop3A_201 : f32 to vector<16xf32>
        %parallel_loop3A_804 = arith.mulf %parallel_loop3A_773, %parallel_loop3A_803 : vector<16xf32>
        %parallel_loop3A_805 = vector.broadcast %parallel_loop3A_211 : f32 to vector<16xf32>
        %parallel_loop3A_806 = arith.mulf %parallel_loop3A_781, %parallel_loop3A_805 : vector<16xf32>
        %parallel_loop3A_807 = arith.addf %parallel_loop3A_804, %parallel_loop3A_806 : vector<16xf32>
        %parallel_loop3A_808 = vector.broadcast %parallel_loop3A_221 : f32 to vector<16xf32>
        %parallel_loop3A_809 = arith.mulf %parallel_loop3A_789, %parallel_loop3A_808 : vector<16xf32>
        %parallel_loop3A_810 = arith.addf %parallel_loop3A_807, %parallel_loop3A_809 : vector<16xf32>
        %parallel_loop3A_811 = arith.index_cast %parallel_loop3A_193 : i32 to index
        %parallel_loop3A_812 = arith.constant 272 : index
        %parallel_loop3A_813 = tpu.vector_load %arg15[%parallel_loop3A_811, %parallel_loop3A_812] {strides = array<i32>} : memref<32x512xf32, #tpu.memory_space<vmem>>, vector<1x16xf32>,
        %parallel_loop3A_814 = vector.shape_cast %parallel_loop3A_813 : vector<1x16xf32> to vector<16xf32>
        %parallel_loop3A_815 = vector.shape_cast %parallel_loop3A_810 : vector<16xf32> to vector<1x16xf32>
        tpu.vector_store %arg15[%parallel_loop3A_811, %parallel_loop3A_812], %parallel_loop3A_815 {strides = array<i32>} : memref<32x512xf32, #tpu.memory_space<vmem>>, vector<1x16xf32>,
        %parallel_loop3A_816 = arith.index_cast %parallel_loop3A_193 : i32 to index
        %parallel_loop3A_817 = arith.constant 144 : index
        %parallel_loop3A_818 = tpu.vector_load %arg13[%parallel_loop3A_816, %parallel_loop3A_817] {strides = array<i32>} : memref<96x256xi32, #tpu.memory_space<vmem>>, vector<1x16xi32>,
        %parallel_loop3A_819 = vector.shape_cast %parallel_loop3A_818 : vector<1x16xi32> to vector<16xi32>
        %parallel_loop3A_820 = arith.constant 32 : i32
        %parallel_loop3A_821 = arith.addi %parallel_loop3A_820, %parallel_loop3A_193 : i32
        %parallel_loop3A_822 = arith.index_cast %parallel_loop3A_821 : i32 to index
        %parallel_loop3A_823 = arith.constant 144 : index
        %parallel_loop3A_824 = tpu.vector_load %arg13[%parallel_loop3A_822, %parallel_loop3A_823] {strides = array<i32>} : memref<96x256xi32, #tpu.memory_space<vmem>>, vector<1x16xi32>,
        %parallel_loop3A_825 = vector.shape_cast %parallel_loop3A_824 : vector<1x16xi32> to vector<16xi32>
        %parallel_loop3A_826 = arith.constant 64 : i32
        %parallel_loop3A_827 = arith.addi %parallel_loop3A_826, %parallel_loop3A_193 : i32
        %parallel_loop3A_828 = arith.index_cast %parallel_loop3A_827 : i32 to index
        %parallel_loop3A_829 = arith.constant 144 : index
        %parallel_loop3A_830 = tpu.vector_load %arg13[%parallel_loop3A_828, %parallel_loop3A_829] {strides = array<i32>} : memref<96x256xi32, #tpu.memory_space<vmem>>, vector<1x16xi32>,
        %parallel_loop3A_831 = vector.shape_cast %parallel_loop3A_830 : vector<1x16xi32> to vector<16xi32>
        %parallel_loop3A_832 = arith.constant 16 : i32
        %parallel_loop3A_833 = vector.broadcast %parallel_loop3A_832 : i32 to vector<16xi32>
        %parallel_loop3A_834 = arith.shli %parallel_loop3A_819, %parallel_loop3A_833 : vector<16xi32>
        %parallel_loop3A_835 = tpu.bitcast %parallel_loop3A_834 : vector<16xi32> -> vector<16xf32>
        %parallel_loop3A_836 = arith.constant -65536 : i32
        %parallel_loop3A_837 = vector.broadcast %parallel_loop3A_836 : i32 to vector<16xi32>
        %parallel_loop3A_838 = arith.andi %parallel_loop3A_819, %parallel_loop3A_837 : vector<16xi32>
        %parallel_loop3A_839 = tpu.bitcast %parallel_loop3A_838 : vector<16xi32> -> vector<16xf32>
        %parallel_loop3A_840 = arith.constant 16 : i32
        %parallel_loop3A_841 = vector.broadcast %parallel_loop3A_840 : i32 to vector<16xi32>
        %parallel_loop3A_842 = arith.shli %parallel_loop3A_825, %parallel_loop3A_841 : vector<16xi32>
        %parallel_loop3A_843 = tpu.bitcast %parallel_loop3A_842 : vector<16xi32> -> vector<16xf32>
        %parallel_loop3A_844 = arith.constant -65536 : i32
        %parallel_loop3A_845 = vector.broadcast %parallel_loop3A_844 : i32 to vector<16xi32>
        %parallel_loop3A_846 = arith.andi %parallel_loop3A_825, %parallel_loop3A_845 : vector<16xi32>
        %parallel_loop3A_847 = tpu.bitcast %parallel_loop3A_846 : vector<16xi32> -> vector<16xf32>
        %parallel_loop3A_848 = arith.constant 16 : i32
        %parallel_loop3A_849 = vector.broadcast %parallel_loop3A_848 : i32 to vector<16xi32>
        %parallel_loop3A_850 = arith.shli %parallel_loop3A_831, %parallel_loop3A_849 : vector<16xi32>
        %parallel_loop3A_851 = tpu.bitcast %parallel_loop3A_850 : vector<16xi32> -> vector<16xf32>
        %parallel_loop3A_852 = arith.constant -65536 : i32
        %parallel_loop3A_853 = vector.broadcast %parallel_loop3A_852 : i32 to vector<16xi32>
        %parallel_loop3A_854 = arith.andi %parallel_loop3A_831, %parallel_loop3A_853 : vector<16xi32>
        %parallel_loop3A_855 = tpu.bitcast %parallel_loop3A_854 : vector<16xi32> -> vector<16xf32>
        %parallel_loop3A_856 = vector.broadcast %parallel_loop3A_201 : f32 to vector<16xf32>
        %parallel_loop3A_857 = arith.mulf %parallel_loop3A_835, %parallel_loop3A_856 : vector<16xf32>
        %parallel_loop3A_858 = vector.broadcast %parallel_loop3A_211 : f32 to vector<16xf32>
        %parallel_loop3A_859 = arith.mulf %parallel_loop3A_843, %parallel_loop3A_858 : vector<16xf32>
        %parallel_loop3A_860 = arith.addf %parallel_loop3A_857, %parallel_loop3A_859 : vector<16xf32>
        %parallel_loop3A_861 = vector.broadcast %parallel_loop3A_221 : f32 to vector<16xf32>
        %parallel_loop3A_862 = arith.mulf %parallel_loop3A_851, %parallel_loop3A_861 : vector<16xf32>
        %parallel_loop3A_863 = arith.addf %parallel_loop3A_860, %parallel_loop3A_862 : vector<16xf32>
        %parallel_loop3A_864 = arith.index_cast %parallel_loop3A_193 : i32 to index
        %parallel_loop3A_865 = arith.constant 288 : index
        %parallel_loop3A_866 = tpu.vector_load %arg15[%parallel_loop3A_864, %parallel_loop3A_865] {strides = array<i32>} : memref<32x512xf32, #tpu.memory_space<vmem>>, vector<1x16xf32>,
        %parallel_loop3A_867 = vector.shape_cast %parallel_loop3A_866 : vector<1x16xf32> to vector<16xf32>
        %parallel_loop3A_868 = vector.shape_cast %parallel_loop3A_863 : vector<16xf32> to vector<1x16xf32>
        tpu.vector_store %arg15[%parallel_loop3A_864, %parallel_loop3A_865], %parallel_loop3A_868 {strides = array<i32>} : memref<32x512xf32, #tpu.memory_space<vmem>>, vector<1x16xf32>,
        %parallel_loop3A_869 = vector.broadcast %parallel_loop3A_201 : f32 to vector<16xf32>
        %parallel_loop3A_870 = arith.mulf %parallel_loop3A_839, %parallel_loop3A_869 : vector<16xf32>
        %parallel_loop3A_871 = vector.broadcast %parallel_loop3A_211 : f32 to vector<16xf32>
        %parallel_loop3A_872 = arith.mulf %parallel_loop3A_847, %parallel_loop3A_871 : vector<16xf32>
        %parallel_loop3A_873 = arith.addf %parallel_loop3A_870, %parallel_loop3A_872 : vector<16xf32>
        %parallel_loop3A_874 = vector.broadcast %parallel_loop3A_221 : f32 to vector<16xf32>
        %parallel_loop3A_875 = arith.mulf %parallel_loop3A_855, %parallel_loop3A_874 : vector<16xf32>
        %parallel_loop3A_876 = arith.addf %parallel_loop3A_873, %parallel_loop3A_875 : vector<16xf32>
        %parallel_loop3A_877 = arith.index_cast %parallel_loop3A_193 : i32 to index
        %parallel_loop3A_878 = arith.constant 304 : index
        %parallel_loop3A_879 = tpu.vector_load %arg15[%parallel_loop3A_877, %parallel_loop3A_878] {strides = array<i32>} : memref<32x512xf32, #tpu.memory_space<vmem>>, vector<1x16xf32>,
        %parallel_loop3A_880 = vector.shape_cast %parallel_loop3A_879 : vector<1x16xf32> to vector<16xf32>
        %parallel_loop3A_881 = vector.shape_cast %parallel_loop3A_876 : vector<16xf32> to vector<1x16xf32>
        tpu.vector_store %arg15[%parallel_loop3A_877, %parallel_loop3A_878], %parallel_loop3A_881 {strides = array<i32>} : memref<32x512xf32, #tpu.memory_space<vmem>>, vector<1x16xf32>,
        %parallel_loop3A_882 = arith.index_cast %parallel_loop3A_193 : i32 to index
        %parallel_loop3A_883 = arith.constant 160 : index
        %parallel_loop3A_884 = tpu.vector_load %arg13[%parallel_loop3A_882, %parallel_loop3A_883] {strides = array<i32>} : memref<96x256xi32, #tpu.memory_space<vmem>>, vector<1x16xi32>,
        %parallel_loop3A_885 = vector.shape_cast %parallel_loop3A_884 : vector<1x16xi32> to vector<16xi32>
        %parallel_loop3A_886 = arith.constant 32 : i32
        %parallel_loop3A_887 = arith.addi %parallel_loop3A_886, %parallel_loop3A_193 : i32
        %parallel_loop3A_888 = arith.index_cast %parallel_loop3A_887 : i32 to index
        %parallel_loop3A_889 = arith.constant 160 : index
        %parallel_loop3A_890 = tpu.vector_load %arg13[%parallel_loop3A_888, %parallel_loop3A_889] {strides = array<i32>} : memref<96x256xi32, #tpu.memory_space<vmem>>, vector<1x16xi32>,
        %parallel_loop3A_891 = vector.shape_cast %parallel_loop3A_890 : vector<1x16xi32> to vector<16xi32>
        %parallel_loop3A_892 = arith.constant 64 : i32
        %parallel_loop3A_893 = arith.addi %parallel_loop3A_892, %parallel_loop3A_193 : i32
        %parallel_loop3A_894 = arith.index_cast %parallel_loop3A_893 : i32 to index
        %parallel_loop3A_895 = arith.constant 160 : index
        %parallel_loop3A_896 = tpu.vector_load %arg13[%parallel_loop3A_894, %parallel_loop3A_895] {strides = array<i32>} : memref<96x256xi32, #tpu.memory_space<vmem>>, vector<1x16xi32>,
        %parallel_loop3A_897 = vector.shape_cast %parallel_loop3A_896 : vector<1x16xi32> to vector<16xi32>
        %parallel_loop3A_898 = arith.constant 16 : i32
        %parallel_loop3A_899 = vector.broadcast %parallel_loop3A_898 : i32 to vector<16xi32>
        %parallel_loop3A_900 = arith.shli %parallel_loop3A_885, %parallel_loop3A_899 : vector<16xi32>
        %parallel_loop3A_901 = tpu.bitcast %parallel_loop3A_900 : vector<16xi32> -> vector<16xf32>
        %parallel_loop3A_902 = arith.constant -65536 : i32
        %parallel_loop3A_903 = vector.broadcast %parallel_loop3A_902 : i32 to vector<16xi32>
        %parallel_loop3A_904 = arith.andi %parallel_loop3A_885, %parallel_loop3A_903 : vector<16xi32>
        %parallel_loop3A_905 = tpu.bitcast %parallel_loop3A_904 : vector<16xi32> -> vector<16xf32>
        %parallel_loop3A_906 = arith.constant 16 : i32
        %parallel_loop3A_907 = vector.broadcast %parallel_loop3A_906 : i32 to vector<16xi32>
        %parallel_loop3A_908 = arith.shli %parallel_loop3A_891, %parallel_loop3A_907 : vector<16xi32>
        %parallel_loop3A_909 = tpu.bitcast %parallel_loop3A_908 : vector<16xi32> -> vector<16xf32>
        %parallel_loop3A_910 = arith.constant -65536 : i32
        %parallel_loop3A_911 = vector.broadcast %parallel_loop3A_910 : i32 to vector<16xi32>
        %parallel_loop3A_912 = arith.andi %parallel_loop3A_891, %parallel_loop3A_911 : vector<16xi32>
        %parallel_loop3A_913 = tpu.bitcast %parallel_loop3A_912 : vector<16xi32> -> vector<16xf32>
        %parallel_loop3A_914 = arith.constant 16 : i32
        %parallel_loop3A_915 = vector.broadcast %parallel_loop3A_914 : i32 to vector<16xi32>
        %parallel_loop3A_916 = arith.shli %parallel_loop3A_897, %parallel_loop3A_915 : vector<16xi32>
        %parallel_loop3A_917 = tpu.bitcast %parallel_loop3A_916 : vector<16xi32> -> vector<16xf32>
        %parallel_loop3A_918 = arith.constant -65536 : i32
        %parallel_loop3A_919 = vector.broadcast %parallel_loop3A_918 : i32 to vector<16xi32>
        %parallel_loop3A_920 = arith.andi %parallel_loop3A_897, %parallel_loop3A_919 : vector<16xi32>
        %parallel_loop3A_921 = tpu.bitcast %parallel_loop3A_920 : vector<16xi32> -> vector<16xf32>
        %parallel_loop3A_922 = vector.broadcast %parallel_loop3A_201 : f32 to vector<16xf32>
        %parallel_loop3A_923 = arith.mulf %parallel_loop3A_901, %parallel_loop3A_922 : vector<16xf32>
        %parallel_loop3A_924 = vector.broadcast %parallel_loop3A_211 : f32 to vector<16xf32>
        %parallel_loop3A_925 = arith.mulf %parallel_loop3A_909, %parallel_loop3A_924 : vector<16xf32>
        %parallel_loop3A_926 = arith.addf %parallel_loop3A_923, %parallel_loop3A_925 : vector<16xf32>
        %parallel_loop3A_927 = vector.broadcast %parallel_loop3A_221 : f32 to vector<16xf32>
        %parallel_loop3A_928 = arith.mulf %parallel_loop3A_917, %parallel_loop3A_927 : vector<16xf32>
        %parallel_loop3A_929 = arith.addf %parallel_loop3A_926, %parallel_loop3A_928 : vector<16xf32>
        %parallel_loop3A_930 = arith.index_cast %parallel_loop3A_193 : i32 to index
        %parallel_loop3A_931 = arith.constant 320 : index
        %parallel_loop3A_932 = tpu.vector_load %arg15[%parallel_loop3A_930, %parallel_loop3A_931] {strides = array<i32>} : memref<32x512xf32, #tpu.memory_space<vmem>>, vector<1x16xf32>,
        %parallel_loop3A_933 = vector.shape_cast %parallel_loop3A_932 : vector<1x16xf32> to vector<16xf32>
        %parallel_loop3A_934 = vector.shape_cast %parallel_loop3A_929 : vector<16xf32> to vector<1x16xf32>
        tpu.vector_store %arg15[%parallel_loop3A_930, %parallel_loop3A_931], %parallel_loop3A_934 {strides = array<i32>} : memref<32x512xf32, #tpu.memory_space<vmem>>, vector<1x16xf32>,
        %parallel_loop3A_935 = vector.broadcast %parallel_loop3A_201 : f32 to vector<16xf32>
        %parallel_loop3A_936 = arith.mulf %parallel_loop3A_905, %parallel_loop3A_935 : vector<16xf32>
        %parallel_loop3A_937 = vector.broadcast %parallel_loop3A_211 : f32 to vector<16xf32>
        %parallel_loop3A_938 = arith.mulf %parallel_loop3A_913, %parallel_loop3A_937 : vector<16xf32>
        %parallel_loop3A_939 = arith.addf %parallel_loop3A_936, %parallel_loop3A_938 : vector<16xf32>
        %parallel_loop3A_940 = vector.broadcast %parallel_loop3A_221 : f32 to vector<16xf32>
        %parallel_loop3A_941 = arith.mulf %parallel_loop3A_921, %parallel_loop3A_940 : vector<16xf32>
        %parallel_loop3A_942 = arith.addf %parallel_loop3A_939, %parallel_loop3A_941 : vector<16xf32>
        %parallel_loop3A_943 = arith.index_cast %parallel_loop3A_193 : i32 to index
        %parallel_loop3A_944 = arith.constant 336 : index
        %parallel_loop3A_945 = tpu.vector_load %arg15[%parallel_loop3A_943, %parallel_loop3A_944] {strides = array<i32>} : memref<32x512xf32, #tpu.memory_space<vmem>>, vector<1x16xf32>,
        %parallel_loop3A_946 = vector.shape_cast %parallel_loop3A_945 : vector<1x16xf32> to vector<16xf32>
        %parallel_loop3A_947 = vector.shape_cast %parallel_loop3A_942 : vector<16xf32> to vector<1x16xf32>
        tpu.vector_store %arg15[%parallel_loop3A_943, %parallel_loop3A_944], %parallel_loop3A_947 {strides = array<i32>} : memref<32x512xf32, #tpu.memory_space<vmem>>, vector<1x16xf32>,
        %parallel_loop3A_948 = arith.index_cast %parallel_loop3A_193 : i32 to index
        %parallel_loop3A_949 = arith.constant 176 : index
        %parallel_loop3A_950 = tpu.vector_load %arg13[%parallel_loop3A_948, %parallel_loop3A_949] {strides = array<i32>} : memref<96x256xi32, #tpu.memory_space<vmem>>, vector<1x16xi32>,
        %parallel_loop3A_951 = vector.shape_cast %parallel_loop3A_950 : vector<1x16xi32> to vector<16xi32>
        %parallel_loop3A_952 = arith.constant 32 : i32
        %parallel_loop3A_953 = arith.addi %parallel_loop3A_952, %parallel_loop3A_193 : i32
        %parallel_loop3A_954 = arith.index_cast %parallel_loop3A_953 : i32 to index
        %parallel_loop3A_955 = arith.constant 176 : index
        %parallel_loop3A_956 = tpu.vector_load %arg13[%parallel_loop3A_954, %parallel_loop3A_955] {strides = array<i32>} : memref<96x256xi32, #tpu.memory_space<vmem>>, vector<1x16xi32>,
        %parallel_loop3A_957 = vector.shape_cast %parallel_loop3A_956 : vector<1x16xi32> to vector<16xi32>
        %parallel_loop3A_958 = arith.constant 64 : i32
        %parallel_loop3A_959 = arith.addi %parallel_loop3A_958, %parallel_loop3A_193 : i32
        %parallel_loop3A_960 = arith.index_cast %parallel_loop3A_959 : i32 to index
        %parallel_loop3A_961 = arith.constant 176 : index
        %parallel_loop3A_962 = tpu.vector_load %arg13[%parallel_loop3A_960, %parallel_loop3A_961] {strides = array<i32>} : memref<96x256xi32, #tpu.memory_space<vmem>>, vector<1x16xi32>,
        %parallel_loop3A_963 = vector.shape_cast %parallel_loop3A_962 : vector<1x16xi32> to vector<16xi32>
        %parallel_loop3A_964 = arith.constant 16 : i32
        %parallel_loop3A_965 = vector.broadcast %parallel_loop3A_964 : i32 to vector<16xi32>
        %parallel_loop3A_966 = arith.shli %parallel_loop3A_951, %parallel_loop3A_965 : vector<16xi32>
        %parallel_loop3A_967 = tpu.bitcast %parallel_loop3A_966 : vector<16xi32> -> vector<16xf32>
        %parallel_loop3A_968 = arith.constant -65536 : i32
        %parallel_loop3A_969 = vector.broadcast %parallel_loop3A_968 : i32 to vector<16xi32>
        %parallel_loop3A_970 = arith.andi %parallel_loop3A_951, %parallel_loop3A_969 : vector<16xi32>
        %parallel_loop3A_971 = tpu.bitcast %parallel_loop3A_970 : vector<16xi32> -> vector<16xf32>
        %parallel_loop3A_972 = arith.constant 16 : i32
        %parallel_loop3A_973 = vector.broadcast %parallel_loop3A_972 : i32 to vector<16xi32>
        %parallel_loop3A_974 = arith.shli %parallel_loop3A_957, %parallel_loop3A_973 : vector<16xi32>
        %parallel_loop3A_975 = tpu.bitcast %parallel_loop3A_974 : vector<16xi32> -> vector<16xf32>
        %parallel_loop3A_976 = arith.constant -65536 : i32
        %parallel_loop3A_977 = vector.broadcast %parallel_loop3A_976 : i32 to vector<16xi32>
        %parallel_loop3A_978 = arith.andi %parallel_loop3A_957, %parallel_loop3A_977 : vector<16xi32>
        %parallel_loop3A_979 = tpu.bitcast %parallel_loop3A_978 : vector<16xi32> -> vector<16xf32>
        %parallel_loop3A_980 = arith.constant 16 : i32
        %parallel_loop3A_981 = vector.broadcast %parallel_loop3A_980 : i32 to vector<16xi32>
        %parallel_loop3A_982 = arith.shli %parallel_loop3A_963, %parallel_loop3A_981 : vector<16xi32>
        %parallel_loop3A_983 = tpu.bitcast %parallel_loop3A_982 : vector<16xi32> -> vector<16xf32>
        %parallel_loop3A_984 = arith.constant -65536 : i32
        %parallel_loop3A_985 = vector.broadcast %parallel_loop3A_984 : i32 to vector<16xi32>
        %parallel_loop3A_986 = arith.andi %parallel_loop3A_963, %parallel_loop3A_985 : vector<16xi32>
        %parallel_loop3A_987 = tpu.bitcast %parallel_loop3A_986 : vector<16xi32> -> vector<16xf32>
        %parallel_loop3A_988 = vector.broadcast %parallel_loop3A_201 : f32 to vector<16xf32>
        %parallel_loop3A_989 = arith.mulf %parallel_loop3A_967, %parallel_loop3A_988 : vector<16xf32>
        %parallel_loop3A_990 = vector.broadcast %parallel_loop3A_211 : f32 to vector<16xf32>
        %parallel_loop3A_991 = arith.mulf %parallel_loop3A_975, %parallel_loop3A_990 : vector<16xf32>
        %parallel_loop3A_992 = arith.addf %parallel_loop3A_989, %parallel_loop3A_991 : vector<16xf32>
        %parallel_loop3A_993 = vector.broadcast %parallel_loop3A_221 : f32 to vector<16xf32>
        %parallel_loop3A_994 = arith.mulf %parallel_loop3A_983, %parallel_loop3A_993 : vector<16xf32>
        %parallel_loop3A_995 = arith.addf %parallel_loop3A_992, %parallel_loop3A_994 : vector<16xf32>
        %parallel_loop3A_996 = arith.index_cast %parallel_loop3A_193 : i32 to index
        %parallel_loop3A_997 = arith.constant 352 : index
        %parallel_loop3A_998 = tpu.vector_load %arg15[%parallel_loop3A_996, %parallel_loop3A_997] {strides = array<i32>} : memref<32x512xf32, #tpu.memory_space<vmem>>, vector<1x16xf32>,
        %parallel_loop3A_999 = vector.shape_cast %parallel_loop3A_998 : vector<1x16xf32> to vector<16xf32>
        %parallel_loop3A_1000 = vector.shape_cast %parallel_loop3A_995 : vector<16xf32> to vector<1x16xf32>
        tpu.vector_store %arg15[%parallel_loop3A_996, %parallel_loop3A_997], %parallel_loop3A_1000 {strides = array<i32>} : memref<32x512xf32, #tpu.memory_space<vmem>>, vector<1x16xf32>,
        %parallel_loop3A_1001 = vector.broadcast %parallel_loop3A_201 : f32 to vector<16xf32>
        %parallel_loop3A_1002 = arith.mulf %parallel_loop3A_971, %parallel_loop3A_1001 : vector<16xf32>
        %parallel_loop3A_1003 = vector.broadcast %parallel_loop3A_211 : f32 to vector<16xf32>
        %parallel_loop3A_1004 = arith.mulf %parallel_loop3A_979, %parallel_loop3A_1003 : vector<16xf32>
        %parallel_loop3A_1005 = arith.addf %parallel_loop3A_1002, %parallel_loop3A_1004 : vector<16xf32>
        %parallel_loop3A_1006 = vector.broadcast %parallel_loop3A_221 : f32 to vector<16xf32>
        %parallel_loop3A_1007 = arith.mulf %parallel_loop3A_987, %parallel_loop3A_1006 : vector<16xf32>
        %parallel_loop3A_1008 = arith.addf %parallel_loop3A_1005, %parallel_loop3A_1007 : vector<16xf32>
        %parallel_loop3A_1009 = arith.index_cast %parallel_loop3A_193 : i32 to index
        %parallel_loop3A_1010 = arith.constant 368 : index
        %parallel_loop3A_1011 = tpu.vector_load %arg15[%parallel_loop3A_1009, %parallel_loop3A_1010] {strides = array<i32>} : memref<32x512xf32, #tpu.memory_space<vmem>>, vector<1x16xf32>,
        %parallel_loop3A_1012 = vector.shape_cast %parallel_loop3A_1011 : vector<1x16xf32> to vector<16xf32>
        %parallel_loop3A_1013 = vector.shape_cast %parallel_loop3A_1008 : vector<16xf32> to vector<1x16xf32>
        tpu.vector_store %arg15[%parallel_loop3A_1009, %parallel_loop3A_1010], %parallel_loop3A_1013 {strides = array<i32>} : memref<32x512xf32, #tpu.memory_space<vmem>>, vector<1x16xf32>,
        %parallel_loop3A_1014 = arith.index_cast %parallel_loop3A_193 : i32 to index
        %parallel_loop3A_1015 = arith.constant 192 : index
        %parallel_loop3A_1016 = tpu.vector_load %arg13[%parallel_loop3A_1014, %parallel_loop3A_1015] {strides = array<i32>} : memref<96x256xi32, #tpu.memory_space<vmem>>, vector<1x16xi32>,
        %parallel_loop3A_1017 = vector.shape_cast %parallel_loop3A_1016 : vector<1x16xi32> to vector<16xi32>
        %parallel_loop3A_1018 = arith.constant 32 : i32
        %parallel_loop3A_1019 = arith.addi %parallel_loop3A_1018, %parallel_loop3A_193 : i32
        %parallel_loop3A_1020 = arith.index_cast %parallel_loop3A_1019 : i32 to index
        %parallel_loop3A_1021 = arith.constant 192 : index
        %parallel_loop3A_1022 = tpu.vector_load %arg13[%parallel_loop3A_1020, %parallel_loop3A_1021] {strides = array<i32>} : memref<96x256xi32, #tpu.memory_space<vmem>>, vector<1x16xi32>,
        %parallel_loop3A_1023 = vector.shape_cast %parallel_loop3A_1022 : vector<1x16xi32> to vector<16xi32>
        %parallel_loop3A_1024 = arith.constant 64 : i32
        %parallel_loop3A_1025 = arith.addi %parallel_loop3A_1024, %parallel_loop3A_193 : i32
        %parallel_loop3A_1026 = arith.index_cast %parallel_loop3A_1025 : i32 to index
        %parallel_loop3A_1027 = arith.constant 192 : index
        %parallel_loop3A_1028 = tpu.vector_load %arg13[%parallel_loop3A_1026, %parallel_loop3A_1027] {strides = array<i32>} : memref<96x256xi32, #tpu.memory_space<vmem>>, vector<1x16xi32>,
        %parallel_loop3A_1029 = vector.shape_cast %parallel_loop3A_1028 : vector<1x16xi32> to vector<16xi32>
        %parallel_loop3A_1030 = arith.constant 16 : i32
        %parallel_loop3A_1031 = vector.broadcast %parallel_loop3A_1030 : i32 to vector<16xi32>
        %parallel_loop3A_1032 = arith.shli %parallel_loop3A_1017, %parallel_loop3A_1031 : vector<16xi32>
        %parallel_loop3A_1033 = tpu.bitcast %parallel_loop3A_1032 : vector<16xi32> -> vector<16xf32>
        %parallel_loop3A_1034 = arith.constant -65536 : i32
        %parallel_loop3A_1035 = vector.broadcast %parallel_loop3A_1034 : i32 to vector<16xi32>
        %parallel_loop3A_1036 = arith.andi %parallel_loop3A_1017, %parallel_loop3A_1035 : vector<16xi32>
        %parallel_loop3A_1037 = tpu.bitcast %parallel_loop3A_1036 : vector<16xi32> -> vector<16xf32>
        %parallel_loop3A_1038 = arith.constant 16 : i32
        %parallel_loop3A_1039 = vector.broadcast %parallel_loop3A_1038 : i32 to vector<16xi32>
        %parallel_loop3A_1040 = arith.shli %parallel_loop3A_1023, %parallel_loop3A_1039 : vector<16xi32>
        %parallel_loop3A_1041 = tpu.bitcast %parallel_loop3A_1040 : vector<16xi32> -> vector<16xf32>
        %parallel_loop3A_1042 = arith.constant -65536 : i32
        %parallel_loop3A_1043 = vector.broadcast %parallel_loop3A_1042 : i32 to vector<16xi32>
        %parallel_loop3A_1044 = arith.andi %parallel_loop3A_1023, %parallel_loop3A_1043 : vector<16xi32>
        %parallel_loop3A_1045 = tpu.bitcast %parallel_loop3A_1044 : vector<16xi32> -> vector<16xf32>
        %parallel_loop3A_1046 = arith.constant 16 : i32
        %parallel_loop3A_1047 = vector.broadcast %parallel_loop3A_1046 : i32 to vector<16xi32>
        %parallel_loop3A_1048 = arith.shli %parallel_loop3A_1029, %parallel_loop3A_1047 : vector<16xi32>
        %parallel_loop3A_1049 = tpu.bitcast %parallel_loop3A_1048 : vector<16xi32> -> vector<16xf32>
        %parallel_loop3A_1050 = arith.constant -65536 : i32
        %parallel_loop3A_1051 = vector.broadcast %parallel_loop3A_1050 : i32 to vector<16xi32>
        %parallel_loop3A_1052 = arith.andi %parallel_loop3A_1029, %parallel_loop3A_1051 : vector<16xi32>
        %parallel_loop3A_1053 = tpu.bitcast %parallel_loop3A_1052 : vector<16xi32> -> vector<16xf32>
        %parallel_loop3A_1054 = vector.broadcast %parallel_loop3A_201 : f32 to vector<16xf32>
        %parallel_loop3A_1055 = arith.mulf %parallel_loop3A_1033, %parallel_loop3A_1054 : vector<16xf32>
        %parallel_loop3A_1056 = vector.broadcast %parallel_loop3A_211 : f32 to vector<16xf32>
        %parallel_loop3A_1057 = arith.mulf %parallel_loop3A_1041, %parallel_loop3A_1056 : vector<16xf32>
        %parallel_loop3A_1058 = arith.addf %parallel_loop3A_1055, %parallel_loop3A_1057 : vector<16xf32>
        %parallel_loop3A_1059 = vector.broadcast %parallel_loop3A_221 : f32 to vector<16xf32>
        %parallel_loop3A_1060 = arith.mulf %parallel_loop3A_1049, %parallel_loop3A_1059 : vector<16xf32>
        %parallel_loop3A_1061 = arith.addf %parallel_loop3A_1058, %parallel_loop3A_1060 : vector<16xf32>
        %parallel_loop3A_1062 = arith.index_cast %parallel_loop3A_193 : i32 to index
        %parallel_loop3A_1063 = arith.constant 384 : index
        %parallel_loop3A_1064 = tpu.vector_load %arg15[%parallel_loop3A_1062, %parallel_loop3A_1063] {strides = array<i32>} : memref<32x512xf32, #tpu.memory_space<vmem>>, vector<1x16xf32>,
        %parallel_loop3A_1065 = vector.shape_cast %parallel_loop3A_1064 : vector<1x16xf32> to vector<16xf32>
        %parallel_loop3A_1066 = vector.shape_cast %parallel_loop3A_1061 : vector<16xf32> to vector<1x16xf32>
        tpu.vector_store %arg15[%parallel_loop3A_1062, %parallel_loop3A_1063], %parallel_loop3A_1066 {strides = array<i32>} : memref<32x512xf32, #tpu.memory_space<vmem>>, vector<1x16xf32>,
        %parallel_loop3A_1067 = vector.broadcast %parallel_loop3A_201 : f32 to vector<16xf32>
        %parallel_loop3A_1068 = arith.mulf %parallel_loop3A_1037, %parallel_loop3A_1067 : vector<16xf32>
        %parallel_loop3A_1069 = vector.broadcast %parallel_loop3A_211 : f32 to vector<16xf32>
        %parallel_loop3A_1070 = arith.mulf %parallel_loop3A_1045, %parallel_loop3A_1069 : vector<16xf32>
        %parallel_loop3A_1071 = arith.addf %parallel_loop3A_1068, %parallel_loop3A_1070 : vector<16xf32>
        %parallel_loop3A_1072 = vector.broadcast %parallel_loop3A_221 : f32 to vector<16xf32>
        %parallel_loop3A_1073 = arith.mulf %parallel_loop3A_1053, %parallel_loop3A_1072 : vector<16xf32>
        %parallel_loop3A_1074 = arith.addf %parallel_loop3A_1071, %parallel_loop3A_1073 : vector<16xf32>
        %parallel_loop3A_1075 = arith.index_cast %parallel_loop3A_193 : i32 to index
        %parallel_loop3A_1076 = arith.constant 400 : index
        %parallel_loop3A_1077 = tpu.vector_load %arg15[%parallel_loop3A_1075, %parallel_loop3A_1076] {strides = array<i32>} : memref<32x512xf32, #tpu.memory_space<vmem>>, vector<1x16xf32>,
        %parallel_loop3A_1078 = vector.shape_cast %parallel_loop3A_1077 : vector<1x16xf32> to vector<16xf32>
        %parallel_loop3A_1079 = vector.shape_cast %parallel_loop3A_1074 : vector<16xf32> to vector<1x16xf32>
        tpu.vector_store %arg15[%parallel_loop3A_1075, %parallel_loop3A_1076], %parallel_loop3A_1079 {strides = array<i32>} : memref<32x512xf32, #tpu.memory_space<vmem>>, vector<1x16xf32>,
        %parallel_loop3A_1080 = arith.index_cast %parallel_loop3A_193 : i32 to index
        %parallel_loop3A_1081 = arith.constant 208 : index
        %parallel_loop3A_1082 = tpu.vector_load %arg13[%parallel_loop3A_1080, %parallel_loop3A_1081] {strides = array<i32>} : memref<96x256xi32, #tpu.memory_space<vmem>>, vector<1x16xi32>,
        %parallel_loop3A_1083 = vector.shape_cast %parallel_loop3A_1082 : vector<1x16xi32> to vector<16xi32>
        %parallel_loop3A_1084 = arith.constant 32 : i32
        %parallel_loop3A_1085 = arith.addi %parallel_loop3A_1084, %parallel_loop3A_193 : i32
        %parallel_loop3A_1086 = arith.index_cast %parallel_loop3A_1085 : i32 to index
        %parallel_loop3A_1087 = arith.constant 208 : index
        %parallel_loop3A_1088 = tpu.vector_load %arg13[%parallel_loop3A_1086, %parallel_loop3A_1087] {strides = array<i32>} : memref<96x256xi32, #tpu.memory_space<vmem>>, vector<1x16xi32>,
        %parallel_loop3A_1089 = vector.shape_cast %parallel_loop3A_1088 : vector<1x16xi32> to vector<16xi32>
        %parallel_loop3A_1090 = arith.constant 64 : i32
        %parallel_loop3A_1091 = arith.addi %parallel_loop3A_1090, %parallel_loop3A_193 : i32
        %parallel_loop3A_1092 = arith.index_cast %parallel_loop3A_1091 : i32 to index
        %parallel_loop3A_1093 = arith.constant 208 : index
        %parallel_loop3A_1094 = tpu.vector_load %arg13[%parallel_loop3A_1092, %parallel_loop3A_1093] {strides = array<i32>} : memref<96x256xi32, #tpu.memory_space<vmem>>, vector<1x16xi32>,
        %parallel_loop3A_1095 = vector.shape_cast %parallel_loop3A_1094 : vector<1x16xi32> to vector<16xi32>
        %parallel_loop3A_1096 = arith.constant 16 : i32
        %parallel_loop3A_1097 = vector.broadcast %parallel_loop3A_1096 : i32 to vector<16xi32>
        %parallel_loop3A_1098 = arith.shli %parallel_loop3A_1083, %parallel_loop3A_1097 : vector<16xi32>
        %parallel_loop3A_1099 = tpu.bitcast %parallel_loop3A_1098 : vector<16xi32> -> vector<16xf32>
        %parallel_loop3A_1100 = arith.constant -65536 : i32
        %parallel_loop3A_1101 = vector.broadcast %parallel_loop3A_1100 : i32 to vector<16xi32>
        %parallel_loop3A_1102 = arith.andi %parallel_loop3A_1083, %parallel_loop3A_1101 : vector<16xi32>
        %parallel_loop3A_1103 = tpu.bitcast %parallel_loop3A_1102 : vector<16xi32> -> vector<16xf32>
        %parallel_loop3A_1104 = arith.constant 16 : i32
        %parallel_loop3A_1105 = vector.broadcast %parallel_loop3A_1104 : i32 to vector<16xi32>
        %parallel_loop3A_1106 = arith.shli %parallel_loop3A_1089, %parallel_loop3A_1105 : vector<16xi32>
        %parallel_loop3A_1107 = tpu.bitcast %parallel_loop3A_1106 : vector<16xi32> -> vector<16xf32>
        %parallel_loop3A_1108 = arith.constant -65536 : i32
        %parallel_loop3A_1109 = vector.broadcast %parallel_loop3A_1108 : i32 to vector<16xi32>
        %parallel_loop3A_1110 = arith.andi %parallel_loop3A_1089, %parallel_loop3A_1109 : vector<16xi32>
        %parallel_loop3A_1111 = tpu.bitcast %parallel_loop3A_1110 : vector<16xi32> -> vector<16xf32>
        %parallel_loop3A_1112 = arith.constant 16 : i32
        %parallel_loop3A_1113 = vector.broadcast %parallel_loop3A_1112 : i32 to vector<16xi32>
        %parallel_loop3A_1114 = arith.shli %parallel_loop3A_1095, %parallel_loop3A_1113 : vector<16xi32>
        %parallel_loop3A_1115 = tpu.bitcast %parallel_loop3A_1114 : vector<16xi32> -> vector<16xf32>
        %parallel_loop3A_1116 = arith.constant -65536 : i32
        %parallel_loop3A_1117 = vector.broadcast %parallel_loop3A_1116 : i32 to vector<16xi32>
        %parallel_loop3A_1118 = arith.andi %parallel_loop3A_1095, %parallel_loop3A_1117 : vector<16xi32>
        %parallel_loop3A_1119 = tpu.bitcast %parallel_loop3A_1118 : vector<16xi32> -> vector<16xf32>
        %parallel_loop3A_1120 = vector.broadcast %parallel_loop3A_201 : f32 to vector<16xf32>
        %parallel_loop3A_1121 = arith.mulf %parallel_loop3A_1099, %parallel_loop3A_1120 : vector<16xf32>
        %parallel_loop3A_1122 = vector.broadcast %parallel_loop3A_211 : f32 to vector<16xf32>
        %parallel_loop3A_1123 = arith.mulf %parallel_loop3A_1107, %parallel_loop3A_1122 : vector<16xf32>
        %parallel_loop3A_1124 = arith.addf %parallel_loop3A_1121, %parallel_loop3A_1123 : vector<16xf32>
        %parallel_loop3A_1125 = vector.broadcast %parallel_loop3A_221 : f32 to vector<16xf32>
        %parallel_loop3A_1126 = arith.mulf %parallel_loop3A_1115, %parallel_loop3A_1125 : vector<16xf32>
        %parallel_loop3A_1127 = arith.addf %parallel_loop3A_1124, %parallel_loop3A_1126 : vector<16xf32>
        %parallel_loop3A_1128 = arith.index_cast %parallel_loop3A_193 : i32 to index
        %parallel_loop3A_1129 = arith.constant 416 : index
        %parallel_loop3A_1130 = tpu.vector_load %arg15[%parallel_loop3A_1128, %parallel_loop3A_1129] {strides = array<i32>} : memref<32x512xf32, #tpu.memory_space<vmem>>, vector<1x16xf32>,
        %parallel_loop3A_1131 = vector.shape_cast %parallel_loop3A_1130 : vector<1x16xf32> to vector<16xf32>
        %parallel_loop3A_1132 = vector.shape_cast %parallel_loop3A_1127 : vector<16xf32> to vector<1x16xf32>
        tpu.vector_store %arg15[%parallel_loop3A_1128, %parallel_loop3A_1129], %parallel_loop3A_1132 {strides = array<i32>} : memref<32x512xf32, #tpu.memory_space<vmem>>, vector<1x16xf32>,
        %parallel_loop3A_1133 = vector.broadcast %parallel_loop3A_201 : f32 to vector<16xf32>
        %parallel_loop3A_1134 = arith.mulf %parallel_loop3A_1103, %parallel_loop3A_1133 : vector<16xf32>
        %parallel_loop3A_1135 = vector.broadcast %parallel_loop3A_211 : f32 to vector<16xf32>
        %parallel_loop3A_1136 = arith.mulf %parallel_loop3A_1111, %parallel_loop3A_1135 : vector<16xf32>
        %parallel_loop3A_1137 = arith.addf %parallel_loop3A_1134, %parallel_loop3A_1136 : vector<16xf32>
        %parallel_loop3A_1138 = vector.broadcast %parallel_loop3A_221 : f32 to vector<16xf32>
        %parallel_loop3A_1139 = arith.mulf %parallel_loop3A_1119, %parallel_loop3A_1138 : vector<16xf32>
        %parallel_loop3A_1140 = arith.addf %parallel_loop3A_1137, %parallel_loop3A_1139 : vector<16xf32>
        %parallel_loop3A_1141 = arith.index_cast %parallel_loop3A_193 : i32 to index
        %parallel_loop3A_1142 = arith.constant 432 : index
        %parallel_loop3A_1143 = tpu.vector_load %arg15[%parallel_loop3A_1141, %parallel_loop3A_1142] {strides = array<i32>} : memref<32x512xf32, #tpu.memory_space<vmem>>, vector<1x16xf32>,
        %parallel_loop3A_1144 = vector.shape_cast %parallel_loop3A_1143 : vector<1x16xf32> to vector<16xf32>
        %parallel_loop3A_1145 = vector.shape_cast %parallel_loop3A_1140 : vector<16xf32> to vector<1x16xf32>
        tpu.vector_store %arg15[%parallel_loop3A_1141, %parallel_loop3A_1142], %parallel_loop3A_1145 {strides = array<i32>} : memref<32x512xf32, #tpu.memory_space<vmem>>, vector<1x16xf32>,
        %parallel_loop3A_1146 = arith.index_cast %parallel_loop3A_193 : i32 to index
        %parallel_loop3A_1147 = arith.constant 224 : index
        %parallel_loop3A_1148 = tpu.vector_load %arg13[%parallel_loop3A_1146, %parallel_loop3A_1147] {strides = array<i32>} : memref<96x256xi32, #tpu.memory_space<vmem>>, vector<1x16xi32>,
        %parallel_loop3A_1149 = vector.shape_cast %parallel_loop3A_1148 : vector<1x16xi32> to vector<16xi32>
        %parallel_loop3A_1150 = arith.constant 32 : i32
        %parallel_loop3A_1151 = arith.addi %parallel_loop3A_1150, %parallel_loop3A_193 : i32
        %parallel_loop3A_1152 = arith.index_cast %parallel_loop3A_1151 : i32 to index
        %parallel_loop3A_1153 = arith.constant 224 : index
        %parallel_loop3A_1154 = tpu.vector_load %arg13[%parallel_loop3A_1152, %parallel_loop3A_1153] {strides = array<i32>} : memref<96x256xi32, #tpu.memory_space<vmem>>, vector<1x16xi32>,
        %parallel_loop3A_1155 = vector.shape_cast %parallel_loop3A_1154 : vector<1x16xi32> to vector<16xi32>
        %parallel_loop3A_1156 = arith.constant 64 : i32
        %parallel_loop3A_1157 = arith.addi %parallel_loop3A_1156, %parallel_loop3A_193 : i32
        %parallel_loop3A_1158 = arith.index_cast %parallel_loop3A_1157 : i32 to index
        %parallel_loop3A_1159 = arith.constant 224 : index
        %parallel_loop3A_1160 = tpu.vector_load %arg13[%parallel_loop3A_1158, %parallel_loop3A_1159] {strides = array<i32>} : memref<96x256xi32, #tpu.memory_space<vmem>>, vector<1x16xi32>,
        %parallel_loop3A_1161 = vector.shape_cast %parallel_loop3A_1160 : vector<1x16xi32> to vector<16xi32>
        %parallel_loop3A_1162 = arith.constant 16 : i32
        %parallel_loop3A_1163 = vector.broadcast %parallel_loop3A_1162 : i32 to vector<16xi32>
        %parallel_loop3A_1164 = arith.shli %parallel_loop3A_1149, %parallel_loop3A_1163 : vector<16xi32>
        %parallel_loop3A_1165 = tpu.bitcast %parallel_loop3A_1164 : vector<16xi32> -> vector<16xf32>
        %parallel_loop3A_1166 = arith.constant -65536 : i32
        %parallel_loop3A_1167 = vector.broadcast %parallel_loop3A_1166 : i32 to vector<16xi32>
        %parallel_loop3A_1168 = arith.andi %parallel_loop3A_1149, %parallel_loop3A_1167 : vector<16xi32>
        %parallel_loop3A_1169 = tpu.bitcast %parallel_loop3A_1168 : vector<16xi32> -> vector<16xf32>
        %parallel_loop3A_1170 = arith.constant 16 : i32
        %parallel_loop3A_1171 = vector.broadcast %parallel_loop3A_1170 : i32 to vector<16xi32>
        %parallel_loop3A_1172 = arith.shli %parallel_loop3A_1155, %parallel_loop3A_1171 : vector<16xi32>
        %parallel_loop3A_1173 = tpu.bitcast %parallel_loop3A_1172 : vector<16xi32> -> vector<16xf32>
        %parallel_loop3A_1174 = arith.constant -65536 : i32
        %parallel_loop3A_1175 = vector.broadcast %parallel_loop3A_1174 : i32 to vector<16xi32>
        %parallel_loop3A_1176 = arith.andi %parallel_loop3A_1155, %parallel_loop3A_1175 : vector<16xi32>
        %parallel_loop3A_1177 = tpu.bitcast %parallel_loop3A_1176 : vector<16xi32> -> vector<16xf32>
        %parallel_loop3A_1178 = arith.constant 16 : i32
        %parallel_loop3A_1179 = vector.broadcast %parallel_loop3A_1178 : i32 to vector<16xi32>
        %parallel_loop3A_1180 = arith.shli %parallel_loop3A_1161, %parallel_loop3A_1179 : vector<16xi32>
        %parallel_loop3A_1181 = tpu.bitcast %parallel_loop3A_1180 : vector<16xi32> -> vector<16xf32>
        %parallel_loop3A_1182 = arith.constant -65536 : i32
        %parallel_loop3A_1183 = vector.broadcast %parallel_loop3A_1182 : i32 to vector<16xi32>
        %parallel_loop3A_1184 = arith.andi %parallel_loop3A_1161, %parallel_loop3A_1183 : vector<16xi32>
        %parallel_loop3A_1185 = tpu.bitcast %parallel_loop3A_1184 : vector<16xi32> -> vector<16xf32>
        %parallel_loop3A_1186 = vector.broadcast %parallel_loop3A_201 : f32 to vector<16xf32>
        %parallel_loop3A_1187 = arith.mulf %parallel_loop3A_1165, %parallel_loop3A_1186 : vector<16xf32>
        %parallel_loop3A_1188 = vector.broadcast %parallel_loop3A_211 : f32 to vector<16xf32>
        %parallel_loop3A_1189 = arith.mulf %parallel_loop3A_1173, %parallel_loop3A_1188 : vector<16xf32>
        %parallel_loop3A_1190 = arith.addf %parallel_loop3A_1187, %parallel_loop3A_1189 : vector<16xf32>
        %parallel_loop3A_1191 = vector.broadcast %parallel_loop3A_221 : f32 to vector<16xf32>
        %parallel_loop3A_1192 = arith.mulf %parallel_loop3A_1181, %parallel_loop3A_1191 : vector<16xf32>
        %parallel_loop3A_1193 = arith.addf %parallel_loop3A_1190, %parallel_loop3A_1192 : vector<16xf32>
        %parallel_loop3A_1194 = arith.index_cast %parallel_loop3A_193 : i32 to index
        %parallel_loop3A_1195 = arith.constant 448 : index
        %parallel_loop3A_1196 = tpu.vector_load %arg15[%parallel_loop3A_1194, %parallel_loop3A_1195] {strides = array<i32>} : memref<32x512xf32, #tpu.memory_space<vmem>>, vector<1x16xf32>,
        %parallel_loop3A_1197 = vector.shape_cast %parallel_loop3A_1196 : vector<1x16xf32> to vector<16xf32>
        %parallel_loop3A_1198 = vector.shape_cast %parallel_loop3A_1193 : vector<16xf32> to vector<1x16xf32>
        tpu.vector_store %arg15[%parallel_loop3A_1194, %parallel_loop3A_1195], %parallel_loop3A_1198 {strides = array<i32>} : memref<32x512xf32, #tpu.memory_space<vmem>>, vector<1x16xf32>,
        %parallel_loop3A_1199 = vector.broadcast %parallel_loop3A_201 : f32 to vector<16xf32>
        %parallel_loop3A_1200 = arith.mulf %parallel_loop3A_1169, %parallel_loop3A_1199 : vector<16xf32>
        %parallel_loop3A_1201 = vector.broadcast %parallel_loop3A_211 : f32 to vector<16xf32>
        %parallel_loop3A_1202 = arith.mulf %parallel_loop3A_1177, %parallel_loop3A_1201 : vector<16xf32>
        %parallel_loop3A_1203 = arith.addf %parallel_loop3A_1200, %parallel_loop3A_1202 : vector<16xf32>
        %parallel_loop3A_1204 = vector.broadcast %parallel_loop3A_221 : f32 to vector<16xf32>
        %parallel_loop3A_1205 = arith.mulf %parallel_loop3A_1185, %parallel_loop3A_1204 : vector<16xf32>
        %parallel_loop3A_1206 = arith.addf %parallel_loop3A_1203, %parallel_loop3A_1205 : vector<16xf32>
        %parallel_loop3A_1207 = arith.index_cast %parallel_loop3A_193 : i32 to index
        %parallel_loop3A_1208 = arith.constant 464 : index
        %parallel_loop3A_1209 = tpu.vector_load %arg15[%parallel_loop3A_1207, %parallel_loop3A_1208] {strides = array<i32>} : memref<32x512xf32, #tpu.memory_space<vmem>>, vector<1x16xf32>,
        %parallel_loop3A_1210 = vector.shape_cast %parallel_loop3A_1209 : vector<1x16xf32> to vector<16xf32>
        %parallel_loop3A_1211 = vector.shape_cast %parallel_loop3A_1206 : vector<16xf32> to vector<1x16xf32>
        tpu.vector_store %arg15[%parallel_loop3A_1207, %parallel_loop3A_1208], %parallel_loop3A_1211 {strides = array<i32>} : memref<32x512xf32, #tpu.memory_space<vmem>>, vector<1x16xf32>,
        %parallel_loop3A_1212 = arith.index_cast %parallel_loop3A_193 : i32 to index
        %parallel_loop3A_1213 = arith.constant 240 : index
        %parallel_loop3A_1214 = tpu.vector_load %arg13[%parallel_loop3A_1212, %parallel_loop3A_1213] {strides = array<i32>} : memref<96x256xi32, #tpu.memory_space<vmem>>, vector<1x16xi32>,
        %parallel_loop3A_1215 = vector.shape_cast %parallel_loop3A_1214 : vector<1x16xi32> to vector<16xi32>
        %parallel_loop3A_1216 = arith.constant 32 : i32
        %parallel_loop3A_1217 = arith.addi %parallel_loop3A_1216, %parallel_loop3A_193 : i32
        %parallel_loop3A_1218 = arith.index_cast %parallel_loop3A_1217 : i32 to index
        %parallel_loop3A_1219 = arith.constant 240 : index
        %parallel_loop3A_1220 = tpu.vector_load %arg13[%parallel_loop3A_1218, %parallel_loop3A_1219] {strides = array<i32>} : memref<96x256xi32, #tpu.memory_space<vmem>>, vector<1x16xi32>,
        %parallel_loop3A_1221 = vector.shape_cast %parallel_loop3A_1220 : vector<1x16xi32> to vector<16xi32>
        %parallel_loop3A_1222 = arith.constant 64 : i32
        %parallel_loop3A_1223 = arith.addi %parallel_loop3A_1222, %parallel_loop3A_193 : i32
        %parallel_loop3A_1224 = arith.index_cast %parallel_loop3A_1223 : i32 to index
        %parallel_loop3A_1225 = arith.constant 240 : index
        %parallel_loop3A_1226 = tpu.vector_load %arg13[%parallel_loop3A_1224, %parallel_loop3A_1225] {strides = array<i32>} : memref<96x256xi32, #tpu.memory_space<vmem>>, vector<1x16xi32>,
        %parallel_loop3A_1227 = vector.shape_cast %parallel_loop3A_1226 : vector<1x16xi32> to vector<16xi32>
        %parallel_loop3A_1228 = arith.constant 16 : i32
        %parallel_loop3A_1229 = vector.broadcast %parallel_loop3A_1228 : i32 to vector<16xi32>
        %parallel_loop3A_1230 = arith.shli %parallel_loop3A_1215, %parallel_loop3A_1229 : vector<16xi32>
        %parallel_loop3A_1231 = tpu.bitcast %parallel_loop3A_1230 : vector<16xi32> -> vector<16xf32>
        %parallel_loop3A_1232 = arith.constant -65536 : i32
        %parallel_loop3A_1233 = vector.broadcast %parallel_loop3A_1232 : i32 to vector<16xi32>
        %parallel_loop3A_1234 = arith.andi %parallel_loop3A_1215, %parallel_loop3A_1233 : vector<16xi32>
        %parallel_loop3A_1235 = tpu.bitcast %parallel_loop3A_1234 : vector<16xi32> -> vector<16xf32>
        %parallel_loop3A_1236 = arith.constant 16 : i32
        %parallel_loop3A_1237 = vector.broadcast %parallel_loop3A_1236 : i32 to vector<16xi32>
        %parallel_loop3A_1238 = arith.shli %parallel_loop3A_1221, %parallel_loop3A_1237 : vector<16xi32>
        %parallel_loop3A_1239 = tpu.bitcast %parallel_loop3A_1238 : vector<16xi32> -> vector<16xf32>
        %parallel_loop3A_1240 = arith.constant -65536 : i32
        %parallel_loop3A_1241 = vector.broadcast %parallel_loop3A_1240 : i32 to vector<16xi32>
        %parallel_loop3A_1242 = arith.andi %parallel_loop3A_1221, %parallel_loop3A_1241 : vector<16xi32>
        %parallel_loop3A_1243 = tpu.bitcast %parallel_loop3A_1242 : vector<16xi32> -> vector<16xf32>
        %parallel_loop3A_1244 = arith.constant 16 : i32
        %parallel_loop3A_1245 = vector.broadcast %parallel_loop3A_1244 : i32 to vector<16xi32>
        %parallel_loop3A_1246 = arith.shli %parallel_loop3A_1227, %parallel_loop3A_1245 : vector<16xi32>
        %parallel_loop3A_1247 = tpu.bitcast %parallel_loop3A_1246 : vector<16xi32> -> vector<16xf32>
        %parallel_loop3A_1248 = arith.constant -65536 : i32
        %parallel_loop3A_1249 = vector.broadcast %parallel_loop3A_1248 : i32 to vector<16xi32>
        %parallel_loop3A_1250 = arith.andi %parallel_loop3A_1227, %parallel_loop3A_1249 : vector<16xi32>
        %parallel_loop3A_1251 = tpu.bitcast %parallel_loop3A_1250 : vector<16xi32> -> vector<16xf32>
        %parallel_loop3A_1252 = vector.broadcast %parallel_loop3A_201 : f32 to vector<16xf32>
        %parallel_loop3A_1253 = arith.mulf %parallel_loop3A_1231, %parallel_loop3A_1252 : vector<16xf32>
        %parallel_loop3A_1254 = vector.broadcast %parallel_loop3A_211 : f32 to vector<16xf32>
        %parallel_loop3A_1255 = arith.mulf %parallel_loop3A_1239, %parallel_loop3A_1254 : vector<16xf32>
        %parallel_loop3A_1256 = arith.addf %parallel_loop3A_1253, %parallel_loop3A_1255 : vector<16xf32>
        %parallel_loop3A_1257 = vector.broadcast %parallel_loop3A_221 : f32 to vector<16xf32>
        %parallel_loop3A_1258 = arith.mulf %parallel_loop3A_1247, %parallel_loop3A_1257 : vector<16xf32>
        %parallel_loop3A_1259 = arith.addf %parallel_loop3A_1256, %parallel_loop3A_1258 : vector<16xf32>
        %parallel_loop3A_1260 = arith.index_cast %parallel_loop3A_193 : i32 to index
        %parallel_loop3A_1261 = arith.constant 480 : index
        %parallel_loop3A_1262 = tpu.vector_load %arg15[%parallel_loop3A_1260, %parallel_loop3A_1261] {strides = array<i32>} : memref<32x512xf32, #tpu.memory_space<vmem>>, vector<1x16xf32>,
        %parallel_loop3A_1263 = vector.shape_cast %parallel_loop3A_1262 : vector<1x16xf32> to vector<16xf32>
        %parallel_loop3A_1264 = vector.shape_cast %parallel_loop3A_1259 : vector<16xf32> to vector<1x16xf32>
        tpu.vector_store %arg15[%parallel_loop3A_1260, %parallel_loop3A_1261], %parallel_loop3A_1264 {strides = array<i32>} : memref<32x512xf32, #tpu.memory_space<vmem>>, vector<1x16xf32>,
        %parallel_loop3A_1265 = vector.broadcast %parallel_loop3A_201 : f32 to vector<16xf32>
        %parallel_loop3A_1266 = arith.mulf %parallel_loop3A_1235, %parallel_loop3A_1265 : vector<16xf32>
        %parallel_loop3A_1267 = vector.broadcast %parallel_loop3A_211 : f32 to vector<16xf32>
        %parallel_loop3A_1268 = arith.mulf %parallel_loop3A_1243, %parallel_loop3A_1267 : vector<16xf32>
        %parallel_loop3A_1269 = arith.addf %parallel_loop3A_1266, %parallel_loop3A_1268 : vector<16xf32>
        %parallel_loop3A_1270 = vector.broadcast %parallel_loop3A_221 : f32 to vector<16xf32>
        %parallel_loop3A_1271 = arith.mulf %parallel_loop3A_1251, %parallel_loop3A_1270 : vector<16xf32>
        %parallel_loop3A_1272 = arith.addf %parallel_loop3A_1269, %parallel_loop3A_1271 : vector<16xf32>
        %parallel_loop3A_1273 = arith.index_cast %parallel_loop3A_193 : i32 to index
        %parallel_loop3A_1274 = arith.constant 496 : index
        %parallel_loop3A_1275 = tpu.vector_load %arg15[%parallel_loop3A_1273, %parallel_loop3A_1274] {strides = array<i32>} : memref<32x512xf32, #tpu.memory_space<vmem>>, vector<1x16xf32>,
        %parallel_loop3A_1276 = vector.shape_cast %parallel_loop3A_1275 : vector<1x16xf32> to vector<16xf32>
        %parallel_loop3A_1277 = vector.shape_cast %parallel_loop3A_1272 : vector<16xf32> to vector<1x16xf32>
        tpu.vector_store %arg15[%parallel_loop3A_1273, %parallel_loop3A_1274], %parallel_loop3A_1277 {strides = array<i32>} : memref<32x512xf32, #tpu.memory_space<vmem>>, vector<1x16xf32>,
      } {sc.loop_unroll_factor = 4 : i64, sc.parallel_access}
      %add3A_182 = arith.constant 1 : i32
      %add3A_183 = arith.addi %add3A_49, %add3A_182 : i32
      %mul3A_184 = arith.constant 512 : i32
      %mul3A_185 = arith.muli %add3A, %mul3A_184 : i32
      %mul3A_186 = arith.constant 32 : i32
      %mul3A_187 = arith.muli %add3A_183, %mul3A_186 : i32
      %add3A_188 = arith.addi %mul3A_185, %mul3A_187 : i32
      %dma_start3A_189 = arith.constant 0 : i32
      %dma_start3A_190 = tpu.memref_slice %arg9[%add3A_188, %dma_start3A_189] : memref<16384x512xf32, #tpu.memory_space<hbm>> -> memref<32x512xf32, #tpu.memory_space<hbm>>
      %dma_start3A_191 = arith.constant 0 : i32
      %dma_start3A_192 = tpu.memref_slice %arg9[%add3A_188, %dma_start3A_191] : memref<16384x512xf32, #tpu.memory_space<hbm>> -> memref<32x512xf32, #tpu.memory_space<hbm>>
      tpu.enqueue_dma source(%arg15 : memref<32x512xf32, #tpu.memory_space<vmem>>) target(%dma_start3A_192 : memref<32x512xf32, #tpu.memory_space<hbm>>) target_semaphore(%arg19 : memref<!tpu.dma_semaphore, #tpu.memory_space<semaphore_mem>>)
    }
    %scan3A_29 = arith.constant 8 : i32
    %mul3A_30 = arith.constant 512 : i32
    %mul3A_31 = arith.muli %add3A, %mul3A_30 : i32
    %add3A_32 = arith.constant 448 : i32
    %add3A_33 = arith.addi %mul3A_31, %add3A_32 : i32
    %dma_wait3A = arith.constant 0 : i32
    %dma_wait3A_34 = tpu.memref_slice %arg9[%add3A_33, %dma_wait3A] : memref<16384x512xf32, #tpu.memory_space<hbm>> -> memref<32x512xf32, #tpu.memory_space<hbm>>
    %dma_wait3A_35 = arith.constant 0 : i32
    %dma_wait3A_36 = tpu.memref_slice %arg9[%add3A_33, %dma_wait3A_35] : memref<16384x512xf32, #tpu.memory_space<hbm>> -> memref<32x512xf32, #tpu.memory_space<hbm>>
    tpu.wait_dma2 semaphore(%arg18 : memref<!tpu.dma_semaphore, #tpu.memory_space<semaphore_mem>>) src(%arg14 : memref<32x512xf32, #tpu.memory_space<vmem>>) dst(%dma_wait3A_36 : memref<32x512xf32, #tpu.memory_space<hbm>>)
    %mul3A_37 = arith.constant 512 : i32
    %mul3A_38 = arith.muli %add3A, %mul3A_37 : i32
    %add3A_39 = arith.constant 480 : i32
    %add3A_40 = arith.addi %mul3A_38, %add3A_39 : i32
    %dma_wait3A_41 = arith.constant 0 : i32
    %dma_wait3A_42 = tpu.memref_slice %arg9[%add3A_40, %dma_wait3A_41] : memref<16384x512xf32, #tpu.memory_space<hbm>> -> memref<32x512xf32, #tpu.memory_space<hbm>>
    %dma_wait3A_43 = arith.constant 0 : i32
    %dma_wait3A_44 = tpu.memref_slice %arg9[%add3A_40, %dma_wait3A_43] : memref<16384x512xf32, #tpu.memory_space<hbm>> -> memref<32x512xf32, #tpu.memory_space<hbm>>
    tpu.wait_dma2 semaphore(%arg19 : memref<!tpu.dma_semaphore, #tpu.memory_space<semaphore_mem>>) src(%arg15 : memref<32x512xf32, #tpu.memory_space<vmem>>) dst(%dma_wait3A_44 : memref<32x512xf32, #tpu.memory_space<hbm>>)
    return
  }
}

module attributes {stable_mosaic.version = 14 : i64} {
  func.func @_knn_body(%arg0: i32, %arg1: i32, %arg2: memref<1x3x1024xf32, #tpu.memory_space<vmem>>, %arg3: memref<1x1024x3xf32, #tpu.memory_space<vmem>>, %arg4: memref<1x512x256xf32, #tpu.memory_space<vmem>>, %arg5: memref<1024xi32, #tpu.memory_space<vmem>>, %arg6: memref<1024xi32, #tpu.memory_space<vmem>>, %arg7: memref<1024xi32, #tpu.memory_space<vmem>>, %arg8: memref<1024xf32, #tpu.memory_space<vmem>>, %arg9: memref<1024xf32, #tpu.memory_space<vmem>>, %arg10: memref<1024xf32, #tpu.memory_space<vmem>>, %arg11: memref<256x256xi32, #tpu.memory_space<vmem>>) attributes {dimension_semantics = [#tpu.dimension_semantics<arbitrary>, #tpu.dimension_semantics<arbitrary>], iteration_bounds = array<i64: 4, 4>, scalar_prefetch = 0 : i64, scratch_operands = 0 : i64, tpu.core_type = #tpu.core_type<tc>, window_params = [{transform_indices = @transform_0, window_bounds = array<i64: 1, 3, 1024>}, {transform_indices = @transform_1, window_bounds = array<i64: 1, 1024, 3>}, {transform_indices = @transform_2, window_bounds = array<i64: 1, 512, 256>}, {transform_indices = @transform_3, window_bounds = array<i64: 1024>}, {transform_indices = @transform_4, window_bounds = array<i64: 1024>}, {transform_indices = @transform_5, window_bounds = array<i64: 1024>}, {transform_indices = @transform_6, window_bounds = array<i64: 1024>}, {transform_indices = @transform_7, window_bounds = array<i64: 1024>}, {transform_indices = @transform_8, window_bounds = array<i64: 1024>}, {transform_indices = @transform_9, window_bounds = array<i64: 256, 256>}]} {
    %get3A = arith.constant 0 : index
    %get3A_0 = arith.constant 0 : index
    %get3A_1 = arith.constant 0 : index
    %get3A_2 = vector.load %arg2[%get3A, %get3A_0, %get3A_1] : memref<1x3x1024xf32, #tpu.memory_space<vmem>>, vector<1x3x1024xf32>
    %get3A_3 = vector.shape_cast %get3A_2 : vector<1x3x1024xf32> to vector<3x1024xf32>
    %get3A_4 = arith.constant 0 : index
    %get3A_5 = arith.constant 0 : index
    %get3A_6 = arith.constant 0 : index
    %get3A_7 = vector.load %arg3[%get3A_4, %get3A_5, %get3A_6] : memref<1x1024x3xf32, #tpu.memory_space<vmem>>, vector<1x1024x3xf32>
    %get3A_8 = vector.shape_cast %get3A_7 : vector<1x1024x3xf32> to vector<1024x3xf32>
    %slice3A = vector.extract_strided_slice %get3A_8 {offsets = [0, 0], sizes = [1024, 1], strides = [1, 1]} : vector<1024x3xf32> to vector<1024x1xf32>
    %slice3A_9 = vector.extract_strided_slice %get3A_3 {offsets = [0, 0], sizes = [1, 1024], strides = [1, 1]} : vector<3x1024xf32> to vector<1x1024xf32>
    %sub3A = vector.broadcast %slice3A : vector<1024x1xf32> to vector<1024x1024xf32>
    %sub3A_10 = vector.broadcast %slice3A_9 : vector<1x1024xf32> to vector<1024x1024xf32>
    %sub3A_11 = arith.subf %sub3A, %sub3A_10 : vector<1024x1024xf32>
    %slice3A_12 = vector.extract_strided_slice %get3A_8 {offsets = [0, 1], sizes = [1024, 1], strides = [1, 1]} : vector<1024x3xf32> to vector<1024x1xf32>
    %slice3A_13 = vector.extract_strided_slice %get3A_3 {offsets = [1, 0], sizes = [1, 1024], strides = [1, 1]} : vector<3x1024xf32> to vector<1x1024xf32>
    %sub3A_14 = vector.broadcast %slice3A_12 : vector<1024x1xf32> to vector<1024x1024xf32>
    %sub3A_15 = vector.broadcast %slice3A_13 : vector<1x1024xf32> to vector<1024x1024xf32>
    %sub3A_16 = arith.subf %sub3A_14, %sub3A_15 : vector<1024x1024xf32>
    %slice3A_17 = vector.extract_strided_slice %get3A_8 {offsets = [0, 2], sizes = [1024, 1], strides = [1, 1]} : vector<1024x3xf32> to vector<1024x1xf32>
    %slice3A_18 = vector.extract_strided_slice %get3A_3 {offsets = [2, 0], sizes = [1, 1024], strides = [1, 1]} : vector<3x1024xf32> to vector<1x1024xf32>
    %sub3A_19 = vector.broadcast %slice3A_17 : vector<1024x1xf32> to vector<1024x1024xf32>
    %sub3A_20 = vector.broadcast %slice3A_18 : vector<1x1024xf32> to vector<1024x1024xf32>
    %sub3A_21 = arith.subf %sub3A_19, %sub3A_20 : vector<1024x1024xf32>
    %mul3A = arith.mulf %sub3A_11, %sub3A_11 : vector<1024x1024xf32>
    %mul3A_22 = arith.mulf %sub3A_16, %sub3A_16 : vector<1024x1024xf32>
    %add3A = arith.addf %mul3A, %mul3A_22 : vector<1024x1024xf32>
    %mul3A_23 = arith.mulf %sub3A_21, %sub3A_21 : vector<1024x1024xf32>
    %add3A_24 = arith.addf %add3A, %mul3A_23 : vector<1024x1024xf32>
    %iota3A = tpu.iota {dimensions = array<i32: 1>} : vector<2x1024xi32>
    %iota3A_25 = tpu.iota {dimensions = array<i32: 0>} : vector<2x1024xi32>
    %eq3A = arith.constant 0 : i32
    %eq3A_26 = vector.broadcast %eq3A : i32 to vector<2x1024xi32>
    %eq3A_27 = arith.cmpi eq, %iota3A_25, %eq3A_26 : vector<2x1024xi32>
    %shift_right_arithmetic3A = arith.constant 6 : i32
    %shift_right_arithmetic3A_28 = vector.broadcast %shift_right_arithmetic3A : i32 to vector<2x1024xi32>
    %shift_right_arithmetic3A_29 = arith.shrsi %iota3A, %shift_right_arithmetic3A_28 : vector<2x1024xi32>
    %and3A = arith.constant 63 : i32
    %and3A_30 = vector.broadcast %and3A : i32 to vector<2x1024xi32>
    %and3A_31 = arith.andi %iota3A, %and3A_30 : vector<2x1024xi32>
    %select_n3A = arith.select %eq3A_27, %shift_right_arithmetic3A_29, %and3A_31 : vector<2x1024xi1>, vector<2x1024xi32>
    %convert_element_type3A = arith.sitofp %select_n3A : vector<2x1024xi32> to vector<2x1024xf32>
    %reduce_min3A = arith.constant dense<0x7F800000> : vector<1024xf32>
    %reduce_min3A_32 = vector.multi_reduction <minimumf>, %add3A_24, %reduce_min3A [0] : vector<1024x1024xf32> to vector<1024xf32>
    %broadcast_in_dim3A = vector.shape_cast %reduce_min3A_32 : vector<1024xf32> to vector<1x1024xf32>
    %eq3A_33 = vector.broadcast %broadcast_in_dim3A : vector<1x1024xf32> to vector<1024x1024xf32>
    %eq3A_34 = arith.cmpf oeq, %add3A_24, %eq3A_33 : vector<1024x1024xf32>
    %convert_element_type3A_35 = arith.extui %eq3A_34 : vector<1024x1024xi1> to vector<1024x1024xi32>
    %convert_element_type3A_36 = arith.sitofp %convert_element_type3A_35 : vector<1024x1024xi32> to vector<1024x1024xf32>
    %dot_general3A = arith.constant dense<0.000000e+00> : vector<2x1024xf32>
    %dot_general3A_37 = tpu.matmul %convert_element_type3A, %convert_element_type3A_36, %dot_general3A {dimension_numbers = #tpu.dot_dimension_numbers<[1], [0], [0], [1], [0, 0, 1, 1], [], []>, transpose_lhs_hint = false} : vector<2x1024xf32>, vector<1024x1024xf32>, vector<2x1024xf32> -> vector<2x1024xf32>
    %slice3A_38 = vector.extract_strided_slice %dot_general3A_37 {offsets = [0, 0], sizes = [1, 1024], strides = [1, 1]} : vector<2x1024xf32> to vector<1x1024xf32>
    %squeeze3A = vector.shape_cast %slice3A_38 : vector<1x1024xf32> to vector<1024xf32>
    %mul3A_39 = arith.constant 6.400000e+01 : f32
    %mul3A_40 = vector.broadcast %mul3A_39 : f32 to vector<1024xf32>
    %mul3A_41 = arith.mulf %squeeze3A, %mul3A_40 : vector<1024xf32>
    %slice3A_42 = vector.extract_strided_slice %dot_general3A_37 {offsets = [1, 0], sizes = [1, 1024], strides = [1, 1]} : vector<2x1024xf32> to vector<1x1024xf32>
    %squeeze3A_43 = vector.shape_cast %slice3A_42 : vector<1x1024xf32> to vector<1024xf32>
    %add3A_44 = arith.addf %mul3A_41, %squeeze3A_43 : vector<1024xf32>
    %add3A_45 = arith.constant 5.000000e-01 : f32
    %add3A_46 = vector.broadcast %add3A_45 : f32 to vector<1024xf32>
    %add3A_47 = arith.addf %add3A_44, %add3A_46 : vector<1024xf32>
    %min3A = arith.constant 1.023000e+03 : f32
    %min3A_48 = vector.broadcast %min3A : f32 to vector<1024xf32>
    %min3A_49 = arith.minimumf %add3A_47, %min3A_48 : vector<1024xf32>
    %convert_element_type3A_50 = arith.fptosi %min3A_49 : vector<1024xf32> to vector<1024xi32>
    %jit3A = arith.constant 0x7F800000 : f32
    %broadcast_in_dim3A_51 = vector.broadcast %jit3A : f32 to vector<1024x1024xf32>
    %select_n3A_52 = arith.select %eq3A_34, %broadcast_in_dim3A_51, %add3A_24 : vector<1024x1024xi1>, vector<1024x1024xf32>
    %reduce_min3A_53 = arith.constant dense<0x7F800000> : vector<1024xf32>
    %reduce_min3A_54 = vector.multi_reduction <minimumf>, %select_n3A_52, %reduce_min3A_53 [0] : vector<1024x1024xf32> to vector<1024xf32>
    %broadcast_in_dim3A_55 = vector.shape_cast %reduce_min3A_54 : vector<1024xf32> to vector<1x1024xf32>
    %eq3A_56 = vector.broadcast %broadcast_in_dim3A_55 : vector<1x1024xf32> to vector<1024x1024xf32>
    %eq3A_57 = arith.cmpf oeq, %select_n3A_52, %eq3A_56 : vector<1024x1024xf32>
    %convert_element_type3A_58 = arith.extui %eq3A_57 : vector<1024x1024xi1> to vector<1024x1024xi32>
    %convert_element_type3A_59 = arith.sitofp %convert_element_type3A_58 : vector<1024x1024xi32> to vector<1024x1024xf32>
    %dot_general3A_60 = arith.constant dense<0.000000e+00> : vector<2x1024xf32>
    %dot_general3A_61 = tpu.matmul %convert_element_type3A, %convert_element_type3A_59, %dot_general3A_60 {dimension_numbers = #tpu.dot_dimension_numbers<[1], [0], [0], [1], [0, 0, 1, 1], [], []>, transpose_lhs_hint = false} : vector<2x1024xf32>, vector<1024x1024xf32>, vector<2x1024xf32> -> vector<2x1024xf32>
    %slice3A_62 = vector.extract_strided_slice %dot_general3A_61 {offsets = [0, 0], sizes = [1, 1024], strides = [1, 1]} : vector<2x1024xf32> to vector<1x1024xf32>
    %squeeze3A_63 = vector.shape_cast %slice3A_62 : vector<1x1024xf32> to vector<1024xf32>
    %mul3A_64 = arith.constant 6.400000e+01 : f32
    %mul3A_65 = vector.broadcast %mul3A_64 : f32 to vector<1024xf32>
    %mul3A_66 = arith.mulf %squeeze3A_63, %mul3A_65 : vector<1024xf32>
    %slice3A_67 = vector.extract_strided_slice %dot_general3A_61 {offsets = [1, 0], sizes = [1, 1024], strides = [1, 1]} : vector<2x1024xf32> to vector<1x1024xf32>
    %squeeze3A_68 = vector.shape_cast %slice3A_67 : vector<1x1024xf32> to vector<1024xf32>
    %add3A_69 = arith.addf %mul3A_66, %squeeze3A_68 : vector<1024xf32>
    %add3A_70 = arith.constant 5.000000e-01 : f32
    %add3A_71 = vector.broadcast %add3A_70 : f32 to vector<1024xf32>
    %add3A_72 = arith.addf %add3A_69, %add3A_71 : vector<1024xf32>
    %min3A_73 = arith.constant 1.023000e+03 : f32
    %min3A_74 = vector.broadcast %min3A_73 : f32 to vector<1024xf32>
    %min3A_75 = arith.minimumf %add3A_72, %min3A_74 : vector<1024xf32>
    %convert_element_type3A_76 = arith.fptosi %min3A_75 : vector<1024xf32> to vector<1024xi32>
    %jit3A_77 = arith.constant 0x7F800000 : f32
    %broadcast_in_dim3A_78 = vector.broadcast %jit3A_77 : f32 to vector<1024x1024xf32>
    %select_n3A_79 = arith.select %eq3A_57, %broadcast_in_dim3A_78, %select_n3A_52 : vector<1024x1024xi1>, vector<1024x1024xf32>
    %reduce_min3A_80 = arith.constant dense<0x7F800000> : vector<1024xf32>
    %reduce_min3A_81 = vector.multi_reduction <minimumf>, %select_n3A_79, %reduce_min3A_80 [0] : vector<1024x1024xf32> to vector<1024xf32>
    %broadcast_in_dim3A_82 = vector.shape_cast %reduce_min3A_81 : vector<1024xf32> to vector<1x1024xf32>
    %eq3A_83 = vector.broadcast %broadcast_in_dim3A_82 : vector<1x1024xf32> to vector<1024x1024xf32>
    %eq3A_84 = arith.cmpf oeq, %select_n3A_79, %eq3A_83 : vector<1024x1024xf32>
    %convert_element_type3A_85 = arith.extui %eq3A_84 : vector<1024x1024xi1> to vector<1024x1024xi32>
    %convert_element_type3A_86 = arith.sitofp %convert_element_type3A_85 : vector<1024x1024xi32> to vector<1024x1024xf32>
    %dot_general3A_87 = arith.constant dense<0.000000e+00> : vector<2x1024xf32>
    %dot_general3A_88 = tpu.matmul %convert_element_type3A, %convert_element_type3A_86, %dot_general3A_87 {dimension_numbers = #tpu.dot_dimension_numbers<[1], [0], [0], [1], [0, 0, 1, 1], [], []>, transpose_lhs_hint = false} : vector<2x1024xf32>, vector<1024x1024xf32>, vector<2x1024xf32> -> vector<2x1024xf32>
    %slice3A_89 = vector.extract_strided_slice %dot_general3A_88 {offsets = [0, 0], sizes = [1, 1024], strides = [1, 1]} : vector<2x1024xf32> to vector<1x1024xf32>
    %squeeze3A_90 = vector.shape_cast %slice3A_89 : vector<1x1024xf32> to vector<1024xf32>
    %mul3A_91 = arith.constant 6.400000e+01 : f32
    %mul3A_92 = vector.broadcast %mul3A_91 : f32 to vector<1024xf32>
    %mul3A_93 = arith.mulf %squeeze3A_90, %mul3A_92 : vector<1024xf32>
    %slice3A_94 = vector.extract_strided_slice %dot_general3A_88 {offsets = [1, 0], sizes = [1, 1024], strides = [1, 1]} : vector<2x1024xf32> to vector<1x1024xf32>
    %squeeze3A_95 = vector.shape_cast %slice3A_94 : vector<1x1024xf32> to vector<1024xf32>
    %add3A_96 = arith.addf %mul3A_93, %squeeze3A_95 : vector<1024xf32>
    %add3A_97 = arith.constant 5.000000e-01 : f32
    %add3A_98 = vector.broadcast %add3A_97 : f32 to vector<1024xf32>
    %add3A_99 = arith.addf %add3A_96, %add3A_98 : vector<1024xf32>
    %min3A_100 = arith.constant 1.023000e+03 : f32
    %min3A_101 = vector.broadcast %min3A_100 : f32 to vector<1024xf32>
    %min3A_102 = arith.minimumf %add3A_99, %min3A_101 : vector<1024xf32>
    %convert_element_type3A_103 = arith.fptosi %min3A_102 : vector<1024xf32> to vector<1024xi32>
    %add3A_104 = arith.constant 9.99999993E-9 : f32
    %add3A_105 = vector.broadcast %add3A_104 : f32 to vector<1024xf32>
    %add3A_106 = arith.addf %reduce_min3A_32, %add3A_105 : vector<1024xf32>
    %div3A = arith.constant 1.000000e+00 : f32
    %div3A_107 = vector.broadcast %div3A : f32 to vector<1024xf32>
    %div3A_108 = arith.divf %div3A_107, %add3A_106 : vector<1024xf32>
    %add3A_109 = arith.constant 9.99999993E-9 : f32
    %add3A_110 = vector.broadcast %add3A_109 : f32 to vector<1024xf32>
    %add3A_111 = arith.addf %reduce_min3A_54, %add3A_110 : vector<1024xf32>
    %div3A_112 = arith.constant 1.000000e+00 : f32
    %div3A_113 = vector.broadcast %div3A_112 : f32 to vector<1024xf32>
    %div3A_114 = arith.divf %div3A_113, %add3A_111 : vector<1024xf32>
    %add3A_115 = arith.constant 9.99999993E-9 : f32
    %add3A_116 = vector.broadcast %add3A_115 : f32 to vector<1024xf32>
    %add3A_117 = arith.addf %reduce_min3A_81, %add3A_116 : vector<1024xf32>
    %div3A_118 = arith.constant 1.000000e+00 : f32
    %div3A_119 = vector.broadcast %div3A_118 : f32 to vector<1024xf32>
    %div3A_120 = arith.divf %div3A_119, %add3A_117 : vector<1024xf32>
    %add3A_121 = arith.addf %div3A_108, %div3A_114 : vector<1024xf32>
    %add3A_122 = arith.addf %add3A_121, %div3A_120 : vector<1024xf32>
    %mul3A_123 = arith.constant 1024 : i32
    %mul3A_124 = arith.muli %arg0, %mul3A_123 : i32
    %add3A_125 = vector.broadcast %mul3A_124 : i32 to vector<1024xi32>
    %add3A_126 = arith.addi %convert_element_type3A_50, %add3A_125 : vector<1024xi32>
    %swap3A = arith.constant 0 : index
    %swap3A_127 = vector.load %arg5[%swap3A] : memref<1024xi32, #tpu.memory_space<vmem>>, vector<1024xi32>
    tpu.vector_store %arg5[%swap3A], %add3A_126 {strides = array<i32>} : memref<1024xi32, #tpu.memory_space<vmem>>, vector<1024xi32>,
    %add3A_128 = vector.broadcast %mul3A_124 : i32 to vector<1024xi32>
    %add3A_129 = arith.addi %convert_element_type3A_76, %add3A_128 : vector<1024xi32>
    %swap3A_130 = arith.constant 0 : index
    %swap3A_131 = vector.load %arg6[%swap3A_130] : memref<1024xi32, #tpu.memory_space<vmem>>, vector<1024xi32>
    tpu.vector_store %arg6[%swap3A_130], %add3A_129 {strides = array<i32>} : memref<1024xi32, #tpu.memory_space<vmem>>, vector<1024xi32>,
    %add3A_132 = vector.broadcast %mul3A_124 : i32 to vector<1024xi32>
    %add3A_133 = arith.addi %convert_element_type3A_103, %add3A_132 : vector<1024xi32>
    %swap3A_134 = arith.constant 0 : index
    %swap3A_135 = vector.load %arg7[%swap3A_134] : memref<1024xi32, #tpu.memory_space<vmem>>, vector<1024xi32>
    tpu.vector_store %arg7[%swap3A_134], %add3A_133 {strides = array<i32>} : memref<1024xi32, #tpu.memory_space<vmem>>, vector<1024xi32>,
    %div3A_136 = arith.divf %div3A_108, %add3A_122 : vector<1024xf32>
    %swap3A_137 = arith.constant 0 : index
    %swap3A_138 = vector.load %arg8[%swap3A_137] : memref<1024xf32, #tpu.memory_space<vmem>>, vector<1024xf32>
    tpu.vector_store %arg8[%swap3A_137], %div3A_136 {strides = array<i32>} : memref<1024xf32, #tpu.memory_space<vmem>>, vector<1024xf32>,
    %div3A_139 = arith.divf %div3A_114, %add3A_122 : vector<1024xf32>
    %swap3A_140 = arith.constant 0 : index
    %swap3A_141 = vector.load %arg9[%swap3A_140] : memref<1024xf32, #tpu.memory_space<vmem>>, vector<1024xf32>
    tpu.vector_store %arg9[%swap3A_140], %div3A_139 {strides = array<i32>} : memref<1024xf32, #tpu.memory_space<vmem>>, vector<1024xf32>,
    %div3A_142 = arith.divf %div3A_120, %add3A_122 : vector<1024xf32>
    %swap3A_143 = arith.constant 0 : index
    %swap3A_144 = vector.load %arg10[%swap3A_143] : memref<1024xf32, #tpu.memory_space<vmem>>, vector<1024xf32>
    tpu.vector_store %arg10[%swap3A_143], %div3A_142 {strides = array<i32>} : memref<1024xf32, #tpu.memory_space<vmem>>, vector<1024xf32>,
    %get3A_145 = arith.constant 0 : index
    %get3A_146 = arith.constant 0 : index
    %get3A_147 = arith.constant 0 : index
    %get3A_148 = vector.load %arg4[%get3A_145, %get3A_146, %get3A_147] : memref<1x512x256xf32, #tpu.memory_space<vmem>>, vector<1x512x256xf32>
    %get3A_149 = vector.shape_cast %get3A_148 : vector<1x512x256xf32> to vector<512x256xf32>
    %transpose3A = tpu.transpose %get3A_149, [1, 0] : vector<512x256xf32> -> vector<256x512xf32>
    %slice3A_150 = vector.extract_strided_slice %transpose3A {offsets = [0, 0], sizes = [256, 256], strides = [1, 1]} : vector<256x512xf32> to vector<256x256xf32>
    %bitcast_convert_type3A = tpu.bitcast %slice3A_150 : vector<256x256xf32> -> vector<256x256xi32>
    %slice3A_151 = vector.extract_strided_slice %transpose3A {offsets = [0, 256], sizes = [256, 256], strides = [1, 1]} : vector<256x512xf32> to vector<256x256xf32>
    %bitcast_convert_type3A_152 = tpu.bitcast %slice3A_151 : vector<256x256xf32> -> vector<256x256xi32>
    %add3A_153 = arith.constant 32767 : i32
    %add3A_154 = vector.broadcast %add3A_153 : i32 to vector<256x256xi32>
    %add3A_155 = arith.addi %bitcast_convert_type3A, %add3A_154 : vector<256x256xi32>
    %shift_right_arithmetic3A_156 = arith.constant 16 : i32
    %shift_right_arithmetic3A_157 = vector.broadcast %shift_right_arithmetic3A_156 : i32 to vector<256x256xi32>
    %shift_right_arithmetic3A_158 = arith.shrsi %bitcast_convert_type3A, %shift_right_arithmetic3A_157 : vector<256x256xi32>
    %and3A_159 = arith.constant 1 : i32
    %and3A_160 = vector.broadcast %and3A_159 : i32 to vector<256x256xi32>
    %and3A_161 = arith.andi %shift_right_arithmetic3A_158, %and3A_160 : vector<256x256xi32>
    %add3A_162 = arith.addi %add3A_155, %and3A_161 : vector<256x256xi32>
    %add3A_163 = arith.constant 32767 : i32
    %add3A_164 = vector.broadcast %add3A_163 : i32 to vector<256x256xi32>
    %add3A_165 = arith.addi %bitcast_convert_type3A_152, %add3A_164 : vector<256x256xi32>
    %shift_right_arithmetic3A_166 = arith.constant 16 : i32
    %shift_right_arithmetic3A_167 = vector.broadcast %shift_right_arithmetic3A_166 : i32 to vector<256x256xi32>
    %shift_right_arithmetic3A_168 = arith.shrsi %bitcast_convert_type3A_152, %shift_right_arithmetic3A_167 : vector<256x256xi32>
    %and3A_169 = arith.constant 1 : i32
    %and3A_170 = vector.broadcast %and3A_169 : i32 to vector<256x256xi32>
    %and3A_171 = arith.andi %shift_right_arithmetic3A_168, %and3A_170 : vector<256x256xi32>
    %add3A_172 = arith.addi %add3A_165, %and3A_171 : vector<256x256xi32>
    %shift_right_arithmetic3A_173 = arith.constant 16 : i32
    %shift_right_arithmetic3A_174 = vector.broadcast %shift_right_arithmetic3A_173 : i32 to vector<256x256xi32>
    %shift_right_arithmetic3A_175 = arith.shrsi %add3A_162, %shift_right_arithmetic3A_174 : vector<256x256xi32>
    %and3A_176 = arith.constant 65535 : i32
    %and3A_177 = vector.broadcast %and3A_176 : i32 to vector<256x256xi32>
    %and3A_178 = arith.andi %shift_right_arithmetic3A_175, %and3A_177 : vector<256x256xi32>
    %and3A_179 = arith.constant -65536 : i32
    %and3A_180 = vector.broadcast %and3A_179 : i32 to vector<256x256xi32>
    %and3A_181 = arith.andi %add3A_172, %and3A_180 : vector<256x256xi32>
    %or3A = arith.ori %and3A_178, %and3A_181 : vector<256x256xi32>
    %swap3A_182 = arith.constant 0 : index
    %swap3A_183 = arith.constant 0 : index
    %swap3A_184 = vector.load %arg11[%swap3A_182, %swap3A_183] : memref<256x256xi32, #tpu.memory_space<vmem>>, vector<256x256xi32>
    tpu.vector_store %arg11[%swap3A_182, %swap3A_183], %or3A {strides = array<i32>} : memref<256x256xi32, #tpu.memory_space<vmem>>, vector<256x256xi32>,
    return
  }
  func.func @transform_0(%arg0: i32, %arg1: i32) -> (i32, i32, i32) {
    %c0_i32 = arith.constant 0 : i32
    %c0_i32_0 = arith.constant 0 : i32
    return %arg0, %c0_i32, %arg1 : i32, i32, i32
  }
  func.func @transform_1(%arg0: i32, %arg1: i32) -> (i32, i32, i32) {
    %c0_i32 = arith.constant 0 : i32
    %c0_i32_0 = arith.constant 0 : i32
    %c0_i32_1 = arith.constant 0 : i32
    return %arg0, %c0_i32, %c0_i32_0 : i32, i32, i32
  }
  func.func @transform_2(%arg0: i32, %arg1: i32) -> (i32, i32, i32) {
    %c0_i32 = arith.constant 0 : i32
    %c0_i32_0 = arith.constant 0 : i32
    return %arg0, %c0_i32, %arg1 : i32, i32, i32
  }
  func.func @transform_3(%arg0: i32, %arg1: i32) -> i32 {
    %mul3A = arith.constant 4 : i32
    %mul3A_0 = arith.muli %arg0, %mul3A : i32
    %add3A = arith.addi %mul3A_0, %arg1 : i32
    %c0_i32 = arith.constant 0 : i32
    return %add3A : i32
  }
  func.func @transform_4(%arg0: i32, %arg1: i32) -> i32 {
    %mul3A = arith.constant 4 : i32
    %mul3A_0 = arith.muli %arg0, %mul3A : i32
    %add3A = arith.addi %mul3A_0, %arg1 : i32
    %c0_i32 = arith.constant 0 : i32
    return %add3A : i32
  }
  func.func @transform_5(%arg0: i32, %arg1: i32) -> i32 {
    %mul3A = arith.constant 4 : i32
    %mul3A_0 = arith.muli %arg0, %mul3A : i32
    %add3A = arith.addi %mul3A_0, %arg1 : i32
    %c0_i32 = arith.constant 0 : i32
    return %add3A : i32
  }
  func.func @transform_6(%arg0: i32, %arg1: i32) -> i32 {
    %mul3A = arith.constant 4 : i32
    %mul3A_0 = arith.muli %arg0, %mul3A : i32
    %add3A = arith.addi %mul3A_0, %arg1 : i32
    %c0_i32 = arith.constant 0 : i32
    return %add3A : i32
  }
  func.func @transform_7(%arg0: i32, %arg1: i32) -> i32 {
    %mul3A = arith.constant 4 : i32
    %mul3A_0 = arith.muli %arg0, %mul3A : i32
    %add3A = arith.addi %mul3A_0, %arg1 : i32
    %c0_i32 = arith.constant 0 : i32
    return %add3A : i32
  }
  func.func @transform_8(%arg0: i32, %arg1: i32) -> i32 {
    %mul3A = arith.constant 4 : i32
    %mul3A_0 = arith.muli %arg0, %mul3A : i32
    %add3A = arith.addi %mul3A_0, %arg1 : i32
    %c0_i32 = arith.constant 0 : i32
    return %add3A : i32
  }
  func.func @transform_9(%arg0: i32, %arg1: i32) -> (i32, i32) {
    %mul3A = arith.constant 4 : i32
    %mul3A_0 = arith.muli %arg0, %mul3A : i32
    %add3A = arith.addi %mul3A_0, %arg1 : i32
    %c0_i32 = arith.constant 0 : i32
    %c0_i32_1 = arith.constant 0 : i32
    return %add3A, %c0_i32 : i32, i32
  }
}

module attributes {stable_mosaic.version = 14 : i64} {
  func.func @_mlp_partial_body(%arg0: i32, %arg1: i32, %arg2: memref<1x256x1024xf32, #tpu.memory_space<vmem>>, %arg3: memref<512x256xf32, #tpu.memory_space<vmem>>, %arg4: memref<1024x512xbf16, #tpu.memory_space<vmem>>) attributes {dimension_semantics = [#tpu.dimension_semantics<arbitrary>, #tpu.dimension_semantics<arbitrary>], iteration_bounds = array<i64: 4, 4>, scalar_prefetch = 0 : i64, scratch_operands = 0 : i64, tpu.core_type = #tpu.core_type<tc>, window_params = [{transform_indices = @transform_0, window_bounds = array<i64: 1, 256, 1024>}, {pipeline_mode = #tpu.pipeline_mode<synchronous>, transform_indices = @transform_1, window_bounds = array<i64: 512, 256>}, {transform_indices = @transform_2, window_bounds = array<i64: 1024, 512>}]} {
    %get3A = arith.constant 0 : index
    %get3A_0 = arith.constant 0 : index
    %get3A_1 = arith.constant 0 : index
    %get3A_2 = vector.load %arg2[%get3A, %get3A_0, %get3A_1] : memref<1x256x1024xf32, #tpu.memory_space<vmem>>, vector<1x256x1024xf32>
    %get3A_3 = vector.shape_cast %get3A_2 : vector<1x256x1024xf32> to vector<256x1024xf32>
    %get3A_4 = arith.constant 0 : index
    %get3A_5 = arith.constant 0 : index
    %get3A_6 = vector.load %arg3[%get3A_4, %get3A_5] : memref<512x256xf32, #tpu.memory_space<vmem>>, vector<512x256xf32>
    %dot_general3A = arith.constant dense<0.000000e+00> : vector<1024x512xf32>
    %dot_general3A_7 = tpu.matmul %get3A_3, %get3A_6, %dot_general3A {dimension_numbers = #tpu.dot_dimension_numbers<[0], [1], [1], [0], [0, 1, 1, 0], [], []>, transpose_lhs_hint = false} : vector<256x1024xf32>, vector<512x256xf32>, vector<1024x512xf32> -> vector<1024x512xf32>
    %convert_element_type3A = arith.truncf %dot_general3A_7 : vector<1024x512xf32> to vector<1024x512xbf16>
    %swap3A = arith.constant 0 : index
    %swap3A_8 = arith.constant 0 : index
    %swap3A_9 = vector.load %arg4[%swap3A, %swap3A_8] : memref<1024x512xbf16, #tpu.memory_space<vmem>>, vector<1024x512xbf16>
    tpu.vector_store %arg4[%swap3A, %swap3A_8], %convert_element_type3A {strides = array<i32>} : memref<1024x512xbf16, #tpu.memory_space<vmem>>, vector<1024x512xbf16>,
    return
  }
  func.func @transform_0(%arg0: i32, %arg1: i32) -> (i32, i32, i32) {
    %c0_i32 = arith.constant 0 : i32
    %c0_i32_0 = arith.constant 0 : i32
    return %arg0, %c0_i32, %arg1 : i32, i32, i32
  }
  func.func @transform_1(%arg0: i32, %arg1: i32) -> (i32, i32) {
    %c0_i32 = arith.constant 0 : i32
    %c0_i32_0 = arith.constant 0 : i32
    %c0_i32_1 = arith.constant 0 : i32
    return %c0_i32, %c0_i32_0 : i32, i32
  }
  func.func @transform_2(%arg0: i32, %arg1: i32) -> (i32, i32) {
    %mul3A = arith.constant 4 : i32
    %mul3A_0 = arith.muli %arg0, %mul3A : i32
    %add3A = arith.addi %mul3A_0, %arg1 : i32
    %c0_i32 = arith.constant 0 : i32
    %c0_i32_1 = arith.constant 0 : i32
    return %add3A, %c0_i32 : i32, i32
  }
}

module attributes {stable_mosaic.version = 14 : i64} {
  func.func @_mlp1_body(%arg0: i32, %arg1: memref<1024x512xf32, #tpu.memory_space<vmem>>, %arg2: memref<1024x512xbf16, #tpu.memory_space<vmem>>, %arg3: memref<512x512xf32, #tpu.memory_space<vmem>>, %arg4: memref<1024x512xbf16, #tpu.memory_space<vmem>>, %arg5: memref<1x512xf32, #tpu.memory_space<vmem>>, %arg6: memref<1x512xf32, #tpu.memory_space<vmem>>) attributes {dimension_semantics = [#tpu.dimension_semantics<arbitrary>], iteration_bounds = array<i64: 16>, scalar_prefetch = 0 : i64, scratch_operands = 0 : i64, tpu.core_type = #tpu.core_type<tc>, window_params = [{transform_indices = @transform_0, window_bounds = array<i64: 1024, 512>}, {transform_indices = @transform_1, window_bounds = array<i64: 1024, 512>}, {pipeline_mode = #tpu.pipeline_mode<synchronous>, transform_indices = @transform_2, window_bounds = array<i64: 512, 512>}, {transform_indices = @transform_3, window_bounds = array<i64: 1024, 512>}, {pipeline_mode = #tpu.pipeline_mode<synchronous>, transform_indices = @transform_4, window_bounds = array<i64: 1, 512>}, {pipeline_mode = #tpu.pipeline_mode<synchronous>, transform_indices = @transform_5, window_bounds = array<i64: 1, 512>}]} {
    %eq3A = arith.constant 0 : i32
    %eq3A_0 = arith.cmpi eq, %arg0, %eq3A : i32
    %get3A = arith.constant 0 : index
    %get3A_1 = arith.constant 0 : index
    %get3A_2 = vector.load %arg1[%get3A, %get3A_1] : memref<1024x512xf32, #tpu.memory_space<vmem>>, vector<1024x512xf32>
    %get3A_3 = arith.constant 0 : index
    %get3A_4 = arith.constant 0 : index
    %get3A_5 = vector.load %arg3[%get3A_3, %get3A_4] : memref<512x512xf32, #tpu.memory_space<vmem>>, vector<512x512xf32>
    %dot_general3A = arith.constant dense<0.000000e+00> : vector<1024x512xf32>
    %dot_general3A_6 = tpu.matmul %get3A_2, %get3A_5, %dot_general3A {dimension_numbers = #tpu.dot_dimension_numbers<[1], [1], [0], [0], [0, 0, 1, 0], [], []>, transpose_lhs_hint = false} : vector<1024x512xf32>, vector<512x512xf32>, vector<1024x512xf32> -> vector<1024x512xf32>
    %get3A_7 = arith.constant 0 : index
    %get3A_8 = arith.constant 0 : index
    %get3A_9 = vector.load %arg2[%get3A_7, %get3A_8] : memref<1024x512xbf16, #tpu.memory_space<vmem>>, vector<1024x512xbf16>
    %convert_element_type3A = arith.extf %get3A_9 : vector<1024x512xbf16> to vector<1024x512xf32>
    %add3A = arith.addf %dot_general3A_6, %convert_element_type3A : vector<1024x512xf32>
    %convert_element_type3A_10 = arith.truncf %add3A : vector<1024x512xf32> to vector<1024x512xbf16>
    %swap3A = arith.constant 0 : index
    %swap3A_11 = arith.constant 0 : index
    %swap3A_12 = vector.load %arg4[%swap3A, %swap3A_11] : memref<1024x512xbf16, #tpu.memory_space<vmem>>, vector<1024x512xbf16>
    tpu.vector_store %arg4[%swap3A, %swap3A_11], %convert_element_type3A_10 {strides = array<i32>} : memref<1024x512xbf16, #tpu.memory_space<vmem>>, vector<1024x512xbf16>,
    %convert_element_type3A_13 = arith.extui %eq3A_0 : i1 to i32
    %cond3A = arith.constant 0 : i32
    %cond3A_14 = arith.cmpi ne, %convert_element_type3A_13, %cond3A : i32
    scf.if %cond3A_14 {
      %broadcast_in_dim3A_33 = arith.constant 0.000000e+00 : f32
      %broadcast_in_dim3A_34 = vector.broadcast %broadcast_in_dim3A_33 : f32 to vector<1x512xf32>
      %swap3A_35 = arith.constant 0 : index
      %swap3A_36 = arith.constant 0 : index
      %swap3A_37 = vector.load %arg5[%swap3A_35, %swap3A_36] : memref<1x512xf32, #tpu.memory_space<vmem>>, vector<1x512xf32>
      tpu.vector_store %arg5[%swap3A_35, %swap3A_36], %broadcast_in_dim3A_34 {strides = array<i32>} : memref<1x512xf32, #tpu.memory_space<vmem>>, vector<1x512xf32>,
      %broadcast_in_dim3A_38 = arith.constant 0.000000e+00 : f32
      %broadcast_in_dim3A_39 = vector.broadcast %broadcast_in_dim3A_38 : f32 to vector<1x512xf32>
      %swap3A_40 = arith.constant 0 : index
      %swap3A_41 = arith.constant 0 : index
      %swap3A_42 = vector.load %arg6[%swap3A_40, %swap3A_41] : memref<1x512xf32, #tpu.memory_space<vmem>>, vector<1x512xf32>
      tpu.vector_store %arg6[%swap3A_40, %swap3A_41], %broadcast_in_dim3A_39 {strides = array<i32>} : memref<1x512xf32, #tpu.memory_space<vmem>>, vector<1x512xf32>,
    } else {
    }
    %get3A_15 = arith.constant 0 : index
    %get3A_16 = arith.constant 0 : index
    %get3A_17 = vector.load %arg5[%get3A_15, %get3A_16] : memref<1x512xf32, #tpu.memory_space<vmem>>, vector<1x512xf32>
    %reduce_sum3A = arith.constant dense<0.000000e+00> : vector<512xf32>
    %reduce_sum3A_18 = vector.multi_reduction <add>, %add3A, %reduce_sum3A [0] : vector<1024x512xf32> to vector<512xf32>
    %broadcast_in_dim3A = vector.shape_cast %reduce_sum3A_18 : vector<512xf32> to vector<1x512xf32>
    %add3A_19 = arith.addf %get3A_17, %broadcast_in_dim3A : vector<1x512xf32>
    %swap3A_20 = arith.constant 0 : index
    %swap3A_21 = arith.constant 0 : index
    %swap3A_22 = vector.load %arg5[%swap3A_20, %swap3A_21] : memref<1x512xf32, #tpu.memory_space<vmem>>, vector<1x512xf32>
    tpu.vector_store %arg5[%swap3A_20, %swap3A_21], %add3A_19 {strides = array<i32>} : memref<1x512xf32, #tpu.memory_space<vmem>>, vector<1x512xf32>,
    %get3A_23 = arith.constant 0 : index
    %get3A_24 = arith.constant 0 : index
    %get3A_25 = vector.load %arg6[%get3A_23, %get3A_24] : memref<1x512xf32, #tpu.memory_space<vmem>>, vector<1x512xf32>
    %mul3A = arith.mulf %add3A, %add3A : vector<1024x512xf32>
    %reduce_sum3A_26 = arith.constant dense<0.000000e+00> : vector<512xf32>
    %reduce_sum3A_27 = vector.multi_reduction <add>, %mul3A, %reduce_sum3A_26 [0] : vector<1024x512xf32> to vector<512xf32>
    %broadcast_in_dim3A_28 = vector.shape_cast %reduce_sum3A_27 : vector<512xf32> to vector<1x512xf32>
    %add3A_29 = arith.addf %get3A_25, %broadcast_in_dim3A_28 : vector<1x512xf32>
    %swap3A_30 = arith.constant 0 : index
    %swap3A_31 = arith.constant 0 : index
    %swap3A_32 = vector.load %arg6[%swap3A_30, %swap3A_31] : memref<1x512xf32, #tpu.memory_space<vmem>>, vector<1x512xf32>
    tpu.vector_store %arg6[%swap3A_30, %swap3A_31], %add3A_29 {strides = array<i32>} : memref<1x512xf32, #tpu.memory_space<vmem>>, vector<1x512xf32>,
    return
  }
  func.func @transform_0(%arg0: i32) -> (i32, i32) {
    %c0_i32 = arith.constant 0 : i32
    %c0_i32_0 = arith.constant 0 : i32
    return %arg0, %c0_i32 : i32, i32
  }
  func.func @transform_1(%arg0: i32) -> (i32, i32) {
    %c0_i32 = arith.constant 0 : i32
    %c0_i32_0 = arith.constant 0 : i32
    return %arg0, %c0_i32 : i32, i32
  }
  func.func @transform_2(%arg0: i32) -> (i32, i32) {
    %c0_i32 = arith.constant 0 : i32
    %c0_i32_0 = arith.constant 0 : i32
    %c0_i32_1 = arith.constant 0 : i32
    return %c0_i32, %c0_i32_0 : i32, i32
  }
  func.func @transform_3(%arg0: i32) -> (i32, i32) {
    %c0_i32 = arith.constant 0 : i32
    %c0_i32_0 = arith.constant 0 : i32
    return %arg0, %c0_i32 : i32, i32
  }
  func.func @transform_4(%arg0: i32) -> (i32, i32) {
    %c0_i32 = arith.constant 0 : i32
    %c0_i32_0 = arith.constant 0 : i32
    %c0_i32_1 = arith.constant 0 : i32
    return %c0_i32, %c0_i32_0 : i32, i32
  }
  func.func @transform_5(%arg0: i32) -> (i32, i32) {
    %c0_i32 = arith.constant 0 : i32
    %c0_i32_0 = arith.constant 0 : i32
    %c0_i32_1 = arith.constant 0 : i32
    return %c0_i32, %c0_i32_0 : i32, i32
  }
}

module attributes {stable_mosaic.version = 14 : i64} {
  func.func @_mlp2_body(%arg0: i32, %arg1: memref<1024x512xbf16, #tpu.memory_space<vmem>>, %arg2: memref<1x512xf32, #tpu.memory_space<vmem>>, %arg3: memref<1x512xf32, #tpu.memory_space<vmem>>, %arg4: memref<1x512xf32, #tpu.memory_space<vmem>>, %arg5: memref<1x512xf32, #tpu.memory_space<vmem>>, %arg6: memref<512x512xf32, #tpu.memory_space<vmem>>, %arg7: memref<1x512x1024xbf16, #tpu.memory_space<vmem>>, %arg8: memref<1x512xf32, #tpu.memory_space<vmem>>, %arg9: memref<1x512xf32, #tpu.memory_space<vmem>>) attributes {dimension_semantics = [#tpu.dimension_semantics<arbitrary>], iteration_bounds = array<i64: 16>, scalar_prefetch = 0 : i64, scratch_operands = 0 : i64, tpu.core_type = #tpu.core_type<tc>, window_params = [{transform_indices = @transform_0, window_bounds = array<i64: 1024, 512>}, {pipeline_mode = #tpu.pipeline_mode<synchronous>, transform_indices = @transform_1, window_bounds = array<i64: 1, 512>}, {pipeline_mode = #tpu.pipeline_mode<synchronous>, transform_indices = @transform_2, window_bounds = array<i64: 1, 512>}, {pipeline_mode = #tpu.pipeline_mode<synchronous>, transform_indices = @transform_3, window_bounds = array<i64: 1, 512>}, {pipeline_mode = #tpu.pipeline_mode<synchronous>, transform_indices = @transform_4, window_bounds = array<i64: 1, 512>}, {pipeline_mode = #tpu.pipeline_mode<synchronous>, transform_indices = @transform_5, window_bounds = array<i64: 512, 512>}, {transform_indices = @transform_6, window_bounds = array<i64: 1, 512, 1024>}, {pipeline_mode = #tpu.pipeline_mode<synchronous>, transform_indices = @transform_7, window_bounds = array<i64: 1, 512>}, {pipeline_mode = #tpu.pipeline_mode<synchronous>, transform_indices = @transform_8, window_bounds = array<i64: 1, 512>}]} {
    %eq3A = arith.constant 0 : i32
    %eq3A_0 = arith.cmpi eq, %arg0, %eq3A : i32
    %get3A = arith.constant 0 : index
    %get3A_1 = arith.constant 0 : index
    %get3A_2 = vector.load %arg2[%get3A, %get3A_1] : memref<1x512xf32, #tpu.memory_space<vmem>>, vector<1x512xf32>
    %div3A = arith.constant 1.638400e+04 : f32
    %div3A_3 = vector.broadcast %div3A : f32 to vector<1x512xf32>
    %div3A_4 = arith.divf %get3A_2, %div3A_3 : vector<1x512xf32>
    %get3A_5 = arith.constant 0 : index
    %get3A_6 = arith.constant 0 : index
    %get3A_7 = vector.load %arg3[%get3A_5, %get3A_6] : memref<1x512xf32, #tpu.memory_space<vmem>>, vector<1x512xf32>
    %div3A_8 = arith.constant 1.638400e+04 : f32
    %div3A_9 = vector.broadcast %div3A_8 : f32 to vector<1x512xf32>
    %div3A_10 = arith.divf %get3A_7, %div3A_9 : vector<1x512xf32>
    %mul3A = arith.mulf %div3A_4, %div3A_4 : vector<1x512xf32>
    %sub3A = arith.subf %div3A_10, %mul3A : vector<1x512xf32>
    %get3A_11 = arith.constant 0 : index
    %get3A_12 = arith.constant 0 : index
    %get3A_13 = vector.load %arg4[%get3A_11, %get3A_12] : memref<1x512xf32, #tpu.memory_space<vmem>>, vector<1x512xf32>
    %add3A = arith.constant 9.99999974E-6 : f32
    %add3A_14 = vector.broadcast %add3A : f32 to vector<1x512xf32>
    %add3A_15 = arith.addf %sub3A, %add3A_14 : vector<1x512xf32>
    %sqrt3A = math.sqrt %add3A_15 : vector<1x512xf32>
    %div3A_16 = arith.divf %get3A_13, %sqrt3A : vector<1x512xf32>
    %get3A_17 = arith.constant 0 : index
    %get3A_18 = arith.constant 0 : index
    %get3A_19 = vector.load %arg5[%get3A_17, %get3A_18] : memref<1x512xf32, #tpu.memory_space<vmem>>, vector<1x512xf32>
    %mul3A_20 = arith.mulf %div3A_4, %div3A_16 : vector<1x512xf32>
    %sub3A_21 = arith.subf %get3A_19, %mul3A_20 : vector<1x512xf32>
    %get3A_22 = arith.constant 0 : index
    %get3A_23 = arith.constant 0 : index
    %get3A_24 = vector.load %arg1[%get3A_22, %get3A_23] : memref<1024x512xbf16, #tpu.memory_space<vmem>>, vector<1024x512xbf16>
    %convert_element_type3A = arith.extf %get3A_24 : vector<1024x512xbf16> to vector<1024x512xf32>
    %mul3A_25 = vector.broadcast %div3A_16 : vector<1x512xf32> to vector<1024x512xf32>
    %mul3A_26 = arith.mulf %convert_element_type3A, %mul3A_25 : vector<1024x512xf32>
    %add3A_27 = vector.broadcast %sub3A_21 : vector<1x512xf32> to vector<1024x512xf32>
    %add3A_28 = arith.addf %mul3A_26, %add3A_27 : vector<1024x512xf32>
    %max3A = arith.constant 0.000000e+00 : f32
    %max3A_29 = vector.broadcast %max3A : f32 to vector<1024x512xf32>
    %max3A_30 = arith.maximumf %add3A_28, %max3A_29 : vector<1024x512xf32>
    %get3A_31 = arith.constant 0 : index
    %get3A_32 = arith.constant 0 : index
    %get3A_33 = vector.load %arg6[%get3A_31, %get3A_32] : memref<512x512xf32, #tpu.memory_space<vmem>>, vector<512x512xf32>
    %dot_general3A = arith.constant dense<0.000000e+00> : vector<1024x512xf32>
    %dot_general3A_34 = tpu.matmul %max3A_30, %get3A_33, %dot_general3A {dimension_numbers = #tpu.dot_dimension_numbers<[1], [1], [0], [0], [0, 0, 1, 0], [], []>, transpose_lhs_hint = false} : vector<1024x512xf32>, vector<512x512xf32>, vector<1024x512xf32> -> vector<1024x512xf32>
    %transpose3A = tpu.transpose %dot_general3A_34, [1, 0] : vector<1024x512xf32> -> vector<512x1024xf32>
    %convert_element_type3A_35 = arith.truncf %transpose3A : vector<512x1024xf32> to vector<512x1024xbf16>
    %swap3A = arith.constant 0 : index
    %swap3A_36 = arith.constant 0 : index
    %swap3A_37 = arith.constant 0 : index
    %swap3A_38 = vector.load %arg7[%swap3A, %swap3A_36, %swap3A_37] : memref<1x512x1024xbf16, #tpu.memory_space<vmem>>, vector<1x512x1024xbf16>
    %swap3A_39 = vector.shape_cast %swap3A_38 : vector<1x512x1024xbf16> to vector<512x1024xbf16>
    %swap3A_40 = vector.shape_cast %convert_element_type3A_35 : vector<512x1024xbf16> to vector<1x512x1024xbf16>
    tpu.vector_store %arg7[%swap3A, %swap3A_36, %swap3A_37], %swap3A_40 {strides = array<i32>} : memref<1x512x1024xbf16, #tpu.memory_space<vmem>>, vector<1x512x1024xbf16>,
    %convert_element_type3A_41 = arith.extui %eq3A_0 : i1 to i32
    %cond3A = arith.constant 0 : i32
    %cond3A_42 = arith.cmpi ne, %convert_element_type3A_41, %cond3A : i32
    scf.if %cond3A_42 {
      %broadcast_in_dim3A_62 = arith.constant 0.000000e+00 : f32
      %broadcast_in_dim3A_63 = vector.broadcast %broadcast_in_dim3A_62 : f32 to vector<1x512xf32>
      %swap3A_64 = arith.constant 0 : index
      %swap3A_65 = arith.constant 0 : index
      %swap3A_66 = vector.load %arg8[%swap3A_64, %swap3A_65] : memref<1x512xf32, #tpu.memory_space<vmem>>, vector<1x512xf32>
      tpu.vector_store %arg8[%swap3A_64, %swap3A_65], %broadcast_in_dim3A_63 {strides = array<i32>} : memref<1x512xf32, #tpu.memory_space<vmem>>, vector<1x512xf32>,
      %broadcast_in_dim3A_67 = arith.constant 0.000000e+00 : f32
      %broadcast_in_dim3A_68 = vector.broadcast %broadcast_in_dim3A_67 : f32 to vector<1x512xf32>
      %swap3A_69 = arith.constant 0 : index
      %swap3A_70 = arith.constant 0 : index
      %swap3A_71 = vector.load %arg9[%swap3A_69, %swap3A_70] : memref<1x512xf32, #tpu.memory_space<vmem>>, vector<1x512xf32>
      tpu.vector_store %arg9[%swap3A_69, %swap3A_70], %broadcast_in_dim3A_68 {strides = array<i32>} : memref<1x512xf32, #tpu.memory_space<vmem>>, vector<1x512xf32>,
    } else {
    }
    %get3A_43 = arith.constant 0 : index
    %get3A_44 = arith.constant 0 : index
    %get3A_45 = vector.load %arg8[%get3A_43, %get3A_44] : memref<1x512xf32, #tpu.memory_space<vmem>>, vector<1x512xf32>
    %reduce_sum3A = arith.constant dense<0.000000e+00> : vector<512xf32>
    %reduce_sum3A_46 = vector.multi_reduction <add>, %dot_general3A_34, %reduce_sum3A [0] : vector<1024x512xf32> to vector<512xf32>
    %broadcast_in_dim3A = vector.shape_cast %reduce_sum3A_46 : vector<512xf32> to vector<1x512xf32>
    %add3A_47 = arith.addf %get3A_45, %broadcast_in_dim3A : vector<1x512xf32>
    %swap3A_48 = arith.constant 0 : index
    %swap3A_49 = arith.constant 0 : index
    %swap3A_50 = vector.load %arg8[%swap3A_48, %swap3A_49] : memref<1x512xf32, #tpu.memory_space<vmem>>, vector<1x512xf32>
    tpu.vector_store %arg8[%swap3A_48, %swap3A_49], %add3A_47 {strides = array<i32>} : memref<1x512xf32, #tpu.memory_space<vmem>>, vector<1x512xf32>,
    %get3A_51 = arith.constant 0 : index
    %get3A_52 = arith.constant 0 : index
    %get3A_53 = vector.load %arg9[%get3A_51, %get3A_52] : memref<1x512xf32, #tpu.memory_space<vmem>>, vector<1x512xf32>
    %mul3A_54 = arith.mulf %dot_general3A_34, %dot_general3A_34 : vector<1024x512xf32>
    %reduce_sum3A_55 = arith.constant dense<0.000000e+00> : vector<512xf32>
    %reduce_sum3A_56 = vector.multi_reduction <add>, %mul3A_54, %reduce_sum3A_55 [0] : vector<1024x512xf32> to vector<512xf32>
    %broadcast_in_dim3A_57 = vector.shape_cast %reduce_sum3A_56 : vector<512xf32> to vector<1x512xf32>
    %add3A_58 = arith.addf %get3A_53, %broadcast_in_dim3A_57 : vector<1x512xf32>
    %swap3A_59 = arith.constant 0 : index
    %swap3A_60 = arith.constant 0 : index
    %swap3A_61 = vector.load %arg9[%swap3A_59, %swap3A_60] : memref<1x512xf32, #tpu.memory_space<vmem>>, vector<1x512xf32>
    tpu.vector_store %arg9[%swap3A_59, %swap3A_60], %add3A_58 {strides = array<i32>} : memref<1x512xf32, #tpu.memory_space<vmem>>, vector<1x512xf32>,
    return
  }
  func.func @transform_0(%arg0: i32) -> (i32, i32) {
    %c0_i32 = arith.constant 0 : i32
    %c0_i32_0 = arith.constant 0 : i32
    return %arg0, %c0_i32 : i32, i32
  }
  func.func @transform_1(%arg0: i32) -> (i32, i32) {
    %c0_i32 = arith.constant 0 : i32
    %c0_i32_0 = arith.constant 0 : i32
    %c0_i32_1 = arith.constant 0 : i32
    return %c0_i32, %c0_i32_0 : i32, i32
  }
  func.func @transform_2(%arg0: i32) -> (i32, i32) {
    %c0_i32 = arith.constant 0 : i32
    %c0_i32_0 = arith.constant 0 : i32
    %c0_i32_1 = arith.constant 0 : i32
    return %c0_i32, %c0_i32_0 : i32, i32
  }
  func.func @transform_3(%arg0: i32) -> (i32, i32) {
    %c0_i32 = arith.constant 0 : i32
    %c0_i32_0 = arith.constant 0 : i32
    %c0_i32_1 = arith.constant 0 : i32
    return %c0_i32, %c0_i32_0 : i32, i32
  }
  func.func @transform_4(%arg0: i32) -> (i32, i32) {
    %c0_i32 = arith.constant 0 : i32
    %c0_i32_0 = arith.constant 0 : i32
    %c0_i32_1 = arith.constant 0 : i32
    return %c0_i32, %c0_i32_0 : i32, i32
  }
  func.func @transform_5(%arg0: i32) -> (i32, i32) {
    %c0_i32 = arith.constant 0 : i32
    %c0_i32_0 = arith.constant 0 : i32
    %c0_i32_1 = arith.constant 0 : i32
    return %c0_i32, %c0_i32_0 : i32, i32
  }
  func.func @transform_6(%arg0: i32) -> (i32, i32, i32) {
    %jit3A = arith.constant 4 : i32
    %div3A = arith.divsi %arg0, %jit3A : i32
    %sign3A = arith.constant 0 : i32
    %sign3A_0 = arith.cmpi sgt, %arg0, %sign3A : i32
    %sign3A_1 = arith.extui %sign3A_0 : i1 to i32
    %sign3A_2 = arith.constant 0 : i32
    %sign3A_3 = arith.cmpi slt, %arg0, %sign3A_2 : i32
    %sign3A_4 = arith.extui %sign3A_3 : i1 to i32
    %sign3A_5 = arith.subi %sign3A_1, %sign3A_4 : i32
    %sign3A_6 = arith.constant 0 : i32
    %sign3A_7 = arith.cmpi sgt, %jit3A, %sign3A_6 : i32
    %sign3A_8 = arith.extui %sign3A_7 : i1 to i32
    %sign3A_9 = arith.constant 0 : i32
    %sign3A_10 = arith.cmpi slt, %jit3A, %sign3A_9 : i32
    %sign3A_11 = arith.extui %sign3A_10 : i1 to i32
    %sign3A_12 = arith.subi %sign3A_8, %sign3A_11 : i32
    %ne3A = arith.cmpi ne, %sign3A_5, %sign3A_12 : i32
    %rem3A = arith.remsi %arg0, %jit3A : i32
    %ne3A_13 = arith.constant 0 : i32
    %ne3A_14 = arith.cmpi ne, %rem3A, %ne3A_13 : i32
    %and3A = arith.andi %ne3A, %ne3A_14 : i1
    %sub3A = arith.constant 1 : i32
    %sub3A_15 = arith.subi %div3A, %sub3A : i32
    %select_n3A = arith.select %and3A, %sub3A_15, %div3A : i32
    %jit3A_16 = arith.constant 4 : i32
    %eq3A = arith.constant 0 : i32
    %eq3A_17 = arith.cmpi eq, %jit3A_16, %eq3A : i32
    %jit3A_18 = arith.constant 1 : i32
    %select_n3A_19 = arith.select %eq3A_17, %jit3A_18, %jit3A_16 : i32
    %rem3A_20 = arith.remsi %arg0, %select_n3A_19 : i32
    %ne3A_21 = arith.constant 0 : i32
    %ne3A_22 = arith.cmpi ne, %rem3A_20, %ne3A_21 : i32
    %lt3A = arith.constant 0 : i32
    %lt3A_23 = arith.cmpi slt, %rem3A_20, %lt3A : i32
    %lt3A_24 = arith.constant 0 : i32
    %lt3A_25 = arith.cmpi slt, %select_n3A_19, %lt3A_24 : i32
    %ne3A_26 = arith.xori %lt3A_23, %lt3A_25 : i1
    %and3A_27 = arith.andi %ne3A_26, %ne3A_22 : i1
    %add3A = arith.addi %rem3A_20, %select_n3A_19 : i32
    %select_n3A_28 = arith.select %and3A_27, %add3A, %rem3A_20 : i32
    %c0_i32 = arith.constant 0 : i32
    %c0_i32_29 = arith.constant 0 : i32
    return %select_n3A, %c0_i32, %select_n3A_28 : i32, i32, i32
  }
  func.func @transform_7(%arg0: i32) -> (i32, i32) {
    %c0_i32 = arith.constant 0 : i32
    %c0_i32_0 = arith.constant 0 : i32
    %c0_i32_1 = arith.constant 0 : i32
    return %c0_i32, %c0_i32_0 : i32, i32
  }
  func.func @transform_8(%arg0: i32) -> (i32, i32) {
    %c0_i32 = arith.constant 0 : i32
    %c0_i32_0 = arith.constant 0 : i32
    %c0_i32_1 = arith.constant 0 : i32
    return %c0_i32, %c0_i32_0 : i32, i32
  }
}

module attributes {stable_mosaic.version = 14 : i64} {
  func.func @_final_body(%arg0: i32, %arg1: i32, %arg2: memref<1x512x1024xbf16, #tpu.memory_space<vmem>>, %arg3: memref<1x512xf32, #tpu.memory_space<vmem>>, %arg4: memref<1x512xf32, #tpu.memory_space<vmem>>, %arg5: memref<512x1xf32, #tpu.memory_space<vmem>>, %arg6: memref<512x1xf32, #tpu.memory_space<vmem>>, %arg7: memref<1x512x1024xf32, #tpu.memory_space<vmem>>) attributes {dimension_semantics = [#tpu.dimension_semantics<arbitrary>, #tpu.dimension_semantics<arbitrary>], iteration_bounds = array<i64: 4, 4>, scalar_prefetch = 0 : i64, scratch_operands = 0 : i64, tpu.core_type = #tpu.core_type<tc>, window_params = [{transform_indices = @transform_0, window_bounds = array<i64: 1, 512, 1024>}, {pipeline_mode = #tpu.pipeline_mode<synchronous>, transform_indices = @transform_1, window_bounds = array<i64: 1, 512>}, {pipeline_mode = #tpu.pipeline_mode<synchronous>, transform_indices = @transform_2, window_bounds = array<i64: 1, 512>}, {pipeline_mode = #tpu.pipeline_mode<synchronous>, transform_indices = @transform_3, window_bounds = array<i64: 512, 1>}, {pipeline_mode = #tpu.pipeline_mode<synchronous>, transform_indices = @transform_4, window_bounds = array<i64: 512, 1>}, {transform_indices = @transform_5, window_bounds = array<i64: 1, 512, 1024>}]} {
    %get3A = arith.constant 0 : index
    %get3A_0 = arith.constant 0 : index
    %get3A_1 = vector.load %arg3[%get3A, %get3A_0] : memref<1x512xf32, #tpu.memory_space<vmem>>, vector<1x512xf32>
    %transpose3A = tpu.transpose %get3A_1, [1, 0] : vector<1x512xf32> -> vector<512x1xf32>
    %div3A = arith.constant 1.638400e+04 : f32
    %div3A_2 = vector.broadcast %div3A : f32 to vector<512x1xf32>
    %div3A_3 = arith.divf %transpose3A, %div3A_2 : vector<512x1xf32>
    %get3A_4 = arith.constant 0 : index
    %get3A_5 = arith.constant 0 : index
    %get3A_6 = vector.load %arg4[%get3A_4, %get3A_5] : memref<1x512xf32, #tpu.memory_space<vmem>>, vector<1x512xf32>
    %transpose3A_7 = tpu.transpose %get3A_6, [1, 0] : vector<1x512xf32> -> vector<512x1xf32>
    %div3A_8 = arith.constant 1.638400e+04 : f32
    %div3A_9 = vector.broadcast %div3A_8 : f32 to vector<512x1xf32>
    %div3A_10 = arith.divf %transpose3A_7, %div3A_9 : vector<512x1xf32>
    %mul3A = arith.mulf %div3A_3, %div3A_3 : vector<512x1xf32>
    %sub3A = arith.subf %div3A_10, %mul3A : vector<512x1xf32>
    %get3A_11 = arith.constant 0 : index
    %get3A_12 = arith.constant 0 : index
    %get3A_13 = vector.load %arg5[%get3A_11, %get3A_12] : memref<512x1xf32, #tpu.memory_space<vmem>>, vector<512x1xf32>
    %add3A = arith.constant 9.99999974E-6 : f32
    %add3A_14 = vector.broadcast %add3A : f32 to vector<512x1xf32>
    %add3A_15 = arith.addf %sub3A, %add3A_14 : vector<512x1xf32>
    %sqrt3A = math.sqrt %add3A_15 : vector<512x1xf32>
    %div3A_16 = arith.divf %get3A_13, %sqrt3A : vector<512x1xf32>
    %get3A_17 = arith.constant 0 : index
    %get3A_18 = arith.constant 0 : index
    %get3A_19 = vector.load %arg6[%get3A_17, %get3A_18] : memref<512x1xf32, #tpu.memory_space<vmem>>, vector<512x1xf32>
    %mul3A_20 = arith.mulf %div3A_3, %div3A_16 : vector<512x1xf32>
    %sub3A_21 = arith.subf %get3A_19, %mul3A_20 : vector<512x1xf32>
    %get3A_22 = arith.constant 0 : index
    %get3A_23 = arith.constant 0 : index
    %get3A_24 = arith.constant 0 : index
    %get3A_25 = vector.load %arg2[%get3A_22, %get3A_23, %get3A_24] : memref<1x512x1024xbf16, #tpu.memory_space<vmem>>, vector<1x512x1024xbf16>
    %get3A_26 = vector.shape_cast %get3A_25 : vector<1x512x1024xbf16> to vector<512x1024xbf16>
    %convert_element_type3A = arith.extf %get3A_26 : vector<512x1024xbf16> to vector<512x1024xf32>
    %mul3A_27 = vector.broadcast %div3A_16 : vector<512x1xf32> to vector<512x1024xf32>
    %mul3A_28 = arith.mulf %convert_element_type3A, %mul3A_27 : vector<512x1024xf32>
    %add3A_29 = vector.broadcast %sub3A_21 : vector<512x1xf32> to vector<512x1024xf32>
    %add3A_30 = arith.addf %mul3A_28, %add3A_29 : vector<512x1024xf32>
    %max3A = arith.constant 0.000000e+00 : f32
    %max3A_31 = vector.broadcast %max3A : f32 to vector<512x1024xf32>
    %max3A_32 = arith.maximumf %add3A_30, %max3A_31 : vector<512x1024xf32>
    %swap3A = arith.constant 0 : index
    %swap3A_33 = arith.constant 0 : index
    %swap3A_34 = arith.constant 0 : index
    %swap3A_35 = vector.load %arg7[%swap3A, %swap3A_33, %swap3A_34] : memref<1x512x1024xf32, #tpu.memory_space<vmem>>, vector<1x512x1024xf32>
    %swap3A_36 = vector.shape_cast %swap3A_35 : vector<1x512x1024xf32> to vector<512x1024xf32>
    %swap3A_37 = vector.shape_cast %max3A_32 : vector<512x1024xf32> to vector<1x512x1024xf32>
    tpu.vector_store %arg7[%swap3A, %swap3A_33, %swap3A_34], %swap3A_37 {strides = array<i32>} : memref<1x512x1024xf32, #tpu.memory_space<vmem>>, vector<1x512x1024xf32>,
    return
  }
  func.func @transform_0(%arg0: i32, %arg1: i32) -> (i32, i32, i32) {
    %c0_i32 = arith.constant 0 : i32
    %c0_i32_0 = arith.constant 0 : i32
    return %arg0, %c0_i32, %arg1 : i32, i32, i32
  }
  func.func @transform_1(%arg0: i32, %arg1: i32) -> (i32, i32) {
    %c0_i32 = arith.constant 0 : i32
    %c0_i32_0 = arith.constant 0 : i32
    %c0_i32_1 = arith.constant 0 : i32
    return %c0_i32, %c0_i32_0 : i32, i32
  }
  func.func @transform_2(%arg0: i32, %arg1: i32) -> (i32, i32) {
    %c0_i32 = arith.constant 0 : i32
    %c0_i32_0 = arith.constant 0 : i32
    %c0_i32_1 = arith.constant 0 : i32
    return %c0_i32, %c0_i32_0 : i32, i32
  }
  func.func @transform_3(%arg0: i32, %arg1: i32) -> (i32, i32) {
    %c0_i32 = arith.constant 0 : i32
    %c0_i32_0 = arith.constant 0 : i32
    %c0_i32_1 = arith.constant 0 : i32
    return %c0_i32, %c0_i32_0 : i32, i32
  }
  func.func @transform_4(%arg0: i32, %arg1: i32) -> (i32, i32) {
    %c0_i32 = arith.constant 0 : i32
    %c0_i32_0 = arith.constant 0 : i32
    %c0_i32_1 = arith.constant 0 : i32
    return %c0_i32, %c0_i32_0 : i32, i32
  }
  func.func @transform_5(%arg0: i32, %arg1: i32) -> (i32, i32, i32) {
    %c0_i32 = arith.constant 0 : i32
    %c0_i32_0 = arith.constant 0 : i32
    return %arg0, %c0_i32, %arg1 : i32, i32, i32
  }
}

</mosaic_0001>

<sc_bundles>
// kernel: kernel.8.cloned.1.call-start
scs
__scs_entry_jumppad:
0x0: {  	(pc) =	sbr.rel $0x88, $3  }
0x1: {  	(tag) =	ssettag $0x0;
	lr =	simm.s32 $0x1  }
0x2: {  	[smem:$0x3F97] =	sst lr;
	_ =	strace $0xD0000000  }
0x3: {  	_ = 	snop  }
0x4: {  	_ = 	snop  }
0x5: {  	_ = 	snop  }
0x6: {  	_ = 	snop  }
0x7: {  	_ = 	snop  }
__scs_overlays_trampoline_lowered:
0x8: {  	[smem:$0x3FA6] =	sst s0  }
0x9: {  	[smem:$0x3FA7] =	sst s1  }
0xa: {  	[smem:$0x3FA8] =	sst s2  }
0xb: {  	[smem:$0x3FA9] =	sst s3  }
0xc: {  	[smem:$0x3FAA] =	sst s4  }
0xd: {  	[smem:$0x3FAB] =	sst s5  }
0xe: {  	[smem:$0x3FAC] =	sst s6  }
0xf: {  	[smem:$0x3FAD] =	sst s7  }
0x10: {  	[smem:$0x3FAE] =	sst s8  }
0x11: {  	[smem:$0x3FAF] =	sst s9;
	s0 =	simm.s32 @!p0 $0x0  }
0x12: {  	s1 =	sld [smem:$0x3F95];
	s0 =	simm.s32 @p0 $0x1  }
0x13: {  	[smem:$0x3FB0] =	sst s0;
	s0 =	simm.s32 @!p1 $0x0  }
0x14: {  	s2 =	sld [smem:$0x3F94];
	s0 =	simm.s32 @p1 $0x1  }
0x15: {  	[smem:$0x3FB1] =	sst s0;
	s0 =	simm.s32 @!p2 $0x0  }
0x16: {  	s3 =	sld [smem:$0x3FDB];
	s0 =	simm.s32 @p2 $0x1  }
0x17: {  	s4 =	simm.s32 $0x1BF5;
	[smem:$0x3FB3] =	sst s0  }
0x18: {  	s0 =	sld [smem:$0x3F96];
	_ =	swait.ge [sflag:s4], $0x0  }
0x19: {  	s7 =	sld [smem:$0x3F97]  }
0x1a: {  	s8 =	sadd.s32 $0xFFFFE003, lr  }
0x1b: {  	s9 =	sadd.s32 $0xFFFFFEF7, lr;
	s5 =	simm.s32 $0xFFFFFFFF;
	p2 =	slt.u32 s8, $0xFFFFF086  }
0x1c: {  	p1 =	slt.u32 s9, $0xF7A;
	s5 =	simm.s32 @!p2 $0x0  }
0x1d: {  	s5 =	simm.s32 @p1 $0x1;
	p0 =	seq.s32 s7, s2  }
0x1e: {  	s7 =	smul.u32 @!p0 $0xF7A, s2;
	p2 =	seq.s32 @!p0 s5, $0x0  }
0x1f: {  	s9 =	smul.u32 $0xF7A, s1;
	s8 =	simm.s32 @!p0 $0x1BF5;
	p2 =	por !p2, p0  }
0x20: {  	[sflag:s8] =	ssyncset.s32 @!p0 $0xFFFFF086;
	s6 =	sadd.s32 @!p0 s3, s7;
	s7 =	simm.s32 @!p0 $0x108  }
0x21: {  	s3 =	sadd.s32 s3, s9;
	s6 =	sadd.s32 @!p0 $0x88, s6;
	s7 =	simm.s32 @p2 $0x1082  }
0x22: {  	[simem:s7], [sflag:s8] =	dma.local @!p0 [hbm:s6], $0xF7A  }
0x23: {  	s9 =	sor.u32 $0xD0000000, s2;
	s6 =	simm.s32 $0x108;
	_ =	swait.ge @!p0 [sflag:s8], $0x0  }
0x24: {  	s3 =	sadd.s32 $0x88, s3;
	s6 =	simm.s32 @!p1 $0x1082;
	[sflag:s4] =	ssyncset.s32 $0xFFFFF086  }
0x25: {  	[simem:s6], [sflag:s4] =	dma.local [hbm:s3], $0xF7A  }
0x26: {  	[smem:$0x3F97] =	sst s1;
	(tag) =	ssettag s2;
	_ =	strace s9  }
0x27: {  	s1 =	sld [smem:$0x3FA7]  }
0x28: {  	s2 =	sld [smem:$0x3FA8]  }
0x29: {  	s4 =	sld [smem:$0x3FAA]  }
0x2a: {  	p0 =	seq.s32 s5, $0x0;
	s5 =	sld [smem:$0x3FAB]  }
0x2b: {  	s6 =	sld [smem:$0x3FAC]  }
0x2c: {  	s7 =	sld [smem:$0x3FAD]  }
0x2d: {  	s3 =	simm.s32 $0x108;
	s8 =	sld [smem:$0x3FAE]  }
0x2e: {  	s3 =	simm.s32 @!p0 $0x1082;
	s9 =	sld [smem:$0x3FAF]  }
0x2f: {  	lr =	sadd.s32 s0, s3;
	s0 =	sld [smem:$0x3FA6]  }
0x30: {  	s3 =	sld [smem:$0x3FA9]  }
0x31: {  	[smem:$0x3FB2] =	sst s10  }
0x32: {  	s10 =	sld [smem:$0x3FB0];
	_ =	sdelay $0x3  }
0x33: {  	p0 =	seq.s32 s10, $0x1;
	s10 =	sld [smem:$0x3FB2];
	_ =	sdelay $0x3  }
0x34: {  	[smem:$0x3FB2] =	sst s10  }
0x35: {  	s10 =	sld [smem:$0x3FB1];
	_ =	sdelay $0x3  }
0x36: {  	p1 =	seq.s32 s10, $0x1;
	s10 =	sld [smem:$0x3FB2];
	_ =	sdelay $0x3  }
0x37: {  	[smem:$0x3FB2] =	sst s10  }
0x38: {  	s10 =	sld [smem:$0x3FB3]  }
0x39: {  	_ = 	snop;
	(pc) =	sbr.ind lr, $3  }
0x3a: {  	_ = 	snop  }
0x3b: {  	_ = 	snop  }
0x3c: {  	p2 =	seq.s32 s10, $0x1;
	s10 =	sld [smem:$0x3FB2]  }
0x3d: {  	_ =	shalt  }
0x3e: {  	_ =	shalt  }
0x3f: {  	_ =	shalt  }
0x40: {  	_ =	shalt  }
0x41: {  	_ =	shalt  }
0x42: {  	_ =	shalt  }
0x43: {  	_ =	shalt  }
0x44: {  	_ =	shalt  }
0x45: {  	_ =	shalt  }
0x46: {  	_ =	shalt  }
0x47: {  	_ =	shalt  }
0x48: {  	_ =	shalt  }
0x49: {  	_ =	shalt  }
0x4a: {  	_ =	shalt  }
0x4b: {  	_ =	shalt  }
0x4c: {  	_ =	shalt  }
0x4d: {  	_ =	shalt  }
0x4e: {  	_ =	shalt  }
0x4f: {  	_ =	shalt  }
0x50: {  	_ =	shalt  }
0x51: {  	_ =	shalt  }
0x52: {  	_ =	shalt  }
0x53: {  	_ =	shalt  }
0x54: {  	_ =	shalt  }
0x55: {  	_ =	shalt  }
0x56: {  	_ =	shalt  }
0x57: {  	_ =	shalt  }
0x58: {  	_ =	shalt  }
0x59: {  	_ =	shalt  }
0x5a: {  	_ =	shalt  }
0x5b: {  	_ =	shalt  }
0x5c: {  	_ =	shalt  }
0x5d: {  	_ =	shalt  }
0x5e: {  	_ =	shalt  }
0x5f: {  	_ =	shalt  }
0x60: {  	_ =	shalt  }
0x61: {  	_ =	shalt  }
0x62: {  	_ =	shalt  }
0x63: {  	_ =	shalt  }
0x64: {  	_ =	shalt  }
0x65: {  	_ =	shalt  }
0x66: {  	_ =	shalt  }
0x67: {  	_ =	shalt  }
0x68: {  	_ =	shalt  }
0x69: {  	_ =	shalt  }
0x6a: {  	_ =	shalt  }
0x6b: {  	_ =	shalt  }
0x6c: {  	_ =	shalt  }
0x6d: {  	_ =	shalt  }
0x6e: {  	_ =	shalt  }
0x6f: {  	_ =	shalt  }
0x70: {  	_ =	shalt  }
0x71: {  	_ =	shalt  }
0x72: {  	_ =	shalt  }
0x73: {  	_ =	shalt  }
0x74: {  	_ =	shalt  }
0x75: {  	_ =	shalt  }
0x76: {  	_ =	shalt  }
0x77: {  	_ =	shalt  }
0x78: {  	_ =	shalt  }
0x79: {  	_ =	shalt  }
0x7a: {  	_ =	shalt  }
0x7b: {  	_ =	shalt  }
0x7c: {  	_ =	shalt  }
0x7d: {  	_ =	shalt  }
0x7e: {  	_ =	shalt  }
0x7f: {  	_ =	shalt  }
0x80: {  	_ =	shalt  }
0x81: {  	_ =	shalt  }
0x82: {  	_ =	shalt  }
0x83: {  	_ =	shalt  }
0x84: {  	_ =	shalt  }
0x85: {  	_ =	shalt  }
0x86: {  	_ =	shalt  }
0x87: {  	_ =	shalt  }
.Lfunc_end0:
.L_simem_size_0:
called_computation_lowered:
.L_overlay_start_0:
0x88: {  	s2 =	sld [smem:$0x3FD9]  }
0x89: {  	s3 =	sld [smem:$0x3FFE];
	_ =	sdelay $0x1  }
0x8a: {  	s1 =	srdreg.scid  }
0x8b: {  	s0 =	sand.u32 $0x1, s1  }
0x8c: {  	s17 =	sshll.u32 s0, $0xA;
	s2 =	sadd.s32 s3, s2  }
0x8d: {  	s2 =	sadd.s32 s2, s17  }
0x8e: {  	[smem:$0x3FBE] =	sst s2  }
0x8f: {  	_ = 	snop  }
0x90: {  	s2 =	sld [smem:$0x3FD0];
	(tm) =	ssettm $0x1  }
0x91: {  	s18 =	sld [smem:$0x3FFB];
	_ =	sdelay $0x3  }
0x92: {  	_ =	strace s18  }
0x93: {  	s3 =	sld [smem:$0x3FFC];
	_ =	sdelay $0x3  }
0x94: {  	_ =	strace s3  }
0x95: {  	s3 =	sld [smem:$0x3FFD];
	_ =	sdelay $0x3  }
0x96: {  	_ =	strace s3  }
0x97: {  	_ =	strace $0x8FFFFFFF  }
0x98: {  	s19 =	sld [smem:$0x3FDB];
	_ =	sdelay $0x1  }
0x99: {  	s4 =	simm.s32 $_scs_section_size  }
0x9a: {  	s5 =	simm.s32 $_size__tile_overlayer_lowered;
	s6 =	simm.s32 $_tile_overlayer_lowered  }
0x9b: {  	s22 =	simm.s32 $0x1BFF;
	s21 =	sshll.u32 s6, $0x1;
	s3 =	sadd.s32 s4, s19  }
0x9c: {  	s7 =	simm.s32 $0x0;
	s20 =	sshll.u32 s5, $0x1;
	s5 =	sadd.s32 s21, s3  }
0x9d: {  	[timem:s7], [sflag:s22] =	dma.local [hbm:s5], s20  }
0x9e: {  	_ =	swait.ge [sflag:s22], s20  }
0x9f: {  	s4 =	ssub.s32 $0x0, s20;
	[sflag:s22] =	ssyncset.done $0x0  }
0xa0: {  	[sflag:s22] =	ssyncadd.s32 s4;
	_ =	sdelay $0x1  }
0xa1: {  	s23 =	simm.s32 $0x1B8B  }
0xa2: {  	_ =	swait.ge [sflag:s23], $0x1  }
0xa3: {  	[sflag:s23] =	ssyncset.done $0x0  }
0xa4: {  	s25 =	simm.s32 $0x1B8E;
	s24 =	sld [smem:$0x3FFE];
	[sflag:s23] =	ssyncadd.s32 $0xFFFFFFFF  }
0xa5: {  	s26 =	simm.s32 $execute0_lowered;
	[smem:$0x3FD2] =	sst s25  }
0xa6: {  	s5 =	sshll.u32 s26, $0x1;
	_ =	strace $0x80000046;
	[dreg:$0x1] =	wrdreg $0xFFFFFFFF  }
0xa7: {  	s28 =	simm.s32 $_size_execute0_lowered;
	s3 =	sadd.s32 s3, s5;
	[dreg:$0x0] =	wrdreg $0x0  }
0xa8: {  	s5 =	sshll.u32 s28, $0x1;
	[dreg:$0x2] =	wrdreg s3  }
0xa9: {  	[dreg:$0x3] =	wrdreg s5  }
0xaa: {  	[dreg:$0x4] =	wrdreg $0xC0  }
0xab: {  	_ =	task [dreg:s7], $0x5FFFF  }
0xac: {  	[dreg:$0x1] =	wrdreg $0xFFFFFFFF  }
0xad: {  	[dreg:$0x0] =	wrdreg $0x60  }
0xae: {  	[dreg:$0x2] =	wrdreg s24  }
0xaf: {  	[dreg:$0x3] =	wrdreg s2  }
0xb0: {  	[dreg:$0x4] =	wrdreg $0x9  }
0xb1: {  	_ =	task.clear_ibuf [dreg:s7], $0x5FFFF;
	_ =	strace $0x90000046  }
0xb2: {  	s29 =	simm.s32 $0x9;
	_ =	strace $0x80000048  }
0xb3: {  	_ =	swait.ge [sflag:s29], $0x1  }
0xb4: {  	[sflag:s29] =	ssyncadd.s32 $0xFFFFFFFF  }
0xb5: {  	_ =	strace $0x90000048  }
0xb6: {  	_ =	sfence  }
0xb7: {  	s30 =	sld [smem:$0x0];
	_ =	sdelay $0x2  }
0xb8: {  	s31 =	sshll.u32 s1, $0xD;
	s1 =	sshrl.u32 s1, $0x2  }
0xb9: {  	s3 =	sand.u32 $0x4000, s31;
	s1 =	sadd.s32 s1, s30  }
0xba: {  	s0 =	sor.u32 s3, s0;
	s1 =	sshll.u32 s1, $0x11  }
0xbb: {  	s0 =	sor.u32 s1, s0  }
0xbc: {  	s0 =	sadd.s32 $0x8F2B, s0  }
0xbd: {  	[sflag:s0] =	ssyncadd.remote.s32 $0x1  }
0xbe: {  	_ =	sfence.sel $0xFFFF  }
0xbf: {  	[dreg:$0x0] =	wrdreg $0xFFFFFFFF;
	(pc) =	sbr.abs _section_cstart, $3  }
0xc0: {  	[dreg:$0x1] =	wrdreg $0xFFFFFFFF  }
0xc1: {  	_ =	task.clear_ibuf [dreg:s7], $0x2FFFF;
	_ =	strace $0x9FFFFFFF  }
0xc2: {  	(tm) =	ssettm $0x7FFFFFFF  }
0xc3: {  	_ =	shalt  }
tec
execute0_lowered:
.L_overlay_start_1:
0x0: {  	(tag) =	ssettag $0x1  }
0x1: {  	s0 =	srdreg.scid;
	s1 =	rddreg [dreg:$0x0]  }
0x2: {  	s2 =	stileid.u32;
	s6 =	rddreg [dreg:$0x1];
	s3 =	simm.s32 $0x0  }
0x3: {  	s0 =	sand.u32 $0x1, s0;
	s2 =	sshll.u32 s2, $0xA;
	[smem:$0x7FF] =	sst s3  }
0x4: {  	s5 =	sadd.s32 $0x3400, s1;
	s4 =	sshll.u32 s0, $0x9;
	s0 =	ssub.s32 $0x2, s0  }
0x5: {  	_ =	strace $0x80000047;
	s7 =	sor.u32 s4, s2;
	s22 =	sshrl.u32 s0, $0x1  }
0x6: {  	s2 =	sshrl.u32 s7, $0x3;
	s0 =	ssub.s32 s0, s22;
	s31 =	sshll.u32 s7, $0x6  }
0x7: {  	[dreg:$0x3] =	wrdreg s7;
	s2 =	sadd.s32 s2, s1;
	s1 =	sadd.s32 s6, s31  }
0x8: {  	s0 =	smax.u32 s0, $0x1;
	[dreg:$0xa] =	wrdreg s1  }
0x9: {  	s23 =	sadd.s32 $0x23400, s2;
	[dreg:$0xb] =	wrdreg s0  }
0xa: {  	s24 =	sadd.s32 $0x24C00, s2;
	[dreg:$0x4] =	wrdreg s23  }
0xb: {  	s25 =	sadd.s32 $0x23C00, s2;
	[dreg:$0x5] =	wrdreg s24  }
0xc: {  	s26 =	sadd.s32 $0x25400, s2;
	[dreg:$0x6] =	wrdreg s25  }
0xd: {  	v2 =	vlaneseq.u32;
	s28 =	sadd.s32 $0x24400, s2;
	[dreg:$0x7] =	wrdreg s26  }
0xe: {  	s29 =	simm.s32 $0x2;
	vm0 =	vmmov $0xffff;
	v1 =	vshrl.u32 v2, $0x3;
	s30 =	sadd.s32 $0x25C00, s2;
	[dreg:$0x8] =	wrdreg s28  }
0xf: {  	v0 =	vand.u32 $0x7, v2;
	v2 =	vor.u32 $0x8, v2;
	v1 =	vmul.u32 $0x8, v1;
	s4 =	simm.s32 $0x0;
	s0 =	simm.s32 $0x1;
	[dreg:$0x9] =	wrdreg s30  }
.LBB2_1:
0x10: {  	[dreg:$0xc] =	wrdreg s4  }
0x11: {  	s1 =	rddreg [dreg:$0x4];
	s2 =	simm.s32 $0x5  }
0x12: {  	[tilespmem:s3], [sflag:$0x5] =	stream.linear.gather [hbm4b:s1+s3], $0x200, $0x38;
	[tilespmem:$0x14C80] =	vst v63  }
0x13: {  	_ =	swait.ge [sflag:s2], $0x200  }
0x14: {  	[sflag:s2] =	ssyncset.done $0x0  }
0x15: {  	s9 =	simm.s32 $0x600;
	s8 =	rddreg [dreg:$0x5];
	[sflag:s2] =	ssyncadd.s32 $0xFFFFFE00  }
0x16: {  	[tilespmem:s9], [sflag:$0x5] =	stream.linear.gather [hbm4b:s8+s3], $0x200, $0x38;
	[tilespmem:$0x14C80] =	vst v63  }
0x17: {  	_ =	swait.ge [sflag:s2], $0x200  }
0x18: {  	[sflag:s2] =	ssyncset.done $0x0  }
0x19: {  	s11 =	simm.s32 $0x200;
	s10 =	rddreg [dreg:$0x6];
	[sflag:s2] =	ssyncadd.s32 $0xFFFFFE00  }
0x1a: {  	[tilespmem:s11], [sflag:$0x5] =	stream.linear.gather [hbm4b:s10+s3], $0x200, $0x38;
	[tilespmem:$0x14C80] =	vst v63  }
0x1b: {  	_ =	swait.ge [sflag:s2], $0x200  }
0x1c: {  	[sflag:s2] =	ssyncset.done $0x0  }
0x1d: {  	s13 =	simm.s32 $0x800;
	s12 =	rddreg [dreg:$0x7];
	[sflag:s2] =	ssyncadd.s32 $0xFFFFFE00  }
0x1e: {  	[tilespmem:s13], [sflag:$0x5] =	stream.linear.gather [hbm4b:s12+s3], $0x200, $0x38;
	[tilespmem:$0x14C80] =	vst v63  }
0x1f: {  	_ =	swait.ge [sflag:s2], $0x200  }
0x20: {  	[sflag:s2] =	ssyncset.done $0x0  }
0x21: {  	s15 =	simm.s32 $0x400;
	s14 =	rddreg [dreg:$0x8];
	[sflag:s2] =	ssyncadd.s32 $0xFFFFFE00  }
0x22: {  	[tilespmem:s15], [sflag:$0x5] =	stream.linear.gather [hbm4b:s14+s3], $0x200, $0x38;
	[tilespmem:$0x14C80] =	vst v63  }
0x23: {  	_ =	swait.ge [sflag:s2], $0x200  }
0x24: {  	[sflag:s2] =	ssyncset.done $0x0  }
0x25: {  	s17 =	simm.s32 $0xA00;
	s16 =	rddreg [dreg:$0x9];
	[sflag:s2] =	ssyncadd.s32 $0xFFFFFE00  }
0x26: {  	[tilespmem:s17], [sflag:$0x5] =	stream.linear.gather [hbm4b:s16+s3], $0x200, $0x38;
	[tilespmem:$0x14C80] =	vst v63  }
0x27: {  	_ =	swait.ge [sflag:s2], $0x200  }
0x28: {  	[sflag:s2] =	ssyncset.done $0x0  }
0x29: {  	[sflag:s2] =	ssyncadd.s32 $0xFFFFFE00  }
0x2a: {  	v3 =	vld [tilespmem:$0x0];
	_ =	sdelay $0x4  }
0x2b: {  	v4 =	vshll.u32 v3, $0x1  }
0x2c: {  	v3 =	vand.u32 $0x7, v3;
	v4 =	vand.u32 $0xFFFFFFF0, v4  }
0x2d: {  	v3 =	vor.u32 v3, v4  }
0x2e: {  	v4 =	vperm.xlane v3, v0;
	_ =	sdelay $0x1  }
0x2f: {  	v3 =	vperm.xlane v3, v2;
	v4 =	vadd.s32 v1, v4;
	_ =	sdelay $0x1  }
0x30: {  	v3 =	vadd.s32 v1, v3;
	_ =	sdelay $0x1  }
0x31: {  	s18 =	simm.s32 $0xC80  }
0x32: {  	[tilespmem:s18], [sflag:$0x1] =	stream.indirect_vreg.gather [hbm4b:s5+s3], $0x80, v4, vm0, $0xb8;
	[tilespmem:$0x14C80] =	vst v63  }
0x33: {  	s19 =	simm.s32 $0x1480  }
0x34: {  	[tilespmem:s19], [sflag:$0x1] =	stream.indirect_vreg.gather [hbm4b:s5+s3], $0x80, v3, vm0, $0xb8;
	[tilespmem:$0x14C80] =	vst v63  }
0x35: {  	v3 =	vld [tilespmem:$0x10];
	_ =	sdelay $0x4  }
0x36: {  	v59 =	vshll.u32 v3, $0x1  }
0x37: {  	v3 =	vand.u32 $0x7, v3;
	v4 =	vand.u32 $0xFFFFFFF0, v59  }
0x38: {  	v3 =	vor.u32 v3, v4  }
0x39: {  	v4 =	vperm.xlane v3, v0;
	_ =	sdelay $0x1  }
0x3a: {  	v3 =	vperm.xlane v3, v2;
	v4 =	vadd.s32 v1, v4;
	_ =	sdelay $0x1  }
0x3b: {  	v3 =	vadd.s32 v1, v3;
	_ =	sdelay $0x1  }
0x3c: {  	s20 =	simm.s32 $0x1C80  }
0x3d: {  	[tilespmem:s20], [sflag:$0x1] =	stream.indirect_vreg.gather [hbm4b:s5+s3], $0x80, v4, vm0, $0xb8;
	[tilespmem:$0x14C80] =	vst v63  }
0x3e: {  	s21 =	simm.s32 $0x2480  }
0x3f: {  	[tilespmem:s21], [sflag:$0x1] =	stream.indirect_vreg.gather [hbm4b:s5+s3], $0x80, v3, vm0, $0xb8;
	[tilespmem:$0x14C80] =	vst v63  }
0x40: {  	v3 =	vld [tilespmem:$0x200];
	_ =	sdelay $0x4  }
0x41: {  	v60 =	vshll.u32 v3, $0x1  }
0x42: {  	v3 =	vand.u32 $0x7, v3;
	v4 =	vand.u32 $0xFFFFFFF0, v60  }
0x43: {  	v3 =	vor.u32 v3, v4  }
0x44: {  	v4 =	vperm.xlane v3, v0;
	_ =	sdelay $0x1  }
0x45: {  	v3 =	vperm.xlane v3, v2;
	v4 =	vadd.s32 v1, v4;
	_ =	sdelay $0x1  }
0x46: {  	v3 =	vadd.s32 v1, v3;
	_ =	sdelay $0x1  }
0x47: {  	s22 =	simm.s32 $0x2C80  }
0x48: {  	[tilespmem:s22], [sflag:$0x1] =	stream.indirect_vreg.gather [hbm4b:s5+s3], $0x80, v4, vm0, $0xb8;
	[tilespmem:$0x14C80] =	vst v63  }
0x49: {  	s23 =	simm.s32 $0x3480  }
0x4a: {  	[tilespmem:s23], [sflag:$0x1] =	stream.indirect_vreg.gather [hbm4b:s5+s3], $0x80, v3, vm0, $0xb8;
	[tilespmem:$0x14C80] =	vst v63  }
0x4b: {  	v3 =	vld [tilespmem:$0x210];
	_ =	sdelay $0x4  }
0x4c: {  	v61 =	vshll.u32 v3, $0x1  }
0x4d: {  	v3 =	vand.u32 $0x7, v3;
	v4 =	vand.u32 $0xFFFFFFF0, v61  }
0x4e: {  	v3 =	vor.u32 v3, v4  }
0x4f: {  	v4 =	vperm.xlane v3, v0;
	_ =	sdelay $0x1  }
0x50: {  	v3 =	vperm.xlane v3, v2;
	v4 =	vadd.s32 v1, v4;
	_ =	sdelay $0x1  }
0x51: {  	v3 =	vadd.s32 v1, v3;
	_ =	sdelay $0x1  }
0x52: {  	s24 =	simm.s32 $0x3C80  }
0x53: {  	[tilespmem:s24], [sflag:$0x1] =	stream.indirect_vreg.gather [hbm4b:s5+s3], $0x80, v4, vm0, $0xb8;
	[tilespmem:$0x14C80] =	vst v63  }
0x54: {  	s25 =	simm.s32 $0x4480  }
0x55: {  	[tilespmem:s25], [sflag:$0x1] =	stream.indirect_vreg.gather [hbm4b:s5+s3], $0x80, v3, vm0, $0xb8;
	[tilespmem:$0x14C80] =	vst v63  }
0x56: {  	v3 =	vld [tilespmem:$0x400];
	_ =	sdelay $0x4  }
0x57: {  	v62 =	vshll.u32 v3, $0x1  }
0x58: {  	v3 =	vand.u32 $0x7, v3;
	v4 =	vand.u32 $0xFFFFFFF0, v62  }
0x59: {  	v3 =	vor.u32 v3, v4  }
0x5a: {  	v4 =	vperm.xlane v3, v0;
	_ =	sdelay $0x1  }
0x5b: {  	v3 =	vperm.xlane v3, v2;
	v4 =	vadd.s32 v1, v4;
	_ =	sdelay $0x1  }
0x5c: {  	v3 =	vadd.s32 v1, v3;
	_ =	sdelay $0x1  }
0x5d: {  	s26 =	simm.s32 $0x4C80  }
0x5e: {  	[tilespmem:s26], [sflag:$0x1] =	stream.indirect_vreg.gather [hbm4b:s5+s3], $0x80, v4, vm0, $0xb8;
	[tilespmem:$0x14C80] =	vst v63  }
0x5f: {  	s28 =	simm.s32 $0x5480  }
0x60: {  	[tilespmem:s28], [sflag:$0x1] =	stream.indirect_vreg.gather [hbm4b:s5+s3], $0x80, v3, vm0, $0xb8;
	[tilespmem:$0x14C80] =	vst v63  }
0x61: {  	v3 =	vld [tilespmem:$0x410];
	_ =	sdelay $0x4  }
0x62: {  	v63 =	vshll.u32 v3, $0x1  }
0x63: {  	v3 =	vand.u32 $0x7, v3;
	v4 =	vand.u32 $0xFFFFFFF0, v63  }
0x64: {  	v3 =	vor.u32 v3, v4  }
0x65: {  	v4 =	vperm.xlane v3, v0;
	_ =	sdelay $0x1  }
0x66: {  	v3 =	vperm.xlane v3, v2;
	v4 =	vadd.s32 v1, v4;
	_ =	sdelay $0x1  }
0x67: {  	v3 =	vadd.s32 v1, v3;
	_ =	sdelay $0x1  }
0x68: {  	s30 =	simm.s32 $0x5C80;
	s31 =	simm.s32 $0x6480  }
0x69: {  	[tilespmem:s30], [sflag:$0x1] =	stream.indirect_vreg.gather [hbm4b:s5+s3], $0x80, v4, vm0, $0xb8;
	[tilespmem:$0x14C80] =	vst v63  }
0x6a: {  	s8 =	simm.s32 $0x820;
	s9 =	simm.s32 $0x0;
	s14 =	simm.s32 $0x802  }
0x6b: {  	[tilespmem:s31], [sflag:$0x1] =	stream.indirect_vreg.gather [hbm4b:s5+s3], $0x80, v3, vm0, $0xb8;
	[tilespmem:$0x14C80] =	vst v63  }
.LBB2_2:
0x6c: {  	_ =	swait.ge [sflag:s0], $0x2000  }
0x6d: {  	[sflag:s0] =	ssyncset.done $0x0  }
0x6e: {  	[sflag:s0] =	ssyncadd.s32 $0xFFFFE000  }
0x6f: {  	_ =	swait.ge [sflag:s0], $0x2000  }
0x70: {  	[sflag:s0] =	ssyncset.done $0x0  }
0x71: {  	[sflag:s0] =	ssyncadd.s32 $0xFFFFE000  }
0x72: {  	_ =	swait.ge [sflag:s0], $0x2000  }
0x73: {  	[sflag:s0] =	ssyncset.done $0x0  }
0x74: {  	s11 =	sshll.u32 s9, $0x6;
	[sflag:s0] =	ssyncadd.s32 $0xFFFFE000  }
0x75: {  	v3 =	vld [tilespmem:s11+$0x20];
	_ =	sdelay $0x4  }
0x76: {  	v4 =	vshll.u32 v3, $0x1  }
0x77: {  	v3 =	vand.u32 $0x7, v3;
	v4 =	vand.u32 $0xFFFFFFF0, v4  }
0x78: {  	v3 =	vor.u32 v3, v4  }
0x79: {  	v4 =	vperm.xlane v3, v0;
	_ =	sdelay $0x1  }
0x7a: {  	v3 =	vperm.xlane v3, v2;
	v4 =	vadd.s32 v1, v4;
	_ =	sdelay $0x1  }
0x7b: {  	v3 =	vadd.s32 v1, v3;
	_ =	sdelay $0x1  }
0x7c: {  	s1 =	simm.s32 $0x6C80  }
0x7d: {  	[tilespmem:s1], [sflag:$0x2] =	stream.indirect_vreg.gather [hbm4b:s5+s3], $0x80, v4, vm0, $0xb8;
	[tilespmem:$0x14C80] =	vst v63  }
0x7e: {  	s13 =	simm.s32 $0x7480  }
0x7f: {  	[tilespmem:s13], [sflag:$0x2] =	stream.indirect_vreg.gather [hbm4b:s5+s3], $0x80, v3, vm0, $0xb8;
	[tilespmem:$0x14C80] =	vst v63  }
0x80: {  	v3 =	vld [tilespmem:s11+$0x30];
	_ =	sdelay $0x4  }
0x81: {  	v59 =	vshll.u32 v3, $0x1  }
0x82: {  	v3 =	vand.u32 $0x7, v3;
	v4 =	vand.u32 $0xFFFFFFF0, v59  }
0x83: {  	v3 =	vor.u32 v3, v4  }
0x84: {  	v4 =	vperm.xlane v3, v0;
	_ =	sdelay $0x1  }
0x85: {  	v3 =	vperm.xlane v3, v2;
	v4 =	vadd.s32 v1, v4;
	_ =	sdelay $0x1  }
0x86: {  	v3 =	vadd.s32 v1, v3;
	_ =	sdelay $0x1  }
0x87: {  	s15 =	simm.s32 $0x7C80  }
0x88: {  	[tilespmem:s15], [sflag:$0x2] =	stream.indirect_vreg.gather [hbm4b:s5+s3], $0x80, v4, vm0, $0xb8;
	[tilespmem:$0x14C80] =	vst v63  }
0x89: {  	s16 =	simm.s32 $0x8480;
	s17 =	sor.u32 $0x220, s11  }
0x8a: {  	[tilespmem:s16], [sflag:$0x2] =	stream.indirect_vreg.gather [hbm4b:s5+s3], $0x80, v3, vm0, $0xb8;
	[tilespmem:$0x14C80] =	vst v63  }
0x8b: {  	v3 =	vld [tilespmem:s17+$0x0];
	_ =	sdelay $0x4  }
0x8c: {  	v60 =	vshll.u32 v3, $0x1  }
0x8d: {  	v3 =	vand.u32 $0x7, v3;
	v4 =	vand.u32 $0xFFFFFFF0, v60  }
0x8e: {  	v3 =	vor.u32 v3, v4  }
0x8f: {  	v4 =	vperm.xlane v3, v0;
	_ =	sdelay $0x1  }
0x90: {  	v3 =	vperm.xlane v3, v2;
	v4 =	vadd.s32 v1, v4;
	_ =	sdelay $0x1  }
0x91: {  	v3 =	vadd.s32 v1, v3;
	_ =	sdelay $0x1  }
0x92: {  	s18 =	simm.s32 $0x8C80  }
0x93: {  	[tilespmem:s18], [sflag:$0x2] =	stream.indirect_vreg.gather [hbm4b:s5+s3], $0x80, v4, vm0, $0xb8;
	[tilespmem:$0x14C80] =	vst v63  }
0x94: {  	s19 =	simm.s32 $0x9480;
	s20 =	sor.u32 $0x230, s11  }
0x95: {  	[tilespmem:s19], [sflag:$0x2] =	stream.indirect_vreg.gather [hbm4b:s5+s3], $0x80, v3, vm0, $0xb8;
	[tilespmem:$0x14C80] =	vst v63  }
0x96: {  	v3 =	vld [tilespmem:s20+$0x0];
	_ =	sdelay $0x4  }
0x97: {  	v61 =	vshll.u32 v3, $0x1  }
0x98: {  	v3 =	vand.u32 $0x7, v3;
	v4 =	vand.u32 $0xFFFFFFF0, v61  }
0x99: {  	v3 =	vor.u32 v3, v4  }
0x9a: {  	v4 =	vperm.xlane v3, v0;
	_ =	sdelay $0x1  }
0x9b: {  	v3 =	vperm.xlane v3, v2;
	v4 =	vadd.s32 v1, v4;
	_ =	sdelay $0x1  }
0x9c: {  	v3 =	vadd.s32 v1, v3;
	_ =	sdelay $0x1  }
0x9d: {  	s21 =	simm.s32 $0x9C80  }
0x9e: {  	[tilespmem:s21], [sflag:$0x2] =	stream.indirect_vreg.gather [hbm4b:s5+s3], $0x80, v4, vm0, $0xb8;
	[tilespmem:$0x14C80] =	vst v63  }
0x9f: {  	s22 =	simm.s32 $0xA480;
	s23 =	sor.u32 $0x420, s11  }
0xa0: {  	[tilespmem:s22], [sflag:$0x2] =	stream.indirect_vreg.gather [hbm4b:s5+s3], $0x80, v3, vm0, $0xb8;
	[tilespmem:$0x14C80] =	vst v63  }
0xa1: {  	v3 =	vld [tilespmem:s23+$0x0];
	_ =	sdelay $0x4  }
0xa2: {  	v62 =	vshll.u32 v3, $0x1  }
0xa3: {  	v3 =	vand.u32 $0x7, v3;
	v4 =	vand.u32 $0xFFFFFFF0, v62  }
0xa4: {  	v3 =	vor.u32 v3, v4  }
0xa5: {  	v4 =	vperm.xlane v3, v0;
	_ =	sdelay $0x1  }
0xa6: {  	v3 =	vperm.xlane v3, v2;
	v4 =	vadd.s32 v1, v4;
	_ =	sdelay $0x1  }
0xa7: {  	v3 =	vadd.s32 v1, v3;
	_ =	sdelay $0x1  }
0xa8: {  	s24 =	simm.s32 $0xAC80  }
0xa9: {  	[tilespmem:s24], [sflag:$0x2] =	stream.indirect_vreg.gather [hbm4b:s5+s3], $0x80, v4, vm0, $0xb8;
	[tilespmem:$0x14C80] =	vst v63  }
0xaa: {  	s25 =	simm.s32 $0xB480;
	s26 =	sor.u32 $0x430, s11  }
0xab: {  	[tilespmem:s25], [sflag:$0x2] =	stream.indirect_vreg.gather [hbm4b:s5+s3], $0x80, v3, vm0, $0xb8;
	[tilespmem:$0x14C80] =	vst v63  }
0xac: {  	v3 =	vld [tilespmem:s26+$0x0];
	_ =	sdelay $0x4  }
0xad: {  	v63 =	vshll.u32 v3, $0x1  }
0xae: {  	v3 =	vand.u32 $0x7, v3;
	v4 =	vand.u32 $0xFFFFFFF0, v63  }
0xaf: {  	v3 =	vor.u32 v3, v4  }
0xb0: {  	v4 =	vperm.xlane v3, v0;
	_ =	sdelay $0x1  }
0xb1: {  	v3 =	vperm.xlane v3, v2;
	v4 =	vadd.s32 v1, v4;
	_ =	sdelay $0x1  }
0xb2: {  	v3 =	vadd.s32 v1, v3;
	_ =	sdelay $0x1  }
0xb3: {  	s28 =	simm.s32 $0xBC80;
	s30 =	simm.s32 $0xC480;
	p0 =	seq.s32 s9, $0x0  }
0xb4: {  	[tilespmem:s28], [sflag:$0x2] =	stream.indirect_vreg.gather [hbm4b:s5+s3], $0x80, v4, vm0, $0xb8;
	[tilespmem:$0x14C80] =	vst v63  }
0xb5: {  	s31 =	simm.s32 $0x4300;
	s6 =	simm.s32 $0x0;
	s1 =	simm.s32 @!p0 $0x3  }
0xb6: {  	[tilespmem:s30], [sflag:$0x2] =	stream.indirect_vreg.gather [hbm4b:s5+s3], $0x80, v3, vm0, $0xb8;
	[tilespmem:$0x14C80] =	vst v63  }
0xb7: {  	s7 =	smov.u32 s14;
	s2 =	sor.u32 $0x20, s11;
	_ =	swait.ge @!p0 [sflag:s1], $0x4000  }
0xb8: {  	s13 =	simm.s32 $0xFFFFFFFC;
	[dreg:$0xd] =	wrdreg s2;
	[sflag:s1] =	ssyncset.done @!p0 $0x0  }
0xb9: {  	s2 =	simm.s32 $0x0;
	[sflag:s1] =	ssyncadd.s32 @!p0 $0xFFFFC000;
	p0 =	por $0x0, $0x0  }
.LBB2_3:
0xba: {  	s13 =	sadd.s32 $0x4, s13  }
0xbb: {  	s1 =	sshll.u32 s13, $0x8  }
0xbc: {  	s1 =	sand.u32 $0x3FFFF800, s1  }
0xbd: {  	s12 =	sand.u32 $0x200, s2;
	s23 =	sadd.s32 $0xFFFFBD00, s31;
	s4 =	sadd.s32 $0xC80, s1  }
0xbe: {  	v4 =	vld.msk [tilespmem:s7+$0xFFFFFDFE ss:$0x0], $0xffff;
	s1 =	sand.u32 $0x1800, s23;
	s20 =	sor.u32 s12, s4  }
0xbf: {  	s21 =	sor.u32 s12, s1;
	v6 =	vld [tilespmem:s20+$0x0]  }
0xc0: {  	v7 =	vld [tilespmem:s21+$0x2C80]  }
0xc1: {  	v5 =	vld.msk [tilespmem:s7+$0xFFFFFFFE ss:$0x0], $0xffff  }
0xc2: {  	v8 =	vld [tilespmem:s21+$0x4C80]  }
0xc3: {  	v3 =	vld.msk [tilespmem:s7+$0x1FE ss:$0x0], $0xffff;
	_ =	sdelay $0x1  }
0xc4: {  	v9 =	vshll.u32 v6, $0x10;
	v6 =	vand.u32 $0xFFFF0000, v6;
	v10 =	vshll.u32 v7, $0x10  }
0xc5: {  	v7 =	vand.u32 $0xFFFF0000, v7;
	v9 =	vmul.f32 v9, v4;
	v10 =	vmul.f32 v10, v5  }
0xc6: {  	v11 =	vshll.u32 v8, $0x10;
	v6 =	vmul.f32 v6, v4;
	v7 =	vmul.f32 v7, v5  }
0xc7: {  	s24 =	sshll.u32 s13, $0x9;
	v8 =	vand.u32 $0xFFFF0000, v8;
	v32 =	vmul.f32 v11, v3;
	v9 =	vadd.f32 v10, v9  }
0xc8: {  	s1 =	sand.u32 $0x3FFFF000, s24;
	v33 =	vmul.f32 v8, v3;
	v6 =	vadd.f32 v7, v6  }
0xc9: {  	s1 =	sadd.s32 $0xCC80, s1;
	v34 =	vadd.f32 v32, v9  }
0xca: {  	s15 =	sor.u32 s12, s1;
	v6 =	vadd.f32 v33, v6  }
0xcb: {  	[tilespmem:s15+$0x0] =	vst v34  }
0xcc: {  	[tilespmem:s15+$0x10] =	vst v6  }
0xcd: {  	v6 =	vld [tilespmem:s20+$0x10]  }
0xce: {  	v35 =	vld [tilespmem:s21+$0x2C90];
	_ =	sdelay $0x1  }
0xcf: {  	v8 =	vld [tilespmem:s21+$0x4C90];
	_ =	sdelay $0x2  }
0xd0: {  	v36 =	vshll.u32 v6, $0x10;
	v6 =	vand.u32 $0xFFFF0000, v6;
	v37 =	vshll.u32 v35, $0x10  }
0xd1: {  	v7 =	vand.u32 $0xFFFF0000, v35;
	v9 =	vmul.f32 v36, v4;
	v10 =	vmul.f32 v37, v5  }
0xd2: {  	v38 =	vshll.u32 v8, $0x10;
	v6 =	vmul.f32 v6, v4;
	v7 =	vmul.f32 v7, v5  }
0xd3: {  	v8 =	vand.u32 $0xFFFF0000, v8;
	v39 =	vmul.f32 v38, v3;
	v9 =	vadd.f32 v10, v9  }
0xd4: {  	v40 =	vmul.f32 v8, v3;
	v6 =	vadd.f32 v7, v6  }
0xd5: {  	v41 =	vadd.f32 v39, v9  }
0xd6: {  	v6 =	vadd.f32 v40, v6  }
0xd7: {  	[tilespmem:s15+$0x20] =	vst v41  }
0xd8: {  	[tilespmem:s15+$0x30] =	vst v6  }
0xd9: {  	v6 =	vld [tilespmem:s20+$0x20]  }
0xda: {  	v42 =	vld [tilespmem:s21+$0x2CA0];
	_ =	sdelay $0x1  }
0xdb: {  	v8 =	vld [tilespmem:s21+$0x4CA0];
	_ =	sdelay $0x2  }
0xdc: {  	v43 =	vshll.u32 v6, $0x10;
	v6 =	vand.u32 $0xFFFF0000, v6;
	v44 =	vshll.u32 v42, $0x10  }
0xdd: {  	v7 =	vand.u32 $0xFFFF0000, v42;
	v9 =	vmul.f32 v43, v4;
	v10 =	vmul.f32 v44, v5  }
0xde: {  	v45 =	vshll.u32 v8, $0x10;
	v6 =	vmul.f32 v6, v4;
	v7 =	vmul.f32 v7, v5  }
0xdf: {  	v8 =	vand.u32 $0xFFFF0000, v8;
	v46 =	vmul.f32 v45, v3;
	v9 =	vadd.f32 v10, v9  }
0xe0: {  	v47 =	vmul.f32 v8, v3;
	v6 =	vadd.f32 v7, v6  }
0xe1: {  	v48 =	vadd.f32 v46, v9  }
0xe2: {  	v6 =	vadd.f32 v47, v6  }
0xe3: {  	[tilespmem:s15+$0x40] =	vst v48  }
0xe4: {  	[tilespmem:s15+$0x50] =	vst v6  }
0xe5: {  	v6 =	vld [tilespmem:s20+$0x30]  }
0xe6: {  	v49 =	vld [tilespmem:s21+$0x2CB0];
	_ =	sdelay $0x1  }
0xe7: {  	v8 =	vld [tilespmem:s21+$0x4CB0];
	_ =	sdelay $0x2  }
0xe8: {  	v50 =	vshll.u32 v6, $0x10;
	v6 =	vand.u32 $0xFFFF0000, v6;
	v51 =	vshll.u32 v49, $0x10  }
0xe9: {  	v7 =	vand.u32 $0xFFFF0000, v49;
	v9 =	vmul.f32 v50, v4;
	v10 =	vmul.f32 v51, v5  }
0xea: {  	v52 =	vshll.u32 v8, $0x10;
	v6 =	vmul.f32 v6, v4;
	v7 =	vmul.f32 v7, v5  }
0xeb: {  	v8 =	vand.u32 $0xFFFF0000, v8;
	v53 =	vmul.f32 v52, v3;
	v9 =	vadd.f32 v10, v9  }
0xec: {  	v54 =	vmul.f32 v8, v3;
	v6 =	vadd.f32 v7, v6  }
0xed: {  	v55 =	vadd.f32 v53, v9  }
0xee: {  	v6 =	vadd.f32 v54, v6  }
0xef: {  	[tilespmem:s15+$0x60] =	vst v55  }
0xf0: {  	[tilespmem:s15+$0x70] =	vst v6  }
0xf1: {  	v6 =	vld [tilespmem:s20+$0x40]  }
0xf2: {  	v56 =	vld [tilespmem:s21+$0x2CC0];
	_ =	sdelay $0x1  }
0xf3: {  	s16 =	sadd.s32 $0xFFFFDE00, s31;
	s17 =	sadd.s32 $0x1080, s2;
	v57 =	vld [tilespmem:s21+$0x4CC0]  }
0xf4: {  	s25 =	sadd.s32 $0x80, s2;
	s16 =	sand.u32 $0x3800, s16;
	s17 =	sand.u32 $0x280, s17  }
0xf5: {  	s17 =	sor.u32 s17, s16;
	s12 =	sand.u32 $0x280, s25  }
0xf6: {  	v13 =	vld [tilespmem:s17+$0xC80];
	s19 =	sadd.s32 s12, s4;
	v58 =	vshll.u32 v6, $0x10;
	v6 =	vand.u32 $0xFFFF0000, v6;
	v59 =	vshll.u32 v56, $0x10  }
0xf7: {  	s26 =	sadd.s32 $0xFFFFFE00, s31;
	s18 =	sadd.s32 $0x2080, s2;
	v60 =	vld [tilespmem:s19+$0x0];
	v7 =	vand.u32 $0xFFFF0000, v56;
	v12 =	vmul.f32 v58, v4;
	v10 =	vmul.f32 v59, v5  }
0xf8: {  	s18 =	sand.u32 $0x280, s18;
	s16 =	sand.u32 $0x5800, s26;
	v8 =	vld.msk [tilespmem:s7+$0xFFFFFDFF ss:$0x0], $0xffff;
	v14 =	vshll.u32 v57, $0x10;
	v6 =	vmul.f32 v6, v4;
	v15 =	vmul.f32 v7, v5  }
0xf9: {  	s18 =	sor.u32 s18, s16;
	v9 =	vand.u32 $0xFFFF0000, v57;
	v61 =	vmul.f32 v14, v3;
	v7 =	vld.msk [tilespmem:s7+$0xFFFFFFFF ss:$0x0], $0xffff;
	v10 =	vadd.f32 v10, v12  }
0xfa: {  	v63 =	vld [tilespmem:s18+$0xC80];
	v9 =	vmul.f32 v9, v3;
	v62 =	vadd.f32 v15, v6  }
0xfb: {  	v6 =	vld.msk [tilespmem:s7+$0x1FF ss:$0x0], $0xffff;
	v10 =	vadd.f32 v61, v10  }
0xfc: {  	v9 =	vadd.f32 v9, v62  }
0xfd: {  	v21 =	vshll.u32 v13, $0x10;
	v22 =	vand.u32 $0xFFFF0000, v13;
	v20 =	vshll.u32 v60, $0x10;
	[tilespmem:s15+$0x400] =	vst v10  }
0xfe: {  	v11 =	vand.u32 $0xFFFF0000, v60;
	v12 =	vmul.f32 v21, v7;
	[tilespmem:s15+$0x410] =	vst v9;
	v10 =	vmul.f32 v20, v8  }
0xff: {  	v24 =	vshll.u32 v63, $0x10;
	v11 =	vmul.f32 v11, v8;
	v9 =	vmul.f32 v22, v7;
	v23 =	vld [tilespmem:s20+$0x50]  }
0x100: {  	v15 =	vand.u32 $0xFFFF0000, v63;
	v16 =	vld [tilespmem:s21+$0x2CD0];
	v25 =	vmul.f32 v24, v6;
	v10 =	vadd.f32 v12, v10  }
0x101: {  	v26 =	vmul.f32 v15, v6;
	v9 =	vadd.f32 v9, v11  }
0x102: {  	v27 =	vld [tilespmem:s21+$0x4CD0];
	v10 =	vadd.f32 v25, v10  }
0x103: {  	s16 =	sadd.s32 s12, s1;
	v9 =	vadd.f32 v26, v9  }
0x104: {  	[tilespmem:s16+$0x0] =	vst v10  }
0x105: {  	v28 =	vshll.u32 v23, $0x10;
	v29 =	vand.u32 $0xFFFF0000, v23;
	v30 =	vshll.u32 v16, $0x10;
	[tilespmem:s16+$0x10] =	vst v9  }
0x106: {  	v31 =	vand.u32 $0xFFFF0000, v16;
	v10 =	vmul.f32 v28, v4;
	v12 =	vmul.f32 v30, v5;
	v32 =	vld [tilespmem:s19+$0x10]  }
0x107: {  	v33 =	vshll.u32 v27, $0x10;
	v11 =	vmul.f32 v29, v4;
	v9 =	vmul.f32 v31, v5;
	v34 =	vld [tilespmem:s17+$0xC90]  }
0x108: {  	v14 =	vand.u32 $0xFFFF0000, v27;
	v35 =	vmul.f32 v33, v3;
	v10 =	vadd.f32 v12, v10  }
0x109: {  	v36 =	vmul.f32 v14, v3;
	v37 =	vld [tilespmem:s18+$0xC90];
	v9 =	vadd.f32 v9, v11  }
0x10a: {  	v10 =	vadd.f32 v35, v10  }
0x10b: {  	v9 =	vadd.f32 v36, v9  }
0x10c: {  	v38 =	vshll.u32 v32, $0x10;
	v39 =	vand.u32 $0xFFFF0000, v32;
	v40 =	vshll.u32 v34, $0x10;
	[tilespmem:s15+$0x420] =	vst v10  }
0x10d: {  	v41 =	vand.u32 $0xFFFF0000, v34;
	[tilespmem:s15+$0x430] =	vst v9;
	v10 =	vmul.f32 v38, v8;
	v12 =	vmul.f32 v40, v7  }
0x10e: {  	v43 =	vshll.u32 v37, $0x10;
	v11 =	vmul.f32 v39, v8;
	v9 =	vmul.f32 v41, v7;
	v42 =	vld [tilespmem:s20+$0x60]  }
0x10f: {  	v14 =	vand.u32 $0xFFFF0000, v37;
	v45 =	vmul.f32 v43, v6;
	v44 =	vld [tilespmem:s21+$0x2CE0];
	v10 =	vadd.f32 v12, v10  }
0x110: {  	v46 =	vmul.f32 v14, v6;
	v9 =	vadd.f32 v9, v11  }
0x111: {  	v47 =	vld [tilespmem:s21+$0x4CE0];
	v10 =	vadd.f32 v45, v10  }
0x112: {  	v9 =	vadd.f32 v46, v9  }
0x113: {  	[tilespmem:s16+$0x20] =	vst v10  }
0x114: {  	v48 =	vshll.u32 v42, $0x10;
	v49 =	vand.u32 $0xFFFF0000, v42;
	v50 =	vshll.u32 v44, $0x10;
	[tilespmem:s16+$0x30] =	vst v9  }
0x115: {  	v51 =	vand.u32 $0xFFFF0000, v44;
	v10 =	vmul.f32 v48, v4;
	v12 =	vmul.f32 v50, v5;
	v52 =	vld [tilespmem:s19+$0x20]  }
0x116: {  	v53 =	vshll.u32 v47, $0x10;
	v11 =	vmul.f32 v49, v4;
	v9 =	vmul.f32 v51, v5;
	v54 =	vld [tilespmem:s17+$0xCA0]  }
0x117: {  	v14 =	vand.u32 $0xFFFF0000, v47;
	v55 =	vmul.f32 v53, v3;
	v10 =	vadd.f32 v12, v10  }
0x118: {  	v56 =	vmul.f32 v14, v3;
	v57 =	vld [tilespmem:s18+$0xCA0];
	v9 =	vadd.f32 v9, v11  }
0x119: {  	v10 =	vadd.f32 v55, v10  }
0x11a: {  	v9 =	vadd.f32 v56, v9  }
0x11b: {  	v58 =	vshll.u32 v52, $0x10;
	v59 =	vand.u32 $0xFFFF0000, v52;
	v60 =	vshll.u32 v54, $0x10;
	[tilespmem:s15+$0x440] =	vst v10  }
0x11c: {  	v61 =	vand.u32 $0xFFFF0000, v54;
	[tilespmem:s15+$0x450] =	vst v9;
	v10 =	vmul.f32 v58, v8;
	v12 =	vmul.f32 v60, v7  }
0x11d: {  	v63 =	vshll.u32 v57, $0x10;
	v11 =	vmul.f32 v59, v8;
	v9 =	vmul.f32 v61, v7;
	v62 =	vld [tilespmem:s20+$0x70]  }
0x11e: {  	v14 =	vand.u32 $0xFFFF0000, v57;
	v21 =	vmul.f32 v63, v6;
	v20 =	vld [tilespmem:s21+$0x2CF0];
	v10 =	vadd.f32 v12, v10  }
0x11f: {  	v22 =	vmul.f32 v14, v6;
	v9 =	vadd.f32 v9, v11  }
0x120: {  	v23 =	vld [tilespmem:s21+$0x4CF0];
	v10 =	vadd.f32 v21, v10  }
0x121: {  	v9 =	vadd.f32 v22, v9  }
0x122: {  	[tilespmem:s16+$0x40] =	vst v10  }
0x123: {  	v24 =	vshll.u32 v62, $0x10;
	v25 =	vand.u32 $0xFFFF0000, v62;
	v26 =	vshll.u32 v20, $0x10;
	[tilespmem:s16+$0x50] =	vst v9  }
0x124: {  	v27 =	vand.u32 $0xFFFF0000, v20;
	v10 =	vmul.f32 v24, v4;
	v12 =	vmul.f32 v26, v5;
	v28 =	vld [tilespmem:s19+$0x30]  }
0x125: {  	v29 =	vshll.u32 v23, $0x10;
	v11 =	vmul.f32 v25, v4;
	v9 =	vmul.f32 v27, v5;
	v30 =	vld [tilespmem:s17+$0xCB0]  }
0x126: {  	v14 =	vand.u32 $0xFFFF0000, v23;
	v31 =	vmul.f32 v29, v3;
	v10 =	vadd.f32 v12, v10  }
0x127: {  	v32 =	vmul.f32 v14, v3;
	v33 =	vld [tilespmem:s18+$0xCB0];
	v9 =	vadd.f32 v9, v11  }
0x128: {  	s12 =	simm.s32 $0x1;
	v10 =	vadd.f32 v31, v10  }
0x129: {  	s12 =	simm.s32 @!p0 $0x0;
	v9 =	vadd.f32 v32, v9  }
0x12a: {  	s12 =	sshll.u32 s12, $0x9;
	v34 =	vshll.u32 v28, $0x10;
	v35 =	vand.u32 $0xFFFF0000, v28;
	v36 =	vshll.u32 v30, $0x10;
	[tilespmem:s15+$0x460] =	vst v10  }
0x12b: {  	s12 =	sadd.s32 s12, s6;
	v37 =	vand.u32 $0xFFFF0000, v30;
	[tilespmem:s15+$0x470] =	vst v9;
	v10 =	vmul.f32 v34, v8;
	v12 =	vmul.f32 v36, v7  }
0x12c: {  	s26 =	sor.u32 $0x2400, s12;
	v39 =	vshll.u32 v33, $0x10;
	v11 =	vmul.f32 v35, v8;
	v9 =	vmul.f32 v37, v7;
	v38 =	vld [tilespmem:s20+$0x400]  }
0x12d: {  	v14 =	vand.u32 $0xFFFF0000, v33;
	v41 =	vmul.f32 v39, v6;
	v40 =	vld [tilespmem:s26+$0xC80];
	v10 =	vadd.f32 v12, v10  }
0x12e: {  	s21 =	sor.u32 $0x4400, s12;
	v42 =	vmul.f32 v14, v6;
	v9 =	vadd.f32 v9, v11  }
0x12f: {  	v43 =	vld [tilespmem:s21+$0xC80];
	v10 =	vadd.f32 v41, v10  }
0x130: {  	v9 =	vadd.f32 v42, v9  }
0x131: {  	[tilespmem:s16+$0x60] =	vst v10  }
0x132: {  	v44 =	vshll.u32 v38, $0x10;
	v45 =	vand.u32 $0xFFFF0000, v38;
	v46 =	vshll.u32 v40, $0x10;
	[tilespmem:s16+$0x70] =	vst v9  }
0x133: {  	v47 =	vand.u32 $0xFFFF0000, v40;
	v10 =	vmul.f32 v44, v4;
	v12 =	vmul.f32 v46, v5;
	v48 =	vld [tilespmem:s19+$0x40]  }
0x134: {  	v49 =	vshll.u32 v43, $0x10;
	v11 =	vmul.f32 v45, v4;
	v9 =	vmul.f32 v47, v5;
	v50 =	vld [tilespmem:s17+$0xCC0]  }
0x135: {  	v14 =	vand.u32 $0xFFFF0000, v43;
	v51 =	vmul.f32 v49, v3;
	v10 =	vadd.f32 v12, v10  }
0x136: {  	v52 =	vmul.f32 v14, v3;
	v53 =	vld [tilespmem:s18+$0xCC0];
	v9 =	vadd.f32 v9, v11  }
0x137: {  	v10 =	vadd.f32 v51, v10  }
0x138: {  	v9 =	vadd.f32 v52, v9  }
0x139: {  	v54 =	vshll.u32 v48, $0x10;
	v55 =	vand.u32 $0xFFFF0000, v48;
	v56 =	vshll.u32 v50, $0x10;
	[tilespmem:s15+$0x800] =	vst v10  }
0x13a: {  	v57 =	vand.u32 $0xFFFF0000, v50;
	[tilespmem:s15+$0x810] =	vst v9;
	v10 =	vmul.f32 v54, v8;
	v12 =	vmul.f32 v56, v7  }
0x13b: {  	v59 =	vshll.u32 v53, $0x10;
	v11 =	vmul.f32 v55, v8;
	v9 =	vmul.f32 v57, v7;
	v58 =	vld [tilespmem:s20+$0x410]  }
0x13c: {  	v14 =	vand.u32 $0xFFFF0000, v53;
	v61 =	vmul.f32 v59, v6;
	v60 =	vld [tilespmem:s26+$0xC90];
	v10 =	vadd.f32 v12, v10  }
0x13d: {  	v62 =	vmul.f32 v14, v6;
	v9 =	vadd.f32 v9, v11  }
0x13e: {  	v63 =	vld [tilespmem:s21+$0xC90];
	v10 =	vadd.f32 v61, v10  }
0x13f: {  	v9 =	vadd.f32 v62, v9  }
0x140: {  	[tilespmem:s16+$0x400] =	vst v10  }
0x141: {  	v20 =	vshll.u32 v58, $0x10;
	v21 =	vand.u32 $0xFFFF0000, v58;
	v22 =	vshll.u32 v60, $0x10;
	[tilespmem:s16+$0x410] =	vst v9  }
0x142: {  	v23 =	vand.u32 $0xFFFF0000, v60;
	v10 =	vmul.f32 v20, v4;
	v13 =	vmul.f32 v22, v5;
	v24 =	vld [tilespmem:s19+$0x50]  }
0x143: {  	v26 =	vshll.u32 v63, $0x10;
	v11 =	vmul.f32 v21, v4;
	v9 =	vmul.f32 v23, v5;
	v25 =	vld [tilespmem:s17+$0xCD0]  }
0x144: {  	v12 =	vand.u32 $0xFFFF0000, v63;
	v27 =	vmul.f32 v26, v3;
	v10 =	vadd.f32 v13, v10  }
0x145: {  	v28 =	vmul.f32 v12, v3;
	v29 =	vld [tilespmem:s18+$0xCD0];
	v9 =	vadd.f32 v9, v11  }
0x146: {  	v10 =	vadd.f32 v27, v10  }
0x147: {  	v9 =	vadd.f32 v28, v9  }
0x148: {  	v30 =	vshll.u32 v24, $0x10;
	v31 =	vand.u32 $0xFFFF0000, v24;
	v32 =	vshll.u32 v25, $0x10;
	[tilespmem:s15+$0x820] =	vst v10  }
0x149: {  	v33 =	vand.u32 $0xFFFF0000, v25;
	v11 =	vmul.f32 v30, v8;
	v14 =	vmul.f32 v32, v7;
	[tilespmem:s15+$0x830] =	vst v9  }
0x14a: {  	v34 =	vshll.u32 v29, $0x10;
	v13 =	vmul.f32 v31, v8;
	v10 =	vmul.f32 v33, v7;
	v35 =	vld [tilespmem:s20+$0x420]  }
0x14b: {  	v12 =	vand.u32 $0xFFFF0000, v29;
	v9 =	vmul.f32 v34, v6;
	v36 =	vld [tilespmem:s26+$0xCA0];
	v11 =	vadd.f32 v14, v11  }
0x14c: {  	v12 =	vmul.f32 v12, v6;
	v10 =	vadd.f32 v10, v13  }
0x14d: {  	v37 =	vld [tilespmem:s21+$0xCA0];
	v9 =	vadd.f32 v9, v11  }
0x14e: {  	v10 =	vadd.f32 v12, v10  }
0x14f: {  	[tilespmem:s16+$0x420] =	vst v9  }
0x150: {  	[tilespmem:s16+$0x430] =	vst v10;
	v38 =	vshll.u32 v35, $0x10;
	v39 =	vshll.u32 v36, $0x10;
	v15 =	vand.u32 $0xFFFF0000, v35  }
0x151: {  	s28 =	sadd.s32 $0x100, s2;
	v14 =	vand.u32 $0xFFFF0000, v36;
	v40 =	vld [tilespmem:s19+$0x60];
	v9 =	vmul.f32 v38, v4;
	v10 =	vmul.f32 v39, v5  }
0x152: {  	s30 =	sadd.s32 $0xFFFFDF00, s31;
	s10 =	sadd.s32 $0xFFFFFF00, s31;
	s23 =	sadd.s32 $0x1100, s2;
	v41 =	vshll.u32 v37, $0x10;
	v42 =	vld [tilespmem:s17+$0xCE0];
	v43 =	vmul.f32 v15, v4;
	v14 =	vmul.f32 v14, v5  }
0x153: {  	s24 =	sand.u32 $0x300, s28;
	s23 =	sand.u32 $0x300, s23;
	s28 =	sadd.s32 $0x180, s2;
	v13 =	vand.u32 $0xFFFF0000, v37;
	v12 =	vmul.f32 v41, v3  }
0x154: {  	s22 =	sor.u32 s24, s4;
	s25 =	sadd.s32 $0x2100, s2;
	s12 =	sand.u32 $0x3800, s30;
	v44 =	vld [tilespmem:s18+$0xCE0];
	v45 =	vmul.f32 v13, v3;
	v9 =	vadd.f32 v10, v9;
	v10 =	vadd.f32 v14, v43  }
0x155: {  	s25 =	sand.u32 $0x300, s25;
	s30 =	sadd.s32 $0xFFFFE000, s31;
	s23 =	sor.u32 s23, s12  }
0x156: {  	s12 =	sand.u32 $0x5800, s10;
	s10 =	sadd.s32 $0x1180, s2;
	s30 =	sand.u32 $0x3800, s30;
	v18 =	vld [tilespmem:s23+$0xC80];
	v9 =	vadd.f32 v12, v9;
	v10 =	vadd.f32 v45, v10  }
0x157: {  	s25 =	sor.u32 s25, s12;
	s12 =	sand.u32 $0x380, s28;
	s10 =	sand.u32 $0x380, s10;
	v56 =	vld [tilespmem:s22+$0x0];
	v46 =	vshll.u32 v40, $0x10;
	v11 =	vand.u32 $0xFFFF0000, v40;
	v47 =	vshll.u32 v42, $0x10  }
0x158: {  	s28 =	sadd.s32 s12, s4;
	s30 =	sor.u32 s10, s30;
	s4 =	sadd.s32 $0x2180, s2;
	v61 =	vld [tilespmem:s25+$0xC80];
	v16 =	vand.u32 $0xFFFF0000, v42;
	v13 =	vmul.f32 v46, v8;
	v14 =	vmul.f32 v47, v7  }
0x159: {  	s10 =	sand.u32 $0x5800, s31;
	s4 =	sand.u32 $0x380, s4;
	v27 =	vld [tilespmem:s30+$0xC80];
	v17 =	vshll.u32 v44, $0x10;
	v11 =	vmul.f32 v11, v8;
	v16 =	vmul.f32 v16, v7  }
0x15a: {  	s4 =	sor.u32 s4, s10;
	v25 =	vld [tilespmem:s28+$0x0];
	v15 =	vand.u32 $0xFFFF0000, v44;
	v48 =	vmul.f32 v17, v6;
	v13 =	vadd.f32 v14, v13  }
0x15b: {  	v34 =	vld [tilespmem:s4+$0xC80];
	v49 =	vmul.f32 v15, v6;
	[tilespmem:s15+$0x840] =	vst v9;
	v11 =	vadd.f32 v16, v11  }
0x15c: {  	[tilespmem:s15+$0x850] =	vst v10;
	v9 =	vld.msk [tilespmem:s7+$0xFFFFFE00 ss:$0x0], $0xffff;
	v50 =	vadd.f32 v48, v13  }
0x15d: {  	v52 =	vld [tilespmem:s20+$0x430];
	v51 =	vadd.f32 v49, v11  }
0x15e: {  	v55 =	vld [tilespmem:s26+$0xCB0];
	[tilespmem:s16+$0x440] =	vst v50  }
0x15f: {  	v63 =	vld [tilespmem:s21+$0xCB0];
	[tilespmem:s16+$0x450] =	vst v51  }
0x160: {  	v10 =	vld [tilespmem:s19+$0x70]  }
0x161: {  	v26 =	vshll.u32 v61, $0x10;
	v24 =	vshll.u32 v18, $0x10;
	v18 =	vand.u32 $0xFFFF0000, v18;
	v53 =	vld [tilespmem:s17+$0xCF0]  }
0x162: {  	v30 =	vshll.u32 v56, $0x10;
	v28 =	vshll.u32 v34, $0x10;
	v41 =	vand.u32 $0xFFFF0000, v25  }
0x163: {  	v40 =	vshll.u32 v25, $0x10;
	v42 =	vshll.u32 v27, $0x10;
	v15 =	vand.u32 $0xFFFF0000, v56;
	v54 =	vld [tilespmem:s18+$0xCF0]  }
0x164: {  	v15 =	vmul.f32 v15, v9;
	v57 =	vshll.u32 v52, $0x10;
	v22 =	vand.u32 $0xFFFF0000, v52  }
0x165: {  	v23 =	vshll.u32 v55, $0x10;
	v35 =	vand.u32 $0xFFFF0000, v55;
	v36 =	vshll.u32 v63, $0x10  }
0x166: {  	v58 =	vshll.u32 v10, $0x10;
	v59 =	vshll.u32 v53, $0x10;
	v21 =	vand.u32 $0xFFFF0000, v10;
	v10 =	vld.msk [tilespmem:s7+$0x0 ss:$0x0], $0xffff  }
0x167: {  	v12 =	vand.u32 $0xFFFF0000, v53;
	v20 =	vmul.f32 v58, v8;
	v17 =	vmul.f32 v59, v7  }
0x168: {  	v11 =	vld.msk [tilespmem:s7+$0x200 ss:$0x0], $0xffff;
	v19 =	vshll.u32 v54, $0x10;
	v60 =	vmul.f32 v21, v8;
	v12 =	vmul.f32 v12, v7  }
0x169: {  	v13 =	vand.u32 $0xFFFF0000, v54;
	v19 =	vmul.f32 v19, v6;
	v17 =	vadd.f32 v17, v20  }
0x16a: {  	v16 =	vmul.f32 v57, v4;
	v13 =	vmul.f32 v13, v6;
	v62 =	vadd.f32 v12, v60  }
0x16b: {  	v14 =	vld.msk [tilespmem:s7+$0x201 ss:$0x0], $0xffff;
	v12 =	vmul.f32 v30, v9;
	v17 =	vadd.f32 v19, v17;
	v24 =	vmul.f32 v24, v10  }
0x16c: {  	v32 =	vmul.f32 v23, v5;
	v18 =	vmul.f32 v18, v10;
	v19 =	vadd.f32 v13, v62  }
0x16d: {  	v26 =	vmul.f32 v26, v11;
	v21 =	vand.u32 $0xFFFF0000, v61;
	v13 =	vld.msk [tilespmem:s7+$0x1 ss:$0x0], $0xffff;
	v24 =	vadd.f32 v24, v12;
	[tilespmem:s16+$0x460] =	vst v17  }
0x16e: {  	v37 =	vmul.f32 v36, v3;
	v31 =	vmul.f32 v21, v11;
	v12 =	vld.msk [tilespmem:s7+$0xFFFFFE01 ss:$0x0], $0xffff;
	v15 =	vadd.f32 v18, v15;
	[tilespmem:s16+$0x470] =	vst v19  }
0x16f: {  	v38 =	vmul.f32 v22, v4;
	v23 =	vand.u32 $0xFFFF0000, v34;
	v39 =	vld [tilespmem:s19+$0x400];
	v33 =	vadd.f32 v26, v24  }
0x170: {  	s24 =	sor.u32 s24, s1;
	v46 =	vmul.f32 v28, v14;
	v20 =	vand.u32 $0xFFFF0000, v63;
	v29 =	vld [tilespmem:s17+$0x1080];
	v15 =	vadd.f32 v31, v15  }
0x171: {  	v23 =	vmul.f32 v23, v14;
	v16 =	vadd.f32 v32, v16;
	v49 =	vmul.f32 v20, v3;
	[tilespmem:s24+$0x0] =	vst v33  }
0x172: {  	v44 =	vand.u32 $0xFFFF0000, v27;
	v24 =	vmul.f32 v35, v5;
	v22 =	vmul.f32 v42, v13;
	[tilespmem:s24+$0x10] =	vst v15  }
0x173: {  	v16 =	vadd.f32 v37, v16;
	v26 =	vmul.f32 v44, v13;
	v43 =	vld [tilespmem:s22+$0x10];
	v15 =	vmul.f32 v40, v12  }
0x174: {  	v48 =	vadd.f32 v24, v38;
	v45 =	vld [tilespmem:s23+$0xC90];
	v21 =	vmul.f32 v41, v12;
	v51 =	vshll.u32 v39, $0x10  }
0x175: {  	v55 =	vshll.u32 v29, $0x10;
	v17 =	vand.u32 $0xFFFF0000, v39;
	v15 =	vadd.f32 v22, v15  }
0x176: {  	v47 =	vld [tilespmem:s25+$0xC90];
	v29 =	vand.u32 $0xFFFF0000, v29;
	v18 =	vadd.f32 v49, v48;
	v21 =	vadd.f32 v26, v21  }
0x177: {  	v24 =	vmul.f32 v55, v7;
	v17 =	vmul.f32 v17, v8;
	v15 =	vadd.f32 v46, v15  }
0x178: {  	s1 =	sadd.s32 s12, s1;
	v54 =	vld [tilespmem:s18+$0x1080];
	v41 =	vmul.f32 v29, v7;
	v50 =	vadd.f32 v23, v21;
	v21 =	vmul.f32 v51, v8  }
0x179: {  	v52 =	vshll.u32 v43, $0x10;
	v53 =	vshll.u32 v45, $0x10;
	v56 =	vand.u32 $0xFFFF0000, v43;
	[tilespmem:s1+$0x0] =	vst v15  }
0x17a: {  	v57 =	vand.u32 $0xFFFF0000, v45;
	v22 =	vmul.f32 v52, v9;
	v23 =	vmul.f32 v53, v10;
	[tilespmem:s1+$0x10] =	vst v50  }
0x17b: {  	v58 =	vshll.u32 v47, $0x10;
	v20 =	vmul.f32 v56, v9;
	v60 =	vmul.f32 v57, v10;
	v59 =	vld [tilespmem:s28+$0x10]  }
0x17c: {  	v28 =	vand.u32 $0xFFFF0000, v47;
	v26 =	vmul.f32 v58, v11;
	v61 =	vld [tilespmem:s30+$0xC90];
	v22 =	vadd.f32 v23, v22  }
0x17d: {  	v62 =	vmul.f32 v28, v11;
	v15 =	vand.u32 $0xFFFF0000, v54;
	v63 =	vld [tilespmem:s4+$0xC90];
	v20 =	vadd.f32 v60, v20  }
0x17e: {  	[tilespmem:s15+$0x860] =	vst v16;
	v17 =	vadd.f32 v41, v17;
	v15 =	vmul.f32 v15, v6;
	v22 =	vadd.f32 v26, v22  }
0x17f: {  	v32 =	vshll.u32 v54, $0x10;
	[tilespmem:s15+$0x870] =	vst v18;
	v21 =	vadd.f32 v24, v21;
	v20 =	vadd.f32 v62, v20  }
0x180: {  	v15 =	vadd.f32 v15, v17;
	v26 =	vmul.f32 v32, v6;
	[tilespmem:s24+$0x20] =	vst v22;
	v33 =	vshll.u32 v59, $0x10  }
0x181: {  	v57 =	vld [tilespmem:s20+$0x440];
	v34 =	vand.u32 $0xFFFF0000, v59;
	v35 =	vshll.u32 v61, $0x10;
	[tilespmem:s24+$0x30] =	vst v20;
	v36 =	vand.u32 $0xFFFF0000, v61  }
0x182: {  	v38 =	vshll.u32 v63, $0x10;
	v22 =	vmul.f32 v33, v12;
	v24 =	vmul.f32 v35, v13;
	v37 =	vld [tilespmem:s22+$0x20]  }
0x183: {  	v28 =	vand.u32 $0xFFFF0000, v63;
	v23 =	vmul.f32 v34, v12;
	v20 =	vmul.f32 v36, v13;
	v39 =	vld [tilespmem:s23+$0xCA0]  }
0x184: {  	v44 =	vadd.f32 v26, v21;
	v27 =	vmul.f32 v38, v14;
	v42 =	vld [tilespmem:s25+$0xCA0];
	v22 =	vadd.f32 v24, v22  }
0x185: {  	[tilespmem:s16+$0x810] =	vst v15;
	v40 =	vmul.f32 v28, v14;
	v20 =	vadd.f32 v20, v23  }
0x186: {  	v35 =	vld [tilespmem:s26+$0xCC0];
	v36 =	vshll.u32 v57, $0x10;
	[tilespmem:s16+$0x800] =	vst v44;
	v22 =	vadd.f32 v27, v22  }
0x187: {  	v59 =	vld [tilespmem:s19+$0x410];
	v24 =	vmul.f32 v36, v4;
	v43 =	vadd.f32 v40, v20;
	v45 =	vshll.u32 v37, $0x10  }
0x188: {  	v63 =	vld [tilespmem:s17+$0x1090];
	v46 =	vand.u32 $0xFFFF0000, v37;
	v47 =	vshll.u32 v39, $0x10;
	v48 =	vand.u32 $0xFFFF0000, v39;
	[tilespmem:s1+$0x20] =	vst v22  }
0x189: {  	v50 =	vshll.u32 v42, $0x10;
	[tilespmem:s1+$0x30] =	vst v43;
	v21 =	vmul.f32 v45, v9;
	v23 =	vmul.f32 v47, v10  }
0x18a: {  	v52 =	vand.u32 $0xFFFF0000, v42;
	v22 =	vmul.f32 v46, v9;
	v19 =	vmul.f32 v48, v10;
	v49 =	vld [tilespmem:s28+$0x20]  }
0x18b: {  	v53 =	vmul.f32 v50, v11;
	v16 =	vmul.f32 v52, v11;
	v51 =	vld [tilespmem:s30+$0xCA0];
	v21 =	vadd.f32 v23, v21  }
0x18c: {  	v47 =	vshll.u32 v35, $0x10;
	v37 =	vshll.u32 v59, $0x10;
	v54 =	vadd.f32 v19, v22  }
0x18d: {  	v55 =	vld [tilespmem:s4+$0xCA0];
	v38 =	vshll.u32 v63, $0x10;
	v40 =	vmul.f32 v37, v8;
	v56 =	vadd.f32 v53, v21  }
0x18e: {  	v41 =	vmul.f32 v38, v7;
	v22 =	vand.u32 $0xFFFF0000, v63;
	v58 =	vadd.f32 v16, v54  }
0x18f: {  	v63 =	vmul.f32 v47, v5;
	v22 =	vmul.f32 v22, v7;
	v16 =	vand.u32 $0xFFFF0000, v59;
	[tilespmem:s24+$0x40] =	vst v56  }
0x190: {  	v50 =	vld [tilespmem:s18+$0x1090];
	v60 =	vshll.u32 v49, $0x10;
	v61 =	vand.u32 $0xFFFF0000, v49;
	v62 =	vshll.u32 v51, $0x10;
	[tilespmem:s24+$0x50] =	vst v58  }
0x191: {  	v30 =	vand.u32 $0xFFFF0000, v51;
	v17 =	vmul.f32 v60, v12;
	v21 =	vmul.f32 v62, v13;
	v31 =	vld [tilespmem:s22+$0x30]  }
0x192: {  	v32 =	vshll.u32 v55, $0x10;
	v19 =	vmul.f32 v61, v12;
	v15 =	vmul.f32 v30, v13;
	v33 =	vld [tilespmem:s23+$0xCB0]  }
0x193: {  	v18 =	vand.u32 $0xFFFF0000, v55;
	v34 =	vmul.f32 v32, v14;
	v17 =	vadd.f32 v21, v17  }
0x194: {  	v20 =	vadd.f32 v41, v40;
	v18 =	vmul.f32 v18, v14;
	v39 =	vld [tilespmem:s25+$0xCB0];
	v15 =	vadd.f32 v15, v19  }
0x195: {  	v24 =	vadd.f32 v63, v24;
	v55 =	vshll.u32 v50, $0x10;
	v17 =	vadd.f32 v34, v17  }
0x196: {  	v16 =	vmul.f32 v16, v8;
	v29 =	vmul.f32 v55, v6;
	v15 =	vadd.f32 v18, v15  }
0x197: {  	v42 =	vshll.u32 v31, $0x10;
	v23 =	vand.u32 $0xFFFF0000, v31;
	v43 =	vshll.u32 v33, $0x10;
	[tilespmem:s1+$0x40] =	vst v17  }
0x198: {  	v44 =	vand.u32 $0xFFFF0000, v33;
	[tilespmem:s1+$0x50] =	vst v15;
	v17 =	vmul.f32 v42, v9;
	v45 =	vmul.f32 v43, v10  }
0x199: {  	v49 =	vshll.u32 v39, $0x10;
	v23 =	vmul.f32 v23, v9;
	v15 =	vmul.f32 v44, v10;
	v46 =	vld [tilespmem:s28+$0x30]  }
0x19a: {  	v27 =	vand.u32 $0xFFFF0000, v39;
	v25 =	vmul.f32 v49, v11;
	v48 =	vld [tilespmem:s30+$0xCB0];
	v17 =	vadd.f32 v45, v17  }
0x19b: {  	v19 =	vand.u32 $0xFFFF0000, v35;
	v27 =	vmul.f32 v27, v11;
	v15 =	vadd.f32 v15, v23  }
0x19c: {  	v16 =	vadd.f32 v22, v16;
	v19 =	vmul.f32 v19, v5;
	v51 =	vld [tilespmem:s4+$0xCB0];
	v17 =	vadd.f32 v25, v17  }
0x19d: {  	v18 =	vand.u32 $0xFFFF0000, v57;
	v23 =	vand.u32 $0xFFFF0000, v50;
	v15 =	vadd.f32 v27, v15  }
0x19e: {  	v20 =	vadd.f32 v29, v20;
	v18 =	vmul.f32 v18, v4;
	v60 =	vmul.f32 v23, v6;
	[tilespmem:s24+$0x60] =	vst v17  }
0x19f: {  	v62 =	vld [tilespmem:s21+$0xCC0];
	v52 =	vshll.u32 v46, $0x10;
	v26 =	vand.u32 $0xFFFF0000, v46;
	v53 =	vshll.u32 v48, $0x10;
	[tilespmem:s24+$0x70] =	vst v15  }
0x1a0: {  	v54 =	vand.u32 $0xFFFF0000, v48;
	v25 =	vmul.f32 v52, v12;
	v27 =	vmul.f32 v53, v13;
	v57 =	vld [tilespmem:s22+$0x40]  }
0x1a1: {  	v58 =	vshll.u32 v51, $0x10;
	v56 =	vmul.f32 v26, v12;
	v17 =	vmul.f32 v54, v13;
	v59 =	vld [tilespmem:s23+$0xCC0]  }
0x1a2: {  	v21 =	vand.u32 $0xFFFF0000, v51;
	v25 =	vadd.f32 v27, v25;
	v27 =	vmul.f32 v58, v14  }
0x1a3: {  	v16 =	vadd.f32 v60, v16;
	v21 =	vmul.f32 v21, v14;
	v61 =	vld [tilespmem:s25+$0xCC0];
	v15 =	vadd.f32 v17, v56  }
0x1a4: {  	[tilespmem:s16+$0x820] =	vst v20;
	v42 =	vshll.u32 v62, $0x10;
	v18 =	vadd.f32 v19, v18;
	v25 =	vadd.f32 v27, v25  }
0x1a5: {  	[tilespmem:s16+$0x830] =	vst v16;
	v53 =	vmul.f32 v42, v3;
	v15 =	vadd.f32 v21, v15;
	v21 =	vand.u32 $0xFFFF0000, v62  }
0x1a6: {  	v47 =	vld [tilespmem:s19+$0x420];
	v32 =	vshll.u32 v57, $0x10;
	v33 =	vand.u32 $0xFFFF0000, v57;
	v34 =	vshll.u32 v59, $0x10;
	[tilespmem:s1+$0x60] =	vst v25  }
0x1a7: {  	v35 =	vand.u32 $0xFFFF0000, v59;
	v59 =	vld [tilespmem:s17+$0x10A0];
	[tilespmem:s1+$0x70] =	vst v15;
	v36 =	vmul.f32 v32, v9;
	v37 =	vmul.f32 v34, v10  }
0x1a8: {  	v39 =	vshll.u32 v61, $0x10;
	v25 =	vmul.f32 v33, v9;
	v15 =	vmul.f32 v35, v10;
	v38 =	vld [tilespmem:s28+$0x40]  }
0x1a9: {  	v23 =	vand.u32 $0xFFFF0000, v61;
	v41 =	vmul.f32 v39, v11;
	v40 =	vld [tilespmem:s30+$0xCC0];
	v17 =	vadd.f32 v37, v36  }
0x1aa: {  	v55 =	vmul.f32 v21, v3;
	v23 =	vmul.f32 v23, v11;
	v43 =	vld [tilespmem:s4+$0xCC0];
	v15 =	vadd.f32 v15, v25  }
0x1ab: {  	v57 =	vadd.f32 v53, v24;
	v58 =	vshll.u32 v47, $0x10;
	v17 =	vadd.f32 v41, v17  }
0x1ac: {  	v35 =	vld [tilespmem:s18+$0x10A0];
	v19 =	vmul.f32 v58, v8;
	v15 =	vadd.f32 v23, v15;
	v34 =	vshll.u32 v59, $0x10  }
0x1ad: {  	v26 =	vmul.f32 v34, v7;
	[tilespmem:s24+$0x400] =	vst v17;
	v44 =	vshll.u32 v38, $0x10;
	v45 =	vand.u32 $0xFFFF0000, v38  }
0x1ae: {  	v46 =	vshll.u32 v40, $0x10;
	[tilespmem:s24+$0x410] =	vst v15;
	v48 =	vand.u32 $0xFFFF0000, v40;
	v16 =	vmul.f32 v44, v12  }
0x1af: {  	v50 =	vshll.u32 v43, $0x10;
	v20 =	vmul.f32 v46, v13;
	v49 =	vld [tilespmem:s22+$0x50];
	v17 =	vmul.f32 v45, v12  }
0x1b0: {  	v25 =	vand.u32 $0xFFFF0000, v43;
	v15 =	vmul.f32 v48, v13;
	v51 =	vld [tilespmem:s23+$0xCD0];
	v52 =	vmul.f32 v50, v14  }
0x1b1: {  	v54 =	vmul.f32 v25, v14;
	v44 =	vshll.u32 v35, $0x10;
	v16 =	vadd.f32 v20, v16  }
0x1b2: {  	v56 =	vld [tilespmem:s25+$0xCD0];
	v19 =	vadd.f32 v26, v19;
	v46 =	vmul.f32 v44, v6;
	v15 =	vadd.f32 v15, v17  }
0x1b3: {  	v18 =	vadd.f32 v55, v18;
	v16 =	vadd.f32 v52, v16  }
0x1b4: {  	v22 =	vand.u32 $0xFFFF0000, v47;
	v19 =	vadd.f32 v46, v19;
	v15 =	vadd.f32 v54, v15  }
0x1b5: {  	v60 =	vshll.u32 v49, $0x10;
	v23 =	vand.u32 $0xFFFF0000, v49;
	v61 =	vshll.u32 v51, $0x10;
	[tilespmem:s1+$0x400] =	vst v16  }
0x1b6: {  	v62 =	vand.u32 $0xFFFF0000, v51;
	[tilespmem:s1+$0x410] =	vst v15;
	v20 =	vmul.f32 v60, v9;
	v24 =	vmul.f32 v61, v10  }
0x1b7: {  	v30 =	vshll.u32 v56, $0x10;
	v23 =	vmul.f32 v23, v9;
	v15 =	vmul.f32 v62, v10;
	v63 =	vld [tilespmem:s28+$0x50]  }
0x1b8: {  	v21 =	vand.u32 $0xFFFF0000, v56;
	v32 =	vmul.f32 v30, v11;
	v31 =	vld [tilespmem:s30+$0xCD0];
	v20 =	vadd.f32 v24, v20  }
0x1b9: {  	[tilespmem:s15+$0xC00] =	vst v57;
	v21 =	vmul.f32 v21, v11;
	v16 =	vand.u32 $0xFFFF0000, v59;
	v15 =	vadd.f32 v15, v23  }
0x1ba: {  	v22 =	vmul.f32 v22, v8;
	[tilespmem:s15+$0xC10] =	vst v18;
	v33 =	vld [tilespmem:s4+$0xCD0];
	v16 =	vmul.f32 v16, v7;
	v20 =	vadd.f32 v32, v20  }
0x1bb: {  	[tilespmem:s16+$0x840] =	vst v19;
	v24 =	vand.u32 $0xFFFF0000, v35;
	v15 =	vadd.f32 v21, v15  }
0x1bc: {  	v18 =	vld [tilespmem:s20+$0x450];
	v48 =	vmul.f32 v24, v6;
	v16 =	vadd.f32 v16, v22;
	[tilespmem:s24+$0x420] =	vst v20  }
0x1bd: {  	v19 =	vld [tilespmem:s26+$0xCD0];
	v36 =	vshll.u32 v63, $0x10;
	v37 =	vand.u32 $0xFFFF0000, v63;
	v38 =	vshll.u32 v31, $0x10;
	[tilespmem:s24+$0x430] =	vst v15  }
0x1be: {  	v39 =	vand.u32 $0xFFFF0000, v31;
	v20 =	vmul.f32 v36, v12;
	v25 =	vmul.f32 v38, v13;
	v40 =	vld [tilespmem:s22+$0x60]  }
0x1bf: {  	v41 =	vshll.u32 v33, $0x10;
	v21 =	vmul.f32 v37, v12;
	v15 =	vmul.f32 v39, v13;
	v42 =	vld [tilespmem:s23+$0xCE0]  }
0x1c0: {  	v23 =	vand.u32 $0xFFFF0000, v33;
	v43 =	vmul.f32 v41, v14;
	v20 =	vadd.f32 v25, v20  }
0x1c1: {  	v16 =	vadd.f32 v48, v16;
	v45 =	vmul.f32 v23, v14;
	v47 =	vld [tilespmem:s25+$0xCE0];
	v15 =	vadd.f32 v15, v21  }
0x1c2: {  	v37 =	vshll.u32 v18, $0x10;
	v20 =	vadd.f32 v43, v20  }
0x1c3: {  	[tilespmem:s16+$0x850] =	vst v16;
	v38 =	vshll.u32 v19, $0x10;
	v18 =	vand.u32 $0xFFFF0000, v18;
	v15 =	vadd.f32 v45, v15  }
0x1c4: {  	v49 =	vshll.u32 v40, $0x10;
	v50 =	vand.u32 $0xFFFF0000, v40;
	v51 =	vshll.u32 v42, $0x10;
	[tilespmem:s1+$0x420] =	vst v20  }
0x1c5: {  	v63 =	vld [tilespmem:s19+$0x430];
	v52 =	vand.u32 $0xFFFF0000, v42;
	[tilespmem:s1+$0x430] =	vst v15;
	v20 =	vmul.f32 v49, v9;
	v24 =	vmul.f32 v51, v10  }
0x1c6: {  	v56 =	vshll.u32 v47, $0x10;
	v54 =	vmul.f32 v50, v9;
	v15 =	vmul.f32 v52, v10;
	v53 =	vld [tilespmem:s28+$0x60]  }
0x1c7: {  	v25 =	vand.u32 $0xFFFF0000, v47;
	v57 =	vmul.f32 v56, v11;
	v55 =	vld [tilespmem:s30+$0xCE0];
	v20 =	vadd.f32 v24, v20  }
0x1c8: {  	v19 =	vand.u32 $0xFFFF0000, v19;
	v58 =	vmul.f32 v25, v11;
	v15 =	vadd.f32 v15, v54  }
0x1c9: {  	v18 =	vmul.f32 v18, v4;
	v19 =	vmul.f32 v19, v5;
	v59 =	vld [tilespmem:s4+$0xCE0];
	v17 =	vadd.f32 v57, v20  }
0x1ca: {  	v15 =	vadd.f32 v58, v15  }
0x1cb: {  	v32 =	vld [tilespmem:s17+$0x10B0];
	v41 =	vmul.f32 v38, v5;
	v18 =	vadd.f32 v19, v18;
	v42 =	vshll.u32 v63, $0x10;
	[tilespmem:s24+$0x440] =	vst v17  }
0x1cc: {  	v60 =	vshll.u32 v53, $0x10;
	v61 =	vand.u32 $0xFFFF0000, v53;
	v62 =	vshll.u32 v55, $0x10;
	[tilespmem:s24+$0x450] =	vst v15  }
0x1cd: {  	v31 =	vand.u32 $0xFFFF0000, v55;
	v16 =	vmul.f32 v60, v12;
	v21 =	vmul.f32 v62, v13;
	v34 =	vld [tilespmem:s22+$0x70]  }
0x1ce: {  	v33 =	vshll.u32 v59, $0x10;
	v20 =	vmul.f32 v61, v12;
	v17 =	vmul.f32 v31, v13;
	v35 =	vld [tilespmem:s23+$0xCF0]  }
0x1cf: {  	v24 =	vand.u32 $0xFFFF0000, v59;
	v15 =	vmul.f32 v33, v14;
	v39 =	vld [tilespmem:s25+$0xCF0];
	v16 =	vadd.f32 v21, v16  }
0x1d0: {  	v43 =	vshll.u32 v32, $0x10;
	v36 =	vmul.f32 v24, v14;
	v17 =	vadd.f32 v17, v20  }
0x1d1: {  	v22 =	vand.u32 $0xFFFF0000, v63;
	v23 =	vand.u32 $0xFFFF0000, v32;
	v15 =	vadd.f32 v15, v16  }
0x1d2: {  	v22 =	vmul.f32 v22, v8;
	v23 =	vmul.f32 v23, v7;
	v17 =	vadd.f32 v36, v17  }
0x1d3: {  	v51 =	vld [tilespmem:s18+$0x10B0];
	v20 =	vmul.f32 v42, v8;
	v16 =	vmul.f32 v43, v7;
	v44 =	vshll.u32 v34, $0x10;
	[tilespmem:s1+$0x440] =	vst v15  }
0x1d4: {  	v45 =	vshll.u32 v35, $0x10;
	v47 =	vshll.u32 v39, $0x10;
	v25 =	vand.u32 $0xFFFF0000, v34;
	[tilespmem:s1+$0x450] =	vst v17  }
0x1d5: {  	v21 =	vand.u32 $0xFFFF0000, v35;
	v17 =	vmul.f32 v44, v9;
	v24 =	vmul.f32 v45, v10;
	v46 =	vld [tilespmem:s28+$0x70]  }
0x1d6: {  	v27 =	vand.u32 $0xFFFF0000, v39;
	v49 =	vmul.f32 v25, v9;
	v21 =	vmul.f32 v21, v10;
	v48 =	vld [tilespmem:s30+$0xCF0]  }
0x1d7: {  	v28 =	vmul.f32 v47, v11;
	v16 =	vadd.f32 v16, v20;
	v50 =	vld [tilespmem:s4+$0xCF0];
	v17 =	vadd.f32 v24, v17  }
0x1d8: {  	v52 =	vmul.f32 v27, v11;
	v20 =	vand.u32 $0xFFFF0000, v51;
	v21 =	vadd.f32 v21, v49  }
0x1d9: {  	v22 =	vadd.f32 v23, v22;
	v20 =	vmul.f32 v20, v6;
	v17 =	vadd.f32 v28, v17  }
0x1da: {  	v40 =	vmul.f32 v37, v4;
	v59 =	vshll.u32 v51, $0x10;
	v21 =	vadd.f32 v52, v21  }
0x1db: {  	v58 =	vld [tilespmem:s21+$0xCD0];
	v20 =	vadd.f32 v20, v22;
	v53 =	vshll.u32 v46, $0x10;
	v54 =	vshll.u32 v48, $0x10;
	[tilespmem:s24+$0x460] =	vst v17  }
0x1dc: {  	v55 =	vand.u32 $0xFFFF0000, v46;
	v56 =	vshll.u32 v50, $0x10;
	[tilespmem:s24+$0x470] =	vst v21;
	v21 =	vmul.f32 v59, v6  }
0x1dd: {  	v57 =	vand.u32 $0xFFFF0000, v48;
	v27 =	vmul.f32 v53, v12;
	v28 =	vmul.f32 v54, v13;
	v60 =	vld [tilespmem:s22+$0x400]  }
0x1de: {  	v25 =	vand.u32 $0xFFFF0000, v50;
	v24 =	vmul.f32 v55, v12;
	v17 =	vmul.f32 v57, v13;
	v61 =	vld [tilespmem:s23+$0x1080]  }
0x1df: {  	v26 =	vmul.f32 v56, v14;
	v25 =	vmul.f32 v25, v14;
	v62 =	vld [tilespmem:s25+$0x1080];
	v16 =	vadd.f32 v21, v16  }
0x1e0: {  	[tilespmem:s16+$0x870] =	vst v20;
	v27 =	vadd.f32 v28, v27;
	v17 =	vadd.f32 v17, v24;
	v28 =	vand.u32 $0xFFFF0000, v58  }
0x1e1: {  	v63 =	vshll.u32 v58, $0x10;
	v15 =	vadd.f32 v41, v40;
	[tilespmem:s16+$0x860] =	vst v16;
	v42 =	vmul.f32 v28, v3  }
0x1e2: {  	v26 =	vadd.f32 v26, v27;
	v17 =	vadd.f32 v25, v17;
	v38 =	vld [tilespmem:s19+$0x440];
	v25 =	vmul.f32 v63, v3  }
0x1e3: {  	v40 =	vld [tilespmem:s17+$0x10C0];
	v32 =	vshll.u32 v60, $0x10;
	v33 =	vand.u32 $0xFFFF0000, v60;
	v34 =	vshll.u32 v61, $0x10  }
0x1e4: {  	v48 =	vld [tilespmem:s18+$0x10C0];
	v36 =	vand.u32 $0xFFFF0000, v61;
	v39 =	vshll.u32 v62, $0x10;
	[tilespmem:s1+$0x460] =	vst v26;
	v16 =	vmul.f32 v32, v9  }
0x1e5: {  	v23 =	vand.u32 $0xFFFF0000, v62;
	[tilespmem:s1+$0x470] =	vst v17;
	v21 =	vmul.f32 v34, v10;
	v17 =	vmul.f32 v33, v9  }
0x1e6: {  	v18 =	vadd.f32 v42, v18;
	v20 =	vmul.f32 v36, v10;
	v27 =	vmul.f32 v39, v11;
	v35 =	vld [tilespmem:s28+$0x400]  }
0x1e7: {  	v41 =	vmul.f32 v23, v11;
	v15 =	vadd.f32 v25, v15;
	v37 =	vld [tilespmem:s30+$0x1080];
	v16 =	vadd.f32 v21, v16  }
0x1e8: {  	v17 =	vadd.f32 v20, v17;
	v49 =	vshll.u32 v38, $0x10;
	v50 =	vshll.u32 v40, $0x10  }
0x1e9: {  	v43 =	vld [tilespmem:s4+$0x1080];
	v54 =	vand.u32 $0xFFFF0000, v38;
	v21 =	vand.u32 $0xFFFF0000, v40;
	v55 =	vshll.u32 v48, $0x10  }
0x1ea: {  	[tilespmem:s15+$0xC30] =	vst v18;
	v19 =	vand.u32 $0xFFFF0000, v48;
	v16 =	vadd.f32 v27, v16;
	v25 =	vmul.f32 v49, v8  }
0x1eb: {  	[tilespmem:s15+$0xC20] =	vst v15;
	v17 =	vadd.f32 v41, v17;
	v27 =	vmul.f32 v50, v7;
	v15 =	vmul.f32 v54, v8  }
0x1ec: {  	v58 =	vld [tilespmem:s20+$0x460];
	v44 =	vshll.u32 v35, $0x10;
	v45 =	vshll.u32 v37, $0x10;
	[tilespmem:s24+$0x800] =	vst v16;
	v22 =	vand.u32 $0xFFFF0000, v35  }
0x1ed: {  	v33 =	vld [tilespmem:s26+$0xCE0];
	[tilespmem:s24+$0x810] =	vst v17;
	v24 =	vand.u32 $0xFFFF0000, v37;
	v46 =	vmul.f32 v44, v12;
	v47 =	vmul.f32 v45, v13  }
0x1ee: {  	v52 =	vshll.u32 v43, $0x10;
	v17 =	vld [tilespmem:s22+$0x410];
	v22 =	vmul.f32 v22, v12;
	v24 =	vmul.f32 v24, v13  }
0x1ef: {  	v23 =	vand.u32 $0xFFFF0000, v43;
	v51 =	vld [tilespmem:s23+$0x1090];
	v28 =	vmul.f32 v52, v14;
	v16 =	vadd.f32 v47, v46  }
0x1f0: {  	v21 =	vmul.f32 v21, v7;
	v23 =	vmul.f32 v23, v14;
	v22 =	vadd.f32 v24, v22  }
0x1f1: {  	v18 =	vmul.f32 v55, v6;
	v25 =	vadd.f32 v27, v25;
	v53 =	vld [tilespmem:s25+$0x1090];
	v16 =	vadd.f32 v28, v16  }
0x1f2: {  	v19 =	vmul.f32 v19, v6;
	v15 =	vadd.f32 v21, v15;
	v22 =	vadd.f32 v23, v22  }
0x1f3: {  	v32 =	vshll.u32 v58, $0x10;
	v18 =	vadd.f32 v18, v25;
	v42 =	vshll.u32 v33, $0x10;
	[tilespmem:s1+$0x800] =	vst v16  }
0x1f4: {  	v56 =	vshll.u32 v17, $0x10;
	v17 =	vand.u32 $0xFFFF0000, v17;
	v57 =	vshll.u32 v51, $0x10;
	[tilespmem:s1+$0x810] =	vst v22  }
0x1f5: {  	v20 =	vand.u32 $0xFFFF0000, v51;
	v23 =	vmul.f32 v56, v9;
	v26 =	vmul.f32 v57, v10;
	v60 =	vld [tilespmem:s28+$0x410]  }
0x1f6: {  	v59 =	vshll.u32 v53, $0x10;
	v17 =	vmul.f32 v17, v9;
	v20 =	vmul.f32 v20, v10;
	v61 =	vld [tilespmem:s30+$0x1090]  }
0x1f7: {  	v24 =	vand.u32 $0xFFFF0000, v53;
	v22 =	vmul.f32 v59, v11;
	v23 =	vadd.f32 v26, v23  }
0x1f8: {  	v15 =	vadd.f32 v19, v15;
	v62 =	vmul.f32 v24, v11;
	v63 =	vld [tilespmem:s4+$0x1090];
	v17 =	vadd.f32 v20, v17  }
0x1f9: {  	v43 =	vmul.f32 v32, v4;
	[tilespmem:s16+$0xC00] =	vst v18;
	v16 =	vand.u32 $0xFFFF0000, v58;
	v22 =	vadd.f32 v22, v23  }
0x1fa: {  	[tilespmem:s16+$0xC10] =	vst v15;
	v16 =	vmul.f32 v16, v4;
	v20 =	vand.u32 $0xFFFF0000, v33;
	v17 =	vadd.f32 v62, v17  }
0x1fb: {  	v48 =	vld [tilespmem:s21+$0xCE0];
	[tilespmem:s24+$0x820] =	vst v22;
	v34 =	vshll.u32 v60, $0x10;
	v35 =	vand.u32 $0xFFFF0000, v60;
	v36 =	vshll.u32 v61, $0x10  }
0x1fc: {  	v58 =	vld [tilespmem:s19+$0x450];
	[tilespmem:s24+$0x830] =	vst v17;
	v26 =	vand.u32 $0xFFFF0000, v61;
	v17 =	vmul.f32 v34, v12;
	v22 =	vmul.f32 v36, v13  }
0x1fd: {  	v39 =	vshll.u32 v63, $0x10;
	v37 =	vld [tilespmem:s22+$0x420];
	v21 =	vmul.f32 v35, v12;
	v26 =	vmul.f32 v26, v13  }
0x1fe: {  	v23 =	vand.u32 $0xFFFF0000, v63;
	v38 =	vld [tilespmem:s23+$0x10A0];
	v40 =	vmul.f32 v39, v14;
	v17 =	vadd.f32 v22, v17  }
0x1ff: {  	v20 =	vmul.f32 v20, v5;
	v41 =	vld [tilespmem:s25+$0x10A0];
	v23 =	vmul.f32 v23, v14;
	v21 =	vadd.f32 v26, v21  }
0x200: {  	v56 =	vshll.u32 v48, $0x10;
	v26 =	vmul.f32 v42, v5;
	v17 =	vadd.f32 v40, v17  }
0x201: {  	v16 =	vadd.f32 v20, v16;
	v18 =	vand.u32 $0xFFFF0000, v58;
	v44 =	vadd.f32 v23, v21  }
0x202: {  	v18 =	vmul.f32 v18, v8;
	v22 =	vadd.f32 v26, v43;
	v45 =	vshll.u32 v37, $0x10;
	[tilespmem:s1+$0x820] =	vst v17  }
0x203: {  	v33 =	vld [tilespmem:s17+$0x10D0];
	v46 =	vand.u32 $0xFFFF0000, v37;
	v47 =	vshll.u32 v38, $0x10;
	v49 =	vand.u32 $0xFFFF0000, v38;
	[tilespmem:s1+$0x830] =	vst v44  }
0x204: {  	v50 =	vshll.u32 v41, $0x10;
	v21 =	vmul.f32 v45, v9;
	v24 =	vmul.f32 v47, v10;
	v51 =	vld [tilespmem:s28+$0x420]  }
0x205: {  	v28 =	vand.u32 $0xFFFF0000, v41;
	v23 =	vmul.f32 v46, v9;
	v25 =	vmul.f32 v49, v10;
	v52 =	vld [tilespmem:s30+$0x10A0]  }
0x206: {  	v19 =	vmul.f32 v50, v11;
	v17 =	vand.u32 $0xFFFF0000, v48;
	v55 =	vld [tilespmem:s4+$0x10A0];
	v21 =	vadd.f32 v24, v21  }
0x207: {  	v53 =	vmul.f32 v28, v11;
	v17 =	vmul.f32 v17, v3;
	v23 =	vadd.f32 v25, v23  }
0x208: {  	v37 =	vshll.u32 v58, $0x10;
	v41 =	vshll.u32 v33, $0x10;
	v54 =	vadd.f32 v19, v21  }
0x209: {  	v40 =	vld [tilespmem:s18+$0x10D0];
	v50 =	vand.u32 $0xFFFF0000, v33;
	v16 =	vadd.f32 v17, v16;
	v57 =	vadd.f32 v53, v23  }
0x20a: {  	v21 =	vmul.f32 v56, v3;
	[tilespmem:s24+$0x840] =	vst v54;
	v59 =	vshll.u32 v51, $0x10;
	v60 =	vand.u32 $0xFFFF0000, v51  }
0x20b: {  	[tilespmem:s24+$0x850] =	vst v57;
	v61 =	vshll.u32 v52, $0x10;
	v24 =	vand.u32 $0xFFFF0000, v52;
	v32 =	vshll.u32 v55, $0x10  }
0x20c: {  	v19 =	vand.u32 $0xFFFF0000, v55;
	v62 =	vld [tilespmem:s22+$0x430];
	v15 =	vmul.f32 v59, v12;
	v23 =	vmul.f32 v61, v13  }
0x20d: {  	v21 =	vadd.f32 v21, v22;
	v63 =	vld [tilespmem:s23+$0x10B0];
	v20 =	vmul.f32 v60, v12;
	v24 =	vmul.f32 v24, v13  }
0x20e: {  	v51 =	vshll.u32 v40, $0x10;
	v34 =	vmul.f32 v32, v14;
	v35 =	vld [tilespmem:s25+$0x10B0];
	v15 =	vadd.f32 v23, v15  }
0x20f: {  	[tilespmem:s15+$0xC50] =	vst v16;
	v19 =	vmul.f32 v19, v14;
	v16 =	vmul.f32 v51, v6;
	v20 =	vadd.f32 v24, v20  }
0x210: {  	[tilespmem:s15+$0xC40] =	vst v21;
	v21 =	vmul.f32 v50, v7;
	v23 =	vand.u32 $0xFFFF0000, v40;
	v15 =	vadd.f32 v34, v15  }
0x211: {  	v36 =	vadd.f32 v19, v20;
	v19 =	vmul.f32 v37, v8;
	v38 =	vshll.u32 v62, $0x10  }
0x212: {  	v39 =	vshll.u32 v63, $0x10;
	v42 =	vand.u32 $0xFFFF0000, v62;
	v43 =	vand.u32 $0xFFFF0000, v63;
	[tilespmem:s1+$0x840] =	vst v15  }
0x213: {  	v44 =	vshll.u32 v35, $0x10;
	v20 =	vmul.f32 v38, v9;
	v22 =	vmul.f32 v39, v10;
	[tilespmem:s1+$0x850] =	vst v36  }
0x214: {  	v27 =	vand.u32 $0xFFFF0000, v35;
	v17 =	vmul.f32 v42, v9;
	v46 =	vmul.f32 v43, v10;
	v45 =	vld [tilespmem:s28+$0x430]  }
0x215: {  	v25 =	vmul.f32 v44, v11;
	v15 =	vmul.f32 v41, v7;
	v47 =	vld [tilespmem:s30+$0x10B0];
	v20 =	vadd.f32 v22, v20  }
0x216: {  	v18 =	vadd.f32 v21, v18;
	v48 =	vmul.f32 v27, v11;
	v17 =	vadd.f32 v46, v17  }
0x217: {  	v30 =	vmul.f32 v23, v6;
	v49 =	vld [tilespmem:s4+$0x10B0];
	v19 =	vadd.f32 v15, v19;
	v20 =	vadd.f32 v25, v20  }
0x218: {  	v17 =	vadd.f32 v48, v17  }
0x219: {  	v18 =	vadd.f32 v30, v18;
	v16 =	vadd.f32 v16, v19;
	[tilespmem:s24+$0x860] =	vst v20  }
0x21a: {  	v15 =	vld [tilespmem:s20+$0x470];
	v52 =	vshll.u32 v45, $0x10;
	v53 =	vand.u32 $0xFFFF0000, v45;
	v54 =	vshll.u32 v47, $0x10;
	[tilespmem:s24+$0x870] =	vst v17  }
0x21b: {  	v55 =	vand.u32 $0xFFFF0000, v47;
	v20 =	vmul.f32 v52, v12;
	v56 =	vmul.f32 v54, v13;
	v57 =	vld [tilespmem:s22+$0x440]  }
0x21c: {  	[tilespmem:s16+$0xC30] =	vst v18;
	v58 =	vshll.u32 v49, $0x10;
	v22 =	vmul.f32 v53, v12;
	v17 =	vmul.f32 v55, v13;
	v59 =	vld [tilespmem:s23+$0x10C0]  }
0x21d: {  	v27 =	vand.u32 $0xFFFF0000, v49;
	[tilespmem:s16+$0xC20] =	vst v16;
	v60 =	vmul.f32 v58, v14;
	v63 =	vld [tilespmem:s25+$0x10C0];
	v20 =	vadd.f32 v56, v20  }
0x21e: {  	v61 =	vmul.f32 v27, v14;
	v43 =	vld [tilespmem:s19+$0x460];
	v17 =	vadd.f32 v17, v22  }
0x21f: {  	v62 =	vshll.u32 v15, $0x10;
	v44 =	vld [tilespmem:s17+$0x10E0];
	v20 =	vadd.f32 v60, v20  }
0x220: {  	v24 =	vmul.f32 v62, v4;
	v17 =	vadd.f32 v61, v17  }
0x221: {  	v49 =	vld [tilespmem:s18+$0x10E0];
	v31 =	vshll.u32 v57, $0x10;
	v32 =	vand.u32 $0xFFFF0000, v57;
	v33 =	vshll.u32 v59, $0x10;
	[tilespmem:s1+$0x860] =	vst v20  }
0x222: {  	v34 =	vand.u32 $0xFFFF0000, v59;
	v38 =	vshll.u32 v63, $0x10;
	v26 =	vand.u32 $0xFFFF0000, v63;
	[tilespmem:s1+$0x870] =	vst v17  }
0x223: {  	v55 =	vshll.u32 v43, $0x10;
	v21 =	vmul.f32 v31, v9;
	v23 =	vmul.f32 v33, v10;
	v35 =	vld [tilespmem:s28+$0x440]  }
0x224: {  	v56 =	vshll.u32 v44, $0x10;
	v36 =	vmul.f32 v32, v9;
	v17 =	vmul.f32 v34, v10;
	v37 =	vld [tilespmem:s30+$0x10C0]  }
0x225: {  	v19 =	vand.u32 $0xFFFF0000, v44;
	v39 =	vmul.f32 v38, v11;
	v21 =	vadd.f32 v23, v21  }
0x226: {  	v58 =	vshll.u32 v49, $0x10;
	v40 =	vmul.f32 v26, v11;
	v42 =	vld [tilespmem:s4+$0x10C0];
	v17 =	vadd.f32 v17, v36  }
0x227: {  	v26 =	vand.u32 $0xFFFF0000, v43;
	v28 =	vmul.f32 v56, v7;
	v16 =	vadd.f32 v39, v21  }
0x228: {  	v20 =	vld [tilespmem:s26+$0xCF0];
	v19 =	vmul.f32 v19, v7;
	v26 =	vmul.f32 v26, v8;
	v17 =	vadd.f32 v40, v17  }
0x229: {  	v45 =	vshll.u32 v35, $0x10;
	v25 =	vand.u32 $0xFFFF0000, v35;
	v46 =	vshll.u32 v37, $0x10;
	[tilespmem:s24+$0xC00] =	vst v16  }
0x22a: {  	v47 =	vand.u32 $0xFFFF0000, v37;
	[tilespmem:s24+$0xC10] =	vst v17;
	v21 =	vmul.f32 v45, v12;
	v48 =	vmul.f32 v46, v13  }
0x22b: {  	v52 =	vshll.u32 v42, $0x10;
	v50 =	vmul.f32 v25, v12;
	v16 =	vmul.f32 v47, v13;
	v51 =	vld [tilespmem:s22+$0x450]  }
0x22c: {  	v18 =	vand.u32 $0xFFFF0000, v42;
	v53 =	vld [tilespmem:s23+$0x10D0];
	v27 =	vmul.f32 v52, v14;
	v21 =	vadd.f32 v48, v21  }
0x22d: {  	v41 =	vshll.u32 v20, $0x10;
	v54 =	vmul.f32 v18, v14;
	v16 =	vadd.f32 v16, v50  }
0x22e: {  	v23 =	vmul.f32 v41, v5;
	v57 =	vld [tilespmem:s25+$0x10D0];
	v18 =	vmul.f32 v55, v8;
	v21 =	vadd.f32 v27, v21  }
0x22f: {  	v19 =	vadd.f32 v19, v26;
	v17 =	vmul.f32 v58, v6;
	v16 =	vadd.f32 v54, v16  }
0x230: {  	v23 =	vadd.f32 v23, v24;
	v24 =	vand.u32 $0xFFFF0000, v49;
	v18 =	vadd.f32 v28, v18;
	[tilespmem:s1+$0xC00] =	vst v21  }
0x231: {  	v59 =	vshll.u32 v51, $0x10;
	v60 =	vshll.u32 v53, $0x10;
	v62 =	vand.u32 $0xFFFF0000, v51;
	[tilespmem:s1+$0xC10] =	vst v16  }
0x232: {  	v22 =	vand.u32 $0xFFFF0000, v53;
	v61 =	vmul.f32 v59, v9;
	v21 =	vmul.f32 v60, v10;
	v32 =	vld [tilespmem:s28+$0x450]  }
0x233: {  	v63 =	vshll.u32 v57, $0x10;
	v16 =	vmul.f32 v62, v9;
	v22 =	vmul.f32 v22, v10;
	v33 =	vld [tilespmem:s30+$0x10D0]  }
0x234: {  	v27 =	vand.u32 $0xFFFF0000, v57;
	v25 =	vmul.f32 v63, v11;
	v21 =	vadd.f32 v21, v61  }
0x235: {  	v24 =	vmul.f32 v24, v6;
	v34 =	vmul.f32 v27, v11;
	v35 =	vld [tilespmem:s4+$0x10D0];
	v16 =	vadd.f32 v22, v16  }
0x236: {  	v17 =	vadd.f32 v17, v18;
	v36 =	vadd.f32 v25, v21  }
0x237: {  	v15 =	vand.u32 $0xFFFF0000, v15;
	v19 =	vadd.f32 v24, v19;
	v16 =	vadd.f32 v34, v16  }
0x238: {  	[tilespmem:s24+$0xC20] =	vst v36;
	v38 =	vshll.u32 v32, $0x10;
	v39 =	vand.u32 $0xFFFF0000, v32;
	v40 =	vshll.u32 v33, $0x10  }
0x239: {  	v37 =	vld [tilespmem:s21+$0xCF0];
	[tilespmem:s24+$0xC30] =	vst v16;
	v41 =	vand.u32 $0xFFFF0000, v33;
	v18 =	vmul.f32 v38, v12;
	v24 =	vmul.f32 v40, v13  }
0x23a: {  	v43 =	vshll.u32 v35, $0x10;
	v42 =	vld [tilespmem:s22+$0x460];
	v22 =	vmul.f32 v39, v12;
	v16 =	vmul.f32 v41, v13  }
0x23b: {  	v27 =	vand.u32 $0xFFFF0000, v35;
	v44 =	vld [tilespmem:s23+$0x10E0];
	v26 =	vmul.f32 v43, v14;
	v18 =	vadd.f32 v24, v18  }
0x23c: {  	v20 =	vand.u32 $0xFFFF0000, v20;
	v27 =	vmul.f32 v27, v14;
	v16 =	vadd.f32 v16, v22  }
0x23d: {  	v4 =	vmul.f32 v15, v4;
	v5 =	vmul.f32 v20, v5;
	[tilespmem:s16+$0xC40] =	vst v17;
	v48 =	vld [tilespmem:s25+$0x10E0];
	v46 =	vadd.f32 v26, v18  }
0x23e: {  	v45 =	vshll.u32 v37, $0x10;
	[tilespmem:s16+$0xC50] =	vst v19;
	v16 =	vadd.f32 v27, v16  }
0x23f: {  	v4 =	vadd.f32 v5, v4;
	v47 =	vmul.f32 v45, v3;
	v21 =	vand.u32 $0xFFFF0000, v37;
	[tilespmem:s1+$0xC20] =	vst v46  }
0x240: {  	v49 =	vld [tilespmem:s19+$0x470];
	v50 =	vshll.u32 v42, $0x10;
	v51 =	vand.u32 $0xFFFF0000, v42;
	v52 =	vshll.u32 v44, $0x10;
	[tilespmem:s1+$0xC30] =	vst v16  }
0x241: {  	v53 =	vand.u32 $0xFFFF0000, v44;
	v17 =	vmul.f32 v50, v9;
	v22 =	vmul.f32 v52, v10;
	v54 =	vld [tilespmem:s28+$0x460]  }
0x242: {  	v57 =	vshll.u32 v48, $0x10;
	v55 =	vmul.f32 v51, v9;
	v16 =	vmul.f32 v53, v10;
	v56 =	vld [tilespmem:s30+$0x10E0]  }
0x243: {  	v3 =	vmul.f32 v21, v3;
	v19 =	vand.u32 $0xFFFF0000, v48;
	v58 =	vmul.f32 v57, v11  }
0x244: {  	v59 =	vmul.f32 v19, v11;
	v60 =	vld [tilespmem:s4+$0x10E0];
	v17 =	vadd.f32 v22, v17;
	v5 =	vadd.f32 v16, v55  }
0x245: {  	v61 =	vshll.u32 v49, $0x10;
	v15 =	vand.u32 $0xFFFF0000, v49;
	v18 =	vadd.f32 v47, v23  }
0x246: {  	v21 =	vmul.f32 v61, v8;
	v17 =	vadd.f32 v58, v17;
	v5 =	vadd.f32 v59, v5  }
0x247: {  	v62 =	vld [tilespmem:s17+$0x10F0];
	v63 =	vshll.u32 v54, $0x10;
	v23 =	vand.u32 $0xFFFF0000, v54;
	v28 =	vshll.u32 v56, $0x10  }
0x248: {  	[tilespmem:s24+$0xC40] =	vst v17;
	v29 =	vand.u32 $0xFFFF0000, v56;
	v30 =	vmul.f32 v63, v12;
	v31 =	vmul.f32 v28, v13  }
0x249: {  	v32 =	vld [tilespmem:s18+$0x10F0];
	[tilespmem:s24+$0xC50] =	vst v5;
	v33 =	vshll.u32 v60, $0x10;
	v23 =	vmul.f32 v23, v12;
	v17 =	vmul.f32 v29, v13  }
0x24a: {  	v19 =	vand.u32 $0xFFFF0000, v60;
	v34 =	vld [tilespmem:s22+$0x470];
	v5 =	vmul.f32 v33, v14;
	v20 =	vadd.f32 v31, v30  }
0x24b: {  	v8 =	vmul.f32 v15, v8;
	v35 =	vld [tilespmem:s23+$0x10F0];
	v37 =	vmul.f32 v19, v14;
	v36 =	vadd.f32 v17, v23  }
0x24c: {  	v38 =	vshll.u32 v62, $0x10;
	v16 =	vand.u32 $0xFFFF0000, v62;
	v5 =	vadd.f32 v5, v20  }
0x24d: {  	v39 =	vld [tilespmem:s25+$0x10F0];
	v19 =	vmul.f32 v38, v7;
	v7 =	vmul.f32 v16, v7;
	v15 =	vadd.f32 v37, v36  }
0x24e: {  	v3 =	vadd.f32 v3, v4;
	v40 =	vshll.u32 v32, $0x10;
	v41 =	vand.u32 $0xFFFF0000, v32;
	[tilespmem:s1+$0xC40] =	vst v5  }
0x24f: {  	v4 =	vmul.f32 v40, v6;
	v42 =	vadd.f32 v19, v21;
	v7 =	vadd.f32 v7, v8;
	[tilespmem:s1+$0xC50] =	vst v15  }
0x250: {  	v43 =	vshll.u32 v34, $0x10;
	v44 =	vshll.u32 v35, $0x10;
	v5 =	vmul.f32 v41, v6;
	v15 =	vld [tilespmem:s28+$0x470]  }
0x251: {  	v45 =	vand.u32 $0xFFFF0000, v34;
	v6 =	vmul.f32 v43, v9;
	v8 =	vmul.f32 v44, v10;
	v46 =	vld [tilespmem:s30+$0x10F0]  }
0x252: {  	v47 =	vand.u32 $0xFFFF0000, v35;
	v48 =	vshll.u32 v39, $0x10;
	v9 =	vmul.f32 v45, v9  }
0x253: {  	v49 =	vmul.f32 v48, v11;
	v10 =	vmul.f32 v47, v10;
	v50 =	vld [tilespmem:s4+$0x10F0];
	v6 =	vadd.f32 v8, v6  }
0x254: {  	v4 =	vadd.f32 v4, v42;
	v51 =	vand.u32 $0xFFFF0000, v39;
	v5 =	vadd.f32 v5, v7  }
0x255: {  	v52 =	vadd.f32 v10, v9;
	v7 =	vmul.f32 v51, v11;
	v6 =	vadd.f32 v49, v6  }
0x256: {  	v53 =	vshll.u32 v15, $0x10;
	v54 =	vand.u32 $0xFFFF0000, v15;
	v55 =	vshll.u32 v46, $0x10  }
0x257: {  	[tilespmem:s15+$0xC70] =	vst v3;
	v56 =	vand.u32 $0xFFFF0000, v46;
	v9 =	vmul.f32 v53, v12;
	v11 =	vmul.f32 v55, v13  }
0x258: {  	[tilespmem:s15+$0xC60] =	vst v18;
	v58 =	vshll.u32 v50, $0x10;
	v3 =	vmul.f32 v54, v12;
	v57 =	vmul.f32 v56, v13  }
0x259: {  	p1 =	slt.u32 s13, $0x1C;
	[tilespmem:s16+$0xC60] =	vst v4;
	v60 =	vand.u32 $0xFFFF0000, v50;
	v61 =	vmul.f32 v58, v14;
	v59 =	vadd.f32 v11, v9  }
.Ltmp0:
0x25a: {  	[tilespmem:s16+$0xC70] =	vst v5;
	v62 =	vadd.f32 v7, v52;
	v63 =	vmul.f32 v60, v14;
	v3 =	vadd.f32 v57, v3;
	(pc) =	sbr.rel @p1 .LBB2_3-.Ltmp0, $4  }
0x25b: {  	[tilespmem:s24+$0xC60] =	vst v6;
	v4 =	vadd.f32 v61, v59  }
0x25c: {  	[tilespmem:s24+$0xC70] =	vst v62;
	v3 =	vadd.f32 v63, v3  }
0x25d: {  	p0 =	por !p0, !p0;
	s6 =	sadd.s32 $0x400, s6;
	[tilespmem:s1+$0xC60] =	vst v4  }
0x25e: {  	s2 =	sadd.s32 $0x200, s2;
	s31 =	sadd.s32 $0x400, s31;
	s7 =	sadd.s32 $0x4, s7;
	[tilespmem:s1+$0xC70] =	vst v3  }
0x25f: {  	s1 =	sshll.u32 s9, $0xC;
	s2 =	rddreg [dreg:$0xa]  }
0x260: {  	s31 =	simm.s32 $0xCC80;
	s1 =	sadd.s32 s1, s2  }
0x261: {  	[hbm4b:s1+s3] =	stream.linear.scatter [tilespmem:s31], [sflag:$0x3], $0x4000, $0x38;
	[tilespmem:$0x14C80] =	vst v63  }
0x262: {  	_ =	swait.ge [sflag:s29], $0x2000  }
0x263: {  	[sflag:s29] =	ssyncset.done $0x0  }
0x264: {  	[sflag:s29] =	ssyncadd.s32 $0xFFFFE000  }
0x265: {  	_ =	swait.ge [sflag:s29], $0x2000  }
0x266: {  	[sflag:s29] =	ssyncset.done $0x0  }
0x267: {  	[sflag:s29] =	ssyncadd.s32 $0xFFFFE000  }
0x268: {  	_ =	swait.ge [sflag:s29], $0x2000  }
0x269: {  	[sflag:s29] =	ssyncset.done $0x0  }
0x26a: {  	p0 =	seq.s32 s9, $0x7;
	[sflag:s29] =	ssyncadd.s32 $0xFFFFE000  }
0x26b: {  	v3 =	vld @!p0 [tilespmem:s11+$0x40];
	_ =	sdelay $0x4  }
0x26c: {  	v4 =	vshll.u32 @!p0 v3, $0x1  }
0x26d: {  	v5 =	vlaneseq.u32 @!p0;
	v3 =	vand.u32 @!p0 $0x7, v3;
	v4 =	vand.u32 @!p0 $0xFFFFFFF0, v4  }
0x26e: {  	v6 =	vshrl.u32 @!p0 v5, $0x3;
	v3 =	vor.u32 @!p0 v3, v4;
	v4 =	vand.u32 @!p0 $0x7, v5  }
0x26f: {  	v6 =	vmul.u32 @!p0 $0x8, v6;
	v7 =	vperm.xlane @!p0 v3, v4  }
0x270: {  	v5 =	vor.u32 @!p0 $0x8, v5  }
0x271: {  	v3 =	vperm.xlane @!p0 v3, v5;
	v7 =	vadd.s32 @!p0 v6, v7;
	_ =	sdelay $0x1  }
0x272: {  	v3 =	vadd.s32 @!p0 v6, v3;
	_ =	sdelay $0x1  }
0x273: {  	vm1 =	vmmov @!p0 $0xffff;
	s2 =	simm.s32 @!p0 $0xC80;
	s1 =	simm.s32 @!p0 $0x0  }
0x274: {  	[tilespmem:s2], [sflag:$0x1] =	stream.indirect_vreg.gather @!p0 [hbm4b:s5+s1], $0x80, v7, vm1, $0xb8;
	[tilespmem:$0x14C80] =	vst v63  }
0x275: {  	s2 =	simm.s32 @!p0 $0x1480  }
0x276: {  	[tilespmem:s2], [sflag:$0x1] =	stream.indirect_vreg.gather @!p0 [hbm4b:s5+s1], $0x80, v3, vm1, $0xb8;
	[tilespmem:$0x14C80] =	vst v63  }
0x277: {  	v3 =	vld @!p0 [tilespmem:s11+$0x50];
	_ =	sdelay $0x4  }
0x278: {  	v7 =	vshll.u32 @!p0 v3, $0x1  }
0x279: {  	v3 =	vand.u32 @!p0 $0x7, v3;
	v7 =	vand.u32 @!p0 $0xFFFFFFF0, v7  }
0x27a: {  	v3 =	vor.u32 @!p0 v3, v7  }
0x27b: {  	v7 =	vperm.xlane @!p0 v3, v4;
	_ =	sdelay $0x1  }
0x27c: {  	v3 =	vperm.xlane @!p0 v3, v5;
	v7 =	vadd.s32 @!p0 v6, v7;
	_ =	sdelay $0x1  }
0x27d: {  	v3 =	vadd.s32 @!p0 v6, v3;
	_ =	sdelay $0x1  }
0x27e: {  	s2 =	simm.s32 @!p0 $0x1C80  }
0x27f: {  	[tilespmem:s2], [sflag:$0x1] =	stream.indirect_vreg.gather @!p0 [hbm4b:s5+s1], $0x80, v7, vm1, $0xb8;
	[tilespmem:$0x14C80] =	vst v63  }
0x280: {  	s2 =	simm.s32 @!p0 $0x2480  }
0x281: {  	[tilespmem:s2], [sflag:$0x1] =	stream.indirect_vreg.gather @!p0 [hbm4b:s5+s1], $0x80, v3, vm1, $0xb8;
	[tilespmem:$0x14C80] =	vst v63  }
0x282: {  	v3 =	vld @!p0 [tilespmem:s11+$0x240];
	_ =	sdelay $0x4  }
0x283: {  	v7 =	vshll.u32 @!p0 v3, $0x1  }
0x284: {  	v3 =	vand.u32 @!p0 $0x7, v3;
	v7 =	vand.u32 @!p0 $0xFFFFFFF0, v7  }
0x285: {  	v3 =	vor.u32 @!p0 v3, v7  }
0x286: {  	v7 =	vperm.xlane @!p0 v3, v4;
	_ =	sdelay $0x1  }
0x287: {  	v3 =	vperm.xlane @!p0 v3, v5;
	v7 =	vadd.s32 @!p0 v6, v7;
	_ =	sdelay $0x1  }
0x288: {  	v3 =	vadd.s32 @!p0 v6, v3;
	_ =	sdelay $0x1  }
0x289: {  	s2 =	simm.s32 @!p0 $0x2C80  }
0x28a: {  	[tilespmem:s2], [sflag:$0x1] =	stream.indirect_vreg.gather @!p0 [hbm4b:s5+s1], $0x80, v7, vm1, $0xb8;
	[tilespmem:$0x14C80] =	vst v63  }
0x28b: {  	s2 =	simm.s32 @!p0 $0x3480  }
0x28c: {  	[tilespmem:s2], [sflag:$0x1] =	stream.indirect_vreg.gather @!p0 [hbm4b:s5+s1], $0x80, v3, vm1, $0xb8;
	[tilespmem:$0x14C80] =	vst v63  }
0x28d: {  	v3 =	vld @!p0 [tilespmem:s11+$0x250];
	_ =	sdelay $0x4  }
0x28e: {  	v7 =	vshll.u32 @!p0 v3, $0x1  }
0x28f: {  	v3 =	vand.u32 @!p0 $0x7, v3;
	v7 =	vand.u32 @!p0 $0xFFFFFFF0, v7  }
0x290: {  	v3 =	vor.u32 @!p0 v3, v7  }
0x291: {  	v7 =	vperm.xlane @!p0 v3, v4;
	_ =	sdelay $0x1  }
0x292: {  	v3 =	vperm.xlane @!p0 v3, v5;
	v7 =	vadd.s32 @!p0 v6, v7;
	_ =	sdelay $0x1  }
0x293: {  	v3 =	vadd.s32 @!p0 v6, v3;
	_ =	sdelay $0x1  }
0x294: {  	s2 =	simm.s32 @!p0 $0x3C80  }
0x295: {  	[tilespmem:s2], [sflag:$0x1] =	stream.indirect_vreg.gather @!p0 [hbm4b:s5+s1], $0x80, v7, vm1, $0xb8;
	[tilespmem:$0x14C80] =	vst v63  }
0x296: {  	s2 =	simm.s32 @!p0 $0x4480  }
0x297: {  	[tilespmem:s2], [sflag:$0x1] =	stream.indirect_vreg.gather @!p0 [hbm4b:s5+s1], $0x80, v3, vm1, $0xb8;
	[tilespmem:$0x14C80] =	vst v63  }
0x298: {  	v3 =	vld @!p0 [tilespmem:s11+$0x440];
	_ =	sdelay $0x4  }
0x299: {  	v7 =	vshll.u32 @!p0 v3, $0x1  }
0x29a: {  	v3 =	vand.u32 @!p0 $0x7, v3;
	v7 =	vand.u32 @!p0 $0xFFFFFFF0, v7  }
0x29b: {  	v3 =	vor.u32 @!p0 v3, v7  }
0x29c: {  	v7 =	vperm.xlane @!p0 v3, v4;
	_ =	sdelay $0x1  }
0x29d: {  	v3 =	vperm.xlane @!p0 v3, v5;
	v7 =	vadd.s32 @!p0 v6, v7;
	_ =	sdelay $0x1  }
0x29e: {  	v3 =	vadd.s32 @!p0 v6, v3;
	_ =	sdelay $0x1  }
0x29f: {  	s2 =	simm.s32 @!p0 $0x4C80  }
0x2a0: {  	[tilespmem:s2], [sflag:$0x1] =	stream.indirect_vreg.gather @!p0 [hbm4b:s5+s1], $0x80, v7, vm1, $0xb8;
	[tilespmem:$0x14C80] =	vst v63  }
0x2a1: {  	s2 =	simm.s32 @!p0 $0x5480  }
0x2a2: {  	[tilespmem:s2], [sflag:$0x1] =	stream.indirect_vreg.gather @!p0 [hbm4b:s5+s1], $0x80, v3, vm1, $0xb8;
	[tilespmem:$0x14C80] =	vst v63  }
0x2a3: {  	v3 =	vld @!p0 [tilespmem:s11+$0x450];
	_ =	sdelay $0x4  }
0x2a4: {  	v7 =	vshll.u32 @!p0 v3, $0x1  }
0x2a5: {  	v3 =	vand.u32 @!p0 $0x7, v3;
	v7 =	vand.u32 @!p0 $0xFFFFFFF0, v7  }
0x2a6: {  	v3 =	vor.u32 @!p0 v3, v7  }
0x2a7: {  	v4 =	vperm.xlane @!p0 v3, v4;
	_ =	sdelay $0x1  }
0x2a8: {  	v3 =	vperm.xlane @!p0 v3, v5;
	v4 =	vadd.s32 @!p0 v6, v4;
	_ =	sdelay $0x1  }
0x2a9: {  	v3 =	vadd.s32 @!p0 v6, v3;
	_ =	sdelay $0x1  }
0x2aa: {  	s2 =	simm.s32 @!p0 $0x5C80  }
0x2ab: {  	[tilespmem:s2], [sflag:$0x1] =	stream.indirect_vreg.gather @!p0 [hbm4b:s5+s1], $0x80, v4, vm1, $0xb8;
	[tilespmem:$0x14C80] =	vst v63  }
0x2ac: {  	p1 =	seq.s32 @!p0 s9, $0x0;
	s2 =	simm.s32 @!p0 $0x6480  }
0x2ad: {  	[tilespmem:s2], [sflag:$0x1] =	stream.indirect_vreg.gather @!p0 [hbm4b:s5+s1], $0x80, v3, vm1, $0xb8;
	[tilespmem:$0x14C80] =	vst v63  }
0x2ae: {  	p0 =	por p0, !p1  }
0x2af: {  	s1 =	simm.s32 @p0 $0x4  }
0x2b0: {  	s13 =	simm.s32 $0x4300;
	s6 =	simm.s32 $0x0;
	_ =	swait.ge @p0 [sflag:s1], $0x4000  }
0x2b1: {  	s7 =	smov.u32 s8;
	s11 =	simm.s32 $0xFFFFFFFC;
	[sflag:s1] =	ssyncset.done @p0 $0x0  }
0x2b2: {  	s2 =	simm.s32 $0x0;
	[sflag:s1] =	ssyncadd.s32 @p0 $0xFFFFC000;
	p0 =	por $0x0, $0x0  }
.LBB2_5:
0x2b3: {  	s11 =	sadd.s32 $0x4, s11  }
0x2b4: {  	s1 =	sshll.u32 s11, $0x8  }
0x2b5: {  	s1 =	sand.u32 $0x3FFFF800, s1  }
0x2b6: {  	s10 =	sand.u32 $0x200, s2;
	s24 =	sadd.s32 $0xFFFFBD00, s13;
	s4 =	sadd.s32 $0x6C80, s1  }
0x2b7: {  	v4 =	vld.msk [tilespmem:s7+$0xFFFFFE00 ss:$0x0], $0xffff;
	s1 =	sand.u32 $0x1800, s24;
	s20 =	sor.u32 s10, s4  }
0x2b8: {  	s21 =	sor.u32 s10, s1;
	v6 =	vld [tilespmem:s20+$0x0]  }
0x2b9: {  	v7 =	vld [tilespmem:s21+$0x8C80]  }
0x2ba: {  	v5 =	vld.msk [tilespmem:s7+$0x0 ss:$0x0], $0xffff  }
0x2bb: {  	v8 =	vld [tilespmem:s21+$0xAC80]  }
0x2bc: {  	v3 =	vld.msk [tilespmem:s7+$0x200 ss:$0x0], $0xffff;
	_ =	sdelay $0x1  }
0x2bd: {  	v9 =	vshll.u32 v6, $0x10;
	v6 =	vand.u32 $0xFFFF0000, v6;
	v10 =	vshll.u32 v7, $0x10  }
0x2be: {  	v7 =	vand.u32 $0xFFFF0000, v7;
	v9 =	vmul.f32 v9, v4;
	v10 =	vmul.f32 v10, v5  }
0x2bf: {  	v11 =	vshll.u32 v8, $0x10;
	v6 =	vmul.f32 v6, v4;
	v7 =	vmul.f32 v7, v5  }
0x2c0: {  	s25 =	sshll.u32 s11, $0x9;
	v8 =	vand.u32 $0xFFFF0000, v8;
	v32 =	vmul.f32 v11, v3;
	v9 =	vadd.f32 v10, v9  }
0x2c1: {  	s1 =	sand.u32 $0x3FFFF000, s25;
	v33 =	vmul.f32 v8, v3;
	v6 =	vadd.f32 v7, v6  }
0x2c2: {  	s1 =	sadd.s32 $0x10C80, s1;
	v34 =	vadd.f32 v32, v9  }
0x2c3: {  	s15 =	sor.u32 s10, s1;
	v6 =	vadd.f32 v33, v6  }
0x2c4: {  	[tilespmem:s15+$0x0] =	vst v34  }
0x2c5: {  	[tilespmem:s15+$0x10] =	vst v6  }
0x2c6: {  	v6 =	vld [tilespmem:s20+$0x10]  }
0x2c7: {  	v35 =	vld [tilespmem:s21+$0x8C90];
	_ =	sdelay $0x1  }
0x2c8: {  	v8 =	vld [tilespmem:s21+$0xAC90];
	_ =	sdelay $0x2  }
0x2c9: {  	v36 =	vshll.u32 v6, $0x10;
	v6 =	vand.u32 $0xFFFF0000, v6;
	v37 =	vshll.u32 v35, $0x10  }
0x2ca: {  	v7 =	vand.u32 $0xFFFF0000, v35;
	v9 =	vmul.f32 v36, v4;
	v10 =	vmul.f32 v37, v5  }
0x2cb: {  	v38 =	vshll.u32 v8, $0x10;
	v6 =	vmul.f32 v6, v4;
	v7 =	vmul.f32 v7, v5  }
0x2cc: {  	v8 =	vand.u32 $0xFFFF0000, v8;
	v39 =	vmul.f32 v38, v3;
	v9 =	vadd.f32 v10, v9  }
0x2cd: {  	v40 =	vmul.f32 v8, v3;
	v6 =	vadd.f32 v7, v6  }
0x2ce: {  	v41 =	vadd.f32 v39, v9  }
0x2cf: {  	v6 =	vadd.f32 v40, v6  }
0x2d0: {  	[tilespmem:s15+$0x20] =	vst v41  }
0x2d1: {  	[tilespmem:s15+$0x30] =	vst v6  }
0x2d2: {  	v6 =	vld [tilespmem:s20+$0x20]  }
0x2d3: {  	v42 =	vld [tilespmem:s21+$0x8CA0];
	_ =	sdelay $0x1  }
0x2d4: {  	v8 =	vld [tilespmem:s21+$0xACA0];
	_ =	sdelay $0x2  }
0x2d5: {  	v43 =	vshll.u32 v6, $0x10;
	v6 =	vand.u32 $0xFFFF0000, v6;
	v44 =	vshll.u32 v42, $0x10  }
0x2d6: {  	v7 =	vand.u32 $0xFFFF0000, v42;
	v9 =	vmul.f32 v43, v4;
	v10 =	vmul.f32 v44, v5  }
0x2d7: {  	v45 =	vshll.u32 v8, $0x10;
	v6 =	vmul.f32 v6, v4;
	v7 =	vmul.f32 v7, v5  }
0x2d8: {  	v8 =	vand.u32 $0xFFFF0000, v8;
	v46 =	vmul.f32 v45, v3;
	v9 =	vadd.f32 v10, v9  }
0x2d9: {  	v47 =	vmul.f32 v8, v3;
	v6 =	vadd.f32 v7, v6  }
0x2da: {  	v48 =	vadd.f32 v46, v9  }
0x2db: {  	v6 =	vadd.f32 v47, v6  }
0x2dc: {  	[tilespmem:s15+$0x40] =	vst v48  }
0x2dd: {  	[tilespmem:s15+$0x50] =	vst v6  }
0x2de: {  	v6 =	vld [tilespmem:s20+$0x30]  }
0x2df: {  	v49 =	vld [tilespmem:s21+$0x8CB0];
	_ =	sdelay $0x1  }
0x2e0: {  	v8 =	vld [tilespmem:s21+$0xACB0];
	_ =	sdelay $0x2  }
0x2e1: {  	v50 =	vshll.u32 v6, $0x10;
	v6 =	vand.u32 $0xFFFF0000, v6;
	v51 =	vshll.u32 v49, $0x10  }
0x2e2: {  	v7 =	vand.u32 $0xFFFF0000, v49;
	v9 =	vmul.f32 v50, v4;
	v10 =	vmul.f32 v51, v5  }
0x2e3: {  	v52 =	vshll.u32 v8, $0x10;
	v6 =	vmul.f32 v6, v4;
	v7 =	vmul.f32 v7, v5  }
0x2e4: {  	v8 =	vand.u32 $0xFFFF0000, v8;
	v53 =	vmul.f32 v52, v3;
	v9 =	vadd.f32 v10, v9  }
0x2e5: {  	v54 =	vmul.f32 v8, v3;
	v6 =	vadd.f32 v7, v6  }
0x2e6: {  	v55 =	vadd.f32 v53, v9  }
0x2e7: {  	v6 =	vadd.f32 v54, v6  }
0x2e8: {  	[tilespmem:s15+$0x60] =	vst v55  }
0x2e9: {  	[tilespmem:s15+$0x70] =	vst v6  }
0x2ea: {  	v6 =	vld [tilespmem:s20+$0x40]  }
0x2eb: {  	v56 =	vld [tilespmem:s21+$0x8CC0];
	_ =	sdelay $0x1  }
0x2ec: {  	s12 =	sadd.s32 $0xFFFFDE00, s13;
	s16 =	sadd.s32 $0x1080, s2;
	v57 =	vld [tilespmem:s21+$0xACC0]  }
0x2ed: {  	s26 =	sadd.s32 $0x80, s2;
	s12 =	sand.u32 $0x3800, s12;
	s16 =	sand.u32 $0x280, s16  }
0x2ee: {  	s17 =	sor.u32 s16, s12;
	s10 =	sand.u32 $0x280, s26  }
0x2ef: {  	v13 =	vld [tilespmem:s17+$0x6C80];
	s19 =	sadd.s32 s10, s4;
	v58 =	vshll.u32 v6, $0x10;
	v6 =	vand.u32 $0xFFFF0000, v6;
	v59 =	vshll.u32 v56, $0x10  }
0x2f0: {  	s28 =	sadd.s32 $0xFFFFFE00, s13;
	s30 =	sadd.s32 $0x2080, s2;
	v60 =	vld [tilespmem:s19+$0x0];
	v7 =	vand.u32 $0xFFFF0000, v56;
	v12 =	vmul.f32 v58, v4;
	v10 =	vmul.f32 v59, v5  }
0x2f1: {  	s12 =	sand.u32 $0x5800, s28;
	s16 =	sand.u32 $0x280, s30;
	v8 =	vld.msk [tilespmem:s7+$0xFFFFFE01 ss:$0x0], $0xffff;
	v14 =	vshll.u32 v57, $0x10;
	v6 =	vmul.f32 v6, v4;
	v15 =	vmul.f32 v7, v5  }
0x2f2: {  	s18 =	sor.u32 s16, s12;
	v9 =	vand.u32 $0xFFFF0000, v57;
	v61 =	vmul.f32 v14, v3;
	v7 =	vld.msk [tilespmem:s7+$0x1 ss:$0x0], $0xffff;
	v10 =	vadd.f32 v10, v12  }
0x2f3: {  	v63 =	vld [tilespmem:s18+$0x6C80];
	v9 =	vmul.f32 v9, v3;
	v62 =	vadd.f32 v15, v6  }
0x2f4: {  	v6 =	vld.msk [tilespmem:s7+$0x201 ss:$0x0], $0xffff;
	v10 =	vadd.f32 v61, v10  }
0x2f5: {  	v9 =	vadd.f32 v9, v62  }
0x2f6: {  	v21 =	vshll.u32 v13, $0x10;
	v22 =	vand.u32 $0xFFFF0000, v13;
	v20 =	vshll.u32 v60, $0x10;
	[tilespmem:s15+$0x400] =	vst v10  }
0x2f7: {  	v11 =	vand.u32 $0xFFFF0000, v60;
	v12 =	vmul.f32 v21, v7;
	[tilespmem:s15+$0x410] =	vst v9;
	v10 =	vmul.f32 v20, v8  }
0x2f8: {  	v24 =	vshll.u32 v63, $0x10;
	v11 =	vmul.f32 v11, v8;
	v9 =	vmul.f32 v22, v7;
	v23 =	vld [tilespmem:s20+$0x50]  }
0x2f9: {  	v15 =	vand.u32 $0xFFFF0000, v63;
	v16 =	vld [tilespmem:s21+$0x8CD0];
	v25 =	vmul.f32 v24, v6;
	v10 =	vadd.f32 v12, v10  }
0x2fa: {  	v26 =	vmul.f32 v15, v6;
	v9 =	vadd.f32 v9, v11  }
0x2fb: {  	v27 =	vld [tilespmem:s21+$0xACD0];
	v10 =	vadd.f32 v25, v10  }
0x2fc: {  	s16 =	sadd.s32 s10, s1;
	v9 =	vadd.f32 v26, v9  }
0x2fd: {  	[tilespmem:s16+$0x0] =	vst v10  }
0x2fe: {  	v28 =	vshll.u32 v23, $0x10;
	v29 =	vand.u32 $0xFFFF0000, v23;
	v30 =	vshll.u32 v16, $0x10;
	[tilespmem:s16+$0x10] =	vst v9  }
0x2ff: {  	v31 =	vand.u32 $0xFFFF0000, v16;
	v10 =	vmul.f32 v28, v4;
	v12 =	vmul.f32 v30, v5;
	v32 =	vld [tilespmem:s19+$0x10]  }
0x300: {  	v33 =	vshll.u32 v27, $0x10;
	v11 =	vmul.f32 v29, v4;
	v9 =	vmul.f32 v31, v5;
	v34 =	vld [tilespmem:s17+$0x6C90]  }
0x301: {  	v14 =	vand.u32 $0xFFFF0000, v27;
	v35 =	vmul.f32 v33, v3;
	v10 =	vadd.f32 v12, v10  }
0x302: {  	v36 =	vmul.f32 v14, v3;
	v37 =	vld [tilespmem:s18+$0x6C90];
	v9 =	vadd.f32 v9, v11  }
0x303: {  	v10 =	vadd.f32 v35, v10  }
0x304: {  	v9 =	vadd.f32 v36, v9  }
0x305: {  	v38 =	vshll.u32 v32, $0x10;
	v39 =	vand.u32 $0xFFFF0000, v32;
	v40 =	vshll.u32 v34, $0x10;
	[tilespmem:s15+$0x420] =	vst v10  }
0x306: {  	v41 =	vand.u32 $0xFFFF0000, v34;
	[tilespmem:s15+$0x430] =	vst v9;
	v10 =	vmul.f32 v38, v8;
	v12 =	vmul.f32 v40, v7  }
0x307: {  	v43 =	vshll.u32 v37, $0x10;
	v11 =	vmul.f32 v39, v8;
	v9 =	vmul.f32 v41, v7;
	v42 =	vld [tilespmem:s20+$0x60]  }
0x308: {  	v14 =	vand.u32 $0xFFFF0000, v37;
	v45 =	vmul.f32 v43, v6;
	v44 =	vld [tilespmem:s21+$0x8CE0];
	v10 =	vadd.f32 v12, v10  }
0x309: {  	v46 =	vmul.f32 v14, v6;
	v9 =	vadd.f32 v9, v11  }
0x30a: {  	v47 =	vld [tilespmem:s21+$0xACE0];
	v10 =	vadd.f32 v45, v10  }
0x30b: {  	v9 =	vadd.f32 v46, v9  }
0x30c: {  	[tilespmem:s16+$0x20] =	vst v10  }
0x30d: {  	v48 =	vshll.u32 v42, $0x10;
	v49 =	vand.u32 $0xFFFF0000, v42;
	v50 =	vshll.u32 v44, $0x10;
	[tilespmem:s16+$0x30] =	vst v9  }
0x30e: {  	v51 =	vand.u32 $0xFFFF0000, v44;
	v10 =	vmul.f32 v48, v4;
	v12 =	vmul.f32 v50, v5;
	v52 =	vld [tilespmem:s19+$0x20]  }
0x30f: {  	v53 =	vshll.u32 v47, $0x10;
	v11 =	vmul.f32 v49, v4;
	v9 =	vmul.f32 v51, v5;
	v54 =	vld [tilespmem:s17+$0x6CA0]  }
0x310: {  	v14 =	vand.u32 $0xFFFF0000, v47;
	v55 =	vmul.f32 v53, v3;
	v10 =	vadd.f32 v12, v10  }
0x311: {  	v56 =	vmul.f32 v14, v3;
	v57 =	vld [tilespmem:s18+$0x6CA0];
	v9 =	vadd.f32 v9, v11  }
0x312: {  	v10 =	vadd.f32 v55, v10  }
0x313: {  	v9 =	vadd.f32 v56, v9  }
0x314: {  	v58 =	vshll.u32 v52, $0x10;
	v59 =	vand.u32 $0xFFFF0000, v52;
	v60 =	vshll.u32 v54, $0x10;
	[tilespmem:s15+$0x440] =	vst v10  }
0x315: {  	v61 =	vand.u32 $0xFFFF0000, v54;
	[tilespmem:s15+$0x450] =	vst v9;
	v10 =	vmul.f32 v58, v8;
	v12 =	vmul.f32 v60, v7  }
0x316: {  	v63 =	vshll.u32 v57, $0x10;
	v11 =	vmul.f32 v59, v8;
	v9 =	vmul.f32 v61, v7;
	v62 =	vld [tilespmem:s20+$0x70]  }
0x317: {  	v14 =	vand.u32 $0xFFFF0000, v57;
	v21 =	vmul.f32 v63, v6;
	v20 =	vld [tilespmem:s21+$0x8CF0];
	v10 =	vadd.f32 v12, v10  }
0x318: {  	v22 =	vmul.f32 v14, v6;
	v9 =	vadd.f32 v9, v11  }
0x319: {  	v23 =	vld [tilespmem:s21+$0xACF0];
	v10 =	vadd.f32 v21, v10  }
0x31a: {  	v9 =	vadd.f32 v22, v9  }
0x31b: {  	[tilespmem:s16+$0x40] =	vst v10  }
0x31c: {  	v24 =	vshll.u32 v62, $0x10;
	v25 =	vand.u32 $0xFFFF0000, v62;
	v26 =	vshll.u32 v20, $0x10;
	[tilespmem:s16+$0x50] =	vst v9  }
0x31d: {  	v27 =	vand.u32 $0xFFFF0000, v20;
	v10 =	vmul.f32 v24, v4;
	v12 =	vmul.f32 v26, v5;
	v28 =	vld [tilespmem:s19+$0x30]  }
0x31e: {  	v29 =	vshll.u32 v23, $0x10;
	v11 =	vmul.f32 v25, v4;
	v9 =	vmul.f32 v27, v5;
	v30 =	vld [tilespmem:s17+$0x6CB0]  }
0x31f: {  	v14 =	vand.u32 $0xFFFF0000, v23;
	v31 =	vmul.f32 v29, v3;
	v10 =	vadd.f32 v12, v10  }
0x320: {  	v32 =	vmul.f32 v14, v3;
	v33 =	vld [tilespmem:s18+$0x6CB0];
	v9 =	vadd.f32 v9, v11  }
0x321: {  	s10 =	simm.s32 $0x1;
	v10 =	vadd.f32 v31, v10  }
0x322: {  	s10 =	simm.s32 @!p0 $0x0;
	v9 =	vadd.f32 v32, v9  }
0x323: {  	s10 =	sshll.u32 s10, $0x9;
	v34 =	vshll.u32 v28, $0x10;
	v35 =	vand.u32 $0xFFFF0000, v28;
	v36 =	vshll.u32 v30, $0x10;
	[tilespmem:s15+$0x460] =	vst v10  }
0x324: {  	s10 =	sadd.s32 s10, s6;
	v37 =	vand.u32 $0xFFFF0000, v30;
	[tilespmem:s15+$0x470] =	vst v9;
	v10 =	vmul.f32 v34, v8;
	v12 =	vmul.f32 v36, v7  }
0x325: {  	s26 =	sor.u32 $0x2400, s10;
	v39 =	vshll.u32 v33, $0x10;
	v11 =	vmul.f32 v35, v8;
	v9 =	vmul.f32 v37, v7;
	v38 =	vld [tilespmem:s20+$0x400]  }
0x326: {  	v14 =	vand.u32 $0xFFFF0000, v33;
	v41 =	vmul.f32 v39, v6;
	v40 =	vld [tilespmem:s26+$0x6C80];
	v10 =	vadd.f32 v12, v10  }
0x327: {  	s21 =	sor.u32 $0x4400, s10;
	v42 =	vmul.f32 v14, v6;
	v9 =	vadd.f32 v9, v11  }
0x328: {  	v43 =	vld [tilespmem:s21+$0x6C80];
	v10 =	vadd.f32 v41, v10  }
0x329: {  	v9 =	vadd.f32 v42, v9  }
0x32a: {  	[tilespmem:s16+$0x60] =	vst v10  }
0x32b: {  	v44 =	vshll.u32 v38, $0x10;
	v45 =	vand.u32 $0xFFFF0000, v38;
	v46 =	vshll.u32 v40, $0x10;
	[tilespmem:s16+$0x70] =	vst v9  }
0x32c: {  	v47 =	vand.u32 $0xFFFF0000, v40;
	v10 =	vmul.f32 v44, v4;
	v12 =	vmul.f32 v46, v5;
	v48 =	vld [tilespmem:s19+$0x40]  }
0x32d: {  	v49 =	vshll.u32 v43, $0x10;
	v11 =	vmul.f32 v45, v4;
	v9 =	vmul.f32 v47, v5;
	v50 =	vld [tilespmem:s17+$0x6CC0]  }
0x32e: {  	v14 =	vand.u32 $0xFFFF0000, v43;
	v51 =	vmul.f32 v49, v3;
	v10 =	vadd.f32 v12, v10  }
0x32f: {  	v52 =	vmul.f32 v14, v3;
	v53 =	vld [tilespmem:s18+$0x6CC0];
	v9 =	vadd.f32 v9, v11  }
0x330: {  	v10 =	vadd.f32 v51, v10  }
0x331: {  	v9 =	vadd.f32 v52, v9  }
0x332: {  	v54 =	vshll.u32 v48, $0x10;
	v55 =	vand.u32 $0xFFFF0000, v48;
	v56 =	vshll.u32 v50, $0x10;
	[tilespmem:s15+$0x800] =	vst v10  }
0x333: {  	v57 =	vand.u32 $0xFFFF0000, v50;
	[tilespmem:s15+$0x810] =	vst v9;
	v10 =	vmul.f32 v54, v8;
	v12 =	vmul.f32 v56, v7  }
0x334: {  	v59 =	vshll.u32 v53, $0x10;
	v11 =	vmul.f32 v55, v8;
	v9 =	vmul.f32 v57, v7;
	v58 =	vld [tilespmem:s20+$0x410]  }
0x335: {  	v14 =	vand.u32 $0xFFFF0000, v53;
	v61 =	vmul.f32 v59, v6;
	v60 =	vld [tilespmem:s26+$0x6C90];
	v10 =	vadd.f32 v12, v10  }
0x336: {  	v62 =	vmul.f32 v14, v6;
	v9 =	vadd.f32 v9, v11  }
0x337: {  	v63 =	vld [tilespmem:s21+$0x6C90];
	v10 =	vadd.f32 v61, v10  }
0x338: {  	v9 =	vadd.f32 v62, v9  }
0x339: {  	[tilespmem:s16+$0x400] =	vst v10  }
0x33a: {  	v20 =	vshll.u32 v58, $0x10;
	v21 =	vand.u32 $0xFFFF0000, v58;
	v22 =	vshll.u32 v60, $0x10;
	[tilespmem:s16+$0x410] =	vst v9  }
0x33b: {  	v23 =	vand.u32 $0xFFFF0000, v60;
	v10 =	vmul.f32 v20, v4;
	v13 =	vmul.f32 v22, v5;
	v24 =	vld [tilespmem:s19+$0x50]  }
0x33c: {  	v26 =	vshll.u32 v63, $0x10;
	v11 =	vmul.f32 v21, v4;
	v9 =	vmul.f32 v23, v5;
	v25 =	vld [tilespmem:s17+$0x6CD0]  }
0x33d: {  	v12 =	vand.u32 $0xFFFF0000, v63;
	v27 =	vmul.f32 v26, v3;
	v10 =	vadd.f32 v13, v10  }
0x33e: {  	v28 =	vmul.f32 v12, v3;
	v29 =	vld [tilespmem:s18+$0x6CD0];
	v9 =	vadd.f32 v9, v11  }
0x33f: {  	v10 =	vadd.f32 v27, v10  }
0x340: {  	v9 =	vadd.f32 v28, v9  }
0x341: {  	v30 =	vshll.u32 v24, $0x10;
	v31 =	vand.u32 $0xFFFF0000, v24;
	v32 =	vshll.u32 v25, $0x10;
	[tilespmem:s15+$0x820] =	vst v10  }
0x342: {  	v33 =	vand.u32 $0xFFFF0000, v25;
	v11 =	vmul.f32 v30, v8;
	v14 =	vmul.f32 v32, v7;
	[tilespmem:s15+$0x830] =	vst v9  }
0x343: {  	v34 =	vshll.u32 v29, $0x10;
	v13 =	vmul.f32 v31, v8;
	v10 =	vmul.f32 v33, v7;
	v35 =	vld [tilespmem:s20+$0x420]  }
0x344: {  	v12 =	vand.u32 $0xFFFF0000, v29;
	v9 =	vmul.f32 v34, v6;
	v36 =	vld [tilespmem:s26+$0x6CA0];
	v11 =	vadd.f32 v14, v11  }
0x345: {  	v12 =	vmul.f32 v12, v6;
	v10 =	vadd.f32 v10, v13  }
0x346: {  	v37 =	vld [tilespmem:s21+$0x6CA0];
	v9 =	vadd.f32 v9, v11  }
0x347: {  	v10 =	vadd.f32 v12, v10  }
0x348: {  	[tilespmem:s16+$0x420] =	vst v9  }
0x349: {  	[tilespmem:s16+$0x430] =	vst v10;
	v38 =	vshll.u32 v35, $0x10;
	v39 =	vshll.u32 v36, $0x10;
	v15 =	vand.u32 $0xFFFF0000, v35  }
0x34a: {  	s31 =	sadd.s32 $0x100, s2;
	s23 =	sadd.s32 $0x1100, s2;
	v14 =	vand.u32 $0xFFFF0000, v36;
	v40 =	vld [tilespmem:s19+$0x60];
	v9 =	vmul.f32 v38, v4;
	v10 =	vmul.f32 v39, v5  }
0x34b: {  	s28 =	sadd.s32 $0x2100, s2;
	s30 =	sadd.s32 $0x180, s2;
	s24 =	sand.u32 $0x300, s31;
	v41 =	vshll.u32 v37, $0x10;
	v42 =	vld [tilespmem:s17+$0x6CE0];
	v43 =	vmul.f32 v15, v4;
	v14 =	vmul.f32 v14, v5  }
0x34c: {  	s12 =	sadd.s32 $0xFFFFDF00, s13;
	s31 =	sadd.s32 $0xFFFFE000, s13;
	s22 =	sor.u32 s24, s4;
	v13 =	vand.u32 $0xFFFF0000, v37;
	v12 =	vmul.f32 v41, v3  }
0x34d: {  	s25 =	sadd.s32 $0xFFFFFF00, s13;
	s10 =	sand.u32 $0x3800, s12;
	s12 =	sand.u32 $0x300, s23;
	v44 =	vld [tilespmem:s18+$0x6CE0];
	v45 =	vmul.f32 v13, v3;
	v9 =	vadd.f32 v10, v9;
	v10 =	vadd.f32 v14, v43  }
0x34e: {  	s23 =	sor.u32 s12, s10;
	s10 =	sand.u32 $0x5800, s25;
	s12 =	sand.u32 $0x300, s28  }
0x34f: {  	v18 =	vld [tilespmem:s23+$0x6C80];
	s25 =	sor.u32 s12, s10;
	s12 =	sand.u32 $0x380, s30;
	s30 =	sadd.s32 $0x1180, s2;
	v9 =	vadd.f32 v12, v9;
	v10 =	vadd.f32 v45, v10  }
0x350: {  	s10 =	sand.u32 $0x3800, s31;
	s31 =	sand.u32 $0x380, s30;
	v56 =	vld [tilespmem:s22+$0x0];
	v46 =	vshll.u32 v40, $0x10;
	v11 =	vand.u32 $0xFFFF0000, v40;
	v47 =	vshll.u32 v42, $0x10  }
0x351: {  	s30 =	sor.u32 s31, s10;
	s10 =	sadd.s32 $0x2180, s2;
	v61 =	vld [tilespmem:s25+$0x6C80];
	v16 =	vand.u32 $0xFFFF0000, v42;
	v13 =	vmul.f32 v46, v8;
	v14 =	vmul.f32 v47, v7  }
0x352: {  	s28 =	sadd.s32 s12, s4;
	s31 =	sand.u32 $0x5800, s13;
	s4 =	sand.u32 $0x380, s10;
	v27 =	vld [tilespmem:s30+$0x6C80];
	v17 =	vshll.u32 v44, $0x10;
	v11 =	vmul.f32 v11, v8;
	v16 =	vmul.f32 v16, v7  }
0x353: {  	s4 =	sor.u32 s4, s31;
	v25 =	vld [tilespmem:s28+$0x0];
	v15 =	vand.u32 $0xFFFF0000, v44;
	v48 =	vmul.f32 v17, v6;
	v13 =	vadd.f32 v14, v13  }
0x354: {  	v34 =	vld [tilespmem:s4+$0x6C80];
	v49 =	vmul.f32 v15, v6;
	[tilespmem:s15+$0x840] =	vst v9;
	v11 =	vadd.f32 v16, v11  }
0x355: {  	[tilespmem:s15+$0x850] =	vst v10;
	v9 =	vld.msk [tilespmem:s7+$0xFFFFFE02 ss:$0x0], $0xffff;
	v50 =	vadd.f32 v48, v13  }
0x356: {  	v52 =	vld [tilespmem:s20+$0x430];
	v51 =	vadd.f32 v49, v11  }
0x357: {  	v55 =	vld [tilespmem:s26+$0x6CB0];
	[tilespmem:s16+$0x440] =	vst v50  }
0x358: {  	v63 =	vld [tilespmem:s21+$0x6CB0];
	[tilespmem:s16+$0x450] =	vst v51  }
0x359: {  	v10 =	vld [tilespmem:s19+$0x70]  }
0x35a: {  	v26 =	vshll.u32 v61, $0x10;
	v24 =	vshll.u32 v18, $0x10;
	v18 =	vand.u32 $0xFFFF0000, v18;
	v53 =	vld [tilespmem:s17+$0x6CF0]  }
0x35b: {  	v30 =	vshll.u32 v56, $0x10;
	v28 =	vshll.u32 v34, $0x10;
	v41 =	vand.u32 $0xFFFF0000, v25  }
0x35c: {  	v40 =	vshll.u32 v25, $0x10;
	v42 =	vshll.u32 v27, $0x10;
	v15 =	vand.u32 $0xFFFF0000, v56;
	v54 =	vld [tilespmem:s18+$0x6CF0]  }
0x35d: {  	v15 =	vmul.f32 v15, v9;
	v57 =	vshll.u32 v52, $0x10;
	v22 =	vand.u32 $0xFFFF0000, v52  }
0x35e: {  	v23 =	vshll.u32 v55, $0x10;
	v35 =	vand.u32 $0xFFFF0000, v55;
	v36 =	vshll.u32 v63, $0x10  }
0x35f: {  	v58 =	vshll.u32 v10, $0x10;
	v59 =	vshll.u32 v53, $0x10;
	v21 =	vand.u32 $0xFFFF0000, v10;
	v10 =	vld.msk [tilespmem:s7+$0x2 ss:$0x0], $0xffff  }
0x360: {  	v12 =	vand.u32 $0xFFFF0000, v53;
	v20 =	vmul.f32 v58, v8;
	v17 =	vmul.f32 v59, v7  }
0x361: {  	v11 =	vld.msk [tilespmem:s7+$0x202 ss:$0x0], $0xffff;
	v19 =	vshll.u32 v54, $0x10;
	v60 =	vmul.f32 v21, v8;
	v12 =	vmul.f32 v12, v7  }
0x362: {  	v13 =	vand.u32 $0xFFFF0000, v54;
	v19 =	vmul.f32 v19, v6;
	v17 =	vadd.f32 v17, v20  }
0x363: {  	v16 =	vmul.f32 v57, v4;
	v13 =	vmul.f32 v13, v6;
	v62 =	vadd.f32 v12, v60  }
0x364: {  	v14 =	vld.msk [tilespmem:s7+$0x203 ss:$0x0], $0xffff;
	v12 =	vmul.f32 v30, v9;
	v17 =	vadd.f32 v19, v17;
	v24 =	vmul.f32 v24, v10  }
0x365: {  	v32 =	vmul.f32 v23, v5;
	v18 =	vmul.f32 v18, v10;
	v19 =	vadd.f32 v13, v62  }
0x366: {  	v26 =	vmul.f32 v26, v11;
	v21 =	vand.u32 $0xFFFF0000, v61;
	v13 =	vld.msk [tilespmem:s7+$0x3 ss:$0x0], $0xffff;
	v24 =	vadd.f32 v24, v12;
	[tilespmem:s16+$0x460] =	vst v17  }
0x367: {  	v37 =	vmul.f32 v36, v3;
	v31 =	vmul.f32 v21, v11;
	v12 =	vld.msk [tilespmem:s7+$0xFFFFFE03 ss:$0x0], $0xffff;
	v15 =	vadd.f32 v18, v15;
	[tilespmem:s16+$0x470] =	vst v19  }
0x368: {  	v38 =	vmul.f32 v22, v4;
	v23 =	vand.u32 $0xFFFF0000, v34;
	v39 =	vld [tilespmem:s19+$0x400];
	v33 =	vadd.f32 v26, v24  }
0x369: {  	s24 =	sor.u32 s24, s1;
	v46 =	vmul.f32 v28, v14;
	v20 =	vand.u32 $0xFFFF0000, v63;
	v29 =	vld [tilespmem:s17+$0x7080];
	v15 =	vadd.f32 v31, v15  }
0x36a: {  	v23 =	vmul.f32 v23, v14;
	v16 =	vadd.f32 v32, v16;
	v49 =	vmul.f32 v20, v3;
	[tilespmem:s24+$0x0] =	vst v33  }
0x36b: {  	v44 =	vand.u32 $0xFFFF0000, v27;
	v24 =	vmul.f32 v35, v5;
	v22 =	vmul.f32 v42, v13;
	[tilespmem:s24+$0x10] =	vst v15  }
0x36c: {  	v16 =	vadd.f32 v37, v16;
	v26 =	vmul.f32 v44, v13;
	v43 =	vld [tilespmem:s22+$0x10];
	v15 =	vmul.f32 v40, v12  }
0x36d: {  	v48 =	vadd.f32 v24, v38;
	v45 =	vld [tilespmem:s23+$0x6C90];
	v21 =	vmul.f32 v41, v12;
	v51 =	vshll.u32 v39, $0x10  }
0x36e: {  	v55 =	vshll.u32 v29, $0x10;
	v17 =	vand.u32 $0xFFFF0000, v39;
	v15 =	vadd.f32 v22, v15  }
0x36f: {  	v47 =	vld [tilespmem:s25+$0x6C90];
	v29 =	vand.u32 $0xFFFF0000, v29;
	v18 =	vadd.f32 v49, v48;
	v21 =	vadd.f32 v26, v21  }
0x370: {  	v24 =	vmul.f32 v55, v7;
	v17 =	vmul.f32 v17, v8;
	v15 =	vadd.f32 v46, v15  }
0x371: {  	s1 =	sadd.s32 s12, s1;
	v54 =	vld [tilespmem:s18+$0x7080];
	v41 =	vmul.f32 v29, v7;
	v50 =	vadd.f32 v23, v21;
	v21 =	vmul.f32 v51, v8  }
0x372: {  	v52 =	vshll.u32 v43, $0x10;
	v53 =	vshll.u32 v45, $0x10;
	v56 =	vand.u32 $0xFFFF0000, v43;
	[tilespmem:s1+$0x0] =	vst v15  }
0x373: {  	v57 =	vand.u32 $0xFFFF0000, v45;
	v22 =	vmul.f32 v52, v9;
	v23 =	vmul.f32 v53, v10;
	[tilespmem:s1+$0x10] =	vst v50  }
0x374: {  	v58 =	vshll.u32 v47, $0x10;
	v20 =	vmul.f32 v56, v9;
	v60 =	vmul.f32 v57, v10;
	v59 =	vld [tilespmem:s28+$0x10]  }
0x375: {  	v28 =	vand.u32 $0xFFFF0000, v47;
	v26 =	vmul.f32 v58, v11;
	v61 =	vld [tilespmem:s30+$0x6C90];
	v22 =	vadd.f32 v23, v22  }
0x376: {  	v62 =	vmul.f32 v28, v11;
	v15 =	vand.u32 $0xFFFF0000, v54;
	v63 =	vld [tilespmem:s4+$0x6C90];
	v20 =	vadd.f32 v60, v20  }
0x377: {  	[tilespmem:s15+$0x860] =	vst v16;
	v17 =	vadd.f32 v41, v17;
	v15 =	vmul.f32 v15, v6;
	v22 =	vadd.f32 v26, v22  }
0x378: {  	v32 =	vshll.u32 v54, $0x10;
	[tilespmem:s15+$0x870] =	vst v18;
	v21 =	vadd.f32 v24, v21;
	v20 =	vadd.f32 v62, v20  }
0x379: {  	v15 =	vadd.f32 v15, v17;
	v26 =	vmul.f32 v32, v6;
	[tilespmem:s24+$0x20] =	vst v22;
	v33 =	vshll.u32 v59, $0x10  }
0x37a: {  	v57 =	vld [tilespmem:s20+$0x440];
	v34 =	vand.u32 $0xFFFF0000, v59;
	v35 =	vshll.u32 v61, $0x10;
	[tilespmem:s24+$0x30] =	vst v20;
	v36 =	vand.u32 $0xFFFF0000, v61  }
0x37b: {  	v38 =	vshll.u32 v63, $0x10;
	v22 =	vmul.f32 v33, v12;
	v24 =	vmul.f32 v35, v13;
	v37 =	vld [tilespmem:s22+$0x20]  }
0x37c: {  	v28 =	vand.u32 $0xFFFF0000, v63;
	v23 =	vmul.f32 v34, v12;
	v20 =	vmul.f32 v36, v13;
	v39 =	vld [tilespmem:s23+$0x6CA0]  }
0x37d: {  	v44 =	vadd.f32 v26, v21;
	v27 =	vmul.f32 v38, v14;
	v42 =	vld [tilespmem:s25+$0x6CA0];
	v22 =	vadd.f32 v24, v22  }
0x37e: {  	[tilespmem:s16+$0x810] =	vst v15;
	v40 =	vmul.f32 v28, v14;
	v20 =	vadd.f32 v20, v23  }
0x37f: {  	v35 =	vld [tilespmem:s26+$0x6CC0];
	v36 =	vshll.u32 v57, $0x10;
	[tilespmem:s16+$0x800] =	vst v44;
	v22 =	vadd.f32 v27, v22  }
0x380: {  	v59 =	vld [tilespmem:s19+$0x410];
	v24 =	vmul.f32 v36, v4;
	v43 =	vadd.f32 v40, v20;
	v45 =	vshll.u32 v37, $0x10  }
0x381: {  	v63 =	vld [tilespmem:s17+$0x7090];
	v46 =	vand.u32 $0xFFFF0000, v37;
	v47 =	vshll.u32 v39, $0x10;
	v48 =	vand.u32 $0xFFFF0000, v39;
	[tilespmem:s1+$0x20] =	vst v22  }
0x382: {  	v50 =	vshll.u32 v42, $0x10;
	[tilespmem:s1+$0x30] =	vst v43;
	v21 =	vmul.f32 v45, v9;
	v23 =	vmul.f32 v47, v10  }
0x383: {  	v52 =	vand.u32 $0xFFFF0000, v42;
	v22 =	vmul.f32 v46, v9;
	v19 =	vmul.f32 v48, v10;
	v49 =	vld [tilespmem:s28+$0x20]  }
0x384: {  	v53 =	vmul.f32 v50, v11;
	v16 =	vmul.f32 v52, v11;
	v51 =	vld [tilespmem:s30+$0x6CA0];
	v21 =	vadd.f32 v23, v21  }
0x385: {  	v47 =	vshll.u32 v35, $0x10;
	v37 =	vshll.u32 v59, $0x10;
	v54 =	vadd.f32 v19, v22  }
0x386: {  	v55 =	vld [tilespmem:s4+$0x6CA0];
	v38 =	vshll.u32 v63, $0x10;
	v40 =	vmul.f32 v37, v8;
	v56 =	vadd.f32 v53, v21  }
0x387: {  	v41 =	vmul.f32 v38, v7;
	v22 =	vand.u32 $0xFFFF0000, v63;
	v58 =	vadd.f32 v16, v54  }
0x388: {  	v63 =	vmul.f32 v47, v5;
	v22 =	vmul.f32 v22, v7;
	v16 =	vand.u32 $0xFFFF0000, v59;
	[tilespmem:s24+$0x40] =	vst v56  }
0x389: {  	v50 =	vld [tilespmem:s18+$0x7090];
	v60 =	vshll.u32 v49, $0x10;
	v61 =	vand.u32 $0xFFFF0000, v49;
	v62 =	vshll.u32 v51, $0x10;
	[tilespmem:s24+$0x50] =	vst v58  }
0x38a: {  	v30 =	vand.u32 $0xFFFF0000, v51;
	v17 =	vmul.f32 v60, v12;
	v21 =	vmul.f32 v62, v13;
	v31 =	vld [tilespmem:s22+$0x30]  }
0x38b: {  	v32 =	vshll.u32 v55, $0x10;
	v19 =	vmul.f32 v61, v12;
	v15 =	vmul.f32 v30, v13;
	v33 =	vld [tilespmem:s23+$0x6CB0]  }
0x38c: {  	v18 =	vand.u32 $0xFFFF0000, v55;
	v34 =	vmul.f32 v32, v14;
	v17 =	vadd.f32 v21, v17  }
0x38d: {  	v20 =	vadd.f32 v41, v40;
	v18 =	vmul.f32 v18, v14;
	v39 =	vld [tilespmem:s25+$0x6CB0];
	v15 =	vadd.f32 v15, v19  }
0x38e: {  	v24 =	vadd.f32 v63, v24;
	v55 =	vshll.u32 v50, $0x10;
	v17 =	vadd.f32 v34, v17  }
0x38f: {  	v16 =	vmul.f32 v16, v8;
	v29 =	vmul.f32 v55, v6;
	v15 =	vadd.f32 v18, v15  }
0x390: {  	v42 =	vshll.u32 v31, $0x10;
	v23 =	vand.u32 $0xFFFF0000, v31;
	v43 =	vshll.u32 v33, $0x10;
	[tilespmem:s1+$0x40] =	vst v17  }
0x391: {  	v44 =	vand.u32 $0xFFFF0000, v33;
	[tilespmem:s1+$0x50] =	vst v15;
	v17 =	vmul.f32 v42, v9;
	v45 =	vmul.f32 v43, v10  }
0x392: {  	v49 =	vshll.u32 v39, $0x10;
	v23 =	vmul.f32 v23, v9;
	v15 =	vmul.f32 v44, v10;
	v46 =	vld [tilespmem:s28+$0x30]  }
0x393: {  	v27 =	vand.u32 $0xFFFF0000, v39;
	v25 =	vmul.f32 v49, v11;
	v48 =	vld [tilespmem:s30+$0x6CB0];
	v17 =	vadd.f32 v45, v17  }
0x394: {  	v19 =	vand.u32 $0xFFFF0000, v35;
	v27 =	vmul.f32 v27, v11;
	v15 =	vadd.f32 v15, v23  }
0x395: {  	v16 =	vadd.f32 v22, v16;
	v19 =	vmul.f32 v19, v5;
	v51 =	vld [tilespmem:s4+$0x6CB0];
	v17 =	vadd.f32 v25, v17  }
0x396: {  	v18 =	vand.u32 $0xFFFF0000, v57;
	v23 =	vand.u32 $0xFFFF0000, v50;
	v15 =	vadd.f32 v27, v15  }
0x397: {  	v20 =	vadd.f32 v29, v20;
	v18 =	vmul.f32 v18, v4;
	v60 =	vmul.f32 v23, v6;
	[tilespmem:s24+$0x60] =	vst v17  }
0x398: {  	v62 =	vld [tilespmem:s21+$0x6CC0];
	v52 =	vshll.u32 v46, $0x10;
	v26 =	vand.u32 $0xFFFF0000, v46;
	v53 =	vshll.u32 v48, $0x10;
	[tilespmem:s24+$0x70] =	vst v15  }
0x399: {  	v54 =	vand.u32 $0xFFFF0000, v48;
	v25 =	vmul.f32 v52, v12;
	v27 =	vmul.f32 v53, v13;
	v57 =	vld [tilespmem:s22+$0x40]  }
0x39a: {  	v58 =	vshll.u32 v51, $0x10;
	v56 =	vmul.f32 v26, v12;
	v17 =	vmul.f32 v54, v13;
	v59 =	vld [tilespmem:s23+$0x6CC0]  }
0x39b: {  	v21 =	vand.u32 $0xFFFF0000, v51;
	v25 =	vadd.f32 v27, v25;
	v27 =	vmul.f32 v58, v14  }
0x39c: {  	v16 =	vadd.f32 v60, v16;
	v21 =	vmul.f32 v21, v14;
	v61 =	vld [tilespmem:s25+$0x6CC0];
	v15 =	vadd.f32 v17, v56  }
0x39d: {  	[tilespmem:s16+$0x820] =	vst v20;
	v42 =	vshll.u32 v62, $0x10;
	v18 =	vadd.f32 v19, v18;
	v25 =	vadd.f32 v27, v25  }
0x39e: {  	[tilespmem:s16+$0x830] =	vst v16;
	v53 =	vmul.f32 v42, v3;
	v15 =	vadd.f32 v21, v15;
	v21 =	vand.u32 $0xFFFF0000, v62  }
0x39f: {  	v47 =	vld [tilespmem:s19+$0x420];
	v32 =	vshll.u32 v57, $0x10;
	v33 =	vand.u32 $0xFFFF0000, v57;
	v34 =	vshll.u32 v59, $0x10;
	[tilespmem:s1+$0x60] =	vst v25  }
0x3a0: {  	v35 =	vand.u32 $0xFFFF0000, v59;
	v59 =	vld [tilespmem:s17+$0x70A0];
	[tilespmem:s1+$0x70] =	vst v15;
	v36 =	vmul.f32 v32, v9;
	v37 =	vmul.f32 v34, v10  }
0x3a1: {  	v39 =	vshll.u32 v61, $0x10;
	v25 =	vmul.f32 v33, v9;
	v15 =	vmul.f32 v35, v10;
	v38 =	vld [tilespmem:s28+$0x40]  }
0x3a2: {  	v23 =	vand.u32 $0xFFFF0000, v61;
	v41 =	vmul.f32 v39, v11;
	v40 =	vld [tilespmem:s30+$0x6CC0];
	v17 =	vadd.f32 v37, v36  }
0x3a3: {  	v55 =	vmul.f32 v21, v3;
	v23 =	vmul.f32 v23, v11;
	v43 =	vld [tilespmem:s4+$0x6CC0];
	v15 =	vadd.f32 v15, v25  }
0x3a4: {  	v57 =	vadd.f32 v53, v24;
	v58 =	vshll.u32 v47, $0x10;
	v17 =	vadd.f32 v41, v17  }
0x3a5: {  	v35 =	vld [tilespmem:s18+$0x70A0];
	v19 =	vmul.f32 v58, v8;
	v15 =	vadd.f32 v23, v15;
	v34 =	vshll.u32 v59, $0x10  }
0x3a6: {  	v26 =	vmul.f32 v34, v7;
	[tilespmem:s24+$0x400] =	vst v17;
	v44 =	vshll.u32 v38, $0x10;
	v45 =	vand.u32 $0xFFFF0000, v38  }
0x3a7: {  	v46 =	vshll.u32 v40, $0x10;
	[tilespmem:s24+$0x410] =	vst v15;
	v48 =	vand.u32 $0xFFFF0000, v40;
	v16 =	vmul.f32 v44, v12  }
0x3a8: {  	v50 =	vshll.u32 v43, $0x10;
	v20 =	vmul.f32 v46, v13;
	v49 =	vld [tilespmem:s22+$0x50];
	v17 =	vmul.f32 v45, v12  }
0x3a9: {  	v25 =	vand.u32 $0xFFFF0000, v43;
	v15 =	vmul.f32 v48, v13;
	v51 =	vld [tilespmem:s23+$0x6CD0];
	v52 =	vmul.f32 v50, v14  }
0x3aa: {  	v54 =	vmul.f32 v25, v14;
	v44 =	vshll.u32 v35, $0x10;
	v16 =	vadd.f32 v20, v16  }
0x3ab: {  	v56 =	vld [tilespmem:s25+$0x6CD0];
	v19 =	vadd.f32 v26, v19;
	v46 =	vmul.f32 v44, v6;
	v15 =	vadd.f32 v15, v17  }
0x3ac: {  	v18 =	vadd.f32 v55, v18;
	v16 =	vadd.f32 v52, v16  }
0x3ad: {  	v22 =	vand.u32 $0xFFFF0000, v47;
	v19 =	vadd.f32 v46, v19;
	v15 =	vadd.f32 v54, v15  }
0x3ae: {  	v60 =	vshll.u32 v49, $0x10;
	v23 =	vand.u32 $0xFFFF0000, v49;
	v61 =	vshll.u32 v51, $0x10;
	[tilespmem:s1+$0x400] =	vst v16  }
0x3af: {  	v62 =	vand.u32 $0xFFFF0000, v51;
	[tilespmem:s1+$0x410] =	vst v15;
	v20 =	vmul.f32 v60, v9;
	v24 =	vmul.f32 v61, v10  }
0x3b0: {  	v30 =	vshll.u32 v56, $0x10;
	v23 =	vmul.f32 v23, v9;
	v15 =	vmul.f32 v62, v10;
	v63 =	vld [tilespmem:s28+$0x50]  }
0x3b1: {  	v21 =	vand.u32 $0xFFFF0000, v56;
	v32 =	vmul.f32 v30, v11;
	v31 =	vld [tilespmem:s30+$0x6CD0];
	v20 =	vadd.f32 v24, v20  }
0x3b2: {  	[tilespmem:s15+$0xC00] =	vst v57;
	v21 =	vmul.f32 v21, v11;
	v16 =	vand.u32 $0xFFFF0000, v59;
	v15 =	vadd.f32 v15, v23  }
0x3b3: {  	v22 =	vmul.f32 v22, v8;
	[tilespmem:s15+$0xC10] =	vst v18;
	v33 =	vld [tilespmem:s4+$0x6CD0];
	v16 =	vmul.f32 v16, v7;
	v20 =	vadd.f32 v32, v20  }
0x3b4: {  	[tilespmem:s16+$0x840] =	vst v19;
	v24 =	vand.u32 $0xFFFF0000, v35;
	v15 =	vadd.f32 v21, v15  }
0x3b5: {  	v18 =	vld [tilespmem:s20+$0x450];
	v48 =	vmul.f32 v24, v6;
	v16 =	vadd.f32 v16, v22;
	[tilespmem:s24+$0x420] =	vst v20  }
0x3b6: {  	v19 =	vld [tilespmem:s26+$0x6CD0];
	v36 =	vshll.u32 v63, $0x10;
	v37 =	vand.u32 $0xFFFF0000, v63;
	v38 =	vshll.u32 v31, $0x10;
	[tilespmem:s24+$0x430] =	vst v15  }
0x3b7: {  	v39 =	vand.u32 $0xFFFF0000, v31;
	v20 =	vmul.f32 v36, v12;
	v25 =	vmul.f32 v38, v13;
	v40 =	vld [tilespmem:s22+$0x60]  }
0x3b8: {  	v41 =	vshll.u32 v33, $0x10;
	v21 =	vmul.f32 v37, v12;
	v15 =	vmul.f32 v39, v13;
	v42 =	vld [tilespmem:s23+$0x6CE0]  }
0x3b9: {  	v23 =	vand.u32 $0xFFFF0000, v33;
	v43 =	vmul.f32 v41, v14;
	v20 =	vadd.f32 v25, v20  }
0x3ba: {  	v16 =	vadd.f32 v48, v16;
	v45 =	vmul.f32 v23, v14;
	v47 =	vld [tilespmem:s25+$0x6CE0];
	v15 =	vadd.f32 v15, v21  }
0x3bb: {  	v37 =	vshll.u32 v18, $0x10;
	v20 =	vadd.f32 v43, v20  }
0x3bc: {  	[tilespmem:s16+$0x850] =	vst v16;
	v38 =	vshll.u32 v19, $0x10;
	v18 =	vand.u32 $0xFFFF0000, v18;
	v15 =	vadd.f32 v45, v15  }
0x3bd: {  	v49 =	vshll.u32 v40, $0x10;
	v50 =	vand.u32 $0xFFFF0000, v40;
	v51 =	vshll.u32 v42, $0x10;
	[tilespmem:s1+$0x420] =	vst v20  }
0x3be: {  	v63 =	vld [tilespmem:s19+$0x430];
	v52 =	vand.u32 $0xFFFF0000, v42;
	[tilespmem:s1+$0x430] =	vst v15;
	v20 =	vmul.f32 v49, v9;
	v24 =	vmul.f32 v51, v10  }
0x3bf: {  	v56 =	vshll.u32 v47, $0x10;
	v54 =	vmul.f32 v50, v9;
	v15 =	vmul.f32 v52, v10;
	v53 =	vld [tilespmem:s28+$0x60]  }
0x3c0: {  	v25 =	vand.u32 $0xFFFF0000, v47;
	v57 =	vmul.f32 v56, v11;
	v55 =	vld [tilespmem:s30+$0x6CE0];
	v20 =	vadd.f32 v24, v20  }
0x3c1: {  	v19 =	vand.u32 $0xFFFF0000, v19;
	v58 =	vmul.f32 v25, v11;
	v15 =	vadd.f32 v15, v54  }
0x3c2: {  	v18 =	vmul.f32 v18, v4;
	v19 =	vmul.f32 v19, v5;
	v59 =	vld [tilespmem:s4+$0x6CE0];
	v17 =	vadd.f32 v57, v20  }
0x3c3: {  	v15 =	vadd.f32 v58, v15  }
0x3c4: {  	v32 =	vld [tilespmem:s17+$0x70B0];
	v41 =	vmul.f32 v38, v5;
	v18 =	vadd.f32 v19, v18;
	v42 =	vshll.u32 v63, $0x10;
	[tilespmem:s24+$0x440] =	vst v17  }
0x3c5: {  	v60 =	vshll.u32 v53, $0x10;
	v61 =	vand.u32 $0xFFFF0000, v53;
	v62 =	vshll.u32 v55, $0x10;
	[tilespmem:s24+$0x450] =	vst v15  }
0x3c6: {  	v31 =	vand.u32 $0xFFFF0000, v55;
	v16 =	vmul.f32 v60, v12;
	v21 =	vmul.f32 v62, v13;
	v34 =	vld [tilespmem:s22+$0x70]  }
0x3c7: {  	v33 =	vshll.u32 v59, $0x10;
	v20 =	vmul.f32 v61, v12;
	v17 =	vmul.f32 v31, v13;
	v35 =	vld [tilespmem:s23+$0x6CF0]  }
0x3c8: {  	v24 =	vand.u32 $0xFFFF0000, v59;
	v15 =	vmul.f32 v33, v14;
	v39 =	vld [tilespmem:s25+$0x6CF0];
	v16 =	vadd.f32 v21, v16  }
0x3c9: {  	v43 =	vshll.u32 v32, $0x10;
	v36 =	vmul.f32 v24, v14;
	v17 =	vadd.f32 v17, v20  }
0x3ca: {  	v22 =	vand.u32 $0xFFFF0000, v63;
	v23 =	vand.u32 $0xFFFF0000, v32;
	v15 =	vadd.f32 v15, v16  }
0x3cb: {  	v22 =	vmul.f32 v22, v8;
	v23 =	vmul.f32 v23, v7;
	v17 =	vadd.f32 v36, v17  }
0x3cc: {  	v51 =	vld [tilespmem:s18+$0x70B0];
	v20 =	vmul.f32 v42, v8;
	v16 =	vmul.f32 v43, v7;
	v44 =	vshll.u32 v34, $0x10;
	[tilespmem:s1+$0x440] =	vst v15  }
0x3cd: {  	v45 =	vshll.u32 v35, $0x10;
	v47 =	vshll.u32 v39, $0x10;
	v25 =	vand.u32 $0xFFFF0000, v34;
	[tilespmem:s1+$0x450] =	vst v17  }
0x3ce: {  	v21 =	vand.u32 $0xFFFF0000, v35;
	v17 =	vmul.f32 v44, v9;
	v24 =	vmul.f32 v45, v10;
	v46 =	vld [tilespmem:s28+$0x70]  }
0x3cf: {  	v27 =	vand.u32 $0xFFFF0000, v39;
	v49 =	vmul.f32 v25, v9;
	v21 =	vmul.f32 v21, v10;
	v48 =	vld [tilespmem:s30+$0x6CF0]  }
0x3d0: {  	v28 =	vmul.f32 v47, v11;
	v16 =	vadd.f32 v16, v20;
	v50 =	vld [tilespmem:s4+$0x6CF0];
	v17 =	vadd.f32 v24, v17  }
0x3d1: {  	v52 =	vmul.f32 v27, v11;
	v20 =	vand.u32 $0xFFFF0000, v51;
	v21 =	vadd.f32 v21, v49  }
0x3d2: {  	v22 =	vadd.f32 v23, v22;
	v20 =	vmul.f32 v20, v6;
	v17 =	vadd.f32 v28, v17  }
0x3d3: {  	v40 =	vmul.f32 v37, v4;
	v59 =	vshll.u32 v51, $0x10;
	v21 =	vadd.f32 v52, v21  }
0x3d4: {  	v58 =	vld [tilespmem:s21+$0x6CD0];
	v20 =	vadd.f32 v20, v22;
	v53 =	vshll.u32 v46, $0x10;
	v54 =	vshll.u32 v48, $0x10;
	[tilespmem:s24+$0x460] =	vst v17  }
0x3d5: {  	v55 =	vand.u32 $0xFFFF0000, v46;
	v56 =	vshll.u32 v50, $0x10;
	[tilespmem:s24+$0x470] =	vst v21;
	v21 =	vmul.f32 v59, v6  }
0x3d6: {  	v57 =	vand.u32 $0xFFFF0000, v48;
	v27 =	vmul.f32 v53, v12;
	v28 =	vmul.f32 v54, v13;
	v60 =	vld [tilespmem:s22+$0x400]  }
0x3d7: {  	v25 =	vand.u32 $0xFFFF0000, v50;
	v24 =	vmul.f32 v55, v12;
	v17 =	vmul.f32 v57, v13;
	v61 =	vld [tilespmem:s23+$0x7080]  }
0x3d8: {  	v26 =	vmul.f32 v56, v14;
	v25 =	vmul.f32 v25, v14;
	v62 =	vld [tilespmem:s25+$0x7080];
	v16 =	vadd.f32 v21, v16  }
0x3d9: {  	[tilespmem:s16+$0x870] =	vst v20;
	v27 =	vadd.f32 v28, v27;
	v17 =	vadd.f32 v17, v24;
	v28 =	vand.u32 $0xFFFF0000, v58  }
0x3da: {  	v63 =	vshll.u32 v58, $0x10;
	v15 =	vadd.f32 v41, v40;
	[tilespmem:s16+$0x860] =	vst v16;
	v42 =	vmul.f32 v28, v3  }
0x3db: {  	v26 =	vadd.f32 v26, v27;
	v17 =	vadd.f32 v25, v17;
	v38 =	vld [tilespmem:s19+$0x440];
	v25 =	vmul.f32 v63, v3  }
0x3dc: {  	v40 =	vld [tilespmem:s17+$0x70C0];
	v32 =	vshll.u32 v60, $0x10;
	v33 =	vand.u32 $0xFFFF0000, v60;
	v34 =	vshll.u32 v61, $0x10  }
0x3dd: {  	v48 =	vld [tilespmem:s18+$0x70C0];
	v36 =	vand.u32 $0xFFFF0000, v61;
	v39 =	vshll.u32 v62, $0x10;
	[tilespmem:s1+$0x460] =	vst v26;
	v16 =	vmul.f32 v32, v9  }
0x3de: {  	v23 =	vand.u32 $0xFFFF0000, v62;
	[tilespmem:s1+$0x470] =	vst v17;
	v21 =	vmul.f32 v34, v10;
	v17 =	vmul.f32 v33, v9  }
0x3df: {  	v18 =	vadd.f32 v42, v18;
	v20 =	vmul.f32 v36, v10;
	v27 =	vmul.f32 v39, v11;
	v35 =	vld [tilespmem:s28+$0x400]  }
0x3e0: {  	v41 =	vmul.f32 v23, v11;
	v15 =	vadd.f32 v25, v15;
	v37 =	vld [tilespmem:s30+$0x7080];
	v16 =	vadd.f32 v21, v16  }
0x3e1: {  	v17 =	vadd.f32 v20, v17;
	v49 =	vshll.u32 v38, $0x10;
	v50 =	vshll.u32 v40, $0x10  }
0x3e2: {  	v43 =	vld [tilespmem:s4+$0x7080];
	v54 =	vand.u32 $0xFFFF0000, v38;
	v21 =	vand.u32 $0xFFFF0000, v40;
	v55 =	vshll.u32 v48, $0x10  }
0x3e3: {  	[tilespmem:s15+$0xC30] =	vst v18;
	v19 =	vand.u32 $0xFFFF0000, v48;
	v16 =	vadd.f32 v27, v16;
	v25 =	vmul.f32 v49, v8  }
0x3e4: {  	[tilespmem:s15+$0xC20] =	vst v15;
	v17 =	vadd.f32 v41, v17;
	v27 =	vmul.f32 v50, v7;
	v15 =	vmul.f32 v54, v8  }
0x3e5: {  	v58 =	vld [tilespmem:s20+$0x460];
	v44 =	vshll.u32 v35, $0x10;
	v45 =	vshll.u32 v37, $0x10;
	[tilespmem:s24+$0x800] =	vst v16;
	v22 =	vand.u32 $0xFFFF0000, v35  }
0x3e6: {  	v33 =	vld [tilespmem:s26+$0x6CE0];
	[tilespmem:s24+$0x810] =	vst v17;
	v24 =	vand.u32 $0xFFFF0000, v37;
	v46 =	vmul.f32 v44, v12;
	v47 =	vmul.f32 v45, v13  }
0x3e7: {  	v52 =	vshll.u32 v43, $0x10;
	v17 =	vld [tilespmem:s22+$0x410];
	v22 =	vmul.f32 v22, v12;
	v24 =	vmul.f32 v24, v13  }
0x3e8: {  	v23 =	vand.u32 $0xFFFF0000, v43;
	v51 =	vld [tilespmem:s23+$0x7090];
	v28 =	vmul.f32 v52, v14;
	v16 =	vadd.f32 v47, v46  }
0x3e9: {  	v21 =	vmul.f32 v21, v7;
	v23 =	vmul.f32 v23, v14;
	v22 =	vadd.f32 v24, v22  }
0x3ea: {  	v18 =	vmul.f32 v55, v6;
	v25 =	vadd.f32 v27, v25;
	v53 =	vld [tilespmem:s25+$0x7090];
	v16 =	vadd.f32 v28, v16  }
0x3eb: {  	v19 =	vmul.f32 v19, v6;
	v15 =	vadd.f32 v21, v15;
	v22 =	vadd.f32 v23, v22  }
0x3ec: {  	v32 =	vshll.u32 v58, $0x10;
	v18 =	vadd.f32 v18, v25;
	v42 =	vshll.u32 v33, $0x10;
	[tilespmem:s1+$0x800] =	vst v16  }
0x3ed: {  	v56 =	vshll.u32 v17, $0x10;
	v17 =	vand.u32 $0xFFFF0000, v17;
	v57 =	vshll.u32 v51, $0x10;
	[tilespmem:s1+$0x810] =	vst v22  }
0x3ee: {  	v20 =	vand.u32 $0xFFFF0000, v51;
	v23 =	vmul.f32 v56, v9;
	v26 =	vmul.f32 v57, v10;
	v60 =	vld [tilespmem:s28+$0x410]  }
0x3ef: {  	v59 =	vshll.u32 v53, $0x10;
	v17 =	vmul.f32 v17, v9;
	v20 =	vmul.f32 v20, v10;
	v61 =	vld [tilespmem:s30+$0x7090]  }
0x3f0: {  	v24 =	vand.u32 $0xFFFF0000, v53;
	v22 =	vmul.f32 v59, v11;
	v23 =	vadd.f32 v26, v23  }
0x3f1: {  	v15 =	vadd.f32 v19, v15;
	v62 =	vmul.f32 v24, v11;
	v63 =	vld [tilespmem:s4+$0x7090];
	v17 =	vadd.f32 v20, v17  }
0x3f2: {  	v43 =	vmul.f32 v32, v4;
	[tilespmem:s16+$0xC00] =	vst v18;
	v16 =	vand.u32 $0xFFFF0000, v58;
	v22 =	vadd.f32 v22, v23  }
0x3f3: {  	[tilespmem:s16+$0xC10] =	vst v15;
	v16 =	vmul.f32 v16, v4;
	v20 =	vand.u32 $0xFFFF0000, v33;
	v17 =	vadd.f32 v62, v17  }
0x3f4: {  	v48 =	vld [tilespmem:s21+$0x6CE0];
	[tilespmem:s24+$0x820] =	vst v22;
	v34 =	vshll.u32 v60, $0x10;
	v35 =	vand.u32 $0xFFFF0000, v60;
	v36 =	vshll.u32 v61, $0x10  }
0x3f5: {  	v58 =	vld [tilespmem:s19+$0x450];
	[tilespmem:s24+$0x830] =	vst v17;
	v26 =	vand.u32 $0xFFFF0000, v61;
	v17 =	vmul.f32 v34, v12;
	v22 =	vmul.f32 v36, v13  }
0x3f6: {  	v39 =	vshll.u32 v63, $0x10;
	v37 =	vld [tilespmem:s22+$0x420];
	v21 =	vmul.f32 v35, v12;
	v26 =	vmul.f32 v26, v13  }
0x3f7: {  	v23 =	vand.u32 $0xFFFF0000, v63;
	v38 =	vld [tilespmem:s23+$0x70A0];
	v40 =	vmul.f32 v39, v14;
	v17 =	vadd.f32 v22, v17  }
0x3f8: {  	v20 =	vmul.f32 v20, v5;
	v41 =	vld [tilespmem:s25+$0x70A0];
	v23 =	vmul.f32 v23, v14;
	v21 =	vadd.f32 v26, v21  }
0x3f9: {  	v56 =	vshll.u32 v48, $0x10;
	v26 =	vmul.f32 v42, v5;
	v17 =	vadd.f32 v40, v17  }
0x3fa: {  	v16 =	vadd.f32 v20, v16;
	v18 =	vand.u32 $0xFFFF0000, v58;
	v44 =	vadd.f32 v23, v21  }
0x3fb: {  	v18 =	vmul.f32 v18, v8;
	v22 =	vadd.f32 v26, v43;
	v45 =	vshll.u32 v37, $0x10;
	[tilespmem:s1+$0x820] =	vst v17  }
0x3fc: {  	v33 =	vld [tilespmem:s17+$0x70D0];
	v46 =	vand.u32 $0xFFFF0000, v37;
	v47 =	vshll.u32 v38, $0x10;
	v49 =	vand.u32 $0xFFFF0000, v38;
	[tilespmem:s1+$0x830] =	vst v44  }
0x3fd: {  	v50 =	vshll.u32 v41, $0x10;
	v21 =	vmul.f32 v45, v9;
	v24 =	vmul.f32 v47, v10;
	v51 =	vld [tilespmem:s28+$0x420]  }
0x3fe: {  	v28 =	vand.u32 $0xFFFF0000, v41;
	v23 =	vmul.f32 v46, v9;
	v25 =	vmul.f32 v49, v10;
	v52 =	vld [tilespmem:s30+$0x70A0]  }
0x3ff: {  	v19 =	vmul.f32 v50, v11;
	v17 =	vand.u32 $0xFFFF0000, v48;
	v55 =	vld [tilespmem:s4+$0x70A0];
	v21 =	vadd.f32 v24, v21  }
0x400: {  	v53 =	vmul.f32 v28, v11;
	v17 =	vmul.f32 v17, v3;
	v23 =	vadd.f32 v25, v23  }
0x401: {  	v37 =	vshll.u32 v58, $0x10;
	v41 =	vshll.u32 v33, $0x10;
	v54 =	vadd.f32 v19, v21  }
0x402: {  	v40 =	vld [tilespmem:s18+$0x70D0];
	v50 =	vand.u32 $0xFFFF0000, v33;
	v16 =	vadd.f32 v17, v16;
	v57 =	vadd.f32 v53, v23  }
0x403: {  	v21 =	vmul.f32 v56, v3;
	[tilespmem:s24+$0x840] =	vst v54;
	v59 =	vshll.u32 v51, $0x10;
	v60 =	vand.u32 $0xFFFF0000, v51  }
0x404: {  	[tilespmem:s24+$0x850] =	vst v57;
	v61 =	vshll.u32 v52, $0x10;
	v24 =	vand.u32 $0xFFFF0000, v52;
	v32 =	vshll.u32 v55, $0x10  }
0x405: {  	v19 =	vand.u32 $0xFFFF0000, v55;
	v62 =	vld [tilespmem:s22+$0x430];
	v15 =	vmul.f32 v59, v12;
	v23 =	vmul.f32 v61, v13  }
0x406: {  	v21 =	vadd.f32 v21, v22;
	v63 =	vld [tilespmem:s23+$0x70B0];
	v20 =	vmul.f32 v60, v12;
	v24 =	vmul.f32 v24, v13  }
0x407: {  	v51 =	vshll.u32 v40, $0x10;
	v34 =	vmul.f32 v32, v14;
	v35 =	vld [tilespmem:s25+$0x70B0];
	v15 =	vadd.f32 v23, v15  }
0x408: {  	[tilespmem:s15+$0xC50] =	vst v16;
	v19 =	vmul.f32 v19, v14;
	v16 =	vmul.f32 v51, v6;
	v20 =	vadd.f32 v24, v20  }
0x409: {  	[tilespmem:s15+$0xC40] =	vst v21;
	v21 =	vmul.f32 v50, v7;
	v23 =	vand.u32 $0xFFFF0000, v40;
	v15 =	vadd.f32 v34, v15  }
0x40a: {  	v36 =	vadd.f32 v19, v20;
	v19 =	vmul.f32 v37, v8;
	v38 =	vshll.u32 v62, $0x10  }
0x40b: {  	v39 =	vshll.u32 v63, $0x10;
	v42 =	vand.u32 $0xFFFF0000, v62;
	v43 =	vand.u32 $0xFFFF0000, v63;
	[tilespmem:s1+$0x840] =	vst v15  }
0x40c: {  	v44 =	vshll.u32 v35, $0x10;
	v20 =	vmul.f32 v38, v9;
	v22 =	vmul.f32 v39, v10;
	[tilespmem:s1+$0x850] =	vst v36  }
0x40d: {  	v27 =	vand.u32 $0xFFFF0000, v35;
	v17 =	vmul.f32 v42, v9;
	v46 =	vmul.f32 v43, v10;
	v45 =	vld [tilespmem:s28+$0x430]  }
0x40e: {  	v25 =	vmul.f32 v44, v11;
	v15 =	vmul.f32 v41, v7;
	v47 =	vld [tilespmem:s30+$0x70B0];
	v20 =	vadd.f32 v22, v20  }
0x40f: {  	v18 =	vadd.f32 v21, v18;
	v48 =	vmul.f32 v27, v11;
	v17 =	vadd.f32 v46, v17  }
0x410: {  	v30 =	vmul.f32 v23, v6;
	v49 =	vld [tilespmem:s4+$0x70B0];
	v19 =	vadd.f32 v15, v19;
	v20 =	vadd.f32 v25, v20  }
0x411: {  	v17 =	vadd.f32 v48, v17  }
0x412: {  	v18 =	vadd.f32 v30, v18;
	v16 =	vadd.f32 v16, v19;
	[tilespmem:s24+$0x860] =	vst v20  }
0x413: {  	v15 =	vld [tilespmem:s20+$0x470];
	v52 =	vshll.u32 v45, $0x10;
	v53 =	vand.u32 $0xFFFF0000, v45;
	v54 =	vshll.u32 v47, $0x10;
	[tilespmem:s24+$0x870] =	vst v17  }
0x414: {  	v55 =	vand.u32 $0xFFFF0000, v47;
	v20 =	vmul.f32 v52, v12;
	v56 =	vmul.f32 v54, v13;
	v57 =	vld [tilespmem:s22+$0x440]  }
0x415: {  	[tilespmem:s16+$0xC30] =	vst v18;
	v58 =	vshll.u32 v49, $0x10;
	v22 =	vmul.f32 v53, v12;
	v17 =	vmul.f32 v55, v13;
	v59 =	vld [tilespmem:s23+$0x70C0]  }
0x416: {  	v27 =	vand.u32 $0xFFFF0000, v49;
	[tilespmem:s16+$0xC20] =	vst v16;
	v60 =	vmul.f32 v58, v14;
	v63 =	vld [tilespmem:s25+$0x70C0];
	v20 =	vadd.f32 v56, v20  }
0x417: {  	v61 =	vmul.f32 v27, v14;
	v43 =	vld [tilespmem:s19+$0x460];
	v17 =	vadd.f32 v17, v22  }
0x418: {  	v62 =	vshll.u32 v15, $0x10;
	v44 =	vld [tilespmem:s17+$0x70E0];
	v20 =	vadd.f32 v60, v20  }
0x419: {  	v24 =	vmul.f32 v62, v4;
	v17 =	vadd.f32 v61, v17  }
0x41a: {  	v49 =	vld [tilespmem:s18+$0x70E0];
	v31 =	vshll.u32 v57, $0x10;
	v32 =	vand.u32 $0xFFFF0000, v57;
	v33 =	vshll.u32 v59, $0x10;
	[tilespmem:s1+$0x860] =	vst v20  }
0x41b: {  	v34 =	vand.u32 $0xFFFF0000, v59;
	v38 =	vshll.u32 v63, $0x10;
	v26 =	vand.u32 $0xFFFF0000, v63;
	[tilespmem:s1+$0x870] =	vst v17  }
0x41c: {  	v55 =	vshll.u32 v43, $0x10;
	v21 =	vmul.f32 v31, v9;
	v23 =	vmul.f32 v33, v10;
	v35 =	vld [tilespmem:s28+$0x440]  }
0x41d: {  	v56 =	vshll.u32 v44, $0x10;
	v36 =	vmul.f32 v32, v9;
	v17 =	vmul.f32 v34, v10;
	v37 =	vld [tilespmem:s30+$0x70C0]  }
0x41e: {  	v19 =	vand.u32 $0xFFFF0000, v44;
	v39 =	vmul.f32 v38, v11;
	v21 =	vadd.f32 v23, v21  }
0x41f: {  	v58 =	vshll.u32 v49, $0x10;
	v40 =	vmul.f32 v26, v11;
	v42 =	vld [tilespmem:s4+$0x70C0];
	v17 =	vadd.f32 v17, v36  }
0x420: {  	v26 =	vand.u32 $0xFFFF0000, v43;
	v28 =	vmul.f32 v56, v7;
	v16 =	vadd.f32 v39, v21  }
0x421: {  	v20 =	vld [tilespmem:s26+$0x6CF0];
	v19 =	vmul.f32 v19, v7;
	v26 =	vmul.f32 v26, v8;
	v17 =	vadd.f32 v40, v17  }
0x422: {  	v45 =	vshll.u32 v35, $0x10;
	v25 =	vand.u32 $0xFFFF0000, v35;
	v46 =	vshll.u32 v37, $0x10;
	[tilespmem:s24+$0xC00] =	vst v16  }
0x423: {  	v47 =	vand.u32 $0xFFFF0000, v37;
	[tilespmem:s24+$0xC10] =	vst v17;
	v21 =	vmul.f32 v45, v12;
	v48 =	vmul.f32 v46, v13  }
0x424: {  	v52 =	vshll.u32 v42, $0x10;
	v50 =	vmul.f32 v25, v12;
	v16 =	vmul.f32 v47, v13;
	v51 =	vld [tilespmem:s22+$0x450]  }
0x425: {  	v18 =	vand.u32 $0xFFFF0000, v42;
	v53 =	vld [tilespmem:s23+$0x70D0];
	v27 =	vmul.f32 v52, v14;
	v21 =	vadd.f32 v48, v21  }
0x426: {  	v41 =	vshll.u32 v20, $0x10;
	v54 =	vmul.f32 v18, v14;
	v16 =	vadd.f32 v16, v50  }
0x427: {  	v23 =	vmul.f32 v41, v5;
	v57 =	vld [tilespmem:s25+$0x70D0];
	v18 =	vmul.f32 v55, v8;
	v21 =	vadd.f32 v27, v21  }
0x428: {  	v19 =	vadd.f32 v19, v26;
	v17 =	vmul.f32 v58, v6;
	v16 =	vadd.f32 v54, v16  }
0x429: {  	v23 =	vadd.f32 v23, v24;
	v24 =	vand.u32 $0xFFFF0000, v49;
	v18 =	vadd.f32 v28, v18;
	[tilespmem:s1+$0xC00] =	vst v21  }
0x42a: {  	v59 =	vshll.u32 v51, $0x10;
	v60 =	vshll.u32 v53, $0x10;
	v62 =	vand.u32 $0xFFFF0000, v51;
	[tilespmem:s1+$0xC10] =	vst v16  }
0x42b: {  	v22 =	vand.u32 $0xFFFF0000, v53;
	v61 =	vmul.f32 v59, v9;
	v21 =	vmul.f32 v60, v10;
	v32 =	vld [tilespmem:s28+$0x450]  }
0x42c: {  	v63 =	vshll.u32 v57, $0x10;
	v16 =	vmul.f32 v62, v9;
	v22 =	vmul.f32 v22, v10;
	v33 =	vld [tilespmem:s30+$0x70D0]  }
0x42d: {  	v27 =	vand.u32 $0xFFFF0000, v57;
	v25 =	vmul.f32 v63, v11;
	v21 =	vadd.f32 v21, v61  }
0x42e: {  	v24 =	vmul.f32 v24, v6;
	v34 =	vmul.f32 v27, v11;
	v35 =	vld [tilespmem:s4+$0x70D0];
	v16 =	vadd.f32 v22, v16  }
0x42f: {  	v17 =	vadd.f32 v17, v18;
	v36 =	vadd.f32 v25, v21  }
0x430: {  	v15 =	vand.u32 $0xFFFF0000, v15;
	v19 =	vadd.f32 v24, v19;
	v16 =	vadd.f32 v34, v16  }
0x431: {  	[tilespmem:s24+$0xC20] =	vst v36;
	v38 =	vshll.u32 v32, $0x10;
	v39 =	vand.u32 $0xFFFF0000, v32;
	v40 =	vshll.u32 v33, $0x10  }
0x432: {  	v37 =	vld [tilespmem:s21+$0x6CF0];
	[tilespmem:s24+$0xC30] =	vst v16;
	v41 =	vand.u32 $0xFFFF0000, v33;
	v18 =	vmul.f32 v38, v12;
	v24 =	vmul.f32 v40, v13  }
0x433: {  	v43 =	vshll.u32 v35, $0x10;
	v42 =	vld [tilespmem:s22+$0x460];
	v22 =	vmul.f32 v39, v12;
	v16 =	vmul.f32 v41, v13  }
0x434: {  	v27 =	vand.u32 $0xFFFF0000, v35;
	v44 =	vld [tilespmem:s23+$0x70E0];
	v26 =	vmul.f32 v43, v14;
	v18 =	vadd.f32 v24, v18  }
0x435: {  	v20 =	vand.u32 $0xFFFF0000, v20;
	v27 =	vmul.f32 v27, v14;
	v16 =	vadd.f32 v16, v22  }
0x436: {  	v4 =	vmul.f32 v15, v4;
	v5 =	vmul.f32 v20, v5;
	[tilespmem:s16+$0xC40] =	vst v17;
	v48 =	vld [tilespmem:s25+$0x70E0];
	v46 =	vadd.f32 v26, v18  }
0x437: {  	v45 =	vshll.u32 v37, $0x10;
	[tilespmem:s16+$0xC50] =	vst v19;
	v16 =	vadd.f32 v27, v16  }
0x438: {  	v4 =	vadd.f32 v5, v4;
	v47 =	vmul.f32 v45, v3;
	v21 =	vand.u32 $0xFFFF0000, v37;
	[tilespmem:s1+$0xC20] =	vst v46  }
0x439: {  	v49 =	vld [tilespmem:s19+$0x470];
	v50 =	vshll.u32 v42, $0x10;
	v51 =	vand.u32 $0xFFFF0000, v42;
	v52 =	vshll.u32 v44, $0x10;
	[tilespmem:s1+$0xC30] =	vst v16  }
0x43a: {  	v53 =	vand.u32 $0xFFFF0000, v44;
	v17 =	vmul.f32 v50, v9;
	v22 =	vmul.f32 v52, v10;
	v54 =	vld [tilespmem:s28+$0x460]  }
0x43b: {  	v57 =	vshll.u32 v48, $0x10;
	v55 =	vmul.f32 v51, v9;
	v16 =	vmul.f32 v53, v10;
	v56 =	vld [tilespmem:s30+$0x70E0]  }
0x43c: {  	v3 =	vmul.f32 v21, v3;
	v19 =	vand.u32 $0xFFFF0000, v48;
	v58 =	vmul.f32 v57, v11  }
0x43d: {  	v59 =	vmul.f32 v19, v11;
	v60 =	vld [tilespmem:s4+$0x70E0];
	v17 =	vadd.f32 v22, v17;
	v5 =	vadd.f32 v16, v55  }
0x43e: {  	v61 =	vshll.u32 v49, $0x10;
	v15 =	vand.u32 $0xFFFF0000, v49;
	v18 =	vadd.f32 v47, v23  }
0x43f: {  	v21 =	vmul.f32 v61, v8;
	v17 =	vadd.f32 v58, v17;
	v5 =	vadd.f32 v59, v5  }
0x440: {  	v62 =	vld [tilespmem:s17+$0x70F0];
	v63 =	vshll.u32 v54, $0x10;
	v23 =	vand.u32 $0xFFFF0000, v54;
	v28 =	vshll.u32 v56, $0x10  }
0x441: {  	[tilespmem:s24+$0xC40] =	vst v17;
	v29 =	vand.u32 $0xFFFF0000, v56;
	v30 =	vmul.f32 v63, v12;
	v31 =	vmul.f32 v28, v13  }
0x442: {  	v32 =	vld [tilespmem:s18+$0x70F0];
	[tilespmem:s24+$0xC50] =	vst v5;
	v33 =	vshll.u32 v60, $0x10;
	v23 =	vmul.f32 v23, v12;
	v17 =	vmul.f32 v29, v13  }
0x443: {  	v19 =	vand.u32 $0xFFFF0000, v60;
	v34 =	vld [tilespmem:s22+$0x470];
	v5 =	vmul.f32 v33, v14;
	v20 =	vadd.f32 v31, v30  }
0x444: {  	v8 =	vmul.f32 v15, v8;
	v35 =	vld [tilespmem:s23+$0x70F0];
	v37 =	vmul.f32 v19, v14;
	v36 =	vadd.f32 v17, v23  }
0x445: {  	v38 =	vshll.u32 v62, $0x10;
	v16 =	vand.u32 $0xFFFF0000, v62;
	v5 =	vadd.f32 v5, v20  }
0x446: {  	v39 =	vld [tilespmem:s25+$0x70F0];
	v19 =	vmul.f32 v38, v7;
	v7 =	vmul.f32 v16, v7;
	v15 =	vadd.f32 v37, v36  }
0x447: {  	v3 =	vadd.f32 v3, v4;
	v40 =	vshll.u32 v32, $0x10;
	v41 =	vand.u32 $0xFFFF0000, v32;
	[tilespmem:s1+$0xC40] =	vst v5  }
0x448: {  	v4 =	vmul.f32 v40, v6;
	v42 =	vadd.f32 v19, v21;
	v7 =	vadd.f32 v7, v8;
	[tilespmem:s1+$0xC50] =	vst v15  }
0x449: {  	v43 =	vshll.u32 v34, $0x10;
	v44 =	vshll.u32 v35, $0x10;
	v5 =	vmul.f32 v41, v6;
	v15 =	vld [tilespmem:s28+$0x470]  }
0x44a: {  	v45 =	vand.u32 $0xFFFF0000, v34;
	v6 =	vmul.f32 v43, v9;
	v8 =	vmul.f32 v44, v10;
	v46 =	vld [tilespmem:s30+$0x70F0]  }
0x44b: {  	v47 =	vand.u32 $0xFFFF0000, v35;
	v48 =	vshll.u32 v39, $0x10;
	v9 =	vmul.f32 v45, v9  }
0x44c: {  	v49 =	vmul.f32 v48, v11;
	v10 =	vmul.f32 v47, v10;
	v50 =	vld [tilespmem:s4+$0x70F0];
	v6 =	vadd.f32 v8, v6  }
0x44d: {  	v4 =	vadd.f32 v4, v42;
	v51 =	vand.u32 $0xFFFF0000, v39;
	v5 =	vadd.f32 v5, v7  }
0x44e: {  	v52 =	vadd.f32 v10, v9;
	v7 =	vmul.f32 v51, v11;
	v6 =	vadd.f32 v49, v6  }
0x44f: {  	v53 =	vshll.u32 v15, $0x10;
	v54 =	vand.u32 $0xFFFF0000, v15;
	v55 =	vshll.u32 v46, $0x10  }
0x450: {  	[tilespmem:s15+$0xC70] =	vst v3;
	v56 =	vand.u32 $0xFFFF0000, v46;
	v9 =	vmul.f32 v53, v12;
	v11 =	vmul.f32 v55, v13  }
0x451: {  	[tilespmem:s15+$0xC60] =	vst v18;
	v58 =	vshll.u32 v50, $0x10;
	v3 =	vmul.f32 v54, v12;
	v57 =	vmul.f32 v56, v13  }
0x452: {  	p1 =	slt.u32 s11, $0x1C;
	[tilespmem:s16+$0xC60] =	vst v4;
	v60 =	vand.u32 $0xFFFF0000, v50;
	v61 =	vmul.f32 v58, v14;
	v59 =	vadd.f32 v11, v9  }
.Ltmp1:
0x453: {  	[tilespmem:s16+$0xC70] =	vst v5;
	v62 =	vadd.f32 v7, v52;
	v63 =	vmul.f32 v60, v14;
	v3 =	vadd.f32 v57, v3;
	(pc) =	sbr.rel @p1 .LBB2_5-.Ltmp1, $4  }
0x454: {  	[tilespmem:s24+$0xC60] =	vst v6;
	v4 =	vadd.f32 v61, v59  }
0x455: {  	[tilespmem:s24+$0xC70] =	vst v62;
	v3 =	vadd.f32 v63, v3  }
0x456: {  	p0 =	por !p0, !p0;
	s6 =	sadd.s32 $0x400, s6;
	[tilespmem:s1+$0xC60] =	vst v4  }
0x457: {  	s2 =	sadd.s32 $0x200, s2;
	s13 =	sadd.s32 $0x400, s13;
	s7 =	sadd.s32 $0x4, s7;
	[tilespmem:s1+$0xC70] =	vst v3  }
0x458: {  	s9 =	sadd.s32 $0x1, s9  }
0x459: {  	s1 =	rddreg [dreg:$0x3];
	p0 =	sne.s32 s9, $0x8  }
.Ltmp2:
0x45a: {  	s2 =	rddreg [dreg:$0xd];
	(pc) =	sbr.rel @p0 .LBB2_2-.Ltmp2, $4  }
0x45b: {  	s1 =	sadd.s32 s1, s2  }
0x45c: {  	s30 =	rddreg [dreg:$0x1];
	s31 =	simm.s32 $0x10C80;
	s1 =	sshll.u32 s1, $0x6  }
0x45d: {  	s14 =	sadd.s32 $0x40, s14;
	s8 =	sadd.s32 $0x40, s8;
	s1 =	sadd.s32 s30, s1  }
0x45e: {  	[hbm4b:s1+s3] =	stream.linear.scatter [tilespmem:s31], [sflag:$0x4], $0x4000, $0x38;
	[tilespmem:$0x14C80] =	vst v63  }
0x45f: {  	s1 =	simm.s32 $0x3  }
0x460: {  	_ =	swait.ge [sflag:s1], $0x4000  }
0x461: {  	[sflag:s1] =	ssyncset.done $0x0  }
0x462: {  	s2 =	simm.s32 $0x4;
	[sflag:s1] =	ssyncadd.s32 $0xFFFFC000  }
0x463: {  	_ =	swait.ge [sflag:s2], $0x4000  }
0x464: {  	s4 =	rddreg [dreg:$0xc]  }
0x465: {  	s31 =	rddreg [dreg:$0xb];
	s4 =	sadd.s32 $0x1, s4  }
0x466: {  	p0 =	sne.s32 s4, s31  }
.Ltmp3:
0x467: {  	_ = 	snop;
	(pc) =	sbr.rel @p0 .LBB2_1-.Ltmp3, $3  }
0x468: {  	_ =	sdelay $0x1  }
0x469: {  	[sflag:s2] =	ssyncset.done $0x0  }
0x46a: {  	[sflag:s2] =	ssyncadd.s32 $0xFFFFC000  }
0x46b: {  	_ =	sfence.sel $0x180000  }
0x46c: {  	[bflag:$0x0] =	sbarrier.arrive $0xFFFF  }
0x46d: {  	_ =	strace $0x90000047  }
0x46e: {  	s0 =	stileid.u32;
	[bflag:$0x2] =	sbarrier.arrive $0xFFFF  }
0x46f: {  	p0 =	sne.s32 s0, $0x0;
	s0 =	rddreg [dreg:$0x2]  }
0x470: {  	s0 =	sadd.s32 @!p0 $0x100000, s0  }
0x471: {  	[sflag:s0] =	ssyncadd.tile.s32 @!p0 $0x1;
	_ =	shalt  }
.Lfunc_end2:
_tile_overlayer_lowered:
.L_overlay_start_2:
0x472: {  	(tag) =	ssettag $0x2  }
0x473: {  	s0 =	rddreg [dreg:$0x0];
	s2 =	stileid.u32  }
0x474: {  	s1 =	rddreg [dreg:$0x1];
	p0 =	sne.s32 s2, $0x0  }
0x475: {  	s3 =	rddreg [dreg:$0x2];
	[bflag:$0x3] =	sbarrier.arrive $0xFFFF;
	s2 =	simm.s32 @!p0 $0x1C05  }
0x476: {  	[timem:s3], [sflag:s2] =	dma.local @!p0 [hbm:s0], s1  }
0x477: {  	s0 =	simm.s32 @!p0 $0x5  }
0x478: {  	_ =	swait.ge @!p0 [sflag:s0], s1  }
0x479: {  	s1 =	ssub.s32 @!p0 $0x0, s1;
	[sflag:s0] =	ssyncset.done @!p0 $0x0  }
0x47a: {  	[sflag:s0] =	ssyncadd.s32 @!p0 s1  }
0x47b: {  	[bflag:$0x3] =	sbarrier.arrive $0xFFFF  }
0x47c: {  	_ =	shalt  }

</sc_bundles>
